<compile_context>
chip_gen: v7x
topology: tpu7x:2x2x1
jax: 0.10.2.dev20260603
libtpu: 0.0.44.dev20260713+nightly
codegen_flags: <defaults>
</compile_context>

<pallas_src>
import jax
import jax.numpy as jnp
from jax import lax
from jax.experimental import pallas as pl
from jax.experimental.pallas import tpu as pltpu
from jax.experimental.pallas import tpu_sc as plsc

N = 10000
NP = 10240
E = 320000
EP = 327680
D = 128
DE = 16
H = 128
HH = H // 2
G = 64
C = 10
SLOPE = 0.2

KE = 128
CPW = 80
NREAL = E // KE
NPA = 10112
ROWS_PER_SUB = NPA // 16
TB = 512
TEB = 2560



def _ln_z_body(x_ref, g_ref, b_ref, wmx_ref, x0_ref, z_ref):
    x = x_ref[...]
    mu = jnp.mean(x, axis=1, keepdims=True)
    var = jnp.mean((x - mu) ** 2, axis=1, keepdims=True)
    xn = (x - mu) * jax.lax.rsqrt(var + 1e-5) * g_ref[...] + b_ref[...]
    x0_ref[...] = xn
    z_ref[...] = jnp.dot(xn, wmx_ref[...], preferred_element_type=jnp.float32)


def _ln_z(x_p, g, b, wmx):
    grid = NP // TB
    return pl.pallas_call(
        _ln_z_body,
        grid=(grid,),
        in_specs=[
            pl.BlockSpec((TB, D), lambda i: (i, 0)),
            pl.BlockSpec((1, D), lambda i: (0, 0)),
            pl.BlockSpec((1, D), lambda i: (0, 0)),
            pl.BlockSpec((D, H), lambda i: (0, 0)),
        ],
        out_specs=[
            pl.BlockSpec((TB, D), lambda i: (i, 0)),
            pl.BlockSpec((TB, H), lambda i: (i, 0)),
        ],
        out_shape=[
            jax.ShapeDtypeStruct((NP, D), jnp.float32),
            jax.ShapeDtypeStruct((NP, H), jnp.float32),
        ],
    )(x_p, g, b, wmx)



def _eterm_body(ea_ref, g_ref, b_ref, w0_ref, b0_ref, w1_ref, b1_ref,
                w2_ref, b2_ref, e0_ref, e1_ref, e2_ref):
    ea = ea_ref[...]
    mu = jnp.mean(ea, axis=1, keepdims=True)
    var = jnp.mean((ea - mu) ** 2, axis=1, keepdims=True)
    ean = (ea - mu) * jax.lax.rsqrt(var + 1e-5) * g_ref[...] + b_ref[...]
    e0_ref[...] = jnp.dot(ean, w0_ref[...], preferred_element_type=jnp.float32) + b0_ref[...]
    e1_ref[...] = jnp.dot(ean, w1_ref[...], preferred_element_type=jnp.float32) + b1_ref[...]
    e2_ref[...] = jnp.dot(ean, w2_ref[...], preferred_element_type=jnp.float32) + b2_ref[...]


def _eterm1_body(ea_ref, g_ref, b_ref, w_ref, bm_ref, e_ref):
    ea = ea_ref[...]
    mu = jnp.mean(ea, axis=1, keepdims=True)
    var = jnp.mean((ea - mu) ** 2, axis=1, keepdims=True)
    ean = (ea - mu) * jax.lax.rsqrt(var + 1e-5) * g_ref[...] + b_ref[...]
    e_ref[...] = jnp.dot(ean, w_ref[...], preferred_element_type=jnp.float32) + bm_ref[...]


def _eterm1(ea, g, b, we, bm):
    grid = E // TEB
    return pl.pallas_call(
        _eterm1_body,
        grid=(grid,),
        in_specs=[
            pl.BlockSpec((TEB, DE), lambda i: (i, 0)),
            pl.BlockSpec((1, DE), lambda i: (0, 0)),
            pl.BlockSpec((1, DE), lambda i: (0, 0)),
            pl.BlockSpec((DE, H), lambda i: (0, 0)),
            pl.BlockSpec((1, H), lambda i: (0, 0)),
        ],
        out_specs=pl.BlockSpec((TEB, H), lambda i: (i, 0)),
        out_shape=jax.ShapeDtypeStruct((EP, H), jnp.float32),
    )(ea, g, b, we, bm)


def _eterms(ea, g, b, we0, bm0, we1, bm1, we2, bm2):
    grid = E // TEB
    wspec = pl.BlockSpec((DE, H), lambda i: (0, 0))
    bspec = pl.BlockSpec((1, H), lambda i: (0, 0))
    ospec = pl.BlockSpec((TEB, H), lambda i: (i, 0))
    return pl.pallas_call(
        _eterm_body,
        grid=(grid,),
        in_specs=[
            pl.BlockSpec((TEB, DE), lambda i: (i, 0)),
            pl.BlockSpec((1, DE), lambda i: (0, 0)),
            pl.BlockSpec((1, DE), lambda i: (0, 0)),
            wspec, bspec, wspec, bspec, wspec, bspec,
        ],
        out_specs=[ospec, ospec, ospec],
        out_shape=[jax.ShapeDtypeStruct((EP, H), jnp.float32)] * 3,
    )(ea, g, b, we0, bm0, we1, bm1, we2, bm2)



def _sc_msg_body(z_hbm, et_hbm, sd_hbm, out_hbm,
                 sdv, etb, zb, agg_sh, sem_g, sem_et):
    cid = lax.axis_index("c")
    sid = lax.axis_index("s")
    w = cid * 16 + sid
    c0 = w * CPW
    zv = jnp.zeros((16,), jnp.float32)

    def zrow(r, _):
        for j in range(H // 16):
            etb[r, pl.ds(j * 16, 16)] = zv
        return 0

    lax.fori_loop(0, KE, zrow, 0)
    r0 = sid * ROWS_PER_SUB
    for k in range(4):
        pltpu.sync_copy(etb, agg_sh.at[pl.ds(r0 + k * KE, KE)])
    pltpu.sync_copy(etb.at[pl.ds(0, ROWS_PER_SUB - 4 * KE)],
                    agg_sh.at[pl.ds(r0 + 4 * KE, ROWS_PER_SUB - 4 * KE)])
    plsc.subcore_barrier()

    def et_copy(c):
        return pltpu.make_async_copy(
            et_hbm.at[pl.ds((c0 + c) * KE, KE)], etb, sem_et)

    def gather(c, s):
        return pltpu.make_async_copy(z_hbm.at[sdv[s].at[0]], zb[s], sem_g[s])

    pltpu.sync_copy(sd_hbm.at[c0], sdv[0])
    gather(0, 0).start()
    et_copy(0).start()

    def phase(c, s):
        gc = c0 + c
        s1 = 1 - s

        @pl.when(c + 1 <= CPW - 1)
        def _():
            pltpu.sync_copy(sd_hbm.at[c0 + c + 1], sdv[s1])
            gather(c + 1, s1).start()

        et_copy(c).wait()
        gather(c, s).wait()

        @plsc.parallel_loop(0, KE, step=1, unroll=4)
        def _(r):
            for jj in range(H // 16):
                sl = pl.ds(jj * 16, 16)
                etb[r, sl] = jnp.maximum(zb[s][r, sl] + etb[r, sl], 0.0)

        @pl.when(gc < 0)
        def _():
            pltpu.sync_copy(etb, agg_sh.at[sdv[s].at[1]], add=True)

        @pl.when(c + 1 <= CPW - 1)
        def _():
            et_copy(c + 1).start()

    def pair(j, _):
        phase(2 * j, 0)
        phase(2 * j + 1, 1)
        return 0

    lax.fori_loop(0, CPW // 2, pair, 0)
    plsc.subcore_barrier()

    for k in range(4):
        pltpu.sync_copy(agg_sh.at[pl.ds(r0 + k * KE, KE)],
                        out_hbm.at[cid, pl.ds(r0 + k * KE, KE)])
    tail = ROWS_PER_SUB - 4 * KE
    pltpu.sync_copy(agg_sh.at[pl.ds(r0 + 4 * KE, tail)],
                    out_hbm.at[cid, pl.ds(r0 + 4 * KE, tail)])

    @pl.when(sid == 15)
    def _():
        lax.fori_loop(0, KE, zrow, 0)
        pltpu.sync_copy(etb, out_hbm.at[cid, pl.ds(NPA, NP - NPA)])


def _sc_msg(z, et, sd):
    k = pl.kernel(
        _sc_msg_body,
        out_type=jax.ShapeDtypeStruct((2, NP, H), jnp.float32),
        mesh=plsc.VectorSubcoreMesh(core_axis_name="c", subcore_axis_name="s"),
        scratch_types=[
            [pltpu.VMEM((2, KE), jnp.int32) for _ in range(2)],
            pltpu.VMEM((KE, H), jnp.float32),
            [pltpu.VMEM((KE, H), jnp.float32) for _ in range(2)],
            pltpu.VMEM_SHARED((NPA, H), jnp.float32),
            [pltpu.SemaphoreType.DMA for _ in range(2)],
            pltpu.SemaphoreType.DMA,
        ],
    )
    return k(z, et, sd)



def _update_core(x_ref, a_ref, bat_ref, wux_ref, wua_ref, bu_ref):
    x = x_ref[...]
    a = a_ref[0] + a_ref[1]
    xn = jnp.dot(x, wux_ref[...], preferred_element_type=jnp.float32)
    xn = xn + jnp.dot(a, wua_ref[...], preferred_element_type=jnp.float32)
    xn = jnp.maximum(xn + bu_ref[...], 0.0)
    ids = bat_ref[...]
    oh = (ids == lax.broadcasted_iota(jnp.int32, (TB, G), 1)).astype(jnp.float32)
    contrib = lax.dot_general(oh, xn, (((0,), (0,)), ((), ())),
                              preferred_element_type=jnp.float32)
    return xn, contrib


def _upd_body(x_ref, a_ref, bat_ref, wux_ref, wua_ref, bu_ref,
              wmx_ref, xn_ref, z2_ref, pool_ref):
    xn, contrib = _update_core(x_ref, a_ref, bat_ref, wux_ref, wua_ref, bu_ref)
    xn_ref[...] = xn
    z2_ref[...] = jnp.dot(xn, wmx_ref[...], preferred_element_type=jnp.float32)

    @pl.when(pl.program_id(0) == 0)
    def _():
        pool_ref[...] = jnp.zeros_like(pool_ref)

    pool_ref[...] += contrib


def _upd_pool_body(x_ref, a_ref, bat_ref, wux_ref, wua_ref, bu_ref, pool_ref):
    _, contrib = _update_core(x_ref, a_ref, bat_ref, wux_ref, wua_ref, bu_ref)

    @pl.when(pl.program_id(0) == 0)
    def _():
        pool_ref[...] = jnp.zeros_like(pool_ref)

    pool_ref[...] += contrib


def _update(x_p, agg2, bat_p, wux, wua, bu, wmx_next):
    grid = NP // TB
    nspec = pl.BlockSpec((TB, H), lambda i: (i, 0))
    aspec = pl.BlockSpec((2, TB, H), lambda i: (0, i, 0))
    wspec = pl.BlockSpec((H, H), lambda i: (0, 0))
    pspec = pl.BlockSpec((G, H), lambda i: (0, 0))
    in_specs = [
        nspec, aspec,
        pl.BlockSpec((TB, 1), lambda i: (i, 0)),
        wspec, wspec,
        pl.BlockSpec((1, H), lambda i: (0, 0)),
    ]
    if wmx_next is not None:
        return pl.pallas_call(
            _upd_body,
            grid=(grid,),
            in_specs=in_specs + [wspec],
            out_specs=[nspec, nspec, pspec],
            out_shape=[
                jax.ShapeDtypeStruct((NP, H), jnp.float32),
                jax.ShapeDtypeStruct((NP, H), jnp.float32),
                jax.ShapeDtypeStruct((G, H), jnp.float32),
            ],
        )(x_p, agg2, bat_p, wux, wua, bu, wmx_next)
    return pl.pallas_call(
        _upd_pool_body,
        grid=(grid,),
        in_specs=in_specs,
        out_specs=pspec,
        out_shape=jax.ShapeDtypeStruct((G, H), jnp.float32),
    )(x_p, agg2, bat_p, wux, wua, bu)



def _head_body(p0_ref, p1_ref, p2_ref, bat_ref, w1_ref, b1_ref,
               wf_ref, bf_ref, out_ref):
    ids = bat_ref[...]
    oh = (ids == lax.broadcasted_iota(jnp.int32, (NP, G), 1)).astype(jnp.float32)
    counts = jnp.maximum(jnp.sum(oh, axis=0), 1.0)
    inv = (1.0 / counts)[:, None]
    h = jnp.concatenate([p0_ref[...] * inv, p1_ref[...] * inv, p2_ref[...] * inv],
                        axis=1)
    y = jnp.dot(h, w1_ref[...], preferred_element_type=jnp.float32) + b1_ref[...]
    y = jnp.where(y >= 0.0, y, SLOPE * y)
    out_ref[...] = jnp.dot(y, wf_ref[...], preferred_element_type=jnp.float32) + bf_ref[...]


def _head(p0, p1, p2, bat_p, w1, b1, wf_p, bf_p):
    return pl.pallas_call(
        _head_body,
        out_shape=jax.ShapeDtypeStruct((G, 128), jnp.float32),
    )(p0, p1, p2, bat_p, w1, b1, wf_p, bf_p)



def kernel(x, edge_index, edge_attr, batch,
           ln_node_g, ln_node_b, ln_edge_g, ln_edge_b,
           W_msg0, b_msg0, W_upd0, b_upd0,
           W_msg1, b_msg1, W_upd1, b_upd1,
           W_msg2, b_msg2, W_upd2, b_upd2,
           W_lin1, b_lin1, W_fin, b_fin):
    f32 = jnp.float32
    x_p = jnp.pad(x, ((0, NP - N), (0, 0)))
    pad_idx = (jnp.arange(EP - E, dtype=jnp.int32) * 97) % N
    src_p = jnp.concatenate([edge_index[0], pad_idx])
    dst_p = jnp.concatenate([edge_index[1], pad_idx])
    sd = jnp.stack([src_p.reshape(-1, KE), dst_p.reshape(-1, KE)], axis=1)
    bat_p = jnp.pad(batch, (0, NP - N), constant_values=G)[:, None]

    g_n = ln_node_g[None, :].astype(f32)
    b_n = ln_node_b[None, :].astype(f32)
    g_e = ln_edge_g[None, :].astype(f32)
    b_e = ln_edge_b[None, :].astype(f32)

    wmx = [W_msg0[:D], W_msg1[:D], W_msg2[:D]]
    wme = [W_msg0[D:], W_msg1[D:], W_msg2[D:]]
    bm = [b_msg0[None, :], b_msg1[None, :], b_msg2[None, :]]
    wux = [W_upd0[:D], W_upd1[:D], W_upd2[:D]]
    wua = [W_upd0[D:], W_upd1[D:], W_upd2[D:]]
    bu = [b_upd0[None, :], b_upd1[None, :], b_upd2[None, :]]

    x0, z = _ln_z(x_p, g_n, b_n, wmx[0])
    ets = [_eterm1(edge_attr, g_e, b_e, wme[l], bm[l]) for l in range(3)]

    pooled = []
    x_cur = x0
    for l in range(3):
        aggp = _sc_msg(z, ets[l], sd)
        if l < 2:
            x_cur, z, pool = _update(x_cur, aggp, bat_p,
                                     wux[l], wua[l], bu[l], wmx[l + 1])
        else:
            pool = _update(x_cur, aggp, bat_p, wux[l], wua[l], bu[l], None)
        pooled.append(pool)

    wf_p = jnp.pad(W_fin, ((0, 0), (0, 128 - C)))
    bf_p = jnp.pad(b_fin, (0, 128 - C))[None, :]
    out = _head(pooled[0], pooled[1], pooled[2], bat_p,
                W_lin1, b_lin1[None, :], wf_p, bf_p)
    return out[:, :C]

# --- scband reference (transcript-rebuilt; emitter-appended) ---
"""Pipeline reference for scband-base-gnn-2757369004523 (READ-ONLY COPY).

The authoritative reference and input builder live on the scoring server;
editing this copy changes nothing except your own understanding.
"""

import jax, jax.numpy as jnp
import numpy as np

N = 10000
E = 320000
D = 128
DE = 16
H = 128
G = 64
C = 10
SLOPE = 0.2


def setup_inputs(seed: int = 0) -> dict:
    key = jax.random.key(seed)
    ks = jax.random.split(key, 24)
    inp = {}
    inp["x"] = jax.random.normal(ks[0], (N, D), dtype=jnp.float32)
    inp["edge_index"] = jax.random.randint(ks[1], (2, E), 0, N, dtype=jnp.int32)
    inp["edge_attr"] = jax.random.normal(ks[2], (E, DE), dtype=jnp.float32)
    inp["batch"] = jnp.sort(jax.random.randint(ks[3], (N,), 0, G, dtype=jnp.int32))
    inp["ln_node_g"] = jnp.ones((D,), jnp.float32)
    inp["ln_node_b"] = jnp.zeros((D,), jnp.float32)
    inp["ln_edge_g"] = jnp.ones((DE,), jnp.float32)
    inp["ln_edge_b"] = jnp.zeros((DE,), jnp.float32)
    k = 4
    for i in range(3):
        inp["W_msg%d" % i] = jax.random.normal(ks[k], (D + DE, H), jnp.float32) * (1.0 / np.sqrt(D + DE)); k += 1
        inp["b_msg%d" % i] = jnp.zeros((H,), jnp.float32)
        inp["W_upd%d" % i] = jax.random.normal(ks[k], (D + H, H), jnp.float32) * (1.0 / np.sqrt(D + H)); k += 1
        inp["b_upd%d" % i] = jnp.zeros((H,), jnp.float32)
    inp["W_lin1"] = jax.random.normal(ks[k], (3 * H, 3 * H), jnp.float32) * (1.0 / np.sqrt(3 * H)); k += 1
    inp["b_lin1"] = jnp.zeros((3 * H,), jnp.float32)
    inp["W_fin"] = jax.random.normal(ks[k], (3 * H, C), jnp.float32) * (1.0 / np.sqrt(3 * H)); k += 1
    inp["b_fin"] = jnp.zeros((C,), jnp.float32)
    return inp


def _layer_norm(h, g, b):
    mu = jnp.mean(h, axis=-1, keepdims=True)
    var = jnp.mean((h - mu) ** 2, axis=-1, keepdims=True)
    return (h - mu) / jnp.sqrt(var + 1e-5) * g + b


def _forward(x, edge_attr, ln_node_g, ln_node_b, ln_edge_g, ln_edge_b,
             Wm0, bm0, Wu0, bu0, Wm1, bm1, Wu1, bu1, Wm2, bm2, Wu2, bu2,
             W_lin1, b_lin1, W_fin, b_fin, edge_index, batch):
    x = _layer_norm(x, ln_node_g, ln_node_b)
    ea = _layer_norm(edge_attr, ln_edge_g, ln_edge_b)
    src = edge_index[0]
    dst = edge_index[1]
    counts = jnp.maximum(jax.ops.segment_sum(jnp.ones((N,), jnp.float32), batch, num_segments=G), 1.0)
    readouts = []
    convs = [(Wm0, bm0, Wu0, bu0), (Wm1, bm1, Wu1, bu1), (Wm2, bm2, Wu2, bu2)]
    for (Wm, bm, Wu, bu) in convs:
        m = jax.nn.relu(jnp.concatenate([x[src], ea], axis=1) @ Wm + bm)
        agg = jax.ops.segment_sum(m, dst, num_segments=N)
        x = jax.nn.relu(jnp.concatenate([x, agg], axis=1) @ Wu + bu)
        pooled = jax.ops.segment_sum(x, batch, num_segments=G) / counts[:, None]
        readouts.append(pooled)
    h = jnp.concatenate(readouts, axis=1)
    h = jax.nn.leaky_relu(h @ W_lin1 + b_lin1, negative_slope=SLOPE)
    out = h @ W_fin + b_fin
    return out


def reference(x, edge_index, edge_attr, batch,
              ln_node_g, ln_node_b, ln_edge_g, ln_edge_b,
              W_msg0, b_msg0, W_upd0, b_upd0,
              W_msg1, b_msg1, W_upd1, b_upd1,
              W_msg2, b_msg2, W_upd2, b_upd2,
              W_lin1, b_lin1, W_fin, b_fin):
    return _forward(x, edge_attr, ln_node_g, ln_node_b, ln_edge_g, ln_edge_b,
                    W_msg0, b_msg0, W_upd0, b_upd0,
                    W_msg1, b_msg1, W_upd1, b_upd1,
                    W_msg2, b_msg2, W_upd2, b_upd2,
                    W_lin1, b_lin1, W_fin, b_fin, edge_index, batch)

if __name__ == "__main__":
    import jax
    _d = setup_inputs()
    print(jax.jit(kernel)(*tuple(_d.values())))

</pallas_src>

<mosaic_0001>
#map = affine_map<(d0, d1) -> (0, 0)>
#map1 = affine_map<(d0, d1) -> (0, 0, 0)>
module attributes {stable_mosaic.version = 14 : i64} {
  func.func @_sc_msg_body(%arg0: i32, %arg1: i32, %arg2: memref<10240x128xf32, #tpu.memory_space<hbm>>, %arg3: memref<327680x128xf32, #tpu.memory_space<hbm>>, %arg4: memref<2560x2x128xi32, #tpu.memory_space<hbm>>, %arg5: memref<2x10240x128xf32, #tpu.memory_space<hbm>>, %arg6: memref<2x128xi32, #tpu.memory_space<vmem>>, %arg7: memref<2x128xi32, #tpu.memory_space<vmem>>, %arg8: memref<128x128xf32, #tpu.memory_space<vmem>>, %arg9: memref<128x128xf32, #tpu.memory_space<vmem>>, %arg10: memref<128x128xf32, #tpu.memory_space<vmem>>, %arg11: memref<10112x128xf32, #tpu.memory_space<vmem_shared>>, %arg12: memref<!tpu.dma_semaphore, #tpu.memory_space<semaphore_mem>>, %arg13: memref<!tpu.dma_semaphore, #tpu.memory_space<semaphore_mem>>, %arg14: memref<!tpu.dma_semaphore, #tpu.memory_space<semaphore_mem>>) attributes {dimension_semantics = [#tpu.dimension_semantics<core_parallel>, #tpu.dimension_semantics<subcore_parallel>], iteration_bounds = array<i64: 2, 16>, scalar_prefetch = 0 : i64, scratch_operands = 9 : i64, tpu.core_type = #tpu.core_type<sc_vector_subcore>, window_params = [{transform_indices = #map}, {transform_indices = #map}, {transform_indices = #map1}, {transform_indices = #map1}]} {
    %mul3A = arith.constant 16 : i32
    %mul3A_0 = arith.muli %arg0, %mul3A : i32
    %add3A = arith.addi %mul3A_0, %arg1 : i32
    %mul3A_1 = arith.constant 80 : i32
    %mul3A_2 = arith.muli %add3A, %mul3A_1 : i32
    %broadcast_in_dim3A = arith.constant 0.000000e+00 : f32
    %broadcast_in_dim3A_3 = vector.broadcast %broadcast_in_dim3A : f32 to vector<16xf32>
    %scan3A = arith.constant 0 : i32
    %scan3A_4 = arith.constant 0 : i32
    %scan3A_5 = arith.constant 128 : i32
    %scan3A_6 = arith.addi %scan3A_4, %scan3A_5 : i32
    %scan3A_7 = arith.constant 1 : i32
    %scan3A_8 = scf.for %scan3A_66 = %scan3A_4 to %scan3A_6 step %scan3A_7 iter_args(%scan3A_67 = %scan3A) -> (i32)  : i32 {
      %swap3A = arith.index_cast %scan3A_66 : i32 to index
      %swap3A_68 = arith.constant 0 : index
      %swap3A_69 = tpu.vector_load %arg8[%swap3A, %swap3A_68] {strides = array<i32>} : memref<128x128xf32, #tpu.memory_space<vmem>>, vector<1x16xf32>,
      %swap3A_70 = vector.shape_cast %swap3A_69 : vector<1x16xf32> to vector<16xf32>
      %swap3A_71 = vector.shape_cast %broadcast_in_dim3A_3 : vector<16xf32> to vector<1x16xf32>
      tpu.vector_store %arg8[%swap3A, %swap3A_68], %swap3A_71 {strides = array<i32>} : memref<128x128xf32, #tpu.memory_space<vmem>>, vector<1x16xf32>,
      %swap3A_72 = arith.index_cast %scan3A_66 : i32 to index
      %swap3A_73 = arith.constant 16 : index
      %swap3A_74 = tpu.vector_load %arg8[%swap3A_72, %swap3A_73] {strides = array<i32>} : memref<128x128xf32, #tpu.memory_space<vmem>>, vector<1x16xf32>,
      %swap3A_75 = vector.shape_cast %swap3A_74 : vector<1x16xf32> to vector<16xf32>
      %swap3A_76 = vector.shape_cast %broadcast_in_dim3A_3 : vector<16xf32> to vector<1x16xf32>
      tpu.vector_store %arg8[%swap3A_72, %swap3A_73], %swap3A_76 {strides = array<i32>} : memref<128x128xf32, #tpu.memory_space<vmem>>, vector<1x16xf32>,
      %swap3A_77 = arith.index_cast %scan3A_66 : i32 to index
      %swap3A_78 = arith.constant 32 : index
      %swap3A_79 = tpu.vector_load %arg8[%swap3A_77, %swap3A_78] {strides = array<i32>} : memref<128x128xf32, #tpu.memory_space<vmem>>, vector<1x16xf32>,
      %swap3A_80 = vector.shape_cast %swap3A_79 : vector<1x16xf32> to vector<16xf32>
      %swap3A_81 = vector.shape_cast %broadcast_in_dim3A_3 : vector<16xf32> to vector<1x16xf32>
      tpu.vector_store %arg8[%swap3A_77, %swap3A_78], %swap3A_81 {strides = array<i32>} : memref<128x128xf32, #tpu.memory_space<vmem>>, vector<1x16xf32>,
      %swap3A_82 = arith.index_cast %scan3A_66 : i32 to index
      %swap3A_83 = arith.constant 48 : index
      %swap3A_84 = tpu.vector_load %arg8[%swap3A_82, %swap3A_83] {strides = array<i32>} : memref<128x128xf32, #tpu.memory_space<vmem>>, vector<1x16xf32>,
      %swap3A_85 = vector.shape_cast %swap3A_84 : vector<1x16xf32> to vector<16xf32>
      %swap3A_86 = vector.shape_cast %broadcast_in_dim3A_3 : vector<16xf32> to vector<1x16xf32>
      tpu.vector_store %arg8[%swap3A_82, %swap3A_83], %swap3A_86 {strides = array<i32>} : memref<128x128xf32, #tpu.memory_space<vmem>>, vector<1x16xf32>,
      %swap3A_87 = arith.index_cast %scan3A_66 : i32 to index
      %swap3A_88 = arith.constant 64 : index
      %swap3A_89 = tpu.vector_load %arg8[%swap3A_87, %swap3A_88] {strides = array<i32>} : memref<128x128xf32, #tpu.memory_space<vmem>>, vector<1x16xf32>,
      %swap3A_90 = vector.shape_cast %swap3A_89 : vector<1x16xf32> to vector<16xf32>
      %swap3A_91 = vector.shape_cast %broadcast_in_dim3A_3 : vector<16xf32> to vector<1x16xf32>
      tpu.vector_store %arg8[%swap3A_87, %swap3A_88], %swap3A_91 {strides = array<i32>} : memref<128x128xf32, #tpu.memory_space<vmem>>, vector<1x16xf32>,
      %swap3A_92 = arith.index_cast %scan3A_66 : i32 to index
      %swap3A_93 = arith.constant 80 : index
      %swap3A_94 = tpu.vector_load %arg8[%swap3A_92, %swap3A_93] {strides = array<i32>} : memref<128x128xf32, #tpu.memory_space<vmem>>, vector<1x16xf32>,
      %swap3A_95 = vector.shape_cast %swap3A_94 : vector<1x16xf32> to vector<16xf32>
      %swap3A_96 = vector.shape_cast %broadcast_in_dim3A_3 : vector<16xf32> to vector<1x16xf32>
      tpu.vector_store %arg8[%swap3A_92, %swap3A_93], %swap3A_96 {strides = array<i32>} : memref<128x128xf32, #tpu.memory_space<vmem>>, vector<1x16xf32>,
      %swap3A_97 = arith.index_cast %scan3A_66 : i32 to index
      %swap3A_98 = arith.constant 96 : index
      %swap3A_99 = tpu.vector_load %arg8[%swap3A_97, %swap3A_98] {strides = array<i32>} : memref<128x128xf32, #tpu.memory_space<vmem>>, vector<1x16xf32>,
      %swap3A_100 = vector.shape_cast %swap3A_99 : vector<1x16xf32> to vector<16xf32>
      %swap3A_101 = vector.shape_cast %broadcast_in_dim3A_3 : vector<16xf32> to vector<1x16xf32>
      tpu.vector_store %arg8[%swap3A_97, %swap3A_98], %swap3A_101 {strides = array<i32>} : memref<128x128xf32, #tpu.memory_space<vmem>>, vector<1x16xf32>,
      %swap3A_102 = arith.index_cast %scan3A_66 : i32 to index
      %swap3A_103 = arith.constant 112 : index
      %swap3A_104 = tpu.vector_load %arg8[%swap3A_102, %swap3A_103] {strides = array<i32>} : memref<128x128xf32, #tpu.memory_space<vmem>>, vector<1x16xf32>,
      %swap3A_105 = vector.shape_cast %swap3A_104 : vector<1x16xf32> to vector<16xf32>
      %swap3A_106 = vector.shape_cast %broadcast_in_dim3A_3 : vector<16xf32> to vector<1x16xf32>
      tpu.vector_store %arg8[%swap3A_102, %swap3A_103], %swap3A_106 {strides = array<i32>} : memref<128x128xf32, #tpu.memory_space<vmem>>, vector<1x16xf32>,
      %scan3A_107 = arith.constant 0 : i32
      scf.yield %scan3A_107 : i32
    }
    %scan3A_9 = arith.constant 128 : i32
    %mul3A_10 = arith.constant 632 : i32
    %mul3A_11 = arith.muli %arg1, %mul3A_10 : i32
    %add3A_12 = arith.constant 0 : i32
    %add3A_13 = arith.addi %mul3A_11, %add3A_12 : i32
    "tpu.region"() ({
      %run_scoped3A = tpu.sem_alloc : memref<!tpu.dma_semaphore, #tpu.memory_space<semaphore_mem>>
      %dma_start3A_66 = arith.constant 0 : i32
      %dma_start3A_67 = tpu.memref_slice %arg11[%add3A_13, %dma_start3A_66] : memref<10112x128xf32, #tpu.memory_space<vmem_shared>> -> memref<128x128xf32, #tpu.memory_space<vmem_shared>>
      %dma_start3A_68 = arith.constant 0 : i32
      %dma_start3A_69 = tpu.memref_slice %arg11[%add3A_13, %dma_start3A_68] : memref<10112x128xf32, #tpu.memory_space<vmem_shared>> -> memref<128x128xf32, #tpu.memory_space<vmem_shared>>
      tpu.enqueue_dma source(%arg8 : memref<128x128xf32, #tpu.memory_space<vmem>>) target(%dma_start3A_69 : memref<128x128xf32, #tpu.memory_space<vmem_shared>>) target_semaphore(%run_scoped3A : memref<!tpu.dma_semaphore, #tpu.memory_space<semaphore_mem>>)
      %dma_wait3A = arith.constant 0 : i32
      %dma_wait3A_70 = tpu.memref_slice %arg11[%add3A_13, %dma_wait3A] : memref<10112x128xf32, #tpu.memory_space<vmem_shared>> -> memref<128x128xf32, #tpu.memory_space<vmem_shared>>
      %dma_wait3A_71 = arith.constant 0 : i32
      %dma_wait3A_72 = tpu.memref_slice %arg11[%add3A_13, %dma_wait3A_71] : memref<10112x128xf32, #tpu.memory_space<vmem_shared>> -> memref<128x128xf32, #tpu.memory_space<vmem_shared>>
      tpu.wait_dma2 semaphore(%run_scoped3A : memref<!tpu.dma_semaphore, #tpu.memory_space<semaphore_mem>>) src(%arg8 : memref<128x128xf32, #tpu.memory_space<vmem>>) dst(%dma_wait3A_72 : memref<128x128xf32, #tpu.memory_space<vmem_shared>>)
      tpu.yield
    }) : () -> ()
    %add3A_14 = arith.constant 128 : i32
    %add3A_15 = arith.addi %mul3A_11, %add3A_14 : i32
    "tpu.region"() ({
      %run_scoped3A = tpu.sem_alloc : memref<!tpu.dma_semaphore, #tpu.memory_space<semaphore_mem>>
      %dma_start3A_66 = arith.constant 0 : i32
      %dma_start3A_67 = tpu.memref_slice %arg11[%add3A_15, %dma_start3A_66] : memref<10112x128xf32, #tpu.memory_space<vmem_shared>> -> memref<128x128xf32, #tpu.memory_space<vmem_shared>>
      %dma_start3A_68 = arith.constant 0 : i32
      %dma_start3A_69 = tpu.memref_slice %arg11[%add3A_15, %dma_start3A_68] : memref<10112x128xf32, #tpu.memory_space<vmem_shared>> -> memref<128x128xf32, #tpu.memory_space<vmem_shared>>
      tpu.enqueue_dma source(%arg8 : memref<128x128xf32, #tpu.memory_space<vmem>>) target(%dma_start3A_69 : memref<128x128xf32, #tpu.memory_space<vmem_shared>>) target_semaphore(%run_scoped3A : memref<!tpu.dma_semaphore, #tpu.memory_space<semaphore_mem>>)
      %dma_wait3A = arith.constant 0 : i32
      %dma_wait3A_70 = tpu.memref_slice %arg11[%add3A_15, %dma_wait3A] : memref<10112x128xf32, #tpu.memory_space<vmem_shared>> -> memref<128x128xf32, #tpu.memory_space<vmem_shared>>
      %dma_wait3A_71 = arith.constant 0 : i32
      %dma_wait3A_72 = tpu.memref_slice %arg11[%add3A_15, %dma_wait3A_71] : memref<10112x128xf32, #tpu.memory_space<vmem_shared>> -> memref<128x128xf32, #tpu.memory_space<vmem_shared>>
      tpu.wait_dma2 semaphore(%run_scoped3A : memref<!tpu.dma_semaphore, #tpu.memory_space<semaphore_mem>>) src(%arg8 : memref<128x128xf32, #tpu.memory_space<vmem>>) dst(%dma_wait3A_72 : memref<128x128xf32, #tpu.memory_space<vmem_shared>>)
      tpu.yield
    }) : () -> ()
    %add3A_16 = arith.constant 256 : i32
    %add3A_17 = arith.addi %mul3A_11, %add3A_16 : i32
    "tpu.region"() ({
      %run_scoped3A = tpu.sem_alloc : memref<!tpu.dma_semaphore, #tpu.memory_space<semaphore_mem>>
      %dma_start3A_66 = arith.constant 0 : i32
      %dma_start3A_67 = tpu.memref_slice %arg11[%add3A_17, %dma_start3A_66] : memref<10112x128xf32, #tpu.memory_space<vmem_shared>> -> memref<128x128xf32, #tpu.memory_space<vmem_shared>>
      %dma_start3A_68 = arith.constant 0 : i32
      %dma_start3A_69 = tpu.memref_slice %arg11[%add3A_17, %dma_start3A_68] : memref<10112x128xf32, #tpu.memory_space<vmem_shared>> -> memref<128x128xf32, #tpu.memory_space<vmem_shared>>
      tpu.enqueue_dma source(%arg8 : memref<128x128xf32, #tpu.memory_space<vmem>>) target(%dma_start3A_69 : memref<128x128xf32, #tpu.memory_space<vmem_shared>>) target_semaphore(%run_scoped3A : memref<!tpu.dma_semaphore, #tpu.memory_space<semaphore_mem>>)
      %dma_wait3A = arith.constant 0 : i32
      %dma_wait3A_70 = tpu.memref_slice %arg11[%add3A_17, %dma_wait3A] : memref<10112x128xf32, #tpu.memory_space<vmem_shared>> -> memref<128x128xf32, #tpu.memory_space<vmem_shared>>
      %dma_wait3A_71 = arith.constant 0 : i32
      %dma_wait3A_72 = tpu.memref_slice %arg11[%add3A_17, %dma_wait3A_71] : memref<10112x128xf32, #tpu.memory_space<vmem_shared>> -> memref<128x128xf32, #tpu.memory_space<vmem_shared>>
      tpu.wait_dma2 semaphore(%run_scoped3A : memref<!tpu.dma_semaphore, #tpu.memory_space<semaphore_mem>>) src(%arg8 : memref<128x128xf32, #tpu.memory_space<vmem>>) dst(%dma_wait3A_72 : memref<128x128xf32, #tpu.memory_space<vmem_shared>>)
      tpu.yield
    }) : () -> ()
    %add3A_18 = arith.constant 384 : i32
    %add3A_19 = arith.addi %mul3A_11, %add3A_18 : i32
    "tpu.region"() ({
      %run_scoped3A = tpu.sem_alloc : memref<!tpu.dma_semaphore, #tpu.memory_space<semaphore_mem>>
      %dma_start3A_66 = arith.constant 0 : i32
      %dma_start3A_67 = tpu.memref_slice %arg11[%add3A_19, %dma_start3A_66] : memref<10112x128xf32, #tpu.memory_space<vmem_shared>> -> memref<128x128xf32, #tpu.memory_space<vmem_shared>>
      %dma_start3A_68 = arith.constant 0 : i32
      %dma_start3A_69 = tpu.memref_slice %arg11[%add3A_19, %dma_start3A_68] : memref<10112x128xf32, #tpu.memory_space<vmem_shared>> -> memref<128x128xf32, #tpu.memory_space<vmem_shared>>
      tpu.enqueue_dma source(%arg8 : memref<128x128xf32, #tpu.memory_space<vmem>>) target(%dma_start3A_69 : memref<128x128xf32, #tpu.memory_space<vmem_shared>>) target_semaphore(%run_scoped3A : memref<!tpu.dma_semaphore, #tpu.memory_space<semaphore_mem>>)
      %dma_wait3A = arith.constant 0 : i32
      %dma_wait3A_70 = tpu.memref_slice %arg11[%add3A_19, %dma_wait3A] : memref<10112x128xf32, #tpu.memory_space<vmem_shared>> -> memref<128x128xf32, #tpu.memory_space<vmem_shared>>
      %dma_wait3A_71 = arith.constant 0 : i32
      %dma_wait3A_72 = tpu.memref_slice %arg11[%add3A_19, %dma_wait3A_71] : memref<10112x128xf32, #tpu.memory_space<vmem_shared>> -> memref<128x128xf32, #tpu.memory_space<vmem_shared>>
      tpu.wait_dma2 semaphore(%run_scoped3A : memref<!tpu.dma_semaphore, #tpu.memory_space<semaphore_mem>>) src(%arg8 : memref<128x128xf32, #tpu.memory_space<vmem>>) dst(%dma_wait3A_72 : memref<128x128xf32, #tpu.memory_space<vmem_shared>>)
      tpu.yield
    }) : () -> ()
    %add3A_20 = arith.constant 512 : i32
    %add3A_21 = arith.addi %mul3A_11, %add3A_20 : i32
    "tpu.region"() ({
      %run_scoped3A = tpu.sem_alloc : memref<!tpu.dma_semaphore, #tpu.memory_space<semaphore_mem>>
      %dma_start3A_66 = arith.constant 0 : i32
      %dma_start3A_67 = arith.constant 0 : i32
      %dma_start3A_68 = tpu.memref_slice %arg8[%dma_start3A_66, %dma_start3A_67] : memref<128x128xf32, #tpu.memory_space<vmem>> -> memref<120x128xf32, #tpu.memory_space<vmem>>
      %dma_start3A_69 = arith.constant 0 : i32
      %dma_start3A_70 = tpu.memref_slice %arg11[%add3A_21, %dma_start3A_69] : memref<10112x128xf32, #tpu.memory_space<vmem_shared>> -> memref<120x128xf32, #tpu.memory_space<vmem_shared>>
      %dma_start3A_71 = arith.constant 0 : i32
      %dma_start3A_72 = tpu.memref_slice %arg11[%add3A_21, %dma_start3A_71] : memref<10112x128xf32, #tpu.memory_space<vmem_shared>> -> memref<120x128xf32, #tpu.memory_space<vmem_shared>>
      %dma_start3A_73 = arith.constant 0 : i32
      %dma_start3A_74 = arith.constant 0 : i32
      %dma_start3A_75 = tpu.memref_slice %arg8[%dma_start3A_73, %dma_start3A_74] : memref<128x128xf32, #tpu.memory_space<vmem>> -> memref<120x128xf32, #tpu.memory_space<vmem>>
      tpu.enqueue_dma source(%dma_start3A_75 : memref<120x128xf32, #tpu.memory_space<vmem>>) target(%dma_start3A_72 : memref<120x128xf32, #tpu.memory_space<vmem_shared>>) target_semaphore(%run_scoped3A : memref<!tpu.dma_semaphore, #tpu.memory_space<semaphore_mem>>)
      %dma_wait3A = arith.constant 0 : i32
      %dma_wait3A_76 = arith.constant 0 : i32
      %dma_wait3A_77 = tpu.memref_slice %arg8[%dma_wait3A, %dma_wait3A_76] : memref<128x128xf32, #tpu.memory_space<vmem>> -> memref<120x128xf32, #tpu.memory_space<vmem>>
      %dma_wait3A_78 = arith.constant 0 : i32
      %dma_wait3A_79 = tpu.memref_slice %arg11[%add3A_21, %dma_wait3A_78] : memref<10112x128xf32, #tpu.memory_space<vmem_shared>> -> memref<120x128xf32, #tpu.memory_space<vmem_shared>>
      %dma_wait3A_80 = arith.constant 0 : i32
      %dma_wait3A_81 = tpu.memref_slice %arg11[%add3A_21, %dma_wait3A_80] : memref<10112x128xf32, #tpu.memory_space<vmem_shared>> -> memref<120x128xf32, #tpu.memory_space<vmem_shared>>
      %dma_wait3A_82 = arith.constant 0 : i32
      %dma_wait3A_83 = arith.constant 0 : i32
      %dma_wait3A_84 = tpu.memref_slice %arg8[%dma_wait3A_82, %dma_wait3A_83] : memref<128x128xf32, #tpu.memory_space<vmem>> -> memref<120x128xf32, #tpu.memory_space<vmem>>
      tpu.wait_dma2 semaphore(%run_scoped3A : memref<!tpu.dma_semaphore, #tpu.memory_space<semaphore_mem>>) src(%dma_wait3A_84 : memref<120x128xf32, #tpu.memory_space<vmem>>) dst(%dma_wait3A_81 : memref<120x128xf32, #tpu.memory_space<vmem_shared>>)
      tpu.yield
    }) : () -> ()
    %barrier3A = arith.constant 0 : index
    tpu.barrier barrier_id(%barrier3A)
    "tpu.region"() ({
      %run_scoped3A = tpu.sem_alloc : memref<!tpu.dma_semaphore, #tpu.memory_space<semaphore_mem>>
      %dma_start3A_66 = arith.constant 0 : i32
      %dma_start3A_67 = arith.constant 0 : i32
      %dma_start3A_68 = tpu.memref_slice %arg4[%mul3A_2, %dma_start3A_66, %dma_start3A_67] : memref<2560x2x128xi32, #tpu.memory_space<hbm>> -> memref<1x2x128xi32, #tpu.memory_space<hbm>>
      %dma_start3A_69 = tpu.memref_squeeze %dma_start3A_68 : memref<1x2x128xi32, #tpu.memory_space<hbm>> -> memref<2x128xi32, #tpu.memory_space<hbm>>
      %dma_start3A_70 = arith.constant 0 : i32
      %dma_start3A_71 = arith.constant 0 : i32
      %dma_start3A_72 = tpu.memref_slice %arg4[%mul3A_2, %dma_start3A_70, %dma_start3A_71] : memref<2560x2x128xi32, #tpu.memory_space<hbm>> -> memref<1x2x128xi32, #tpu.memory_space<hbm>>
      %dma_start3A_73 = tpu.memref_squeeze %dma_start3A_72 : memref<1x2x128xi32, #tpu.memory_space<hbm>> -> memref<2x128xi32, #tpu.memory_space<hbm>>
      tpu.enqueue_dma source(%dma_start3A_73 : memref<2x128xi32, #tpu.memory_space<hbm>>) target(%arg6 : memref<2x128xi32, #tpu.memory_space<vmem>>) target_semaphore(%run_scoped3A : memref<!tpu.dma_semaphore, #tpu.memory_space<semaphore_mem>>)
      %dma_wait3A = arith.constant 0 : i32
      %dma_wait3A_74 = arith.constant 0 : i32
      %dma_wait3A_75 = tpu.memref_slice %arg4[%mul3A_2, %dma_wait3A, %dma_wait3A_74] : memref<2560x2x128xi32, #tpu.memory_space<hbm>> -> memref<1x2x128xi32, #tpu.memory_space<hbm>>
      %dma_wait3A_76 = tpu.memref_squeeze %dma_wait3A_75 : memref<1x2x128xi32, #tpu.memory_space<hbm>> -> memref<2x128xi32, #tpu.memory_space<hbm>>
      %dma_wait3A_77 = arith.constant 0 : i32
      %dma_wait3A_78 = arith.constant 0 : i32
      %dma_wait3A_79 = tpu.memref_slice %arg4[%mul3A_2, %dma_wait3A_77, %dma_wait3A_78] : memref<2560x2x128xi32, #tpu.memory_space<hbm>> -> memref<1x2x128xi32, #tpu.memory_space<hbm>>
      %dma_wait3A_80 = tpu.memref_squeeze %dma_wait3A_79 : memref<1x2x128xi32, #tpu.memory_space<hbm>> -> memref<2x128xi32, #tpu.memory_space<hbm>>
      tpu.wait_dma2 semaphore(%run_scoped3A : memref<!tpu.dma_semaphore, #tpu.memory_space<semaphore_mem>>) src(%dma_wait3A_80 : memref<2x128xi32, #tpu.memory_space<hbm>>) dst(%arg6 : memref<2x128xi32, #tpu.memory_space<vmem>>)
      tpu.yield
    }) : () -> ()
    %dma_start3A = arith.constant 0 : i32
    %dma_start3A_22 = arith.constant 0 : i32
    %dma_start3A_23 = tpu.memref_slice %arg6[%dma_start3A, %dma_start3A_22] : memref<2x128xi32, #tpu.memory_space<vmem>> -> memref<1x128xi32, #tpu.memory_space<vmem>>
    %dma_start3A_24 = tpu.memref_squeeze %dma_start3A_23 : memref<1x128xi32, #tpu.memory_space<vmem>> -> memref<128xi32, #tpu.memory_space<vmem>>
    %dma_start3A_25 = arith.constant 0 : i32
    %dma_start3A_26 = arith.constant 0 : i32
    %dma_start3A_27 = tpu.memref_slice %arg2[%dma_start3A_25, %dma_start3A_26] : memref<10240x128xf32, #tpu.memory_space<hbm>> -> memref<10240x128xf32, #tpu.memory_space<hbm>>
    tpu.enqueue_indirect_dma source(%dma_start3A_27 : memref<10240x128xf32, #tpu.memory_space<hbm>>) target(%arg9 : memref<128x128xf32, #tpu.memory_space<vmem>>) offsets(%dma_start3A_24 : memref<128xi32, #tpu.memory_space<vmem>>) semaphore(%arg12 : memref<!tpu.dma_semaphore, #tpu.memory_space<semaphore_mem>>)
    %add3A_28 = arith.constant 0 : i32
    %add3A_29 = arith.addi %mul3A_2, %add3A_28 : i32
    %mul3A_30 = arith.constant 128 : i32
    %mul3A_31 = arith.muli %add3A_29, %mul3A_30 : i32
    %dma_start3A_32 = arith.constant 0 : i32
    %dma_start3A_33 = tpu.memref_slice %arg3[%mul3A_31, %dma_start3A_32] : memref<327680x128xf32, #tpu.memory_space<hbm>> -> memref<128x128xf32, #tpu.memory_space<hbm>>
    %dma_start3A_34 = arith.constant 0 : i32
    %dma_start3A_35 = tpu.memref_slice %arg3[%mul3A_31, %dma_start3A_34] : memref<327680x128xf32, #tpu.memory_space<hbm>> -> memref<128x128xf32, #tpu.memory_space<hbm>>
    tpu.enqueue_dma source(%dma_start3A_35 : memref<128x128xf32, #tpu.memory_space<hbm>>) target(%arg8 : memref<128x128xf32, #tpu.memory_space<vmem>>) target_semaphore(%arg14 : memref<!tpu.dma_semaphore, #tpu.memory_space<semaphore_mem>>)
    %scan3A_36 = arith.constant 0 : i32
    %scan3A_37 = arith.constant 0 : i32
    %scan3A_38 = arith.constant 40 : i32
    %scan3A_39 = arith.addi %scan3A_37, %scan3A_38 : i32
    %scan3A_40 = arith.constant 1 : i32
    %scan3A_41 = scf.for %scan3A_66 = %scan3A_37 to %scan3A_39 step %scan3A_40 iter_args(%scan3A_67 = %scan3A_36) -> (i32)  : i32 {
      %mul3A_68 = arith.constant 2 : i32
      %mul3A_69 = arith.muli %mul3A_68, %scan3A_66 : i32
      %add3A_70 = arith.addi %mul3A_2, %mul3A_69 : i32
      %add3A_71 = arith.constant 1 : i32
      %add3A_72 = arith.addi %mul3A_69, %add3A_71 : i32
      %le3A = arith.constant 79 : i32
      %le3A_73 = arith.cmpi sle, %add3A_72, %le3A : i32
      %convert_element_type3A_74 = arith.extui %le3A_73 : i1 to i32
      %cond3A_75 = arith.constant 0 : i32
      %cond3A_76 = arith.cmpi ne, %convert_element_type3A_74, %cond3A_75 : i32
      scf.if %cond3A_76 {
        %add3A_145 = arith.addi %mul3A_2, %mul3A_69 : i32
        %add3A_146 = arith.constant 1 : i32
        %add3A_147 = arith.addi %add3A_145, %add3A_146 : i32
        "tpu.region"() ({
          %run_scoped3A = tpu.sem_alloc : memref<!tpu.dma_semaphore, #tpu.memory_space<semaphore_mem>>
          %dma_start3A_157 = arith.constant 0 : i32
          %dma_start3A_158 = arith.constant 0 : i32
          %dma_start3A_159 = tpu.memref_slice %arg4[%add3A_147, %dma_start3A_157, %dma_start3A_158] : memref<2560x2x128xi32, #tpu.memory_space<hbm>> -> memref<1x2x128xi32, #tpu.memory_space<hbm>>
          %dma_start3A_160 = tpu.memref_squeeze %dma_start3A_159 : memref<1x2x128xi32, #tpu.memory_space<hbm>> -> memref<2x128xi32, #tpu.memory_space<hbm>>
          %dma_start3A_161 = arith.constant 0 : i32
          %dma_start3A_162 = arith.constant 0 : i32
          %dma_start3A_163 = tpu.memref_slice %arg4[%add3A_147, %dma_start3A_161, %dma_start3A_162] : memref<2560x2x128xi32, #tpu.memory_space<hbm>> -> memref<1x2x128xi32, #tpu.memory_space<hbm>>
          %dma_start3A_164 = tpu.memref_squeeze %dma_start3A_163 : memref<1x2x128xi32, #tpu.memory_space<hbm>> -> memref<2x128xi32, #tpu.memory_space<hbm>>
          tpu.enqueue_dma source(%dma_start3A_164 : memref<2x128xi32, #tpu.memory_space<hbm>>) target(%arg7 : memref<2x128xi32, #tpu.memory_space<vmem>>) target_semaphore(%run_scoped3A : memref<!tpu.dma_semaphore, #tpu.memory_space<semaphore_mem>>)
          %dma_wait3A_165 = arith.constant 0 : i32
          %dma_wait3A_166 = arith.constant 0 : i32
          %dma_wait3A_167 = tpu.memref_slice %arg4[%add3A_147, %dma_wait3A_165, %dma_wait3A_166] : memref<2560x2x128xi32, #tpu.memory_space<hbm>> -> memref<1x2x128xi32, #tpu.memory_space<hbm>>
          %dma_wait3A_168 = tpu.memref_squeeze %dma_wait3A_167 : memref<1x2x128xi32, #tpu.memory_space<hbm>> -> memref<2x128xi32, #tpu.memory_space<hbm>>
          %dma_wait3A_169 = arith.constant 0 : i32
          %dma_wait3A_170 = arith.constant 0 : i32
          %dma_wait3A_171 = tpu.memref_slice %arg4[%add3A_147, %dma_wait3A_169, %dma_wait3A_170] : memref<2560x2x128xi32, #tpu.memory_space<hbm>> -> memref<1x2x128xi32, #tpu.memory_space<hbm>>
          %dma_wait3A_172 = tpu.memref_squeeze %dma_wait3A_171 : memref<1x2x128xi32, #tpu.memory_space<hbm>> -> memref<2x128xi32, #tpu.memory_space<hbm>>
          tpu.wait_dma2 semaphore(%run_scoped3A : memref<!tpu.dma_semaphore, #tpu.memory_space<semaphore_mem>>) src(%dma_wait3A_172 : memref<2x128xi32, #tpu.memory_space<hbm>>) dst(%arg7 : memref<2x128xi32, #tpu.memory_space<vmem>>)
          tpu.yield
        }) : () -> ()
        %add3A_148 = arith.constant 1 : i32
        %add3A_149 = arith.addi %mul3A_69, %add3A_148 : i32
        %dma_start3A_150 = arith.constant 0 : i32
        %dma_start3A_151 = arith.constant 0 : i32
        %dma_start3A_152 = tpu.memref_slice %arg7[%dma_start3A_150, %dma_start3A_151] : memref<2x128xi32, #tpu.memory_space<vmem>> -> memref<1x128xi32, #tpu.memory_space<vmem>>
        %dma_start3A_153 = tpu.memref_squeeze %dma_start3A_152 : memref<1x128xi32, #tpu.memory_space<vmem>> -> memref<128xi32, #tpu.memory_space<vmem>>
        %dma_start3A_154 = arith.constant 0 : i32
        %dma_start3A_155 = arith.constant 0 : i32
        %dma_start3A_156 = tpu.memref_slice %arg2[%dma_start3A_154, %dma_start3A_155] : memref<10240x128xf32, #tpu.memory_space<hbm>> -> memref<10240x128xf32, #tpu.memory_space<hbm>>
        tpu.enqueue_indirect_dma source(%dma_start3A_156 : memref<10240x128xf32, #tpu.memory_space<hbm>>) target(%arg10 : memref<128x128xf32, #tpu.memory_space<vmem>>) offsets(%dma_start3A_153 : memref<128xi32, #tpu.memory_space<vmem>>) semaphore(%arg13 : memref<!tpu.dma_semaphore, #tpu.memory_space<semaphore_mem>>)
      } else {
      }
      %add3A_77 = arith.addi %mul3A_2, %mul3A_69 : i32
      %mul3A_78 = arith.constant 128 : i32
      %mul3A_79 = arith.muli %add3A_77, %mul3A_78 : i32
      %dma_wait3A = arith.constant 0 : i32
      %dma_wait3A_80 = tpu.memref_slice %arg3[%mul3A_79, %dma_wait3A] : memref<327680x128xf32, #tpu.memory_space<hbm>> -> memref<128x128xf32, #tpu.memory_space<hbm>>
      %dma_wait3A_81 = arith.constant 0 : i32
      %dma_wait3A_82 = tpu.memref_slice %arg3[%mul3A_79, %dma_wait3A_81] : memref<327680x128xf32, #tpu.memory_space<hbm>> -> memref<128x128xf32, #tpu.memory_space<hbm>>
      tpu.wait_dma2 semaphore(%arg14 : memref<!tpu.dma_semaphore, #tpu.memory_space<semaphore_mem>>) src(%dma_wait3A_82 : memref<128x128xf32, #tpu.memory_space<hbm>>) dst(%arg8 : memref<128x128xf32, #tpu.memory_space<vmem>>)
      %dma_wait3A_83 = arith.constant 0 : i32
      %dma_wait3A_84 = arith.constant 0 : i32
      %dma_wait3A_85 = tpu.memref_slice %arg6[%dma_wait3A_83, %dma_wait3A_84] : memref<2x128xi32, #tpu.memory_space<vmem>> -> memref<1x128xi32, #tpu.memory_space<vmem>>
      %dma_wait3A_86 = tpu.memref_squeeze %dma_wait3A_85 : memref<1x128xi32, #tpu.memory_space<vmem>> -> memref<128xi32, #tpu.memory_space<vmem>>
      %dma_wait3A_87 = arith.constant 0 : i32
      %dma_wait3A_88 = arith.constant 0 : i32
      %dma_wait3A_89 = tpu.memref_slice %arg2[%dma_wait3A_87, %dma_wait3A_88] : memref<10240x128xf32, #tpu.memory_space<hbm>> -> memref<10240x128xf32, #tpu.memory_space<hbm>>
      tpu.wait_indirect_dma semaphore(%arg12 : memref<!tpu.dma_semaphore, #tpu.memory_space<semaphore_mem>>) src(%dma_wait3A_89 : memref<10240x128xf32, #tpu.memory_space<hbm>>) dst(%arg9 : memref<128x128xf32, #tpu.memory_space<vmem>>)
      %parallel_loop3A = arith.constant 0 : i32
      %parallel_loop3A_90 = arith.constant 128 : i32
      %parallel_loop3A_91 = arith.constant 1 : i32
      scf.for %parallel_loop3A_145 = %parallel_loop3A to %parallel_loop3A_90 step %parallel_loop3A_91  : i32 {
        %parallel_loop3A_146 = arith.index_cast %parallel_loop3A_145 : i32 to index
        %parallel_loop3A_147 = arith.constant 0 : index
        %parallel_loop3A_148 = tpu.vector_load %arg9[%parallel_loop3A_146, %parallel_loop3A_147] {strides = array<i32>} : memref<128x128xf32, #tpu.memory_space<vmem>>, vector<1x16xf32>,
        %parallel_loop3A_149 = vector.shape_cast %parallel_loop3A_148 : vector<1x16xf32> to vector<16xf32>
        %parallel_loop3A_150 = arith.index_cast %parallel_loop3A_145 : i32 to index
        %parallel_loop3A_151 = arith.constant 0 : index
        %parallel_loop3A_152 = tpu.vector_load %arg8[%parallel_loop3A_150, %parallel_loop3A_151] {strides = array<i32>} : memref<128x128xf32, #tpu.memory_space<vmem>>, vector<1x16xf32>,
        %parallel_loop3A_153 = vector.shape_cast %parallel_loop3A_152 : vector<1x16xf32> to vector<16xf32>
        %parallel_loop3A_154 = arith.addf %parallel_loop3A_149, %parallel_loop3A_153 : vector<16xf32>
        %parallel_loop3A_155 = arith.constant 0.000000e+00 : f32
        %parallel_loop3A_156 = vector.broadcast %parallel_loop3A_155 : f32 to vector<16xf32>
        %parallel_loop3A_157 = arith.maximumf %parallel_loop3A_154, %parallel_loop3A_156 : vector<16xf32>
        %parallel_loop3A_158 = arith.index_cast %parallel_loop3A_145 : i32 to index
        %parallel_loop3A_159 = arith.constant 0 : index
        %parallel_loop3A_160 = tpu.vector_load %arg8[%parallel_loop3A_158, %parallel_loop3A_159] {strides = array<i32>} : memref<128x128xf32, #tpu.memory_space<vmem>>, vector<1x16xf32>,
        %parallel_loop3A_161 = vector.shape_cast %parallel_loop3A_160 : vector<1x16xf32> to vector<16xf32>
        %parallel_loop3A_162 = vector.shape_cast %parallel_loop3A_157 : vector<16xf32> to vector<1x16xf32>
        tpu.vector_store %arg8[%parallel_loop3A_158, %parallel_loop3A_159], %parallel_loop3A_162 {strides = array<i32>} : memref<128x128xf32, #tpu.memory_space<vmem>>, vector<1x16xf32>,
        %parallel_loop3A_163 = arith.index_cast %parallel_loop3A_145 : i32 to index
        %parallel_loop3A_164 = arith.constant 16 : index
        %parallel_loop3A_165 = tpu.vector_load %arg9[%parallel_loop3A_163, %parallel_loop3A_164] {strides = array<i32>} : memref<128x128xf32, #tpu.memory_space<vmem>>, vector<1x16xf32>,
        %parallel_loop3A_166 = vector.shape_cast %parallel_loop3A_165 : vector<1x16xf32> to vector<16xf32>
        %parallel_loop3A_167 = arith.index_cast %parallel_loop3A_145 : i32 to index
        %parallel_loop3A_168 = arith.constant 16 : index
        %parallel_loop3A_169 = tpu.vector_load %arg8[%parallel_loop3A_167, %parallel_loop3A_168] {strides = array<i32>} : memref<128x128xf32, #tpu.memory_space<vmem>>, vector<1x16xf32>,
        %parallel_loop3A_170 = vector.shape_cast %parallel_loop3A_169 : vector<1x16xf32> to vector<16xf32>
        %parallel_loop3A_171 = arith.addf %parallel_loop3A_166, %parallel_loop3A_170 : vector<16xf32>
        %parallel_loop3A_172 = arith.constant 0.000000e+00 : f32
        %parallel_loop3A_173 = vector.broadcast %parallel_loop3A_172 : f32 to vector<16xf32>
        %parallel_loop3A_174 = arith.maximumf %parallel_loop3A_171, %parallel_loop3A_173 : vector<16xf32>
        %parallel_loop3A_175 = arith.index_cast %parallel_loop3A_145 : i32 to index
        %parallel_loop3A_176 = arith.constant 16 : index
        %parallel_loop3A_177 = tpu.vector_load %arg8[%parallel_loop3A_175, %parallel_loop3A_176] {strides = array<i32>} : memref<128x128xf32, #tpu.memory_space<vmem>>, vector<1x16xf32>,
        %parallel_loop3A_178 = vector.shape_cast %parallel_loop3A_177 : vector<1x16xf32> to vector<16xf32>
        %parallel_loop3A_179 = vector.shape_cast %parallel_loop3A_174 : vector<16xf32> to vector<1x16xf32>
        tpu.vector_store %arg8[%parallel_loop3A_175, %parallel_loop3A_176], %parallel_loop3A_179 {strides = array<i32>} : memref<128x128xf32, #tpu.memory_space<vmem>>, vector<1x16xf32>,
        %parallel_loop3A_180 = arith.index_cast %parallel_loop3A_145 : i32 to index
        %parallel_loop3A_181 = arith.constant 32 : index
        %parallel_loop3A_182 = tpu.vector_load %arg9[%parallel_loop3A_180, %parallel_loop3A_181] {strides = array<i32>} : memref<128x128xf32, #tpu.memory_space<vmem>>, vector<1x16xf32>,
        %parallel_loop3A_183 = vector.shape_cast %parallel_loop3A_182 : vector<1x16xf32> to vector<16xf32>
        %parallel_loop3A_184 = arith.index_cast %parallel_loop3A_145 : i32 to index
        %parallel_loop3A_185 = arith.constant 32 : index
        %parallel_loop3A_186 = tpu.vector_load %arg8[%parallel_loop3A_184, %parallel_loop3A_185] {strides = array<i32>} : memref<128x128xf32, #tpu.memory_space<vmem>>, vector<1x16xf32>,
        %parallel_loop3A_187 = vector.shape_cast %parallel_loop3A_186 : vector<1x16xf32> to vector<16xf32>
        %parallel_loop3A_188 = arith.addf %parallel_loop3A_183, %parallel_loop3A_187 : vector<16xf32>
        %parallel_loop3A_189 = arith.constant 0.000000e+00 : f32
        %parallel_loop3A_190 = vector.broadcast %parallel_loop3A_189 : f32 to vector<16xf32>
        %parallel_loop3A_191 = arith.maximumf %parallel_loop3A_188, %parallel_loop3A_190 : vector<16xf32>
        %parallel_loop3A_192 = arith.index_cast %parallel_loop3A_145 : i32 to index
        %parallel_loop3A_193 = arith.constant 32 : index
        %parallel_loop3A_194 = tpu.vector_load %arg8[%parallel_loop3A_192, %parallel_loop3A_193] {strides = array<i32>} : memref<128x128xf32, #tpu.memory_space<vmem>>, vector<1x16xf32>,
        %parallel_loop3A_195 = vector.shape_cast %parallel_loop3A_194 : vector<1x16xf32> to vector<16xf32>
        %parallel_loop3A_196 = vector.shape_cast %parallel_loop3A_191 : vector<16xf32> to vector<1x16xf32>
        tpu.vector_store %arg8[%parallel_loop3A_192, %parallel_loop3A_193], %parallel_loop3A_196 {strides = array<i32>} : memref<128x128xf32, #tpu.memory_space<vmem>>, vector<1x16xf32>,
        %parallel_loop3A_197 = arith.index_cast %parallel_loop3A_145 : i32 to index
        %parallel_loop3A_198 = arith.constant 48 : index
        %parallel_loop3A_199 = tpu.vector_load %arg9[%parallel_loop3A_197, %parallel_loop3A_198] {strides = array<i32>} : memref<128x128xf32, #tpu.memory_space<vmem>>, vector<1x16xf32>,
        %parallel_loop3A_200 = vector.shape_cast %parallel_loop3A_199 : vector<1x16xf32> to vector<16xf32>
        %parallel_loop3A_201 = arith.index_cast %parallel_loop3A_145 : i32 to index
        %parallel_loop3A_202 = arith.constant 48 : index
        %parallel_loop3A_203 = tpu.vector_load %arg8[%parallel_loop3A_201, %parallel_loop3A_202] {strides = array<i32>} : memref<128x128xf32, #tpu.memory_space<vmem>>, vector<1x16xf32>,
        %parallel_loop3A_204 = vector.shape_cast %parallel_loop3A_203 : vector<1x16xf32> to vector<16xf32>
        %parallel_loop3A_205 = arith.addf %parallel_loop3A_200, %parallel_loop3A_204 : vector<16xf32>
        %parallel_loop3A_206 = arith.constant 0.000000e+00 : f32
        %parallel_loop3A_207 = vector.broadcast %parallel_loop3A_206 : f32 to vector<16xf32>
        %parallel_loop3A_208 = arith.maximumf %parallel_loop3A_205, %parallel_loop3A_207 : vector<16xf32>
        %parallel_loop3A_209 = arith.index_cast %parallel_loop3A_145 : i32 to index
        %parallel_loop3A_210 = arith.constant 48 : index
        %parallel_loop3A_211 = tpu.vector_load %arg8[%parallel_loop3A_209, %parallel_loop3A_210] {strides = array<i32>} : memref<128x128xf32, #tpu.memory_space<vmem>>, vector<1x16xf32>,
        %parallel_loop3A_212 = vector.shape_cast %parallel_loop3A_211 : vector<1x16xf32> to vector<16xf32>
        %parallel_loop3A_213 = vector.shape_cast %parallel_loop3A_208 : vector<16xf32> to vector<1x16xf32>
        tpu.vector_store %arg8[%parallel_loop3A_209, %parallel_loop3A_210], %parallel_loop3A_213 {strides = array<i32>} : memref<128x128xf32, #tpu.memory_space<vmem>>, vector<1x16xf32>,
        %parallel_loop3A_214 = arith.index_cast %parallel_loop3A_145 : i32 to index
        %parallel_loop3A_215 = arith.constant 64 : index
        %parallel_loop3A_216 = tpu.vector_load %arg9[%parallel_loop3A_214, %parallel_loop3A_215] {strides = array<i32>} : memref<128x128xf32, #tpu.memory_space<vmem>>, vector<1x16xf32>,
        %parallel_loop3A_217 = vector.shape_cast %parallel_loop3A_216 : vector<1x16xf32> to vector<16xf32>
        %parallel_loop3A_218 = arith.index_cast %parallel_loop3A_145 : i32 to index
        %parallel_loop3A_219 = arith.constant 64 : index
        %parallel_loop3A_220 = tpu.vector_load %arg8[%parallel_loop3A_218, %parallel_loop3A_219] {strides = array<i32>} : memref<128x128xf32, #tpu.memory_space<vmem>>, vector<1x16xf32>,
        %parallel_loop3A_221 = vector.shape_cast %parallel_loop3A_220 : vector<1x16xf32> to vector<16xf32>
        %parallel_loop3A_222 = arith.addf %parallel_loop3A_217, %parallel_loop3A_221 : vector<16xf32>
        %parallel_loop3A_223 = arith.constant 0.000000e+00 : f32
        %parallel_loop3A_224 = vector.broadcast %parallel_loop3A_223 : f32 to vector<16xf32>
        %parallel_loop3A_225 = arith.maximumf %parallel_loop3A_222, %parallel_loop3A_224 : vector<16xf32>
        %parallel_loop3A_226 = arith.index_cast %parallel_loop3A_145 : i32 to index
        %parallel_loop3A_227 = arith.constant 64 : index
        %parallel_loop3A_228 = tpu.vector_load %arg8[%parallel_loop3A_226, %parallel_loop3A_227] {strides = array<i32>} : memref<128x128xf32, #tpu.memory_space<vmem>>, vector<1x16xf32>,
        %parallel_loop3A_229 = vector.shape_cast %parallel_loop3A_228 : vector<1x16xf32> to vector<16xf32>
        %parallel_loop3A_230 = vector.shape_cast %parallel_loop3A_225 : vector<16xf32> to vector<1x16xf32>
        tpu.vector_store %arg8[%parallel_loop3A_226, %parallel_loop3A_227], %parallel_loop3A_230 {strides = array<i32>} : memref<128x128xf32, #tpu.memory_space<vmem>>, vector<1x16xf32>,
        %parallel_loop3A_231 = arith.index_cast %parallel_loop3A_145 : i32 to index
        %parallel_loop3A_232 = arith.constant 80 : index
        %parallel_loop3A_233 = tpu.vector_load %arg9[%parallel_loop3A_231, %parallel_loop3A_232] {strides = array<i32>} : memref<128x128xf32, #tpu.memory_space<vmem>>, vector<1x16xf32>,
        %parallel_loop3A_234 = vector.shape_cast %parallel_loop3A_233 : vector<1x16xf32> to vector<16xf32>
        %parallel_loop3A_235 = arith.index_cast %parallel_loop3A_145 : i32 to index
        %parallel_loop3A_236 = arith.constant 80 : index
        %parallel_loop3A_237 = tpu.vector_load %arg8[%parallel_loop3A_235, %parallel_loop3A_236] {strides = array<i32>} : memref<128x128xf32, #tpu.memory_space<vmem>>, vector<1x16xf32>,
        %parallel_loop3A_238 = vector.shape_cast %parallel_loop3A_237 : vector<1x16xf32> to vector<16xf32>
        %parallel_loop3A_239 = arith.addf %parallel_loop3A_234, %parallel_loop3A_238 : vector<16xf32>
        %parallel_loop3A_240 = arith.constant 0.000000e+00 : f32
        %parallel_loop3A_241 = vector.broadcast %parallel_loop3A_240 : f32 to vector<16xf32>
        %parallel_loop3A_242 = arith.maximumf %parallel_loop3A_239, %parallel_loop3A_241 : vector<16xf32>
        %parallel_loop3A_243 = arith.index_cast %parallel_loop3A_145 : i32 to index
        %parallel_loop3A_244 = arith.constant 80 : index
        %parallel_loop3A_245 = tpu.vector_load %arg8[%parallel_loop3A_243, %parallel_loop3A_244] {strides = array<i32>} : memref<128x128xf32, #tpu.memory_space<vmem>>, vector<1x16xf32>,
        %parallel_loop3A_246 = vector.shape_cast %parallel_loop3A_245 : vector<1x16xf32> to vector<16xf32>
        %parallel_loop3A_247 = vector.shape_cast %parallel_loop3A_242 : vector<16xf32> to vector<1x16xf32>
        tpu.vector_store %arg8[%parallel_loop3A_243, %parallel_loop3A_244], %parallel_loop3A_247 {strides = array<i32>} : memref<128x128xf32, #tpu.memory_space<vmem>>, vector<1x16xf32>,
        %parallel_loop3A_248 = arith.index_cast %parallel_loop3A_145 : i32 to index
        %parallel_loop3A_249 = arith.constant 96 : index
        %parallel_loop3A_250 = tpu.vector_load %arg9[%parallel_loop3A_248, %parallel_loop3A_249] {strides = array<i32>} : memref<128x128xf32, #tpu.memory_space<vmem>>, vector<1x16xf32>,
        %parallel_loop3A_251 = vector.shape_cast %parallel_loop3A_250 : vector<1x16xf32> to vector<16xf32>
        %parallel_loop3A_252 = arith.index_cast %parallel_loop3A_145 : i32 to index
        %parallel_loop3A_253 = arith.constant 96 : index
        %parallel_loop3A_254 = tpu.vector_load %arg8[%parallel_loop3A_252, %parallel_loop3A_253] {strides = array<i32>} : memref<128x128xf32, #tpu.memory_space<vmem>>, vector<1x16xf32>,
        %parallel_loop3A_255 = vector.shape_cast %parallel_loop3A_254 : vector<1x16xf32> to vector<16xf32>
        %parallel_loop3A_256 = arith.addf %parallel_loop3A_251, %parallel_loop3A_255 : vector<16xf32>
        %parallel_loop3A_257 = arith.constant 0.000000e+00 : f32
        %parallel_loop3A_258 = vector.broadcast %parallel_loop3A_257 : f32 to vector<16xf32>
        %parallel_loop3A_259 = arith.maximumf %parallel_loop3A_256, %parallel_loop3A_258 : vector<16xf32>
        %parallel_loop3A_260 = arith.index_cast %parallel_loop3A_145 : i32 to index
        %parallel_loop3A_261 = arith.constant 96 : index
        %parallel_loop3A_262 = tpu.vector_load %arg8[%parallel_loop3A_260, %parallel_loop3A_261] {strides = array<i32>} : memref<128x128xf32, #tpu.memory_space<vmem>>, vector<1x16xf32>,
        %parallel_loop3A_263 = vector.shape_cast %parallel_loop3A_262 : vector<1x16xf32> to vector<16xf32>
        %parallel_loop3A_264 = vector.shape_cast %parallel_loop3A_259 : vector<16xf32> to vector<1x16xf32>
        tpu.vector_store %arg8[%parallel_loop3A_260, %parallel_loop3A_261], %parallel_loop3A_264 {strides = array<i32>} : memref<128x128xf32, #tpu.memory_space<vmem>>, vector<1x16xf32>,
        %parallel_loop3A_265 = arith.index_cast %parallel_loop3A_145 : i32 to index
        %parallel_loop3A_266 = arith.constant 112 : index
        %parallel_loop3A_267 = tpu.vector_load %arg9[%parallel_loop3A_265, %parallel_loop3A_266] {strides = array<i32>} : memref<128x128xf32, #tpu.memory_space<vmem>>, vector<1x16xf32>,
        %parallel_loop3A_268 = vector.shape_cast %parallel_loop3A_267 : vector<1x16xf32> to vector<16xf32>
        %parallel_loop3A_269 = arith.index_cast %parallel_loop3A_145 : i32 to index
        %parallel_loop3A_270 = arith.constant 112 : index
        %parallel_loop3A_271 = tpu.vector_load %arg8[%parallel_loop3A_269, %parallel_loop3A_270] {strides = array<i32>} : memref<128x128xf32, #tpu.memory_space<vmem>>, vector<1x16xf32>,
        %parallel_loop3A_272 = vector.shape_cast %parallel_loop3A_271 : vector<1x16xf32> to vector<16xf32>
        %parallel_loop3A_273 = arith.addf %parallel_loop3A_268, %parallel_loop3A_272 : vector<16xf32>
        %parallel_loop3A_274 = arith.constant 0.000000e+00 : f32
        %parallel_loop3A_275 = vector.broadcast %parallel_loop3A_274 : f32 to vector<16xf32>
        %parallel_loop3A_276 = arith.maximumf %parallel_loop3A_273, %parallel_loop3A_275 : vector<16xf32>
        %parallel_loop3A_277 = arith.index_cast %parallel_loop3A_145 : i32 to index
        %parallel_loop3A_278 = arith.constant 112 : index
        %parallel_loop3A_279 = tpu.vector_load %arg8[%parallel_loop3A_277, %parallel_loop3A_278] {strides = array<i32>} : memref<128x128xf32, #tpu.memory_space<vmem>>, vector<1x16xf32>,
        %parallel_loop3A_280 = vector.shape_cast %parallel_loop3A_279 : vector<1x16xf32> to vector<16xf32>
        %parallel_loop3A_281 = vector.shape_cast %parallel_loop3A_276 : vector<16xf32> to vector<1x16xf32>
        tpu.vector_store %arg8[%parallel_loop3A_277, %parallel_loop3A_278], %parallel_loop3A_281 {strides = array<i32>} : memref<128x128xf32, #tpu.memory_space<vmem>>, vector<1x16xf32>,
      } {sc.loop_unroll_factor = 4 : i64, sc.parallel_access}
      %lt3A = arith.constant 0 : i32
      %lt3A_92 = arith.cmpi slt, %add3A_70, %lt3A : i32
      %convert_element_type3A_93 = arith.extui %lt3A_92 : i1 to i32
      %cond3A_94 = arith.constant 0 : i32
      %cond3A_95 = arith.cmpi ne, %convert_element_type3A_93, %cond3A_94 : i32
      scf.if %cond3A_95 {
        %run_scoped3A = arith.constant 1 : i32
        "tpu.region"() ({
          %run_scoped3A_145 = tpu.sem_alloc : memref<!tpu.dma_semaphore, #tpu.memory_space<semaphore_mem>>
          %dma_start3A_146 = arith.constant 0 : i32
          %dma_start3A_147 = tpu.memref_slice %arg6[%run_scoped3A, %dma_start3A_146] : memref<2x128xi32, #tpu.memory_space<vmem>> -> memref<1x128xi32, #tpu.memory_space<vmem>>
          %dma_start3A_148 = tpu.memref_squeeze %dma_start3A_147 : memref<1x128xi32, #tpu.memory_space<vmem>> -> memref<128xi32, #tpu.memory_space<vmem>>
          %dma_start3A_149 = arith.constant 0 : i32
          %dma_start3A_150 = arith.constant 0 : i32
          %dma_start3A_151 = tpu.memref_slice %arg11[%dma_start3A_149, %dma_start3A_150] : memref<10112x128xf32, #tpu.memory_space<vmem_shared>> -> memref<10112x128xf32, #tpu.memory_space<vmem_shared>>
          tpu.enqueue_indirect_dma source(%arg8 : memref<128x128xf32, #tpu.memory_space<vmem>>) target(%dma_start3A_151 : memref<10112x128xf32, #tpu.memory_space<vmem_shared>>) offsets(%dma_start3A_148 : memref<128xi32, #tpu.memory_space<vmem>>) semaphore(%run_scoped3A_145 : memref<!tpu.dma_semaphore, #tpu.memory_space<semaphore_mem>>) {add = true}
          %dma_wait3A_152 = arith.constant 0 : i32
          %dma_wait3A_153 = tpu.memref_slice %arg6[%run_scoped3A, %dma_wait3A_152] : memref<2x128xi32, #tpu.memory_space<vmem>> -> memref<1x128xi32, #tpu.memory_space<vmem>>
          %dma_wait3A_154 = tpu.memref_squeeze %dma_wait3A_153 : memref<1x128xi32, #tpu.memory_space<vmem>> -> memref<128xi32, #tpu.memory_space<vmem>>
          %dma_wait3A_155 = arith.constant 0 : i32
          %dma_wait3A_156 = arith.constant 0 : i32
          %dma_wait3A_157 = tpu.memref_slice %arg11[%dma_wait3A_155, %dma_wait3A_156] : memref<10112x128xf32, #tpu.memory_space<vmem_shared>> -> memref<10112x128xf32, #tpu.memory_space<vmem_shared>>
          tpu.wait_indirect_dma semaphore(%run_scoped3A_145 : memref<!tpu.dma_semaphore, #tpu.memory_space<semaphore_mem>>) src(%arg8 : memref<128x128xf32, #tpu.memory_space<vmem>>) dst(%dma_wait3A_157 : memref<10112x128xf32, #tpu.memory_space<vmem_shared>>)
          tpu.yield
        }) : () -> ()
      } else {
      }
      %add3A_96 = arith.constant 1 : i32
      %add3A_97 = arith.addi %mul3A_69, %add3A_96 : i32
      %le3A_98 = arith.constant 79 : i32
      %le3A_99 = arith.cmpi sle, %add3A_97, %le3A_98 : i32
      %convert_element_type3A_100 = arith.extui %le3A_99 : i1 to i32
      %cond3A_101 = arith.constant 0 : i32
      %cond3A_102 = arith.cmpi ne, %convert_element_type3A_100, %cond3A_101 : i32
      scf.if %cond3A_102 {
        %add3A_145 = arith.constant 1 : i32
        %add3A_146 = arith.addi %mul3A_69, %add3A_145 : i32
        %add3A_147 = arith.addi %mul3A_2, %add3A_146 : i32
        %mul3A_148 = arith.constant 128 : i32
        %mul3A_149 = arith.muli %add3A_147, %mul3A_148 : i32
        %dma_start3A_150 = arith.constant 0 : i32
        %dma_start3A_151 = tpu.memref_slice %arg3[%mul3A_149, %dma_start3A_150] : memref<327680x128xf32, #tpu.memory_space<hbm>> -> memref<128x128xf32, #tpu.memory_space<hbm>>
        %dma_start3A_152 = arith.constant 0 : i32
        %dma_start3A_153 = tpu.memref_slice %arg3[%mul3A_149, %dma_start3A_152] : memref<327680x128xf32, #tpu.memory_space<hbm>> -> memref<128x128xf32, #tpu.memory_space<hbm>>
        tpu.enqueue_dma source(%dma_start3A_153 : memref<128x128xf32, #tpu.memory_space<hbm>>) target(%arg8 : memref<128x128xf32, #tpu.memory_space<vmem>>) target_semaphore(%arg14 : memref<!tpu.dma_semaphore, #tpu.memory_space<semaphore_mem>>)
      } else {
      }
      %mul3A_103 = arith.constant 2 : i32
      %mul3A_104 = arith.muli %mul3A_103, %scan3A_66 : i32
      %add3A_105 = arith.constant 1 : i32
      %add3A_106 = arith.addi %mul3A_104, %add3A_105 : i32
      %add3A_107 = arith.addi %mul3A_2, %add3A_106 : i32
      %add3A_108 = arith.constant 1 : i32
      %add3A_109 = arith.addi %add3A_106, %add3A_108 : i32
      %le3A_110 = arith.constant 79 : i32
      %le3A_111 = arith.cmpi sle, %add3A_109, %le3A_110 : i32
      %convert_element_type3A_112 = arith.extui %le3A_111 : i1 to i32
      %cond3A_113 = arith.constant 0 : i32
      %cond3A_114 = arith.cmpi ne, %convert_element_type3A_112, %cond3A_113 : i32
      scf.if %cond3A_114 {
        %add3A_145 = arith.addi %mul3A_2, %add3A_106 : i32
        %add3A_146 = arith.constant 1 : i32
        %add3A_147 = arith.addi %add3A_145, %add3A_146 : i32
        "tpu.region"() ({
          %run_scoped3A = tpu.sem_alloc : memref<!tpu.dma_semaphore, #tpu.memory_space<semaphore_mem>>
          %dma_start3A_157 = arith.constant 0 : i32
          %dma_start3A_158 = arith.constant 0 : i32
          %dma_start3A_159 = tpu.memref_slice %arg4[%add3A_147, %dma_start3A_157, %dma_start3A_158] : memref<2560x2x128xi32, #tpu.memory_space<hbm>> -> memref<1x2x128xi32, #tpu.memory_space<hbm>>
          %dma_start3A_160 = tpu.memref_squeeze %dma_start3A_159 : memref<1x2x128xi32, #tpu.memory_space<hbm>> -> memref<2x128xi32, #tpu.memory_space<hbm>>
          %dma_start3A_161 = arith.constant 0 : i32
          %dma_start3A_162 = arith.constant 0 : i32
          %dma_start3A_163 = tpu.memref_slice %arg4[%add3A_147, %dma_start3A_161, %dma_start3A_162] : memref<2560x2x128xi32, #tpu.memory_space<hbm>> -> memref<1x2x128xi32, #tpu.memory_space<hbm>>
          %dma_start3A_164 = tpu.memref_squeeze %dma_start3A_163 : memref<1x2x128xi32, #tpu.memory_space<hbm>> -> memref<2x128xi32, #tpu.memory_space<hbm>>
          tpu.enqueue_dma source(%dma_start3A_164 : memref<2x128xi32, #tpu.memory_space<hbm>>) target(%arg6 : memref<2x128xi32, #tpu.memory_space<vmem>>) target_semaphore(%run_scoped3A : memref<!tpu.dma_semaphore, #tpu.memory_space<semaphore_mem>>)
          %dma_wait3A_165 = arith.constant 0 : i32
          %dma_wait3A_166 = arith.constant 0 : i32
          %dma_wait3A_167 = tpu.memref_slice %arg4[%add3A_147, %dma_wait3A_165, %dma_wait3A_166] : memref<2560x2x128xi32, #tpu.memory_space<hbm>> -> memref<1x2x128xi32, #tpu.memory_space<hbm>>
          %dma_wait3A_168 = tpu.memref_squeeze %dma_wait3A_167 : memref<1x2x128xi32, #tpu.memory_space<hbm>> -> memref<2x128xi32, #tpu.memory_space<hbm>>
          %dma_wait3A_169 = arith.constant 0 : i32
          %dma_wait3A_170 = arith.constant 0 : i32
          %dma_wait3A_171 = tpu.memref_slice %arg4[%add3A_147, %dma_wait3A_169, %dma_wait3A_170] : memref<2560x2x128xi32, #tpu.memory_space<hbm>> -> memref<1x2x128xi32, #tpu.memory_space<hbm>>
          %dma_wait3A_172 = tpu.memref_squeeze %dma_wait3A_171 : memref<1x2x128xi32, #tpu.memory_space<hbm>> -> memref<2x128xi32, #tpu.memory_space<hbm>>
          tpu.wait_dma2 semaphore(%run_scoped3A : memref<!tpu.dma_semaphore, #tpu.memory_space<semaphore_mem>>) src(%dma_wait3A_172 : memref<2x128xi32, #tpu.memory_space<hbm>>) dst(%arg6 : memref<2x128xi32, #tpu.memory_space<vmem>>)
          tpu.yield
        }) : () -> ()
        %add3A_148 = arith.constant 1 : i32
        %add3A_149 = arith.addi %add3A_106, %add3A_148 : i32
        %dma_start3A_150 = arith.constant 0 : i32
        %dma_start3A_151 = arith.constant 0 : i32
        %dma_start3A_152 = tpu.memref_slice %arg6[%dma_start3A_150, %dma_start3A_151] : memref<2x128xi32, #tpu.memory_space<vmem>> -> memref<1x128xi32, #tpu.memory_space<vmem>>
        %dma_start3A_153 = tpu.memref_squeeze %dma_start3A_152 : memref<1x128xi32, #tpu.memory_space<vmem>> -> memref<128xi32, #tpu.memory_space<vmem>>
        %dma_start3A_154 = arith.constant 0 : i32
        %dma_start3A_155 = arith.constant 0 : i32
        %dma_start3A_156 = tpu.memref_slice %arg2[%dma_start3A_154, %dma_start3A_155] : memref<10240x128xf32, #tpu.memory_space<hbm>> -> memref<10240x128xf32, #tpu.memory_space<hbm>>
        tpu.enqueue_indirect_dma source(%dma_start3A_156 : memref<10240x128xf32, #tpu.memory_space<hbm>>) target(%arg9 : memref<128x128xf32, #tpu.memory_space<vmem>>) offsets(%dma_start3A_153 : memref<128xi32, #tpu.memory_space<vmem>>) semaphore(%arg12 : memref<!tpu.dma_semaphore, #tpu.memory_space<semaphore_mem>>)
      } else {
      }
      %add3A_115 = arith.addi %mul3A_2, %add3A_106 : i32
      %mul3A_116 = arith.constant 128 : i32
      %mul3A_117 = arith.muli %add3A_115, %mul3A_116 : i32
      %dma_wait3A_118 = arith.constant 0 : i32
      %dma_wait3A_119 = tpu.memref_slice %arg3[%mul3A_117, %dma_wait3A_118] : memref<327680x128xf32, #tpu.memory_space<hbm>> -> memref<128x128xf32, #tpu.memory_space<hbm>>
      %dma_wait3A_120 = arith.constant 0 : i32
      %dma_wait3A_121 = tpu.memref_slice %arg3[%mul3A_117, %dma_wait3A_120] : memref<327680x128xf32, #tpu.memory_space<hbm>> -> memref<128x128xf32, #tpu.memory_space<hbm>>
      tpu.wait_dma2 semaphore(%arg14 : memref<!tpu.dma_semaphore, #tpu.memory_space<semaphore_mem>>) src(%dma_wait3A_121 : memref<128x128xf32, #tpu.memory_space<hbm>>) dst(%arg8 : memref<128x128xf32, #tpu.memory_space<vmem>>)
      %dma_wait3A_122 = arith.constant 0 : i32
      %dma_wait3A_123 = arith.constant 0 : i32
      %dma_wait3A_124 = tpu.memref_slice %arg7[%dma_wait3A_122, %dma_wait3A_123] : memref<2x128xi32, #tpu.memory_space<vmem>> -> memref<1x128xi32, #tpu.memory_space<vmem>>
      %dma_wait3A_125 = tpu.memref_squeeze %dma_wait3A_124 : memref<1x128xi32, #tpu.memory_space<vmem>> -> memref<128xi32, #tpu.memory_space<vmem>>
      %dma_wait3A_126 = arith.constant 0 : i32
      %dma_wait3A_127 = arith.constant 0 : i32
      %dma_wait3A_128 = tpu.memref_slice %arg2[%dma_wait3A_126, %dma_wait3A_127] : memref<10240x128xf32, #tpu.memory_space<hbm>> -> memref<10240x128xf32, #tpu.memory_space<hbm>>
      tpu.wait_indirect_dma semaphore(%arg13 : memref<!tpu.dma_semaphore, #tpu.memory_space<semaphore_mem>>) src(%dma_wait3A_128 : memref<10240x128xf32, #tpu.memory_space<hbm>>) dst(%arg10 : memref<128x128xf32, #tpu.memory_space<vmem>>)
      %parallel_loop3A_129 = arith.constant 0 : i32
      %parallel_loop3A_130 = arith.constant 128 : i32
      %parallel_loop3A_131 = arith.constant 1 : i32
      scf.for %parallel_loop3A_145 = %parallel_loop3A_129 to %parallel_loop3A_130 step %parallel_loop3A_131  : i32 {
        %parallel_loop3A_146 = arith.index_cast %parallel_loop3A_145 : i32 to index
        %parallel_loop3A_147 = arith.constant 0 : index
        %parallel_loop3A_148 = tpu.vector_load %arg10[%parallel_loop3A_146, %parallel_loop3A_147] {strides = array<i32>} : memref<128x128xf32, #tpu.memory_space<vmem>>, vector<1x16xf32>,
        %parallel_loop3A_149 = vector.shape_cast %parallel_loop3A_148 : vector<1x16xf32> to vector<16xf32>
        %parallel_loop3A_150 = arith.index_cast %parallel_loop3A_145 : i32 to index
        %parallel_loop3A_151 = arith.constant 0 : index
        %parallel_loop3A_152 = tpu.vector_load %arg8[%parallel_loop3A_150, %parallel_loop3A_151] {strides = array<i32>} : memref<128x128xf32, #tpu.memory_space<vmem>>, vector<1x16xf32>,
        %parallel_loop3A_153 = vector.shape_cast %parallel_loop3A_152 : vector<1x16xf32> to vector<16xf32>
        %parallel_loop3A_154 = arith.addf %parallel_loop3A_149, %parallel_loop3A_153 : vector<16xf32>
        %parallel_loop3A_155 = arith.constant 0.000000e+00 : f32
        %parallel_loop3A_156 = vector.broadcast %parallel_loop3A_155 : f32 to vector<16xf32>
        %parallel_loop3A_157 = arith.maximumf %parallel_loop3A_154, %parallel_loop3A_156 : vector<16xf32>
        %parallel_loop3A_158 = arith.index_cast %parallel_loop3A_145 : i32 to index
        %parallel_loop3A_159 = arith.constant 0 : index
        %parallel_loop3A_160 = tpu.vector_load %arg8[%parallel_loop3A_158, %parallel_loop3A_159] {strides = array<i32>} : memref<128x128xf32, #tpu.memory_space<vmem>>, vector<1x16xf32>,
        %parallel_loop3A_161 = vector.shape_cast %parallel_loop3A_160 : vector<1x16xf32> to vector<16xf32>
        %parallel_loop3A_162 = vector.shape_cast %parallel_loop3A_157 : vector<16xf32> to vector<1x16xf32>
        tpu.vector_store %arg8[%parallel_loop3A_158, %parallel_loop3A_159], %parallel_loop3A_162 {strides = array<i32>} : memref<128x128xf32, #tpu.memory_space<vmem>>, vector<1x16xf32>,
        %parallel_loop3A_163 = arith.index_cast %parallel_loop3A_145 : i32 to index
        %parallel_loop3A_164 = arith.constant 16 : index
        %parallel_loop3A_165 = tpu.vector_load %arg10[%parallel_loop3A_163, %parallel_loop3A_164] {strides = array<i32>} : memref<128x128xf32, #tpu.memory_space<vmem>>, vector<1x16xf32>,
        %parallel_loop3A_166 = vector.shape_cast %parallel_loop3A_165 : vector<1x16xf32> to vector<16xf32>
        %parallel_loop3A_167 = arith.index_cast %parallel_loop3A_145 : i32 to index
        %parallel_loop3A_168 = arith.constant 16 : index
        %parallel_loop3A_169 = tpu.vector_load %arg8[%parallel_loop3A_167, %parallel_loop3A_168] {strides = array<i32>} : memref<128x128xf32, #tpu.memory_space<vmem>>, vector<1x16xf32>,
        %parallel_loop3A_170 = vector.shape_cast %parallel_loop3A_169 : vector<1x16xf32> to vector<16xf32>
        %parallel_loop3A_171 = arith.addf %parallel_loop3A_166, %parallel_loop3A_170 : vector<16xf32>
        %parallel_loop3A_172 = arith.constant 0.000000e+00 : f32
        %parallel_loop3A_173 = vector.broadcast %parallel_loop3A_172 : f32 to vector<16xf32>
        %parallel_loop3A_174 = arith.maximumf %parallel_loop3A_171, %parallel_loop3A_173 : vector<16xf32>
        %parallel_loop3A_175 = arith.index_cast %parallel_loop3A_145 : i32 to index
        %parallel_loop3A_176 = arith.constant 16 : index
        %parallel_loop3A_177 = tpu.vector_load %arg8[%parallel_loop3A_175, %parallel_loop3A_176] {strides = array<i32>} : memref<128x128xf32, #tpu.memory_space<vmem>>, vector<1x16xf32>,
        %parallel_loop3A_178 = vector.shape_cast %parallel_loop3A_177 : vector<1x16xf32> to vector<16xf32>
        %parallel_loop3A_179 = vector.shape_cast %parallel_loop3A_174 : vector<16xf32> to vector<1x16xf32>
        tpu.vector_store %arg8[%parallel_loop3A_175, %parallel_loop3A_176], %parallel_loop3A_179 {strides = array<i32>} : memref<128x128xf32, #tpu.memory_space<vmem>>, vector<1x16xf32>,
        %parallel_loop3A_180 = arith.index_cast %parallel_loop3A_145 : i32 to index
        %parallel_loop3A_181 = arith.constant 32 : index
        %parallel_loop3A_182 = tpu.vector_load %arg10[%parallel_loop3A_180, %parallel_loop3A_181] {strides = array<i32>} : memref<128x128xf32, #tpu.memory_space<vmem>>, vector<1x16xf32>,
        %parallel_loop3A_183 = vector.shape_cast %parallel_loop3A_182 : vector<1x16xf32> to vector<16xf32>
        %parallel_loop3A_184 = arith.index_cast %parallel_loop3A_145 : i32 to index
        %parallel_loop3A_185 = arith.constant 32 : index
        %parallel_loop3A_186 = tpu.vector_load %arg8[%parallel_loop3A_184, %parallel_loop3A_185] {strides = array<i32>} : memref<128x128xf32, #tpu.memory_space<vmem>>, vector<1x16xf32>,
        %parallel_loop3A_187 = vector.shape_cast %parallel_loop3A_186 : vector<1x16xf32> to vector<16xf32>
        %parallel_loop3A_188 = arith.addf %parallel_loop3A_183, %parallel_loop3A_187 : vector<16xf32>
        %parallel_loop3A_189 = arith.constant 0.000000e+00 : f32
        %parallel_loop3A_190 = vector.broadcast %parallel_loop3A_189 : f32 to vector<16xf32>
        %parallel_loop3A_191 = arith.maximumf %parallel_loop3A_188, %parallel_loop3A_190 : vector<16xf32>
        %parallel_loop3A_192 = arith.index_cast %parallel_loop3A_145 : i32 to index
        %parallel_loop3A_193 = arith.constant 32 : index
        %parallel_loop3A_194 = tpu.vector_load %arg8[%parallel_loop3A_192, %parallel_loop3A_193] {strides = array<i32>} : memref<128x128xf32, #tpu.memory_space<vmem>>, vector<1x16xf32>,
        %parallel_loop3A_195 = vector.shape_cast %parallel_loop3A_194 : vector<1x16xf32> to vector<16xf32>
        %parallel_loop3A_196 = vector.shape_cast %parallel_loop3A_191 : vector<16xf32> to vector<1x16xf32>
        tpu.vector_store %arg8[%parallel_loop3A_192, %parallel_loop3A_193], %parallel_loop3A_196 {strides = array<i32>} : memref<128x128xf32, #tpu.memory_space<vmem>>, vector<1x16xf32>,
        %parallel_loop3A_197 = arith.index_cast %parallel_loop3A_145 : i32 to index
        %parallel_loop3A_198 = arith.constant 48 : index
        %parallel_loop3A_199 = tpu.vector_load %arg10[%parallel_loop3A_197, %parallel_loop3A_198] {strides = array<i32>} : memref<128x128xf32, #tpu.memory_space<vmem>>, vector<1x16xf32>,
        %parallel_loop3A_200 = vector.shape_cast %parallel_loop3A_199 : vector<1x16xf32> to vector<16xf32>
        %parallel_loop3A_201 = arith.index_cast %parallel_loop3A_145 : i32 to index
        %parallel_loop3A_202 = arith.constant 48 : index
        %parallel_loop3A_203 = tpu.vector_load %arg8[%parallel_loop3A_201, %parallel_loop3A_202] {strides = array<i32>} : memref<128x128xf32, #tpu.memory_space<vmem>>, vector<1x16xf32>,
        %parallel_loop3A_204 = vector.shape_cast %parallel_loop3A_203 : vector<1x16xf32> to vector<16xf32>
        %parallel_loop3A_205 = arith.addf %parallel_loop3A_200, %parallel_loop3A_204 : vector<16xf32>
        %parallel_loop3A_206 = arith.constant 0.000000e+00 : f32
        %parallel_loop3A_207 = vector.broadcast %parallel_loop3A_206 : f32 to vector<16xf32>
        %parallel_loop3A_208 = arith.maximumf %parallel_loop3A_205, %parallel_loop3A_207 : vector<16xf32>
        %parallel_loop3A_209 = arith.index_cast %parallel_loop3A_145 : i32 to index
        %parallel_loop3A_210 = arith.constant 48 : index
        %parallel_loop3A_211 = tpu.vector_load %arg8[%parallel_loop3A_209, %parallel_loop3A_210] {strides = array<i32>} : memref<128x128xf32, #tpu.memory_space<vmem>>, vector<1x16xf32>,
        %parallel_loop3A_212 = vector.shape_cast %parallel_loop3A_211 : vector<1x16xf32> to vector<16xf32>
        %parallel_loop3A_213 = vector.shape_cast %parallel_loop3A_208 : vector<16xf32> to vector<1x16xf32>
        tpu.vector_store %arg8[%parallel_loop3A_209, %parallel_loop3A_210], %parallel_loop3A_213 {strides = array<i32>} : memref<128x128xf32, #tpu.memory_space<vmem>>, vector<1x16xf32>,
        %parallel_loop3A_214 = arith.index_cast %parallel_loop3A_145 : i32 to index
        %parallel_loop3A_215 = arith.constant 64 : index
        %parallel_loop3A_216 = tpu.vector_load %arg10[%parallel_loop3A_214, %parallel_loop3A_215] {strides = array<i32>} : memref<128x128xf32, #tpu.memory_space<vmem>>, vector<1x16xf32>,
        %parallel_loop3A_217 = vector.shape_cast %parallel_loop3A_216 : vector<1x16xf32> to vector<16xf32>
        %parallel_loop3A_218 = arith.index_cast %parallel_loop3A_145 : i32 to index
        %parallel_loop3A_219 = arith.constant 64 : index
        %parallel_loop3A_220 = tpu.vector_load %arg8[%parallel_loop3A_218, %parallel_loop3A_219] {strides = array<i32>} : memref<128x128xf32, #tpu.memory_space<vmem>>, vector<1x16xf32>,
        %parallel_loop3A_221 = vector.shape_cast %parallel_loop3A_220 : vector<1x16xf32> to vector<16xf32>
        %parallel_loop3A_222 = arith.addf %parallel_loop3A_217, %parallel_loop3A_221 : vector<16xf32>
        %parallel_loop3A_223 = arith.constant 0.000000e+00 : f32
        %parallel_loop3A_224 = vector.broadcast %parallel_loop3A_223 : f32 to vector<16xf32>
        %parallel_loop3A_225 = arith.maximumf %parallel_loop3A_222, %parallel_loop3A_224 : vector<16xf32>
        %parallel_loop3A_226 = arith.index_cast %parallel_loop3A_145 : i32 to index
        %parallel_loop3A_227 = arith.constant 64 : index
        %parallel_loop3A_228 = tpu.vector_load %arg8[%parallel_loop3A_226, %parallel_loop3A_227] {strides = array<i32>} : memref<128x128xf32, #tpu.memory_space<vmem>>, vector<1x16xf32>,
        %parallel_loop3A_229 = vector.shape_cast %parallel_loop3A_228 : vector<1x16xf32> to vector<16xf32>
        %parallel_loop3A_230 = vector.shape_cast %parallel_loop3A_225 : vector<16xf32> to vector<1x16xf32>
        tpu.vector_store %arg8[%parallel_loop3A_226, %parallel_loop3A_227], %parallel_loop3A_230 {strides = array<i32>} : memref<128x128xf32, #tpu.memory_space<vmem>>, vector<1x16xf32>,
        %parallel_loop3A_231 = arith.index_cast %parallel_loop3A_145 : i32 to index
        %parallel_loop3A_232 = arith.constant 80 : index
        %parallel_loop3A_233 = tpu.vector_load %arg10[%parallel_loop3A_231, %parallel_loop3A_232] {strides = array<i32>} : memref<128x128xf32, #tpu.memory_space<vmem>>, vector<1x16xf32>,
        %parallel_loop3A_234 = vector.shape_cast %parallel_loop3A_233 : vector<1x16xf32> to vector<16xf32>
        %parallel_loop3A_235 = arith.index_cast %parallel_loop3A_145 : i32 to index
        %parallel_loop3A_236 = arith.constant 80 : index
        %parallel_loop3A_237 = tpu.vector_load %arg8[%parallel_loop3A_235, %parallel_loop3A_236] {strides = array<i32>} : memref<128x128xf32, #tpu.memory_space<vmem>>, vector<1x16xf32>,
        %parallel_loop3A_238 = vector.shape_cast %parallel_loop3A_237 : vector<1x16xf32> to vector<16xf32>
        %parallel_loop3A_239 = arith.addf %parallel_loop3A_234, %parallel_loop3A_238 : vector<16xf32>
        %parallel_loop3A_240 = arith.constant 0.000000e+00 : f32
        %parallel_loop3A_241 = vector.broadcast %parallel_loop3A_240 : f32 to vector<16xf32>
        %parallel_loop3A_242 = arith.maximumf %parallel_loop3A_239, %parallel_loop3A_241 : vector<16xf32>
        %parallel_loop3A_243 = arith.index_cast %parallel_loop3A_145 : i32 to index
        %parallel_loop3A_244 = arith.constant 80 : index
        %parallel_loop3A_245 = tpu.vector_load %arg8[%parallel_loop3A_243, %parallel_loop3A_244] {strides = array<i32>} : memref<128x128xf32, #tpu.memory_space<vmem>>, vector<1x16xf32>,
        %parallel_loop3A_246 = vector.shape_cast %parallel_loop3A_245 : vector<1x16xf32> to vector<16xf32>
        %parallel_loop3A_247 = vector.shape_cast %parallel_loop3A_242 : vector<16xf32> to vector<1x16xf32>
        tpu.vector_store %arg8[%parallel_loop3A_243, %parallel_loop3A_244], %parallel_loop3A_247 {strides = array<i32>} : memref<128x128xf32, #tpu.memory_space<vmem>>, vector<1x16xf32>,
        %parallel_loop3A_248 = arith.index_cast %parallel_loop3A_145 : i32 to index
        %parallel_loop3A_249 = arith.constant 96 : index
        %parallel_loop3A_250 = tpu.vector_load %arg10[%parallel_loop3A_248, %parallel_loop3A_249] {strides = array<i32>} : memref<128x128xf32, #tpu.memory_space<vmem>>, vector<1x16xf32>,
        %parallel_loop3A_251 = vector.shape_cast %parallel_loop3A_250 : vector<1x16xf32> to vector<16xf32>
        %parallel_loop3A_252 = arith.index_cast %parallel_loop3A_145 : i32 to index
        %parallel_loop3A_253 = arith.constant 96 : index
        %parallel_loop3A_254 = tpu.vector_load %arg8[%parallel_loop3A_252, %parallel_loop3A_253] {strides = array<i32>} : memref<128x128xf32, #tpu.memory_space<vmem>>, vector<1x16xf32>,
        %parallel_loop3A_255 = vector.shape_cast %parallel_loop3A_254 : vector<1x16xf32> to vector<16xf32>
        %parallel_loop3A_256 = arith.addf %parallel_loop3A_251, %parallel_loop3A_255 : vector<16xf32>
        %parallel_loop3A_257 = arith.constant 0.000000e+00 : f32
        %parallel_loop3A_258 = vector.broadcast %parallel_loop3A_257 : f32 to vector<16xf32>
        %parallel_loop3A_259 = arith.maximumf %parallel_loop3A_256, %parallel_loop3A_258 : vector<16xf32>
        %parallel_loop3A_260 = arith.index_cast %parallel_loop3A_145 : i32 to index
        %parallel_loop3A_261 = arith.constant 96 : index
        %parallel_loop3A_262 = tpu.vector_load %arg8[%parallel_loop3A_260, %parallel_loop3A_261] {strides = array<i32>} : memref<128x128xf32, #tpu.memory_space<vmem>>, vector<1x16xf32>,
        %parallel_loop3A_263 = vector.shape_cast %parallel_loop3A_262 : vector<1x16xf32> to vector<16xf32>
        %parallel_loop3A_264 = vector.shape_cast %parallel_loop3A_259 : vector<16xf32> to vector<1x16xf32>
        tpu.vector_store %arg8[%parallel_loop3A_260, %parallel_loop3A_261], %parallel_loop3A_264 {strides = array<i32>} : memref<128x128xf32, #tpu.memory_space<vmem>>, vector<1x16xf32>,
        %parallel_loop3A_265 = arith.index_cast %parallel_loop3A_145 : i32 to index
        %parallel_loop3A_266 = arith.constant 112 : index
        %parallel_loop3A_267 = tpu.vector_load %arg10[%parallel_loop3A_265, %parallel_loop3A_266] {strides = array<i32>} : memref<128x128xf32, #tpu.memory_space<vmem>>, vector<1x16xf32>,
        %parallel_loop3A_268 = vector.shape_cast %parallel_loop3A_267 : vector<1x16xf32> to vector<16xf32>
        %parallel_loop3A_269 = arith.index_cast %parallel_loop3A_145 : i32 to index
        %parallel_loop3A_270 = arith.constant 112 : index
        %parallel_loop3A_271 = tpu.vector_load %arg8[%parallel_loop3A_269, %parallel_loop3A_270] {strides = array<i32>} : memref<128x128xf32, #tpu.memory_space<vmem>>, vector<1x16xf32>,
        %parallel_loop3A_272 = vector.shape_cast %parallel_loop3A_271 : vector<1x16xf32> to vector<16xf32>
        %parallel_loop3A_273 = arith.addf %parallel_loop3A_268, %parallel_loop3A_272 : vector<16xf32>
        %parallel_loop3A_274 = arith.constant 0.000000e+00 : f32
        %parallel_loop3A_275 = vector.broadcast %parallel_loop3A_274 : f32 to vector<16xf32>
        %parallel_loop3A_276 = arith.maximumf %parallel_loop3A_273, %parallel_loop3A_275 : vector<16xf32>
        %parallel_loop3A_277 = arith.index_cast %parallel_loop3A_145 : i32 to index
        %parallel_loop3A_278 = arith.constant 112 : index
        %parallel_loop3A_279 = tpu.vector_load %arg8[%parallel_loop3A_277, %parallel_loop3A_278] {strides = array<i32>} : memref<128x128xf32, #tpu.memory_space<vmem>>, vector<1x16xf32>,
        %parallel_loop3A_280 = vector.shape_cast %parallel_loop3A_279 : vector<1x16xf32> to vector<16xf32>
        %parallel_loop3A_281 = vector.shape_cast %parallel_loop3A_276 : vector<16xf32> to vector<1x16xf32>
        tpu.vector_store %arg8[%parallel_loop3A_277, %parallel_loop3A_278], %parallel_loop3A_281 {strides = array<i32>} : memref<128x128xf32, #tpu.memory_space<vmem>>, vector<1x16xf32>,
      } {sc.loop_unroll_factor = 4 : i64, sc.parallel_access}
      %lt3A_132 = arith.constant 0 : i32
      %lt3A_133 = arith.cmpi slt, %add3A_107, %lt3A_132 : i32
      %convert_element_type3A_134 = arith.extui %lt3A_133 : i1 to i32
      %cond3A_135 = arith.constant 0 : i32
      %cond3A_136 = arith.cmpi ne, %convert_element_type3A_134, %cond3A_135 : i32
      scf.if %cond3A_136 {
        %run_scoped3A = arith.constant 1 : i32
        "tpu.region"() ({
          %run_scoped3A_145 = tpu.sem_alloc : memref<!tpu.dma_semaphore, #tpu.memory_space<semaphore_mem>>
          %dma_start3A_146 = arith.constant 0 : i32
          %dma_start3A_147 = tpu.memref_slice %arg7[%run_scoped3A, %dma_start3A_146] : memref<2x128xi32, #tpu.memory_space<vmem>> -> memref<1x128xi32, #tpu.memory_space<vmem>>
          %dma_start3A_148 = tpu.memref_squeeze %dma_start3A_147 : memref<1x128xi32, #tpu.memory_space<vmem>> -> memref<128xi32, #tpu.memory_space<vmem>>
          %dma_start3A_149 = arith.constant 0 : i32
          %dma_start3A_150 = arith.constant 0 : i32
          %dma_start3A_151 = tpu.memref_slice %arg11[%dma_start3A_149, %dma_start3A_150] : memref<10112x128xf32, #tpu.memory_space<vmem_shared>> -> memref<10112x128xf32, #tpu.memory_space<vmem_shared>>
          tpu.enqueue_indirect_dma source(%arg8 : memref<128x128xf32, #tpu.memory_space<vmem>>) target(%dma_start3A_151 : memref<10112x128xf32, #tpu.memory_space<vmem_shared>>) offsets(%dma_start3A_148 : memref<128xi32, #tpu.memory_space<vmem>>) semaphore(%run_scoped3A_145 : memref<!tpu.dma_semaphore, #tpu.memory_space<semaphore_mem>>) {add = true}
          %dma_wait3A_152 = arith.constant 0 : i32
          %dma_wait3A_153 = tpu.memref_slice %arg7[%run_scoped3A, %dma_wait3A_152] : memref<2x128xi32, #tpu.memory_space<vmem>> -> memref<1x128xi32, #tpu.memory_space<vmem>>
          %dma_wait3A_154 = tpu.memref_squeeze %dma_wait3A_153 : memref<1x128xi32, #tpu.memory_space<vmem>> -> memref<128xi32, #tpu.memory_space<vmem>>
          %dma_wait3A_155 = arith.constant 0 : i32
          %dma_wait3A_156 = arith.constant 0 : i32
          %dma_wait3A_157 = tpu.memref_slice %arg11[%dma_wait3A_155, %dma_wait3A_156] : memref<10112x128xf32, #tpu.memory_space<vmem_shared>> -> memref<10112x128xf32, #tpu.memory_space<vmem_shared>>
          tpu.wait_indirect_dma semaphore(%run_scoped3A_145 : memref<!tpu.dma_semaphore, #tpu.memory_space<semaphore_mem>>) src(%arg8 : memref<128x128xf32, #tpu.memory_space<vmem>>) dst(%dma_wait3A_157 : memref<10112x128xf32, #tpu.memory_space<vmem_shared>>)
          tpu.yield
        }) : () -> ()
      } else {
      }
      %add3A_137 = arith.constant 1 : i32
      %add3A_138 = arith.addi %add3A_106, %add3A_137 : i32
      %le3A_139 = arith.constant 79 : i32
      %le3A_140 = arith.cmpi sle, %add3A_138, %le3A_139 : i32
      %convert_element_type3A_141 = arith.extui %le3A_140 : i1 to i32
      %cond3A_142 = arith.constant 0 : i32
      %cond3A_143 = arith.cmpi ne, %convert_element_type3A_141, %cond3A_142 : i32
      scf.if %cond3A_143 {
        %add3A_145 = arith.constant 1 : i32
        %add3A_146 = arith.addi %add3A_106, %add3A_145 : i32
        %add3A_147 = arith.addi %mul3A_2, %add3A_146 : i32
        %mul3A_148 = arith.constant 128 : i32
        %mul3A_149 = arith.muli %add3A_147, %mul3A_148 : i32
        %dma_start3A_150 = arith.constant 0 : i32
        %dma_start3A_151 = tpu.memref_slice %arg3[%mul3A_149, %dma_start3A_150] : memref<327680x128xf32, #tpu.memory_space<hbm>> -> memref<128x128xf32, #tpu.memory_space<hbm>>
        %dma_start3A_152 = arith.constant 0 : i32
        %dma_start3A_153 = tpu.memref_slice %arg3[%mul3A_149, %dma_start3A_152] : memref<327680x128xf32, #tpu.memory_space<hbm>> -> memref<128x128xf32, #tpu.memory_space<hbm>>
        tpu.enqueue_dma source(%dma_start3A_153 : memref<128x128xf32, #tpu.memory_space<hbm>>) target(%arg8 : memref<128x128xf32, #tpu.memory_space<vmem>>) target_semaphore(%arg14 : memref<!tpu.dma_semaphore, #tpu.memory_space<semaphore_mem>>)
      } else {
      }
      %scan3A_144 = arith.constant 0 : i32
      scf.yield %scan3A_144 : i32
    }
    %scan3A_42 = arith.constant 40 : i32
    %barrier3A_43 = arith.constant 0 : index
    tpu.barrier barrier_id(%barrier3A_43)
    %add3A_44 = arith.constant 0 : i32
    %add3A_45 = arith.addi %mul3A_11, %add3A_44 : i32
    %add3A_46 = arith.constant 0 : i32
    %add3A_47 = arith.addi %mul3A_11, %add3A_46 : i32
    "tpu.region"() ({
      %run_scoped3A = tpu.sem_alloc : memref<!tpu.dma_semaphore, #tpu.memory_space<semaphore_mem>>
      %dma_start3A_66 = arith.constant 0 : i32
      %dma_start3A_67 = tpu.memref_slice %arg5[%arg0, %add3A_47, %dma_start3A_66] : memref<2x10240x128xf32, #tpu.memory_space<hbm>> -> memref<1x128x128xf32, #tpu.memory_space<hbm>>
      %dma_start3A_68 = tpu.memref_squeeze %dma_start3A_67 : memref<1x128x128xf32, #tpu.memory_space<hbm>> -> memref<128x128xf32, #tpu.memory_space<hbm>>
      %dma_start3A_69 = arith.constant 0 : i32
      %dma_start3A_70 = tpu.memref_slice %arg11[%add3A_45, %dma_start3A_69] : memref<10112x128xf32, #tpu.memory_space<vmem_shared>> -> memref<128x128xf32, #tpu.memory_space<vmem_shared>>
      tpu.enqueue_dma source(%dma_start3A_70 : memref<128x128xf32, #tpu.memory_space<vmem_shared>>) target(%dma_start3A_68 : memref<128x128xf32, #tpu.memory_space<hbm>>) target_semaphore(%run_scoped3A : memref<!tpu.dma_semaphore, #tpu.memory_space<semaphore_mem>>)
      %dma_wait3A = arith.constant 0 : i32
      %dma_wait3A_71 = tpu.memref_slice %arg5[%arg0, %add3A_47, %dma_wait3A] : memref<2x10240x128xf32, #tpu.memory_space<hbm>> -> memref<1x128x128xf32, #tpu.memory_space<hbm>>
      %dma_wait3A_72 = tpu.memref_squeeze %dma_wait3A_71 : memref<1x128x128xf32, #tpu.memory_space<hbm>> -> memref<128x128xf32, #tpu.memory_space<hbm>>
      %dma_wait3A_73 = arith.constant 0 : i32
      %dma_wait3A_74 = tpu.memref_slice %arg11[%add3A_45, %dma_wait3A_73] : memref<10112x128xf32, #tpu.memory_space<vmem_shared>> -> memref<128x128xf32, #tpu.memory_space<vmem_shared>>
      tpu.wait_dma2 semaphore(%run_scoped3A : memref<!tpu.dma_semaphore, #tpu.memory_space<semaphore_mem>>) src(%dma_wait3A_74 : memref<128x128xf32, #tpu.memory_space<vmem_shared>>) dst(%dma_wait3A_72 : memref<128x128xf32, #tpu.memory_space<hbm>>)
      tpu.yield
    }) : () -> ()
    %add3A_48 = arith.constant 128 : i32
    %add3A_49 = arith.addi %mul3A_11, %add3A_48 : i32
    %add3A_50 = arith.constant 128 : i32
    %add3A_51 = arith.addi %mul3A_11, %add3A_50 : i32
    "tpu.region"() ({
      %run_scoped3A = tpu.sem_alloc : memref<!tpu.dma_semaphore, #tpu.memory_space<semaphore_mem>>
      %dma_start3A_66 = arith.constant 0 : i32
      %dma_start3A_67 = tpu.memref_slice %arg5[%arg0, %add3A_51, %dma_start3A_66] : memref<2x10240x128xf32, #tpu.memory_space<hbm>> -> memref<1x128x128xf32, #tpu.memory_space<hbm>>
      %dma_start3A_68 = tpu.memref_squeeze %dma_start3A_67 : memref<1x128x128xf32, #tpu.memory_space<hbm>> -> memref<128x128xf32, #tpu.memory_space<hbm>>
      %dma_start3A_69 = arith.constant 0 : i32
      %dma_start3A_70 = tpu.memref_slice %arg11[%add3A_49, %dma_start3A_69] : memref<10112x128xf32, #tpu.memory_space<vmem_shared>> -> memref<128x128xf32, #tpu.memory_space<vmem_shared>>
      tpu.enqueue_dma source(%dma_start3A_70 : memref<128x128xf32, #tpu.memory_space<vmem_shared>>) target(%dma_start3A_68 : memref<128x128xf32, #tpu.memory_space<hbm>>) target_semaphore(%run_scoped3A : memref<!tpu.dma_semaphore, #tpu.memory_space<semaphore_mem>>)
      %dma_wait3A = arith.constant 0 : i32
      %dma_wait3A_71 = tpu.memref_slice %arg5[%arg0, %add3A_51, %dma_wait3A] : memref<2x10240x128xf32, #tpu.memory_space<hbm>> -> memref<1x128x128xf32, #tpu.memory_space<hbm>>
      %dma_wait3A_72 = tpu.memref_squeeze %dma_wait3A_71 : memref<1x128x128xf32, #tpu.memory_space<hbm>> -> memref<128x128xf32, #tpu.memory_space<hbm>>
      %dma_wait3A_73 = arith.constant 0 : i32
      %dma_wait3A_74 = tpu.memref_slice %arg11[%add3A_49, %dma_wait3A_73] : memref<10112x128xf32, #tpu.memory_space<vmem_shared>> -> memref<128x128xf32, #tpu.memory_space<vmem_shared>>
      tpu.wait_dma2 semaphore(%run_scoped3A : memref<!tpu.dma_semaphore, #tpu.memory_space<semaphore_mem>>) src(%dma_wait3A_74 : memref<128x128xf32, #tpu.memory_space<vmem_shared>>) dst(%dma_wait3A_72 : memref<128x128xf32, #tpu.memory_space<hbm>>)
      tpu.yield
    }) : () -> ()
    %add3A_52 = arith.constant 256 : i32
    %add3A_53 = arith.addi %mul3A_11, %add3A_52 : i32
    %add3A_54 = arith.constant 256 : i32
    %add3A_55 = arith.addi %mul3A_11, %add3A_54 : i32
    "tpu.region"() ({
      %run_scoped3A = tpu.sem_alloc : memref<!tpu.dma_semaphore, #tpu.memory_space<semaphore_mem>>
      %dma_start3A_66 = arith.constant 0 : i32
      %dma_start3A_67 = tpu.memref_slice %arg5[%arg0, %add3A_55, %dma_start3A_66] : memref<2x10240x128xf32, #tpu.memory_space<hbm>> -> memref<1x128x128xf32, #tpu.memory_space<hbm>>
      %dma_start3A_68 = tpu.memref_squeeze %dma_start3A_67 : memref<1x128x128xf32, #tpu.memory_space<hbm>> -> memref<128x128xf32, #tpu.memory_space<hbm>>
      %dma_start3A_69 = arith.constant 0 : i32
      %dma_start3A_70 = tpu.memref_slice %arg11[%add3A_53, %dma_start3A_69] : memref<10112x128xf32, #tpu.memory_space<vmem_shared>> -> memref<128x128xf32, #tpu.memory_space<vmem_shared>>
      tpu.enqueue_dma source(%dma_start3A_70 : memref<128x128xf32, #tpu.memory_space<vmem_shared>>) target(%dma_start3A_68 : memref<128x128xf32, #tpu.memory_space<hbm>>) target_semaphore(%run_scoped3A : memref<!tpu.dma_semaphore, #tpu.memory_space<semaphore_mem>>)
      %dma_wait3A = arith.constant 0 : i32
      %dma_wait3A_71 = tpu.memref_slice %arg5[%arg0, %add3A_55, %dma_wait3A] : memref<2x10240x128xf32, #tpu.memory_space<hbm>> -> memref<1x128x128xf32, #tpu.memory_space<hbm>>
      %dma_wait3A_72 = tpu.memref_squeeze %dma_wait3A_71 : memref<1x128x128xf32, #tpu.memory_space<hbm>> -> memref<128x128xf32, #tpu.memory_space<hbm>>
      %dma_wait3A_73 = arith.constant 0 : i32
      %dma_wait3A_74 = tpu.memref_slice %arg11[%add3A_53, %dma_wait3A_73] : memref<10112x128xf32, #tpu.memory_space<vmem_shared>> -> memref<128x128xf32, #tpu.memory_space<vmem_shared>>
      tpu.wait_dma2 semaphore(%run_scoped3A : memref<!tpu.dma_semaphore, #tpu.memory_space<semaphore_mem>>) src(%dma_wait3A_74 : memref<128x128xf32, #tpu.memory_space<vmem_shared>>) dst(%dma_wait3A_72 : memref<128x128xf32, #tpu.memory_space<hbm>>)
      tpu.yield
    }) : () -> ()
    %add3A_56 = arith.constant 384 : i32
    %add3A_57 = arith.addi %mul3A_11, %add3A_56 : i32
    %add3A_58 = arith.constant 384 : i32
    %add3A_59 = arith.addi %mul3A_11, %add3A_58 : i32
    "tpu.region"() ({
      %run_scoped3A = tpu.sem_alloc : memref<!tpu.dma_semaphore, #tpu.memory_space<semaphore_mem>>
      %dma_start3A_66 = arith.constant 0 : i32
      %dma_start3A_67 = tpu.memref_slice %arg5[%arg0, %add3A_59, %dma_start3A_66] : memref<2x10240x128xf32, #tpu.memory_space<hbm>> -> memref<1x128x128xf32, #tpu.memory_space<hbm>>
      %dma_start3A_68 = tpu.memref_squeeze %dma_start3A_67 : memref<1x128x128xf32, #tpu.memory_space<hbm>> -> memref<128x128xf32, #tpu.memory_space<hbm>>
      %dma_start3A_69 = arith.constant 0 : i32
      %dma_start3A_70 = tpu.memref_slice %arg11[%add3A_57, %dma_start3A_69] : memref<10112x128xf32, #tpu.memory_space<vmem_shared>> -> memref<128x128xf32, #tpu.memory_space<vmem_shared>>
      tpu.enqueue_dma source(%dma_start3A_70 : memref<128x128xf32, #tpu.memory_space<vmem_shared>>) target(%dma_start3A_68 : memref<128x128xf32, #tpu.memory_space<hbm>>) target_semaphore(%run_scoped3A : memref<!tpu.dma_semaphore, #tpu.memory_space<semaphore_mem>>)
      %dma_wait3A = arith.constant 0 : i32
      %dma_wait3A_71 = tpu.memref_slice %arg5[%arg0, %add3A_59, %dma_wait3A] : memref<2x10240x128xf32, #tpu.memory_space<hbm>> -> memref<1x128x128xf32, #tpu.memory_space<hbm>>
      %dma_wait3A_72 = tpu.memref_squeeze %dma_wait3A_71 : memref<1x128x128xf32, #tpu.memory_space<hbm>> -> memref<128x128xf32, #tpu.memory_space<hbm>>
      %dma_wait3A_73 = arith.constant 0 : i32
      %dma_wait3A_74 = tpu.memref_slice %arg11[%add3A_57, %dma_wait3A_73] : memref<10112x128xf32, #tpu.memory_space<vmem_shared>> -> memref<128x128xf32, #tpu.memory_space<vmem_shared>>
      tpu.wait_dma2 semaphore(%run_scoped3A : memref<!tpu.dma_semaphore, #tpu.memory_space<semaphore_mem>>) src(%dma_wait3A_74 : memref<128x128xf32, #tpu.memory_space<vmem_shared>>) dst(%dma_wait3A_72 : memref<128x128xf32, #tpu.memory_space<hbm>>)
      tpu.yield
    }) : () -> ()
    %add3A_60 = arith.constant 512 : i32
    %add3A_61 = arith.addi %mul3A_11, %add3A_60 : i32
    %add3A_62 = arith.constant 512 : i32
    %add3A_63 = arith.addi %mul3A_11, %add3A_62 : i32
    "tpu.region"() ({
      %run_scoped3A = tpu.sem_alloc : memref<!tpu.dma_semaphore, #tpu.memory_space<semaphore_mem>>
      %dma_start3A_66 = arith.constant 0 : i32
      %dma_start3A_67 = tpu.memref_slice %arg5[%arg0, %add3A_63, %dma_start3A_66] : memref<2x10240x128xf32, #tpu.memory_space<hbm>> -> memref<1x120x128xf32, #tpu.memory_space<hbm>>
      %dma_start3A_68 = tpu.memref_squeeze %dma_start3A_67 : memref<1x120x128xf32, #tpu.memory_space<hbm>> -> memref<120x128xf32, #tpu.memory_space<hbm>>
      %dma_start3A_69 = arith.constant 0 : i32
      %dma_start3A_70 = tpu.memref_slice %arg11[%add3A_61, %dma_start3A_69] : memref<10112x128xf32, #tpu.memory_space<vmem_shared>> -> memref<120x128xf32, #tpu.memory_space<vmem_shared>>
      tpu.enqueue_dma source(%dma_start3A_70 : memref<120x128xf32, #tpu.memory_space<vmem_shared>>) target(%dma_start3A_68 : memref<120x128xf32, #tpu.memory_space<hbm>>) target_semaphore(%run_scoped3A : memref<!tpu.dma_semaphore, #tpu.memory_space<semaphore_mem>>)
      %dma_wait3A = arith.constant 0 : i32
      %dma_wait3A_71 = tpu.memref_slice %arg5[%arg0, %add3A_63, %dma_wait3A] : memref<2x10240x128xf32, #tpu.memory_space<hbm>> -> memref<1x120x128xf32, #tpu.memory_space<hbm>>
      %dma_wait3A_72 = tpu.memref_squeeze %dma_wait3A_71 : memref<1x120x128xf32, #tpu.memory_space<hbm>> -> memref<120x128xf32, #tpu.memory_space<hbm>>
      %dma_wait3A_73 = arith.constant 0 : i32
      %dma_wait3A_74 = tpu.memref_slice %arg11[%add3A_61, %dma_wait3A_73] : memref<10112x128xf32, #tpu.memory_space<vmem_shared>> -> memref<120x128xf32, #tpu.memory_space<vmem_shared>>
      tpu.wait_dma2 semaphore(%run_scoped3A : memref<!tpu.dma_semaphore, #tpu.memory_space<semaphore_mem>>) src(%dma_wait3A_74 : memref<120x128xf32, #tpu.memory_space<vmem_shared>>) dst(%dma_wait3A_72 : memref<120x128xf32, #tpu.memory_space<hbm>>)
      tpu.yield
    }) : () -> ()
    %eq3A = arith.constant 15 : i32
    %eq3A_64 = arith.cmpi eq, %arg1, %eq3A : i32
    %convert_element_type3A = arith.extui %eq3A_64 : i1 to i32
    %cond3A = arith.constant 0 : i32
    %cond3A_65 = arith.cmpi ne, %convert_element_type3A, %cond3A : i32
    scf.if %cond3A_65 {
      %scan3A_66 = arith.constant 0 : i32
      %scan3A_67 = arith.constant 0 : i32
      %scan3A_68 = arith.constant 128 : i32
      %scan3A_69 = arith.addi %scan3A_67, %scan3A_68 : i32
      %scan3A_70 = arith.constant 1 : i32
      %scan3A_71 = scf.for %scan3A_73 = %scan3A_67 to %scan3A_69 step %scan3A_70 iter_args(%scan3A_74 = %scan3A_66) -> (i32)  : i32 {
        %swap3A = arith.index_cast %scan3A_73 : i32 to index
        %swap3A_75 = arith.constant 0 : index
        %swap3A_76 = tpu.vector_load %arg8[%swap3A, %swap3A_75] {strides = array<i32>} : memref<128x128xf32, #tpu.memory_space<vmem>>, vector<1x16xf32>,
        %swap3A_77 = vector.shape_cast %swap3A_76 : vector<1x16xf32> to vector<16xf32>
        %swap3A_78 = vector.shape_cast %broadcast_in_dim3A_3 : vector<16xf32> to vector<1x16xf32>
        tpu.vector_store %arg8[%swap3A, %swap3A_75], %swap3A_78 {strides = array<i32>} : memref<128x128xf32, #tpu.memory_space<vmem>>, vector<1x16xf32>,
        %swap3A_79 = arith.index_cast %scan3A_73 : i32 to index
        %swap3A_80 = arith.constant 16 : index
        %swap3A_81 = tpu.vector_load %arg8[%swap3A_79, %swap3A_80] {strides = array<i32>} : memref<128x128xf32, #tpu.memory_space<vmem>>, vector<1x16xf32>,
        %swap3A_82 = vector.shape_cast %swap3A_81 : vector<1x16xf32> to vector<16xf32>
        %swap3A_83 = vector.shape_cast %broadcast_in_dim3A_3 : vector<16xf32> to vector<1x16xf32>
        tpu.vector_store %arg8[%swap3A_79, %swap3A_80], %swap3A_83 {strides = array<i32>} : memref<128x128xf32, #tpu.memory_space<vmem>>, vector<1x16xf32>,
        %swap3A_84 = arith.index_cast %scan3A_73 : i32 to index
        %swap3A_85 = arith.constant 32 : index
        %swap3A_86 = tpu.vector_load %arg8[%swap3A_84, %swap3A_85] {strides = array<i32>} : memref<128x128xf32, #tpu.memory_space<vmem>>, vector<1x16xf32>,
        %swap3A_87 = vector.shape_cast %swap3A_86 : vector<1x16xf32> to vector<16xf32>
        %swap3A_88 = vector.shape_cast %broadcast_in_dim3A_3 : vector<16xf32> to vector<1x16xf32>
        tpu.vector_store %arg8[%swap3A_84, %swap3A_85], %swap3A_88 {strides = array<i32>} : memref<128x128xf32, #tpu.memory_space<vmem>>, vector<1x16xf32>,
        %swap3A_89 = arith.index_cast %scan3A_73 : i32 to index
        %swap3A_90 = arith.constant 48 : index
        %swap3A_91 = tpu.vector_load %arg8[%swap3A_89, %swap3A_90] {strides = array<i32>} : memref<128x128xf32, #tpu.memory_space<vmem>>, vector<1x16xf32>,
        %swap3A_92 = vector.shape_cast %swap3A_91 : vector<1x16xf32> to vector<16xf32>
        %swap3A_93 = vector.shape_cast %broadcast_in_dim3A_3 : vector<16xf32> to vector<1x16xf32>
        tpu.vector_store %arg8[%swap3A_89, %swap3A_90], %swap3A_93 {strides = array<i32>} : memref<128x128xf32, #tpu.memory_space<vmem>>, vector<1x16xf32>,
        %swap3A_94 = arith.index_cast %scan3A_73 : i32 to index
        %swap3A_95 = arith.constant 64 : index
        %swap3A_96 = tpu.vector_load %arg8[%swap3A_94, %swap3A_95] {strides = array<i32>} : memref<128x128xf32, #tpu.memory_space<vmem>>, vector<1x16xf32>,
        %swap3A_97 = vector.shape_cast %swap3A_96 : vector<1x16xf32> to vector<16xf32>
        %swap3A_98 = vector.shape_cast %broadcast_in_dim3A_3 : vector<16xf32> to vector<1x16xf32>
        tpu.vector_store %arg8[%swap3A_94, %swap3A_95], %swap3A_98 {strides = array<i32>} : memref<128x128xf32, #tpu.memory_space<vmem>>, vector<1x16xf32>,
        %swap3A_99 = arith.index_cast %scan3A_73 : i32 to index
        %swap3A_100 = arith.constant 80 : index
        %swap3A_101 = tpu.vector_load %arg8[%swap3A_99, %swap3A_100] {strides = array<i32>} : memref<128x128xf32, #tpu.memory_space<vmem>>, vector<1x16xf32>,
        %swap3A_102 = vector.shape_cast %swap3A_101 : vector<1x16xf32> to vector<16xf32>
        %swap3A_103 = vector.shape_cast %broadcast_in_dim3A_3 : vector<16xf32> to vector<1x16xf32>
        tpu.vector_store %arg8[%swap3A_99, %swap3A_100], %swap3A_103 {strides = array<i32>} : memref<128x128xf32, #tpu.memory_space<vmem>>, vector<1x16xf32>,
        %swap3A_104 = arith.index_cast %scan3A_73 : i32 to index
        %swap3A_105 = arith.constant 96 : index
        %swap3A_106 = tpu.vector_load %arg8[%swap3A_104, %swap3A_105] {strides = array<i32>} : memref<128x128xf32, #tpu.memory_space<vmem>>, vector<1x16xf32>,
        %swap3A_107 = vector.shape_cast %swap3A_106 : vector<1x16xf32> to vector<16xf32>
        %swap3A_108 = vector.shape_cast %broadcast_in_dim3A_3 : vector<16xf32> to vector<1x16xf32>
        tpu.vector_store %arg8[%swap3A_104, %swap3A_105], %swap3A_108 {strides = array<i32>} : memref<128x128xf32, #tpu.memory_space<vmem>>, vector<1x16xf32>,
        %swap3A_109 = arith.index_cast %scan3A_73 : i32 to index
        %swap3A_110 = arith.constant 112 : index
        %swap3A_111 = tpu.vector_load %arg8[%swap3A_109, %swap3A_110] {strides = array<i32>} : memref<128x128xf32, #tpu.memory_space<vmem>>, vector<1x16xf32>,
        %swap3A_112 = vector.shape_cast %swap3A_111 : vector<1x16xf32> to vector<16xf32>
        %swap3A_113 = vector.shape_cast %broadcast_in_dim3A_3 : vector<16xf32> to vector<1x16xf32>
        tpu.vector_store %arg8[%swap3A_109, %swap3A_110], %swap3A_113 {strides = array<i32>} : memref<128x128xf32, #tpu.memory_space<vmem>>, vector<1x16xf32>,
        %scan3A_114 = arith.constant 0 : i32
        scf.yield %scan3A_114 : i32
      }
      %scan3A_72 = arith.constant 128 : i32
      "tpu.region"() ({
        %run_scoped3A = tpu.sem_alloc : memref<!tpu.dma_semaphore, #tpu.memory_space<semaphore_mem>>
        %dma_start3A_73 = arith.constant 10112 : i32
        %dma_start3A_74 = arith.constant 0 : i32
        %dma_start3A_75 = tpu.memref_slice %arg5[%arg0, %dma_start3A_73, %dma_start3A_74] : memref<2x10240x128xf32, #tpu.memory_space<hbm>> -> memref<1x128x128xf32, #tpu.memory_space<hbm>>
        %dma_start3A_76 = tpu.memref_squeeze %dma_start3A_75 : memref<1x128x128xf32, #tpu.memory_space<hbm>> -> memref<128x128xf32, #tpu.memory_space<hbm>>
        %dma_start3A_77 = arith.constant 10112 : i32
        %dma_start3A_78 = arith.constant 0 : i32
        %dma_start3A_79 = tpu.memref_slice %arg5[%arg0, %dma_start3A_77, %dma_start3A_78] : memref<2x10240x128xf32, #tpu.memory_space<hbm>> -> memref<1x128x128xf32, #tpu.memory_space<hbm>>
        %dma_start3A_80 = tpu.memref_squeeze %dma_start3A_79 : memref<1x128x128xf32, #tpu.memory_space<hbm>> -> memref<128x128xf32, #tpu.memory_space<hbm>>
        tpu.enqueue_dma source(%arg8 : memref<128x128xf32, #tpu.memory_space<vmem>>) target(%dma_start3A_80 : memref<128x128xf32, #tpu.memory_space<hbm>>) target_semaphore(%run_scoped3A : memref<!tpu.dma_semaphore, #tpu.memory_space<semaphore_mem>>)
        %dma_wait3A = arith.constant 10112 : i32
        %dma_wait3A_81 = arith.constant 0 : i32
        %dma_wait3A_82 = tpu.memref_slice %arg5[%arg0, %dma_wait3A, %dma_wait3A_81] : memref<2x10240x128xf32, #tpu.memory_space<hbm>> -> memref<1x128x128xf32, #tpu.memory_space<hbm>>
        %dma_wait3A_83 = tpu.memref_squeeze %dma_wait3A_82 : memref<1x128x128xf32, #tpu.memory_space<hbm>> -> memref<128x128xf32, #tpu.memory_space<hbm>>
        %dma_wait3A_84 = arith.constant 10112 : i32
        %dma_wait3A_85 = arith.constant 0 : i32
        %dma_wait3A_86 = tpu.memref_slice %arg5[%arg0, %dma_wait3A_84, %dma_wait3A_85] : memref<2x10240x128xf32, #tpu.memory_space<hbm>> -> memref<1x128x128xf32, #tpu.memory_space<hbm>>
        %dma_wait3A_87 = tpu.memref_squeeze %dma_wait3A_86 : memref<1x128x128xf32, #tpu.memory_space<hbm>> -> memref<128x128xf32, #tpu.memory_space<hbm>>
        tpu.wait_dma2 semaphore(%run_scoped3A : memref<!tpu.dma_semaphore, #tpu.memory_space<semaphore_mem>>) src(%arg8 : memref<128x128xf32, #tpu.memory_space<vmem>>) dst(%dma_wait3A_87 : memref<128x128xf32, #tpu.memory_space<hbm>>)
        tpu.yield
      }) : () -> ()
    } else {
    }
    return
  }
}

#map = affine_map<(d0, d1) -> (0, 0)>
#map1 = affine_map<(d0, d1) -> (0, 0, 0)>
module attributes {stable_mosaic.version = 14 : i64} {
  func.func @_sc_msg_body(%arg0: i32, %arg1: i32, %arg2: memref<10240x128xf32, #tpu.memory_space<hbm>>, %arg3: memref<327680x128xf32, #tpu.memory_space<hbm>>, %arg4: memref<2560x2x128xi32, #tpu.memory_space<hbm>>, %arg5: memref<2x10240x128xf32, #tpu.memory_space<hbm>>, %arg6: memref<2x128xi32, #tpu.memory_space<vmem>>, %arg7: memref<2x128xi32, #tpu.memory_space<vmem>>, %arg8: memref<128x128xf32, #tpu.memory_space<vmem>>, %arg9: memref<128x128xf32, #tpu.memory_space<vmem>>, %arg10: memref<128x128xf32, #tpu.memory_space<vmem>>, %arg11: memref<10112x128xf32, #tpu.memory_space<vmem_shared>>, %arg12: memref<!tpu.dma_semaphore, #tpu.memory_space<semaphore_mem>>, %arg13: memref<!tpu.dma_semaphore, #tpu.memory_space<semaphore_mem>>, %arg14: memref<!tpu.dma_semaphore, #tpu.memory_space<semaphore_mem>>) attributes {dimension_semantics = [#tpu.dimension_semantics<core_parallel>, #tpu.dimension_semantics<subcore_parallel>], iteration_bounds = array<i64: 2, 16>, scalar_prefetch = 0 : i64, scratch_operands = 9 : i64, tpu.core_type = #tpu.core_type<sc_vector_subcore>, window_params = [{transform_indices = #map}, {transform_indices = #map}, {transform_indices = #map1}, {transform_indices = #map1}]} {
    %mul3A = arith.constant 16 : i32
    %mul3A_0 = arith.muli %arg0, %mul3A : i32
    %add3A = arith.addi %mul3A_0, %arg1 : i32
    %mul3A_1 = arith.constant 80 : i32
    %mul3A_2 = arith.muli %add3A, %mul3A_1 : i32
    %broadcast_in_dim3A = arith.constant 0.000000e+00 : f32
    %broadcast_in_dim3A_3 = vector.broadcast %broadcast_in_dim3A : f32 to vector<16xf32>
    %scan3A = arith.constant 0 : i32
    %scan3A_4 = arith.constant 0 : i32
    %scan3A_5 = arith.constant 128 : i32
    %scan3A_6 = arith.addi %scan3A_4, %scan3A_5 : i32
    %scan3A_7 = arith.constant 1 : i32
    %scan3A_8 = scf.for %scan3A_66 = %scan3A_4 to %scan3A_6 step %scan3A_7 iter_args(%scan3A_67 = %scan3A) -> (i32)  : i32 {
      %swap3A = arith.index_cast %scan3A_66 : i32 to index
      %swap3A_68 = arith.constant 0 : index
      %swap3A_69 = tpu.vector_load %arg8[%swap3A, %swap3A_68] {strides = array<i32>} : memref<128x128xf32, #tpu.memory_space<vmem>>, vector<1x16xf32>,
      %swap3A_70 = vector.shape_cast %swap3A_69 : vector<1x16xf32> to vector<16xf32>
      %swap3A_71 = vector.shape_cast %broadcast_in_dim3A_3 : vector<16xf32> to vector<1x16xf32>
      tpu.vector_store %arg8[%swap3A, %swap3A_68], %swap3A_71 {strides = array<i32>} : memref<128x128xf32, #tpu.memory_space<vmem>>, vector<1x16xf32>,
      %swap3A_72 = arith.index_cast %scan3A_66 : i32 to index
      %swap3A_73 = arith.constant 16 : index
      %swap3A_74 = tpu.vector_load %arg8[%swap3A_72, %swap3A_73] {strides = array<i32>} : memref<128x128xf32, #tpu.memory_space<vmem>>, vector<1x16xf32>,
      %swap3A_75 = vector.shape_cast %swap3A_74 : vector<1x16xf32> to vector<16xf32>
      %swap3A_76 = vector.shape_cast %broadcast_in_dim3A_3 : vector<16xf32> to vector<1x16xf32>
      tpu.vector_store %arg8[%swap3A_72, %swap3A_73], %swap3A_76 {strides = array<i32>} : memref<128x128xf32, #tpu.memory_space<vmem>>, vector<1x16xf32>,
      %swap3A_77 = arith.index_cast %scan3A_66 : i32 to index
      %swap3A_78 = arith.constant 32 : index
      %swap3A_79 = tpu.vector_load %arg8[%swap3A_77, %swap3A_78] {strides = array<i32>} : memref<128x128xf32, #tpu.memory_space<vmem>>, vector<1x16xf32>,
      %swap3A_80 = vector.shape_cast %swap3A_79 : vector<1x16xf32> to vector<16xf32>
      %swap3A_81 = vector.shape_cast %broadcast_in_dim3A_3 : vector<16xf32> to vector<1x16xf32>
      tpu.vector_store %arg8[%swap3A_77, %swap3A_78], %swap3A_81 {strides = array<i32>} : memref<128x128xf32, #tpu.memory_space<vmem>>, vector<1x16xf32>,
      %swap3A_82 = arith.index_cast %scan3A_66 : i32 to index
      %swap3A_83 = arith.constant 48 : index
      %swap3A_84 = tpu.vector_load %arg8[%swap3A_82, %swap3A_83] {strides = array<i32>} : memref<128x128xf32, #tpu.memory_space<vmem>>, vector<1x16xf32>,
      %swap3A_85 = vector.shape_cast %swap3A_84 : vector<1x16xf32> to vector<16xf32>
      %swap3A_86 = vector.shape_cast %broadcast_in_dim3A_3 : vector<16xf32> to vector<1x16xf32>
      tpu.vector_store %arg8[%swap3A_82, %swap3A_83], %swap3A_86 {strides = array<i32>} : memref<128x128xf32, #tpu.memory_space<vmem>>, vector<1x16xf32>,
      %swap3A_87 = arith.index_cast %scan3A_66 : i32 to index
      %swap3A_88 = arith.constant 64 : index
      %swap3A_89 = tpu.vector_load %arg8[%swap3A_87, %swap3A_88] {strides = array<i32>} : memref<128x128xf32, #tpu.memory_space<vmem>>, vector<1x16xf32>,
      %swap3A_90 = vector.shape_cast %swap3A_89 : vector<1x16xf32> to vector<16xf32>
      %swap3A_91 = vector.shape_cast %broadcast_in_dim3A_3 : vector<16xf32> to vector<1x16xf32>
      tpu.vector_store %arg8[%swap3A_87, %swap3A_88], %swap3A_91 {strides = array<i32>} : memref<128x128xf32, #tpu.memory_space<vmem>>, vector<1x16xf32>,
      %swap3A_92 = arith.index_cast %scan3A_66 : i32 to index
      %swap3A_93 = arith.constant 80 : index
      %swap3A_94 = tpu.vector_load %arg8[%swap3A_92, %swap3A_93] {strides = array<i32>} : memref<128x128xf32, #tpu.memory_space<vmem>>, vector<1x16xf32>,
      %swap3A_95 = vector.shape_cast %swap3A_94 : vector<1x16xf32> to vector<16xf32>
      %swap3A_96 = vector.shape_cast %broadcast_in_dim3A_3 : vector<16xf32> to vector<1x16xf32>
      tpu.vector_store %arg8[%swap3A_92, %swap3A_93], %swap3A_96 {strides = array<i32>} : memref<128x128xf32, #tpu.memory_space<vmem>>, vector<1x16xf32>,
      %swap3A_97 = arith.index_cast %scan3A_66 : i32 to index
      %swap3A_98 = arith.constant 96 : index
      %swap3A_99 = tpu.vector_load %arg8[%swap3A_97, %swap3A_98] {strides = array<i32>} : memref<128x128xf32, #tpu.memory_space<vmem>>, vector<1x16xf32>,
      %swap3A_100 = vector.shape_cast %swap3A_99 : vector<1x16xf32> to vector<16xf32>
      %swap3A_101 = vector.shape_cast %broadcast_in_dim3A_3 : vector<16xf32> to vector<1x16xf32>
      tpu.vector_store %arg8[%swap3A_97, %swap3A_98], %swap3A_101 {strides = array<i32>} : memref<128x128xf32, #tpu.memory_space<vmem>>, vector<1x16xf32>,
      %swap3A_102 = arith.index_cast %scan3A_66 : i32 to index
      %swap3A_103 = arith.constant 112 : index
      %swap3A_104 = tpu.vector_load %arg8[%swap3A_102, %swap3A_103] {strides = array<i32>} : memref<128x128xf32, #tpu.memory_space<vmem>>, vector<1x16xf32>,
      %swap3A_105 = vector.shape_cast %swap3A_104 : vector<1x16xf32> to vector<16xf32>
      %swap3A_106 = vector.shape_cast %broadcast_in_dim3A_3 : vector<16xf32> to vector<1x16xf32>
      tpu.vector_store %arg8[%swap3A_102, %swap3A_103], %swap3A_106 {strides = array<i32>} : memref<128x128xf32, #tpu.memory_space<vmem>>, vector<1x16xf32>,
      %scan3A_107 = arith.constant 0 : i32
      scf.yield %scan3A_107 : i32
    }
    %scan3A_9 = arith.constant 128 : i32
    %mul3A_10 = arith.constant 632 : i32
    %mul3A_11 = arith.muli %arg1, %mul3A_10 : i32
    %add3A_12 = arith.constant 0 : i32
    %add3A_13 = arith.addi %mul3A_11, %add3A_12 : i32
    "tpu.region"() ({
      %run_scoped3A = tpu.sem_alloc : memref<!tpu.dma_semaphore, #tpu.memory_space<semaphore_mem>>
      %dma_start3A_66 = arith.constant 0 : i32
      %dma_start3A_67 = tpu.memref_slice %arg11[%add3A_13, %dma_start3A_66] : memref<10112x128xf32, #tpu.memory_space<vmem_shared>> -> memref<128x128xf32, #tpu.memory_space<vmem_shared>>
      %dma_start3A_68 = arith.constant 0 : i32
      %dma_start3A_69 = tpu.memref_slice %arg11[%add3A_13, %dma_start3A_68] : memref<10112x128xf32, #tpu.memory_space<vmem_shared>> -> memref<128x128xf32, #tpu.memory_space<vmem_shared>>
      tpu.enqueue_dma source(%arg8 : memref<128x128xf32, #tpu.memory_space<vmem>>) target(%dma_start3A_69 : memref<128x128xf32, #tpu.memory_space<vmem_shared>>) target_semaphore(%run_scoped3A : memref<!tpu.dma_semaphore, #tpu.memory_space<semaphore_mem>>)
      %dma_wait3A = arith.constant 0 : i32
      %dma_wait3A_70 = tpu.memref_slice %arg11[%add3A_13, %dma_wait3A] : memref<10112x128xf32, #tpu.memory_space<vmem_shared>> -> memref<128x128xf32, #tpu.memory_space<vmem_shared>>
      %dma_wait3A_71 = arith.constant 0 : i32
      %dma_wait3A_72 = tpu.memref_slice %arg11[%add3A_13, %dma_wait3A_71] : memref<10112x128xf32, #tpu.memory_space<vmem_shared>> -> memref<128x128xf32, #tpu.memory_space<vmem_shared>>
      tpu.wait_dma2 semaphore(%run_scoped3A : memref<!tpu.dma_semaphore, #tpu.memory_space<semaphore_mem>>) src(%arg8 : memref<128x128xf32, #tpu.memory_space<vmem>>) dst(%dma_wait3A_72 : memref<128x128xf32, #tpu.memory_space<vmem_shared>>)
      tpu.yield
    }) : () -> ()
    %add3A_14 = arith.constant 128 : i32
    %add3A_15 = arith.addi %mul3A_11, %add3A_14 : i32
    "tpu.region"() ({
      %run_scoped3A = tpu.sem_alloc : memref<!tpu.dma_semaphore, #tpu.memory_space<semaphore_mem>>
      %dma_start3A_66 = arith.constant 0 : i32
      %dma_start3A_67 = tpu.memref_slice %arg11[%add3A_15, %dma_start3A_66] : memref<10112x128xf32, #tpu.memory_space<vmem_shared>> -> memref<128x128xf32, #tpu.memory_space<vmem_shared>>
      %dma_start3A_68 = arith.constant 0 : i32
      %dma_start3A_69 = tpu.memref_slice %arg11[%add3A_15, %dma_start3A_68] : memref<10112x128xf32, #tpu.memory_space<vmem_shared>> -> memref<128x128xf32, #tpu.memory_space<vmem_shared>>
      tpu.enqueue_dma source(%arg8 : memref<128x128xf32, #tpu.memory_space<vmem>>) target(%dma_start3A_69 : memref<128x128xf32, #tpu.memory_space<vmem_shared>>) target_semaphore(%run_scoped3A : memref<!tpu.dma_semaphore, #tpu.memory_space<semaphore_mem>>)
      %dma_wait3A = arith.constant 0 : i32
      %dma_wait3A_70 = tpu.memref_slice %arg11[%add3A_15, %dma_wait3A] : memref<10112x128xf32, #tpu.memory_space<vmem_shared>> -> memref<128x128xf32, #tpu.memory_space<vmem_shared>>
      %dma_wait3A_71 = arith.constant 0 : i32
      %dma_wait3A_72 = tpu.memref_slice %arg11[%add3A_15, %dma_wait3A_71] : memref<10112x128xf32, #tpu.memory_space<vmem_shared>> -> memref<128x128xf32, #tpu.memory_space<vmem_shared>>
      tpu.wait_dma2 semaphore(%run_scoped3A : memref<!tpu.dma_semaphore, #tpu.memory_space<semaphore_mem>>) src(%arg8 : memref<128x128xf32, #tpu.memory_space<vmem>>) dst(%dma_wait3A_72 : memref<128x128xf32, #tpu.memory_space<vmem_shared>>)
      tpu.yield
    }) : () -> ()
    %add3A_16 = arith.constant 256 : i32
    %add3A_17 = arith.addi %mul3A_11, %add3A_16 : i32
    "tpu.region"() ({
      %run_scoped3A = tpu.sem_alloc : memref<!tpu.dma_semaphore, #tpu.memory_space<semaphore_mem>>
      %dma_start3A_66 = arith.constant 0 : i32
      %dma_start3A_67 = tpu.memref_slice %arg11[%add3A_17, %dma_start3A_66] : memref<10112x128xf32, #tpu.memory_space<vmem_shared>> -> memref<128x128xf32, #tpu.memory_space<vmem_shared>>
      %dma_start3A_68 = arith.constant 0 : i32
      %dma_start3A_69 = tpu.memref_slice %arg11[%add3A_17, %dma_start3A_68] : memref<10112x128xf32, #tpu.memory_space<vmem_shared>> -> memref<128x128xf32, #tpu.memory_space<vmem_shared>>
      tpu.enqueue_dma source(%arg8 : memref<128x128xf32, #tpu.memory_space<vmem>>) target(%dma_start3A_69 : memref<128x128xf32, #tpu.memory_space<vmem_shared>>) target_semaphore(%run_scoped3A : memref<!tpu.dma_semaphore, #tpu.memory_space<semaphore_mem>>)
      %dma_wait3A = arith.constant 0 : i32
      %dma_wait3A_70 = tpu.memref_slice %arg11[%add3A_17, %dma_wait3A] : memref<10112x128xf32, #tpu.memory_space<vmem_shared>> -> memref<128x128xf32, #tpu.memory_space<vmem_shared>>
      %dma_wait3A_71 = arith.constant 0 : i32
      %dma_wait3A_72 = tpu.memref_slice %arg11[%add3A_17, %dma_wait3A_71] : memref<10112x128xf32, #tpu.memory_space<vmem_shared>> -> memref<128x128xf32, #tpu.memory_space<vmem_shared>>
      tpu.wait_dma2 semaphore(%run_scoped3A : memref<!tpu.dma_semaphore, #tpu.memory_space<semaphore_mem>>) src(%arg8 : memref<128x128xf32, #tpu.memory_space<vmem>>) dst(%dma_wait3A_72 : memref<128x128xf32, #tpu.memory_space<vmem_shared>>)
      tpu.yield
    }) : () -> ()
    %add3A_18 = arith.constant 384 : i32
    %add3A_19 = arith.addi %mul3A_11, %add3A_18 : i32
    "tpu.region"() ({
      %run_scoped3A = tpu.sem_alloc : memref<!tpu.dma_semaphore, #tpu.memory_space<semaphore_mem>>
      %dma_start3A_66 = arith.constant 0 : i32
      %dma_start3A_67 = tpu.memref_slice %arg11[%add3A_19, %dma_start3A_66] : memref<10112x128xf32, #tpu.memory_space<vmem_shared>> -> memref<128x128xf32, #tpu.memory_space<vmem_shared>>
      %dma_start3A_68 = arith.constant 0 : i32
      %dma_start3A_69 = tpu.memref_slice %arg11[%add3A_19, %dma_start3A_68] : memref<10112x128xf32, #tpu.memory_space<vmem_shared>> -> memref<128x128xf32, #tpu.memory_space<vmem_shared>>
      tpu.enqueue_dma source(%arg8 : memref<128x128xf32, #tpu.memory_space<vmem>>) target(%dma_start3A_69 : memref<128x128xf32, #tpu.memory_space<vmem_shared>>) target_semaphore(%run_scoped3A : memref<!tpu.dma_semaphore, #tpu.memory_space<semaphore_mem>>)
      %dma_wait3A = arith.constant 0 : i32
      %dma_wait3A_70 = tpu.memref_slice %arg11[%add3A_19, %dma_wait3A] : memref<10112x128xf32, #tpu.memory_space<vmem_shared>> -> memref<128x128xf32, #tpu.memory_space<vmem_shared>>
      %dma_wait3A_71 = arith.constant 0 : i32
      %dma_wait3A_72 = tpu.memref_slice %arg11[%add3A_19, %dma_wait3A_71] : memref<10112x128xf32, #tpu.memory_space<vmem_shared>> -> memref<128x128xf32, #tpu.memory_space<vmem_shared>>
      tpu.wait_dma2 semaphore(%run_scoped3A : memref<!tpu.dma_semaphore, #tpu.memory_space<semaphore_mem>>) src(%arg8 : memref<128x128xf32, #tpu.memory_space<vmem>>) dst(%dma_wait3A_72 : memref<128x128xf32, #tpu.memory_space<vmem_shared>>)
      tpu.yield
    }) : () -> ()
    %add3A_20 = arith.constant 512 : i32
    %add3A_21 = arith.addi %mul3A_11, %add3A_20 : i32
    "tpu.region"() ({
      %run_scoped3A = tpu.sem_alloc : memref<!tpu.dma_semaphore, #tpu.memory_space<semaphore_mem>>
      %dma_start3A_66 = arith.constant 0 : i32
      %dma_start3A_67 = arith.constant 0 : i32
      %dma_start3A_68 = tpu.memref_slice %arg8[%dma_start3A_66, %dma_start3A_67] : memref<128x128xf32, #tpu.memory_space<vmem>> -> memref<120x128xf32, #tpu.memory_space<vmem>>
      %dma_start3A_69 = arith.constant 0 : i32
      %dma_start3A_70 = tpu.memref_slice %arg11[%add3A_21, %dma_start3A_69] : memref<10112x128xf32, #tpu.memory_space<vmem_shared>> -> memref<120x128xf32, #tpu.memory_space<vmem_shared>>
      %dma_start3A_71 = arith.constant 0 : i32
      %dma_start3A_72 = tpu.memref_slice %arg11[%add3A_21, %dma_start3A_71] : memref<10112x128xf32, #tpu.memory_space<vmem_shared>> -> memref<120x128xf32, #tpu.memory_space<vmem_shared>>
      %dma_start3A_73 = arith.constant 0 : i32
      %dma_start3A_74 = arith.constant 0 : i32
      %dma_start3A_75 = tpu.memref_slice %arg8[%dma_start3A_73, %dma_start3A_74] : memref<128x128xf32, #tpu.memory_space<vmem>> -> memref<120x128xf32, #tpu.memory_space<vmem>>
      tpu.enqueue_dma source(%dma_start3A_75 : memref<120x128xf32, #tpu.memory_space<vmem>>) target(%dma_start3A_72 : memref<120x128xf32, #tpu.memory_space<vmem_shared>>) target_semaphore(%run_scoped3A : memref<!tpu.dma_semaphore, #tpu.memory_space<semaphore_mem>>)
      %dma_wait3A = arith.constant 0 : i32
      %dma_wait3A_76 = arith.constant 0 : i32
      %dma_wait3A_77 = tpu.memref_slice %arg8[%dma_wait3A, %dma_wait3A_76] : memref<128x128xf32, #tpu.memory_space<vmem>> -> memref<120x128xf32, #tpu.memory_space<vmem>>
      %dma_wait3A_78 = arith.constant 0 : i32
      %dma_wait3A_79 = tpu.memref_slice %arg11[%add3A_21, %dma_wait3A_78] : memref<10112x128xf32, #tpu.memory_space<vmem_shared>> -> memref<120x128xf32, #tpu.memory_space<vmem_shared>>
      %dma_wait3A_80 = arith.constant 0 : i32
      %dma_wait3A_81 = tpu.memref_slice %arg11[%add3A_21, %dma_wait3A_80] : memref<10112x128xf32, #tpu.memory_space<vmem_shared>> -> memref<120x128xf32, #tpu.memory_space<vmem_shared>>
      %dma_wait3A_82 = arith.constant 0 : i32
      %dma_wait3A_83 = arith.constant 0 : i32
      %dma_wait3A_84 = tpu.memref_slice %arg8[%dma_wait3A_82, %dma_wait3A_83] : memref<128x128xf32, #tpu.memory_space<vmem>> -> memref<120x128xf32, #tpu.memory_space<vmem>>
      tpu.wait_dma2 semaphore(%run_scoped3A : memref<!tpu.dma_semaphore, #tpu.memory_space<semaphore_mem>>) src(%dma_wait3A_84 : memref<120x128xf32, #tpu.memory_space<vmem>>) dst(%dma_wait3A_81 : memref<120x128xf32, #tpu.memory_space<vmem_shared>>)
      tpu.yield
    }) : () -> ()
    %barrier3A = arith.constant 0 : index
    tpu.barrier barrier_id(%barrier3A)
    "tpu.region"() ({
      %run_scoped3A = tpu.sem_alloc : memref<!tpu.dma_semaphore, #tpu.memory_space<semaphore_mem>>
      %dma_start3A_66 = arith.constant 0 : i32
      %dma_start3A_67 = arith.constant 0 : i32
      %dma_start3A_68 = tpu.memref_slice %arg4[%mul3A_2, %dma_start3A_66, %dma_start3A_67] : memref<2560x2x128xi32, #tpu.memory_space<hbm>> -> memref<1x2x128xi32, #tpu.memory_space<hbm>>
      %dma_start3A_69 = tpu.memref_squeeze %dma_start3A_68 : memref<1x2x128xi32, #tpu.memory_space<hbm>> -> memref<2x128xi32, #tpu.memory_space<hbm>>
      %dma_start3A_70 = arith.constant 0 : i32
      %dma_start3A_71 = arith.constant 0 : i32
      %dma_start3A_72 = tpu.memref_slice %arg4[%mul3A_2, %dma_start3A_70, %dma_start3A_71] : memref<2560x2x128xi32, #tpu.memory_space<hbm>> -> memref<1x2x128xi32, #tpu.memory_space<hbm>>
      %dma_start3A_73 = tpu.memref_squeeze %dma_start3A_72 : memref<1x2x128xi32, #tpu.memory_space<hbm>> -> memref<2x128xi32, #tpu.memory_space<hbm>>
      tpu.enqueue_dma source(%dma_start3A_73 : memref<2x128xi32, #tpu.memory_space<hbm>>) target(%arg6 : memref<2x128xi32, #tpu.memory_space<vmem>>) target_semaphore(%run_scoped3A : memref<!tpu.dma_semaphore, #tpu.memory_space<semaphore_mem>>)
      %dma_wait3A = arith.constant 0 : i32
      %dma_wait3A_74 = arith.constant 0 : i32
      %dma_wait3A_75 = tpu.memref_slice %arg4[%mul3A_2, %dma_wait3A, %dma_wait3A_74] : memref<2560x2x128xi32, #tpu.memory_space<hbm>> -> memref<1x2x128xi32, #tpu.memory_space<hbm>>
      %dma_wait3A_76 = tpu.memref_squeeze %dma_wait3A_75 : memref<1x2x128xi32, #tpu.memory_space<hbm>> -> memref<2x128xi32, #tpu.memory_space<hbm>>
      %dma_wait3A_77 = arith.constant 0 : i32
      %dma_wait3A_78 = arith.constant 0 : i32
      %dma_wait3A_79 = tpu.memref_slice %arg4[%mul3A_2, %dma_wait3A_77, %dma_wait3A_78] : memref<2560x2x128xi32, #tpu.memory_space<hbm>> -> memref<1x2x128xi32, #tpu.memory_space<hbm>>
      %dma_wait3A_80 = tpu.memref_squeeze %dma_wait3A_79 : memref<1x2x128xi32, #tpu.memory_space<hbm>> -> memref<2x128xi32, #tpu.memory_space<hbm>>
      tpu.wait_dma2 semaphore(%run_scoped3A : memref<!tpu.dma_semaphore, #tpu.memory_space<semaphore_mem>>) src(%dma_wait3A_80 : memref<2x128xi32, #tpu.memory_space<hbm>>) dst(%arg6 : memref<2x128xi32, #tpu.memory_space<vmem>>)
      tpu.yield
    }) : () -> ()
    %dma_start3A = arith.constant 0 : i32
    %dma_start3A_22 = arith.constant 0 : i32
    %dma_start3A_23 = tpu.memref_slice %arg6[%dma_start3A, %dma_start3A_22] : memref<2x128xi32, #tpu.memory_space<vmem>> -> memref<1x128xi32, #tpu.memory_space<vmem>>
    %dma_start3A_24 = tpu.memref_squeeze %dma_start3A_23 : memref<1x128xi32, #tpu.memory_space<vmem>> -> memref<128xi32, #tpu.memory_space<vmem>>
    %dma_start3A_25 = arith.constant 0 : i32
    %dma_start3A_26 = arith.constant 0 : i32
    %dma_start3A_27 = tpu.memref_slice %arg2[%dma_start3A_25, %dma_start3A_26] : memref<10240x128xf32, #tpu.memory_space<hbm>> -> memref<10240x128xf32, #tpu.memory_space<hbm>>
    tpu.enqueue_indirect_dma source(%dma_start3A_27 : memref<10240x128xf32, #tpu.memory_space<hbm>>) target(%arg9 : memref<128x128xf32, #tpu.memory_space<vmem>>) offsets(%dma_start3A_24 : memref<128xi32, #tpu.memory_space<vmem>>) semaphore(%arg12 : memref<!tpu.dma_semaphore, #tpu.memory_space<semaphore_mem>>)
    %add3A_28 = arith.constant 0 : i32
    %add3A_29 = arith.addi %mul3A_2, %add3A_28 : i32
    %mul3A_30 = arith.constant 128 : i32
    %mul3A_31 = arith.muli %add3A_29, %mul3A_30 : i32
    %dma_start3A_32 = arith.constant 0 : i32
    %dma_start3A_33 = tpu.memref_slice %arg3[%mul3A_31, %dma_start3A_32] : memref<327680x128xf32, #tpu.memory_space<hbm>> -> memref<128x128xf32, #tpu.memory_space<hbm>>
    %dma_start3A_34 = arith.constant 0 : i32
    %dma_start3A_35 = tpu.memref_slice %arg3[%mul3A_31, %dma_start3A_34] : memref<327680x128xf32, #tpu.memory_space<hbm>> -> memref<128x128xf32, #tpu.memory_space<hbm>>
    tpu.enqueue_dma source(%dma_start3A_35 : memref<128x128xf32, #tpu.memory_space<hbm>>) target(%arg8 : memref<128x128xf32, #tpu.memory_space<vmem>>) target_semaphore(%arg14 : memref<!tpu.dma_semaphore, #tpu.memory_space<semaphore_mem>>)
    %scan3A_36 = arith.constant 0 : i32
    %scan3A_37 = arith.constant 0 : i32
    %scan3A_38 = arith.constant 40 : i32
    %scan3A_39 = arith.addi %scan3A_37, %scan3A_38 : i32
    %scan3A_40 = arith.constant 1 : i32
    %scan3A_41 = scf.for %scan3A_66 = %scan3A_37 to %scan3A_39 step %scan3A_40 iter_args(%scan3A_67 = %scan3A_36) -> (i32)  : i32 {
      %mul3A_68 = arith.constant 2 : i32
      %mul3A_69 = arith.muli %mul3A_68, %scan3A_66 : i32
      %add3A_70 = arith.addi %mul3A_2, %mul3A_69 : i32
      %add3A_71 = arith.constant 1 : i32
      %add3A_72 = arith.addi %mul3A_69, %add3A_71 : i32
      %le3A = arith.constant 79 : i32
      %le3A_73 = arith.cmpi sle, %add3A_72, %le3A : i32
      %convert_element_type3A_74 = arith.extui %le3A_73 : i1 to i32
      %cond3A_75 = arith.constant 0 : i32
      %cond3A_76 = arith.cmpi ne, %convert_element_type3A_74, %cond3A_75 : i32
      scf.if %cond3A_76 {
        %add3A_145 = arith.addi %mul3A_2, %mul3A_69 : i32
        %add3A_146 = arith.constant 1 : i32
        %add3A_147 = arith.addi %add3A_145, %add3A_146 : i32
        "tpu.region"() ({
          %run_scoped3A = tpu.sem_alloc : memref<!tpu.dma_semaphore, #tpu.memory_space<semaphore_mem>>
          %dma_start3A_157 = arith.constant 0 : i32
          %dma_start3A_158 = arith.constant 0 : i32
          %dma_start3A_159 = tpu.memref_slice %arg4[%add3A_147, %dma_start3A_157, %dma_start3A_158] : memref<2560x2x128xi32, #tpu.memory_space<hbm>> -> memref<1x2x128xi32, #tpu.memory_space<hbm>>
          %dma_start3A_160 = tpu.memref_squeeze %dma_start3A_159 : memref<1x2x128xi32, #tpu.memory_space<hbm>> -> memref<2x128xi32, #tpu.memory_space<hbm>>
          %dma_start3A_161 = arith.constant 0 : i32
          %dma_start3A_162 = arith.constant 0 : i32
          %dma_start3A_163 = tpu.memref_slice %arg4[%add3A_147, %dma_start3A_161, %dma_start3A_162] : memref<2560x2x128xi32, #tpu.memory_space<hbm>> -> memref<1x2x128xi32, #tpu.memory_space<hbm>>
          %dma_start3A_164 = tpu.memref_squeeze %dma_start3A_163 : memref<1x2x128xi32, #tpu.memory_space<hbm>> -> memref<2x128xi32, #tpu.memory_space<hbm>>
          tpu.enqueue_dma source(%dma_start3A_164 : memref<2x128xi32, #tpu.memory_space<hbm>>) target(%arg7 : memref<2x128xi32, #tpu.memory_space<vmem>>) target_semaphore(%run_scoped3A : memref<!tpu.dma_semaphore, #tpu.memory_space<semaphore_mem>>)
          %dma_wait3A_165 = arith.constant 0 : i32
          %dma_wait3A_166 = arith.constant 0 : i32
          %dma_wait3A_167 = tpu.memref_slice %arg4[%add3A_147, %dma_wait3A_165, %dma_wait3A_166] : memref<2560x2x128xi32, #tpu.memory_space<hbm>> -> memref<1x2x128xi32, #tpu.memory_space<hbm>>
          %dma_wait3A_168 = tpu.memref_squeeze %dma_wait3A_167 : memref<1x2x128xi32, #tpu.memory_space<hbm>> -> memref<2x128xi32, #tpu.memory_space<hbm>>
          %dma_wait3A_169 = arith.constant 0 : i32
          %dma_wait3A_170 = arith.constant 0 : i32
          %dma_wait3A_171 = tpu.memref_slice %arg4[%add3A_147, %dma_wait3A_169, %dma_wait3A_170] : memref<2560x2x128xi32, #tpu.memory_space<hbm>> -> memref<1x2x128xi32, #tpu.memory_space<hbm>>
          %dma_wait3A_172 = tpu.memref_squeeze %dma_wait3A_171 : memref<1x2x128xi32, #tpu.memory_space<hbm>> -> memref<2x128xi32, #tpu.memory_space<hbm>>
          tpu.wait_dma2 semaphore(%run_scoped3A : memref<!tpu.dma_semaphore, #tpu.memory_space<semaphore_mem>>) src(%dma_wait3A_172 : memref<2x128xi32, #tpu.memory_space<hbm>>) dst(%arg7 : memref<2x128xi32, #tpu.memory_space<vmem>>)
          tpu.yield
        }) : () -> ()
        %add3A_148 = arith.constant 1 : i32
        %add3A_149 = arith.addi %mul3A_69, %add3A_148 : i32
        %dma_start3A_150 = arith.constant 0 : i32
        %dma_start3A_151 = arith.constant 0 : i32
        %dma_start3A_152 = tpu.memref_slice %arg7[%dma_start3A_150, %dma_start3A_151] : memref<2x128xi32, #tpu.memory_space<vmem>> -> memref<1x128xi32, #tpu.memory_space<vmem>>
        %dma_start3A_153 = tpu.memref_squeeze %dma_start3A_152 : memref<1x128xi32, #tpu.memory_space<vmem>> -> memref<128xi32, #tpu.memory_space<vmem>>
        %dma_start3A_154 = arith.constant 0 : i32
        %dma_start3A_155 = arith.constant 0 : i32
        %dma_start3A_156 = tpu.memref_slice %arg2[%dma_start3A_154, %dma_start3A_155] : memref<10240x128xf32, #tpu.memory_space<hbm>> -> memref<10240x128xf32, #tpu.memory_space<hbm>>
        tpu.enqueue_indirect_dma source(%dma_start3A_156 : memref<10240x128xf32, #tpu.memory_space<hbm>>) target(%arg10 : memref<128x128xf32, #tpu.memory_space<vmem>>) offsets(%dma_start3A_153 : memref<128xi32, #tpu.memory_space<vmem>>) semaphore(%arg13 : memref<!tpu.dma_semaphore, #tpu.memory_space<semaphore_mem>>)
      } else {
      }
      %add3A_77 = arith.addi %mul3A_2, %mul3A_69 : i32
      %mul3A_78 = arith.constant 128 : i32
      %mul3A_79 = arith.muli %add3A_77, %mul3A_78 : i32
      %dma_wait3A = arith.constant 0 : i32
      %dma_wait3A_80 = tpu.memref_slice %arg3[%mul3A_79, %dma_wait3A] : memref<327680x128xf32, #tpu.memory_space<hbm>> -> memref<128x128xf32, #tpu.memory_space<hbm>>
      %dma_wait3A_81 = arith.constant 0 : i32
      %dma_wait3A_82 = tpu.memref_slice %arg3[%mul3A_79, %dma_wait3A_81] : memref<327680x128xf32, #tpu.memory_space<hbm>> -> memref<128x128xf32, #tpu.memory_space<hbm>>
      tpu.wait_dma2 semaphore(%arg14 : memref<!tpu.dma_semaphore, #tpu.memory_space<semaphore_mem>>) src(%dma_wait3A_82 : memref<128x128xf32, #tpu.memory_space<hbm>>) dst(%arg8 : memref<128x128xf32, #tpu.memory_space<vmem>>)
      %dma_wait3A_83 = arith.constant 0 : i32
      %dma_wait3A_84 = arith.constant 0 : i32
      %dma_wait3A_85 = tpu.memref_slice %arg6[%dma_wait3A_83, %dma_wait3A_84] : memref<2x128xi32, #tpu.memory_space<vmem>> -> memref<1x128xi32, #tpu.memory_space<vmem>>
      %dma_wait3A_86 = tpu.memref_squeeze %dma_wait3A_85 : memref<1x128xi32, #tpu.memory_space<vmem>> -> memref<128xi32, #tpu.memory_space<vmem>>
      %dma_wait3A_87 = arith.constant 0 : i32
      %dma_wait3A_88 = arith.constant 0 : i32
      %dma_wait3A_89 = tpu.memref_slice %arg2[%dma_wait3A_87, %dma_wait3A_88] : memref<10240x128xf32, #tpu.memory_space<hbm>> -> memref<10240x128xf32, #tpu.memory_space<hbm>>
      tpu.wait_indirect_dma semaphore(%arg12 : memref<!tpu.dma_semaphore, #tpu.memory_space<semaphore_mem>>) src(%dma_wait3A_89 : memref<10240x128xf32, #tpu.memory_space<hbm>>) dst(%arg9 : memref<128x128xf32, #tpu.memory_space<vmem>>)
      %parallel_loop3A = arith.constant 0 : i32
      %parallel_loop3A_90 = arith.constant 128 : i32
      %parallel_loop3A_91 = arith.constant 1 : i32
      scf.for %parallel_loop3A_145 = %parallel_loop3A to %parallel_loop3A_90 step %parallel_loop3A_91  : i32 {
        %parallel_loop3A_146 = arith.index_cast %parallel_loop3A_145 : i32 to index
        %parallel_loop3A_147 = arith.constant 0 : index
        %parallel_loop3A_148 = tpu.vector_load %arg9[%parallel_loop3A_146, %parallel_loop3A_147] {strides = array<i32>} : memref<128x128xf32, #tpu.memory_space<vmem>>, vector<1x16xf32>,
        %parallel_loop3A_149 = vector.shape_cast %parallel_loop3A_148 : vector<1x16xf32> to vector<16xf32>
        %parallel_loop3A_150 = arith.index_cast %parallel_loop3A_145 : i32 to index
        %parallel_loop3A_151 = arith.constant 0 : index
        %parallel_loop3A_152 = tpu.vector_load %arg8[%parallel_loop3A_150, %parallel_loop3A_151] {strides = array<i32>} : memref<128x128xf32, #tpu.memory_space<vmem>>, vector<1x16xf32>,
        %parallel_loop3A_153 = vector.shape_cast %parallel_loop3A_152 : vector<1x16xf32> to vector<16xf32>
        %parallel_loop3A_154 = arith.addf %parallel_loop3A_149, %parallel_loop3A_153 : vector<16xf32>
        %parallel_loop3A_155 = arith.constant 0.000000e+00 : f32
        %parallel_loop3A_156 = vector.broadcast %parallel_loop3A_155 : f32 to vector<16xf32>
        %parallel_loop3A_157 = arith.maximumf %parallel_loop3A_154, %parallel_loop3A_156 : vector<16xf32>
        %parallel_loop3A_158 = arith.index_cast %parallel_loop3A_145 : i32 to index
        %parallel_loop3A_159 = arith.constant 0 : index
        %parallel_loop3A_160 = tpu.vector_load %arg8[%parallel_loop3A_158, %parallel_loop3A_159] {strides = array<i32>} : memref<128x128xf32, #tpu.memory_space<vmem>>, vector<1x16xf32>,
        %parallel_loop3A_161 = vector.shape_cast %parallel_loop3A_160 : vector<1x16xf32> to vector<16xf32>
        %parallel_loop3A_162 = vector.shape_cast %parallel_loop3A_157 : vector<16xf32> to vector<1x16xf32>
        tpu.vector_store %arg8[%parallel_loop3A_158, %parallel_loop3A_159], %parallel_loop3A_162 {strides = array<i32>} : memref<128x128xf32, #tpu.memory_space<vmem>>, vector<1x16xf32>,
        %parallel_loop3A_163 = arith.index_cast %parallel_loop3A_145 : i32 to index
        %parallel_loop3A_164 = arith.constant 16 : index
        %parallel_loop3A_165 = tpu.vector_load %arg9[%parallel_loop3A_163, %parallel_loop3A_164] {strides = array<i32>} : memref<128x128xf32, #tpu.memory_space<vmem>>, vector<1x16xf32>,
        %parallel_loop3A_166 = vector.shape_cast %parallel_loop3A_165 : vector<1x16xf32> to vector<16xf32>
        %parallel_loop3A_167 = arith.index_cast %parallel_loop3A_145 : i32 to index
        %parallel_loop3A_168 = arith.constant 16 : index
        %parallel_loop3A_169 = tpu.vector_load %arg8[%parallel_loop3A_167, %parallel_loop3A_168] {strides = array<i32>} : memref<128x128xf32, #tpu.memory_space<vmem>>, vector<1x16xf32>,
        %parallel_loop3A_170 = vector.shape_cast %parallel_loop3A_169 : vector<1x16xf32> to vector<16xf32>
        %parallel_loop3A_171 = arith.addf %parallel_loop3A_166, %parallel_loop3A_170 : vector<16xf32>
        %parallel_loop3A_172 = arith.constant 0.000000e+00 : f32
        %parallel_loop3A_173 = vector.broadcast %parallel_loop3A_172 : f32 to vector<16xf32>
        %parallel_loop3A_174 = arith.maximumf %parallel_loop3A_171, %parallel_loop3A_173 : vector<16xf32>
        %parallel_loop3A_175 = arith.index_cast %parallel_loop3A_145 : i32 to index
        %parallel_loop3A_176 = arith.constant 16 : index
        %parallel_loop3A_177 = tpu.vector_load %arg8[%parallel_loop3A_175, %parallel_loop3A_176] {strides = array<i32>} : memref<128x128xf32, #tpu.memory_space<vmem>>, vector<1x16xf32>,
        %parallel_loop3A_178 = vector.shape_cast %parallel_loop3A_177 : vector<1x16xf32> to vector<16xf32>
        %parallel_loop3A_179 = vector.shape_cast %parallel_loop3A_174 : vector<16xf32> to vector<1x16xf32>
        tpu.vector_store %arg8[%parallel_loop3A_175, %parallel_loop3A_176], %parallel_loop3A_179 {strides = array<i32>} : memref<128x128xf32, #tpu.memory_space<vmem>>, vector<1x16xf32>,
        %parallel_loop3A_180 = arith.index_cast %parallel_loop3A_145 : i32 to index
        %parallel_loop3A_181 = arith.constant 32 : index
        %parallel_loop3A_182 = tpu.vector_load %arg9[%parallel_loop3A_180, %parallel_loop3A_181] {strides = array<i32>} : memref<128x128xf32, #tpu.memory_space<vmem>>, vector<1x16xf32>,
        %parallel_loop3A_183 = vector.shape_cast %parallel_loop3A_182 : vector<1x16xf32> to vector<16xf32>
        %parallel_loop3A_184 = arith.index_cast %parallel_loop3A_145 : i32 to index
        %parallel_loop3A_185 = arith.constant 32 : index
        %parallel_loop3A_186 = tpu.vector_load %arg8[%parallel_loop3A_184, %parallel_loop3A_185] {strides = array<i32>} : memref<128x128xf32, #tpu.memory_space<vmem>>, vector<1x16xf32>,
        %parallel_loop3A_187 = vector.shape_cast %parallel_loop3A_186 : vector<1x16xf32> to vector<16xf32>
        %parallel_loop3A_188 = arith.addf %parallel_loop3A_183, %parallel_loop3A_187 : vector<16xf32>
        %parallel_loop3A_189 = arith.constant 0.000000e+00 : f32
        %parallel_loop3A_190 = vector.broadcast %parallel_loop3A_189 : f32 to vector<16xf32>
        %parallel_loop3A_191 = arith.maximumf %parallel_loop3A_188, %parallel_loop3A_190 : vector<16xf32>
        %parallel_loop3A_192 = arith.index_cast %parallel_loop3A_145 : i32 to index
        %parallel_loop3A_193 = arith.constant 32 : index
        %parallel_loop3A_194 = tpu.vector_load %arg8[%parallel_loop3A_192, %parallel_loop3A_193] {strides = array<i32>} : memref<128x128xf32, #tpu.memory_space<vmem>>, vector<1x16xf32>,
        %parallel_loop3A_195 = vector.shape_cast %parallel_loop3A_194 : vector<1x16xf32> to vector<16xf32>
        %parallel_loop3A_196 = vector.shape_cast %parallel_loop3A_191 : vector<16xf32> to vector<1x16xf32>
        tpu.vector_store %arg8[%parallel_loop3A_192, %parallel_loop3A_193], %parallel_loop3A_196 {strides = array<i32>} : memref<128x128xf32, #tpu.memory_space<vmem>>, vector<1x16xf32>,
        %parallel_loop3A_197 = arith.index_cast %parallel_loop3A_145 : i32 to index
        %parallel_loop3A_198 = arith.constant 48 : index
        %parallel_loop3A_199 = tpu.vector_load %arg9[%parallel_loop3A_197, %parallel_loop3A_198] {strides = array<i32>} : memref<128x128xf32, #tpu.memory_space<vmem>>, vector<1x16xf32>,
        %parallel_loop3A_200 = vector.shape_cast %parallel_loop3A_199 : vector<1x16xf32> to vector<16xf32>
        %parallel_loop3A_201 = arith.index_cast %parallel_loop3A_145 : i32 to index
        %parallel_loop3A_202 = arith.constant 48 : index
        %parallel_loop3A_203 = tpu.vector_load %arg8[%parallel_loop3A_201, %parallel_loop3A_202] {strides = array<i32>} : memref<128x128xf32, #tpu.memory_space<vmem>>, vector<1x16xf32>,
        %parallel_loop3A_204 = vector.shape_cast %parallel_loop3A_203 : vector<1x16xf32> to vector<16xf32>
        %parallel_loop3A_205 = arith.addf %parallel_loop3A_200, %parallel_loop3A_204 : vector<16xf32>
        %parallel_loop3A_206 = arith.constant 0.000000e+00 : f32
        %parallel_loop3A_207 = vector.broadcast %parallel_loop3A_206 : f32 to vector<16xf32>
        %parallel_loop3A_208 = arith.maximumf %parallel_loop3A_205, %parallel_loop3A_207 : vector<16xf32>
        %parallel_loop3A_209 = arith.index_cast %parallel_loop3A_145 : i32 to index
        %parallel_loop3A_210 = arith.constant 48 : index
        %parallel_loop3A_211 = tpu.vector_load %arg8[%parallel_loop3A_209, %parallel_loop3A_210] {strides = array<i32>} : memref<128x128xf32, #tpu.memory_space<vmem>>, vector<1x16xf32>,
        %parallel_loop3A_212 = vector.shape_cast %parallel_loop3A_211 : vector<1x16xf32> to vector<16xf32>
        %parallel_loop3A_213 = vector.shape_cast %parallel_loop3A_208 : vector<16xf32> to vector<1x16xf32>
        tpu.vector_store %arg8[%parallel_loop3A_209, %parallel_loop3A_210], %parallel_loop3A_213 {strides = array<i32>} : memref<128x128xf32, #tpu.memory_space<vmem>>, vector<1x16xf32>,
        %parallel_loop3A_214 = arith.index_cast %parallel_loop3A_145 : i32 to index
        %parallel_loop3A_215 = arith.constant 64 : index
        %parallel_loop3A_216 = tpu.vector_load %arg9[%parallel_loop3A_214, %parallel_loop3A_215] {strides = array<i32>} : memref<128x128xf32, #tpu.memory_space<vmem>>, vector<1x16xf32>,
        %parallel_loop3A_217 = vector.shape_cast %parallel_loop3A_216 : vector<1x16xf32> to vector<16xf32>
        %parallel_loop3A_218 = arith.index_cast %parallel_loop3A_145 : i32 to index
        %parallel_loop3A_219 = arith.constant 64 : index
        %parallel_loop3A_220 = tpu.vector_load %arg8[%parallel_loop3A_218, %parallel_loop3A_219] {strides = array<i32>} : memref<128x128xf32, #tpu.memory_space<vmem>>, vector<1x16xf32>,
        %parallel_loop3A_221 = vector.shape_cast %parallel_loop3A_220 : vector<1x16xf32> to vector<16xf32>
        %parallel_loop3A_222 = arith.addf %parallel_loop3A_217, %parallel_loop3A_221 : vector<16xf32>
        %parallel_loop3A_223 = arith.constant 0.000000e+00 : f32
        %parallel_loop3A_224 = vector.broadcast %parallel_loop3A_223 : f32 to vector<16xf32>
        %parallel_loop3A_225 = arith.maximumf %parallel_loop3A_222, %parallel_loop3A_224 : vector<16xf32>
        %parallel_loop3A_226 = arith.index_cast %parallel_loop3A_145 : i32 to index
        %parallel_loop3A_227 = arith.constant 64 : index
        %parallel_loop3A_228 = tpu.vector_load %arg8[%parallel_loop3A_226, %parallel_loop3A_227] {strides = array<i32>} : memref<128x128xf32, #tpu.memory_space<vmem>>, vector<1x16xf32>,
        %parallel_loop3A_229 = vector.shape_cast %parallel_loop3A_228 : vector<1x16xf32> to vector<16xf32>
        %parallel_loop3A_230 = vector.shape_cast %parallel_loop3A_225 : vector<16xf32> to vector<1x16xf32>
        tpu.vector_store %arg8[%parallel_loop3A_226, %parallel_loop3A_227], %parallel_loop3A_230 {strides = array<i32>} : memref<128x128xf32, #tpu.memory_space<vmem>>, vector<1x16xf32>,
        %parallel_loop3A_231 = arith.index_cast %parallel_loop3A_145 : i32 to index
        %parallel_loop3A_232 = arith.constant 80 : index
        %parallel_loop3A_233 = tpu.vector_load %arg9[%parallel_loop3A_231, %parallel_loop3A_232] {strides = array<i32>} : memref<128x128xf32, #tpu.memory_space<vmem>>, vector<1x16xf32>,
        %parallel_loop3A_234 = vector.shape_cast %parallel_loop3A_233 : vector<1x16xf32> to vector<16xf32>
        %parallel_loop3A_235 = arith.index_cast %parallel_loop3A_145 : i32 to index
        %parallel_loop3A_236 = arith.constant 80 : index
        %parallel_loop3A_237 = tpu.vector_load %arg8[%parallel_loop3A_235, %parallel_loop3A_236] {strides = array<i32>} : memref<128x128xf32, #tpu.memory_space<vmem>>, vector<1x16xf32>,
        %parallel_loop3A_238 = vector.shape_cast %parallel_loop3A_237 : vector<1x16xf32> to vector<16xf32>
        %parallel_loop3A_239 = arith.addf %parallel_loop3A_234, %parallel_loop3A_238 : vector<16xf32>
        %parallel_loop3A_240 = arith.constant 0.000000e+00 : f32
        %parallel_loop3A_241 = vector.broadcast %parallel_loop3A_240 : f32 to vector<16xf32>
        %parallel_loop3A_242 = arith.maximumf %parallel_loop3A_239, %parallel_loop3A_241 : vector<16xf32>
        %parallel_loop3A_243 = arith.index_cast %parallel_loop3A_145 : i32 to index
        %parallel_loop3A_244 = arith.constant 80 : index
        %parallel_loop3A_245 = tpu.vector_load %arg8[%parallel_loop3A_243, %parallel_loop3A_244] {strides = array<i32>} : memref<128x128xf32, #tpu.memory_space<vmem>>, vector<1x16xf32>,
        %parallel_loop3A_246 = vector.shape_cast %parallel_loop3A_245 : vector<1x16xf32> to vector<16xf32>
        %parallel_loop3A_247 = vector.shape_cast %parallel_loop3A_242 : vector<16xf32> to vector<1x16xf32>
        tpu.vector_store %arg8[%parallel_loop3A_243, %parallel_loop3A_244], %parallel_loop3A_247 {strides = array<i32>} : memref<128x128xf32, #tpu.memory_space<vmem>>, vector<1x16xf32>,
        %parallel_loop3A_248 = arith.index_cast %parallel_loop3A_145 : i32 to index
        %parallel_loop3A_249 = arith.constant 96 : index
        %parallel_loop3A_250 = tpu.vector_load %arg9[%parallel_loop3A_248, %parallel_loop3A_249] {strides = array<i32>} : memref<128x128xf32, #tpu.memory_space<vmem>>, vector<1x16xf32>,
        %parallel_loop3A_251 = vector.shape_cast %parallel_loop3A_250 : vector<1x16xf32> to vector<16xf32>
        %parallel_loop3A_252 = arith.index_cast %parallel_loop3A_145 : i32 to index
        %parallel_loop3A_253 = arith.constant 96 : index
        %parallel_loop3A_254 = tpu.vector_load %arg8[%parallel_loop3A_252, %parallel_loop3A_253] {strides = array<i32>} : memref<128x128xf32, #tpu.memory_space<vmem>>, vector<1x16xf32>,
        %parallel_loop3A_255 = vector.shape_cast %parallel_loop3A_254 : vector<1x16xf32> to vector<16xf32>
        %parallel_loop3A_256 = arith.addf %parallel_loop3A_251, %parallel_loop3A_255 : vector<16xf32>
        %parallel_loop3A_257 = arith.constant 0.000000e+00 : f32
        %parallel_loop3A_258 = vector.broadcast %parallel_loop3A_257 : f32 to vector<16xf32>
        %parallel_loop3A_259 = arith.maximumf %parallel_loop3A_256, %parallel_loop3A_258 : vector<16xf32>
        %parallel_loop3A_260 = arith.index_cast %parallel_loop3A_145 : i32 to index
        %parallel_loop3A_261 = arith.constant 96 : index
        %parallel_loop3A_262 = tpu.vector_load %arg8[%parallel_loop3A_260, %parallel_loop3A_261] {strides = array<i32>} : memref<128x128xf32, #tpu.memory_space<vmem>>, vector<1x16xf32>,
        %parallel_loop3A_263 = vector.shape_cast %parallel_loop3A_262 : vector<1x16xf32> to vector<16xf32>
        %parallel_loop3A_264 = vector.shape_cast %parallel_loop3A_259 : vector<16xf32> to vector<1x16xf32>
        tpu.vector_store %arg8[%parallel_loop3A_260, %parallel_loop3A_261], %parallel_loop3A_264 {strides = array<i32>} : memref<128x128xf32, #tpu.memory_space<vmem>>, vector<1x16xf32>,
        %parallel_loop3A_265 = arith.index_cast %parallel_loop3A_145 : i32 to index
        %parallel_loop3A_266 = arith.constant 112 : index
        %parallel_loop3A_267 = tpu.vector_load %arg9[%parallel_loop3A_265, %parallel_loop3A_266] {strides = array<i32>} : memref<128x128xf32, #tpu.memory_space<vmem>>, vector<1x16xf32>,
        %parallel_loop3A_268 = vector.shape_cast %parallel_loop3A_267 : vector<1x16xf32> to vector<16xf32>
        %parallel_loop3A_269 = arith.index_cast %parallel_loop3A_145 : i32 to index
        %parallel_loop3A_270 = arith.constant 112 : index
        %parallel_loop3A_271 = tpu.vector_load %arg8[%parallel_loop3A_269, %parallel_loop3A_270] {strides = array<i32>} : memref<128x128xf32, #tpu.memory_space<vmem>>, vector<1x16xf32>,
        %parallel_loop3A_272 = vector.shape_cast %parallel_loop3A_271 : vector<1x16xf32> to vector<16xf32>
        %parallel_loop3A_273 = arith.addf %parallel_loop3A_268, %parallel_loop3A_272 : vector<16xf32>
        %parallel_loop3A_274 = arith.constant 0.000000e+00 : f32
        %parallel_loop3A_275 = vector.broadcast %parallel_loop3A_274 : f32 to vector<16xf32>
        %parallel_loop3A_276 = arith.maximumf %parallel_loop3A_273, %parallel_loop3A_275 : vector<16xf32>
        %parallel_loop3A_277 = arith.index_cast %parallel_loop3A_145 : i32 to index
        %parallel_loop3A_278 = arith.constant 112 : index
        %parallel_loop3A_279 = tpu.vector_load %arg8[%parallel_loop3A_277, %parallel_loop3A_278] {strides = array<i32>} : memref<128x128xf32, #tpu.memory_space<vmem>>, vector<1x16xf32>,
        %parallel_loop3A_280 = vector.shape_cast %parallel_loop3A_279 : vector<1x16xf32> to vector<16xf32>
        %parallel_loop3A_281 = vector.shape_cast %parallel_loop3A_276 : vector<16xf32> to vector<1x16xf32>
        tpu.vector_store %arg8[%parallel_loop3A_277, %parallel_loop3A_278], %parallel_loop3A_281 {strides = array<i32>} : memref<128x128xf32, #tpu.memory_space<vmem>>, vector<1x16xf32>,
      } {sc.loop_unroll_factor = 4 : i64, sc.parallel_access}
      %lt3A = arith.constant 0 : i32
      %lt3A_92 = arith.cmpi slt, %add3A_70, %lt3A : i32
      %convert_element_type3A_93 = arith.extui %lt3A_92 : i1 to i32
      %cond3A_94 = arith.constant 0 : i32
      %cond3A_95 = arith.cmpi ne, %convert_element_type3A_93, %cond3A_94 : i32
      scf.if %cond3A_95 {
        %run_scoped3A = arith.constant 1 : i32
        "tpu.region"() ({
          %run_scoped3A_145 = tpu.sem_alloc : memref<!tpu.dma_semaphore, #tpu.memory_space<semaphore_mem>>
          %dma_start3A_146 = arith.constant 0 : i32
          %dma_start3A_147 = tpu.memref_slice %arg6[%run_scoped3A, %dma_start3A_146] : memref<2x128xi32, #tpu.memory_space<vmem>> -> memref<1x128xi32, #tpu.memory_space<vmem>>
          %dma_start3A_148 = tpu.memref_squeeze %dma_start3A_147 : memref<1x128xi32, #tpu.memory_space<vmem>> -> memref<128xi32, #tpu.memory_space<vmem>>
          %dma_start3A_149 = arith.constant 0 : i32
          %dma_start3A_150 = arith.constant 0 : i32
          %dma_start3A_151 = tpu.memref_slice %arg11[%dma_start3A_149, %dma_start3A_150] : memref<10112x128xf32, #tpu.memory_space<vmem_shared>> -> memref<10112x128xf32, #tpu.memory_space<vmem_shared>>
          tpu.enqueue_indirect_dma source(%arg8 : memref<128x128xf32, #tpu.memory_space<vmem>>) target(%dma_start3A_151 : memref<10112x128xf32, #tpu.memory_space<vmem_shared>>) offsets(%dma_start3A_148 : memref<128xi32, #tpu.memory_space<vmem>>) semaphore(%run_scoped3A_145 : memref<!tpu.dma_semaphore, #tpu.memory_space<semaphore_mem>>) {add = true}
          %dma_wait3A_152 = arith.constant 0 : i32
          %dma_wait3A_153 = tpu.memref_slice %arg6[%run_scoped3A, %dma_wait3A_152] : memref<2x128xi32, #tpu.memory_space<vmem>> -> memref<1x128xi32, #tpu.memory_space<vmem>>
          %dma_wait3A_154 = tpu.memref_squeeze %dma_wait3A_153 : memref<1x128xi32, #tpu.memory_space<vmem>> -> memref<128xi32, #tpu.memory_space<vmem>>
          %dma_wait3A_155 = arith.constant 0 : i32
          %dma_wait3A_156 = arith.constant 0 : i32
          %dma_wait3A_157 = tpu.memref_slice %arg11[%dma_wait3A_155, %dma_wait3A_156] : memref<10112x128xf32, #tpu.memory_space<vmem_shared>> -> memref<10112x128xf32, #tpu.memory_space<vmem_shared>>
          tpu.wait_indirect_dma semaphore(%run_scoped3A_145 : memref<!tpu.dma_semaphore, #tpu.memory_space<semaphore_mem>>) src(%arg8 : memref<128x128xf32, #tpu.memory_space<vmem>>) dst(%dma_wait3A_157 : memref<10112x128xf32, #tpu.memory_space<vmem_shared>>)
          tpu.yield
        }) : () -> ()
      } else {
      }
      %add3A_96 = arith.constant 1 : i32
      %add3A_97 = arith.addi %mul3A_69, %add3A_96 : i32
      %le3A_98 = arith.constant 79 : i32
      %le3A_99 = arith.cmpi sle, %add3A_97, %le3A_98 : i32
      %convert_element_type3A_100 = arith.extui %le3A_99 : i1 to i32
      %cond3A_101 = arith.constant 0 : i32
      %cond3A_102 = arith.cmpi ne, %convert_element_type3A_100, %cond3A_101 : i32
      scf.if %cond3A_102 {
        %add3A_145 = arith.constant 1 : i32
        %add3A_146 = arith.addi %mul3A_69, %add3A_145 : i32
        %add3A_147 = arith.addi %mul3A_2, %add3A_146 : i32
        %mul3A_148 = arith.constant 128 : i32
        %mul3A_149 = arith.muli %add3A_147, %mul3A_148 : i32
        %dma_start3A_150 = arith.constant 0 : i32
        %dma_start3A_151 = tpu.memref_slice %arg3[%mul3A_149, %dma_start3A_150] : memref<327680x128xf32, #tpu.memory_space<hbm>> -> memref<128x128xf32, #tpu.memory_space<hbm>>
        %dma_start3A_152 = arith.constant 0 : i32
        %dma_start3A_153 = tpu.memref_slice %arg3[%mul3A_149, %dma_start3A_152] : memref<327680x128xf32, #tpu.memory_space<hbm>> -> memref<128x128xf32, #tpu.memory_space<hbm>>
        tpu.enqueue_dma source(%dma_start3A_153 : memref<128x128xf32, #tpu.memory_space<hbm>>) target(%arg8 : memref<128x128xf32, #tpu.memory_space<vmem>>) target_semaphore(%arg14 : memref<!tpu.dma_semaphore, #tpu.memory_space<semaphore_mem>>)
      } else {
      }
      %mul3A_103 = arith.constant 2 : i32
      %mul3A_104 = arith.muli %mul3A_103, %scan3A_66 : i32
      %add3A_105 = arith.constant 1 : i32
      %add3A_106 = arith.addi %mul3A_104, %add3A_105 : i32
      %add3A_107 = arith.addi %mul3A_2, %add3A_106 : i32
      %add3A_108 = arith.constant 1 : i32
      %add3A_109 = arith.addi %add3A_106, %add3A_108 : i32
      %le3A_110 = arith.constant 79 : i32
      %le3A_111 = arith.cmpi sle, %add3A_109, %le3A_110 : i32
      %convert_element_type3A_112 = arith.extui %le3A_111 : i1 to i32
      %cond3A_113 = arith.constant 0 : i32
      %cond3A_114 = arith.cmpi ne, %convert_element_type3A_112, %cond3A_113 : i32
      scf.if %cond3A_114 {
        %add3A_145 = arith.addi %mul3A_2, %add3A_106 : i32
        %add3A_146 = arith.constant 1 : i32
        %add3A_147 = arith.addi %add3A_145, %add3A_146 : i32
        "tpu.region"() ({
          %run_scoped3A = tpu.sem_alloc : memref<!tpu.dma_semaphore, #tpu.memory_space<semaphore_mem>>
          %dma_start3A_157 = arith.constant 0 : i32
          %dma_start3A_158 = arith.constant 0 : i32
          %dma_start3A_159 = tpu.memref_slice %arg4[%add3A_147, %dma_start3A_157, %dma_start3A_158] : memref<2560x2x128xi32, #tpu.memory_space<hbm>> -> memref<1x2x128xi32, #tpu.memory_space<hbm>>
          %dma_start3A_160 = tpu.memref_squeeze %dma_start3A_159 : memref<1x2x128xi32, #tpu.memory_space<hbm>> -> memref<2x128xi32, #tpu.memory_space<hbm>>
          %dma_start3A_161 = arith.constant 0 : i32
          %dma_start3A_162 = arith.constant 0 : i32
          %dma_start3A_163 = tpu.memref_slice %arg4[%add3A_147, %dma_start3A_161, %dma_start3A_162] : memref<2560x2x128xi32, #tpu.memory_space<hbm>> -> memref<1x2x128xi32, #tpu.memory_space<hbm>>
          %dma_start3A_164 = tpu.memref_squeeze %dma_start3A_163 : memref<1x2x128xi32, #tpu.memory_space<hbm>> -> memref<2x128xi32, #tpu.memory_space<hbm>>
          tpu.enqueue_dma source(%dma_start3A_164 : memref<2x128xi32, #tpu.memory_space<hbm>>) target(%arg6 : memref<2x128xi32, #tpu.memory_space<vmem>>) target_semaphore(%run_scoped3A : memref<!tpu.dma_semaphore, #tpu.memory_space<semaphore_mem>>)
          %dma_wait3A_165 = arith.constant 0 : i32
          %dma_wait3A_166 = arith.constant 0 : i32
          %dma_wait3A_167 = tpu.memref_slice %arg4[%add3A_147, %dma_wait3A_165, %dma_wait3A_166] : memref<2560x2x128xi32, #tpu.memory_space<hbm>> -> memref<1x2x128xi32, #tpu.memory_space<hbm>>
          %dma_wait3A_168 = tpu.memref_squeeze %dma_wait3A_167 : memref<1x2x128xi32, #tpu.memory_space<hbm>> -> memref<2x128xi32, #tpu.memory_space<hbm>>
          %dma_wait3A_169 = arith.constant 0 : i32
          %dma_wait3A_170 = arith.constant 0 : i32
          %dma_wait3A_171 = tpu.memref_slice %arg4[%add3A_147, %dma_wait3A_169, %dma_wait3A_170] : memref<2560x2x128xi32, #tpu.memory_space<hbm>> -> memref<1x2x128xi32, #tpu.memory_space<hbm>>
          %dma_wait3A_172 = tpu.memref_squeeze %dma_wait3A_171 : memref<1x2x128xi32, #tpu.memory_space<hbm>> -> memref<2x128xi32, #tpu.memory_space<hbm>>
          tpu.wait_dma2 semaphore(%run_scoped3A : memref<!tpu.dma_semaphore, #tpu.memory_space<semaphore_mem>>) src(%dma_wait3A_172 : memref<2x128xi32, #tpu.memory_space<hbm>>) dst(%arg6 : memref<2x128xi32, #tpu.memory_space<vmem>>)
          tpu.yield
        }) : () -> ()
        %add3A_148 = arith.constant 1 : i32
        %add3A_149 = arith.addi %add3A_106, %add3A_148 : i32
        %dma_start3A_150 = arith.constant 0 : i32
        %dma_start3A_151 = arith.constant 0 : i32
        %dma_start3A_152 = tpu.memref_slice %arg6[%dma_start3A_150, %dma_start3A_151] : memref<2x128xi32, #tpu.memory_space<vmem>> -> memref<1x128xi32, #tpu.memory_space<vmem>>
        %dma_start3A_153 = tpu.memref_squeeze %dma_start3A_152 : memref<1x128xi32, #tpu.memory_space<vmem>> -> memref<128xi32, #tpu.memory_space<vmem>>
        %dma_start3A_154 = arith.constant 0 : i32
        %dma_start3A_155 = arith.constant 0 : i32
        %dma_start3A_156 = tpu.memref_slice %arg2[%dma_start3A_154, %dma_start3A_155] : memref<10240x128xf32, #tpu.memory_space<hbm>> -> memref<10240x128xf32, #tpu.memory_space<hbm>>
        tpu.enqueue_indirect_dma source(%dma_start3A_156 : memref<10240x128xf32, #tpu.memory_space<hbm>>) target(%arg9 : memref<128x128xf32, #tpu.memory_space<vmem>>) offsets(%dma_start3A_153 : memref<128xi32, #tpu.memory_space<vmem>>) semaphore(%arg12 : memref<!tpu.dma_semaphore, #tpu.memory_space<semaphore_mem>>)
      } else {
      }
      %add3A_115 = arith.addi %mul3A_2, %add3A_106 : i32
      %mul3A_116 = arith.constant 128 : i32
      %mul3A_117 = arith.muli %add3A_115, %mul3A_116 : i32
      %dma_wait3A_118 = arith.constant 0 : i32
      %dma_wait3A_119 = tpu.memref_slice %arg3[%mul3A_117, %dma_wait3A_118] : memref<327680x128xf32, #tpu.memory_space<hbm>> -> memref<128x128xf32, #tpu.memory_space<hbm>>
      %dma_wait3A_120 = arith.constant 0 : i32
      %dma_wait3A_121 = tpu.memref_slice %arg3[%mul3A_117, %dma_wait3A_120] : memref<327680x128xf32, #tpu.memory_space<hbm>> -> memref<128x128xf32, #tpu.memory_space<hbm>>
      tpu.wait_dma2 semaphore(%arg14 : memref<!tpu.dma_semaphore, #tpu.memory_space<semaphore_mem>>) src(%dma_wait3A_121 : memref<128x128xf32, #tpu.memory_space<hbm>>) dst(%arg8 : memref<128x128xf32, #tpu.memory_space<vmem>>)
      %dma_wait3A_122 = arith.constant 0 : i32
      %dma_wait3A_123 = arith.constant 0 : i32
      %dma_wait3A_124 = tpu.memref_slice %arg7[%dma_wait3A_122, %dma_wait3A_123] : memref<2x128xi32, #tpu.memory_space<vmem>> -> memref<1x128xi32, #tpu.memory_space<vmem>>
      %dma_wait3A_125 = tpu.memref_squeeze %dma_wait3A_124 : memref<1x128xi32, #tpu.memory_space<vmem>> -> memref<128xi32, #tpu.memory_space<vmem>>
      %dma_wait3A_126 = arith.constant 0 : i32
      %dma_wait3A_127 = arith.constant 0 : i32
      %dma_wait3A_128 = tpu.memref_slice %arg2[%dma_wait3A_126, %dma_wait3A_127] : memref<10240x128xf32, #tpu.memory_space<hbm>> -> memref<10240x128xf32, #tpu.memory_space<hbm>>
      tpu.wait_indirect_dma semaphore(%arg13 : memref<!tpu.dma_semaphore, #tpu.memory_space<semaphore_mem>>) src(%dma_wait3A_128 : memref<10240x128xf32, #tpu.memory_space<hbm>>) dst(%arg10 : memref<128x128xf32, #tpu.memory_space<vmem>>)
      %parallel_loop3A_129 = arith.constant 0 : i32
      %parallel_loop3A_130 = arith.constant 128 : i32
      %parallel_loop3A_131 = arith.constant 1 : i32
      scf.for %parallel_loop3A_145 = %parallel_loop3A_129 to %parallel_loop3A_130 step %parallel_loop3A_131  : i32 {
        %parallel_loop3A_146 = arith.index_cast %parallel_loop3A_145 : i32 to index
        %parallel_loop3A_147 = arith.constant 0 : index
        %parallel_loop3A_148 = tpu.vector_load %arg10[%parallel_loop3A_146, %parallel_loop3A_147] {strides = array<i32>} : memref<128x128xf32, #tpu.memory_space<vmem>>, vector<1x16xf32>,
        %parallel_loop3A_149 = vector.shape_cast %parallel_loop3A_148 : vector<1x16xf32> to vector<16xf32>
        %parallel_loop3A_150 = arith.index_cast %parallel_loop3A_145 : i32 to index
        %parallel_loop3A_151 = arith.constant 0 : index
        %parallel_loop3A_152 = tpu.vector_load %arg8[%parallel_loop3A_150, %parallel_loop3A_151] {strides = array<i32>} : memref<128x128xf32, #tpu.memory_space<vmem>>, vector<1x16xf32>,
        %parallel_loop3A_153 = vector.shape_cast %parallel_loop3A_152 : vector<1x16xf32> to vector<16xf32>
        %parallel_loop3A_154 = arith.addf %parallel_loop3A_149, %parallel_loop3A_153 : vector<16xf32>
        %parallel_loop3A_155 = arith.constant 0.000000e+00 : f32
        %parallel_loop3A_156 = vector.broadcast %parallel_loop3A_155 : f32 to vector<16xf32>
        %parallel_loop3A_157 = arith.maximumf %parallel_loop3A_154, %parallel_loop3A_156 : vector<16xf32>
        %parallel_loop3A_158 = arith.index_cast %parallel_loop3A_145 : i32 to index
        %parallel_loop3A_159 = arith.constant 0 : index
        %parallel_loop3A_160 = tpu.vector_load %arg8[%parallel_loop3A_158, %parallel_loop3A_159] {strides = array<i32>} : memref<128x128xf32, #tpu.memory_space<vmem>>, vector<1x16xf32>,
        %parallel_loop3A_161 = vector.shape_cast %parallel_loop3A_160 : vector<1x16xf32> to vector<16xf32>
        %parallel_loop3A_162 = vector.shape_cast %parallel_loop3A_157 : vector<16xf32> to vector<1x16xf32>
        tpu.vector_store %arg8[%parallel_loop3A_158, %parallel_loop3A_159], %parallel_loop3A_162 {strides = array<i32>} : memref<128x128xf32, #tpu.memory_space<vmem>>, vector<1x16xf32>,
        %parallel_loop3A_163 = arith.index_cast %parallel_loop3A_145 : i32 to index
        %parallel_loop3A_164 = arith.constant 16 : index
        %parallel_loop3A_165 = tpu.vector_load %arg10[%parallel_loop3A_163, %parallel_loop3A_164] {strides = array<i32>} : memref<128x128xf32, #tpu.memory_space<vmem>>, vector<1x16xf32>,
        %parallel_loop3A_166 = vector.shape_cast %parallel_loop3A_165 : vector<1x16xf32> to vector<16xf32>
        %parallel_loop3A_167 = arith.index_cast %parallel_loop3A_145 : i32 to index
        %parallel_loop3A_168 = arith.constant 16 : index
        %parallel_loop3A_169 = tpu.vector_load %arg8[%parallel_loop3A_167, %parallel_loop3A_168] {strides = array<i32>} : memref<128x128xf32, #tpu.memory_space<vmem>>, vector<1x16xf32>,
        %parallel_loop3A_170 = vector.shape_cast %parallel_loop3A_169 : vector<1x16xf32> to vector<16xf32>
        %parallel_loop3A_171 = arith.addf %parallel_loop3A_166, %parallel_loop3A_170 : vector<16xf32>
        %parallel_loop3A_172 = arith.constant 0.000000e+00 : f32
        %parallel_loop3A_173 = vector.broadcast %parallel_loop3A_172 : f32 to vector<16xf32>
        %parallel_loop3A_174 = arith.maximumf %parallel_loop3A_171, %parallel_loop3A_173 : vector<16xf32>
        %parallel_loop3A_175 = arith.index_cast %parallel_loop3A_145 : i32 to index
        %parallel_loop3A_176 = arith.constant 16 : index
        %parallel_loop3A_177 = tpu.vector_load %arg8[%parallel_loop3A_175, %parallel_loop3A_176] {strides = array<i32>} : memref<128x128xf32, #tpu.memory_space<vmem>>, vector<1x16xf32>,
        %parallel_loop3A_178 = vector.shape_cast %parallel_loop3A_177 : vector<1x16xf32> to vector<16xf32>
        %parallel_loop3A_179 = vector.shape_cast %parallel_loop3A_174 : vector<16xf32> to vector<1x16xf32>
        tpu.vector_store %arg8[%parallel_loop3A_175, %parallel_loop3A_176], %parallel_loop3A_179 {strides = array<i32>} : memref<128x128xf32, #tpu.memory_space<vmem>>, vector<1x16xf32>,
        %parallel_loop3A_180 = arith.index_cast %parallel_loop3A_145 : i32 to index
        %parallel_loop3A_181 = arith.constant 32 : index
        %parallel_loop3A_182 = tpu.vector_load %arg10[%parallel_loop3A_180, %parallel_loop3A_181] {strides = array<i32>} : memref<128x128xf32, #tpu.memory_space<vmem>>, vector<1x16xf32>,
        %parallel_loop3A_183 = vector.shape_cast %parallel_loop3A_182 : vector<1x16xf32> to vector<16xf32>
        %parallel_loop3A_184 = arith.index_cast %parallel_loop3A_145 : i32 to index
        %parallel_loop3A_185 = arith.constant 32 : index
        %parallel_loop3A_186 = tpu.vector_load %arg8[%parallel_loop3A_184, %parallel_loop3A_185] {strides = array<i32>} : memref<128x128xf32, #tpu.memory_space<vmem>>, vector<1x16xf32>,
        %parallel_loop3A_187 = vector.shape_cast %parallel_loop3A_186 : vector<1x16xf32> to vector<16xf32>
        %parallel_loop3A_188 = arith.addf %parallel_loop3A_183, %parallel_loop3A_187 : vector<16xf32>
        %parallel_loop3A_189 = arith.constant 0.000000e+00 : f32
        %parallel_loop3A_190 = vector.broadcast %parallel_loop3A_189 : f32 to vector<16xf32>
        %parallel_loop3A_191 = arith.maximumf %parallel_loop3A_188, %parallel_loop3A_190 : vector<16xf32>
        %parallel_loop3A_192 = arith.index_cast %parallel_loop3A_145 : i32 to index
        %parallel_loop3A_193 = arith.constant 32 : index
        %parallel_loop3A_194 = tpu.vector_load %arg8[%parallel_loop3A_192, %parallel_loop3A_193] {strides = array<i32>} : memref<128x128xf32, #tpu.memory_space<vmem>>, vector<1x16xf32>,
        %parallel_loop3A_195 = vector.shape_cast %parallel_loop3A_194 : vector<1x16xf32> to vector<16xf32>
        %parallel_loop3A_196 = vector.shape_cast %parallel_loop3A_191 : vector<16xf32> to vector<1x16xf32>
        tpu.vector_store %arg8[%parallel_loop3A_192, %parallel_loop3A_193], %parallel_loop3A_196 {strides = array<i32>} : memref<128x128xf32, #tpu.memory_space<vmem>>, vector<1x16xf32>,
        %parallel_loop3A_197 = arith.index_cast %parallel_loop3A_145 : i32 to index
        %parallel_loop3A_198 = arith.constant 48 : index
        %parallel_loop3A_199 = tpu.vector_load %arg10[%parallel_loop3A_197, %parallel_loop3A_198] {strides = array<i32>} : memref<128x128xf32, #tpu.memory_space<vmem>>, vector<1x16xf32>,
        %parallel_loop3A_200 = vector.shape_cast %parallel_loop3A_199 : vector<1x16xf32> to vector<16xf32>
        %parallel_loop3A_201 = arith.index_cast %parallel_loop3A_145 : i32 to index
        %parallel_loop3A_202 = arith.constant 48 : index
        %parallel_loop3A_203 = tpu.vector_load %arg8[%parallel_loop3A_201, %parallel_loop3A_202] {strides = array<i32>} : memref<128x128xf32, #tpu.memory_space<vmem>>, vector<1x16xf32>,
        %parallel_loop3A_204 = vector.shape_cast %parallel_loop3A_203 : vector<1x16xf32> to vector<16xf32>
        %parallel_loop3A_205 = arith.addf %parallel_loop3A_200, %parallel_loop3A_204 : vector<16xf32>
        %parallel_loop3A_206 = arith.constant 0.000000e+00 : f32
        %parallel_loop3A_207 = vector.broadcast %parallel_loop3A_206 : f32 to vector<16xf32>
        %parallel_loop3A_208 = arith.maximumf %parallel_loop3A_205, %parallel_loop3A_207 : vector<16xf32>
        %parallel_loop3A_209 = arith.index_cast %parallel_loop3A_145 : i32 to index
        %parallel_loop3A_210 = arith.constant 48 : index
        %parallel_loop3A_211 = tpu.vector_load %arg8[%parallel_loop3A_209, %parallel_loop3A_210] {strides = array<i32>} : memref<128x128xf32, #tpu.memory_space<vmem>>, vector<1x16xf32>,
        %parallel_loop3A_212 = vector.shape_cast %parallel_loop3A_211 : vector<1x16xf32> to vector<16xf32>
        %parallel_loop3A_213 = vector.shape_cast %parallel_loop3A_208 : vector<16xf32> to vector<1x16xf32>
        tpu.vector_store %arg8[%parallel_loop3A_209, %parallel_loop3A_210], %parallel_loop3A_213 {strides = array<i32>} : memref<128x128xf32, #tpu.memory_space<vmem>>, vector<1x16xf32>,
        %parallel_loop3A_214 = arith.index_cast %parallel_loop3A_145 : i32 to index
        %parallel_loop3A_215 = arith.constant 64 : index
        %parallel_loop3A_216 = tpu.vector_load %arg10[%parallel_loop3A_214, %parallel_loop3A_215] {strides = array<i32>} : memref<128x128xf32, #tpu.memory_space<vmem>>, vector<1x16xf32>,
        %parallel_loop3A_217 = vector.shape_cast %parallel_loop3A_216 : vector<1x16xf32> to vector<16xf32>
        %parallel_loop3A_218 = arith.index_cast %parallel_loop3A_145 : i32 to index
        %parallel_loop3A_219 = arith.constant 64 : index
        %parallel_loop3A_220 = tpu.vector_load %arg8[%parallel_loop3A_218, %parallel_loop3A_219] {strides = array<i32>} : memref<128x128xf32, #tpu.memory_space<vmem>>, vector<1x16xf32>,
        %parallel_loop3A_221 = vector.shape_cast %parallel_loop3A_220 : vector<1x16xf32> to vector<16xf32>
        %parallel_loop3A_222 = arith.addf %parallel_loop3A_217, %parallel_loop3A_221 : vector<16xf32>
        %parallel_loop3A_223 = arith.constant 0.000000e+00 : f32
        %parallel_loop3A_224 = vector.broadcast %parallel_loop3A_223 : f32 to vector<16xf32>
        %parallel_loop3A_225 = arith.maximumf %parallel_loop3A_222, %parallel_loop3A_224 : vector<16xf32>
        %parallel_loop3A_226 = arith.index_cast %parallel_loop3A_145 : i32 to index
        %parallel_loop3A_227 = arith.constant 64 : index
        %parallel_loop3A_228 = tpu.vector_load %arg8[%parallel_loop3A_226, %parallel_loop3A_227] {strides = array<i32>} : memref<128x128xf32, #tpu.memory_space<vmem>>, vector<1x16xf32>,
        %parallel_loop3A_229 = vector.shape_cast %parallel_loop3A_228 : vector<1x16xf32> to vector<16xf32>
        %parallel_loop3A_230 = vector.shape_cast %parallel_loop3A_225 : vector<16xf32> to vector<1x16xf32>
        tpu.vector_store %arg8[%parallel_loop3A_226, %parallel_loop3A_227], %parallel_loop3A_230 {strides = array<i32>} : memref<128x128xf32, #tpu.memory_space<vmem>>, vector<1x16xf32>,
        %parallel_loop3A_231 = arith.index_cast %parallel_loop3A_145 : i32 to index
        %parallel_loop3A_232 = arith.constant 80 : index
        %parallel_loop3A_233 = tpu.vector_load %arg10[%parallel_loop3A_231, %parallel_loop3A_232] {strides = array<i32>} : memref<128x128xf32, #tpu.memory_space<vmem>>, vector<1x16xf32>,
        %parallel_loop3A_234 = vector.shape_cast %parallel_loop3A_233 : vector<1x16xf32> to vector<16xf32>
        %parallel_loop3A_235 = arith.index_cast %parallel_loop3A_145 : i32 to index
        %parallel_loop3A_236 = arith.constant 80 : index
        %parallel_loop3A_237 = tpu.vector_load %arg8[%parallel_loop3A_235, %parallel_loop3A_236] {strides = array<i32>} : memref<128x128xf32, #tpu.memory_space<vmem>>, vector<1x16xf32>,
        %parallel_loop3A_238 = vector.shape_cast %parallel_loop3A_237 : vector<1x16xf32> to vector<16xf32>
        %parallel_loop3A_239 = arith.addf %parallel_loop3A_234, %parallel_loop3A_238 : vector<16xf32>
        %parallel_loop3A_240 = arith.constant 0.000000e+00 : f32
        %parallel_loop3A_241 = vector.broadcast %parallel_loop3A_240 : f32 to vector<16xf32>
        %parallel_loop3A_242 = arith.maximumf %parallel_loop3A_239, %parallel_loop3A_241 : vector<16xf32>
        %parallel_loop3A_243 = arith.index_cast %parallel_loop3A_145 : i32 to index
        %parallel_loop3A_244 = arith.constant 80 : index
        %parallel_loop3A_245 = tpu.vector_load %arg8[%parallel_loop3A_243, %parallel_loop3A_244] {strides = array<i32>} : memref<128x128xf32, #tpu.memory_space<vmem>>, vector<1x16xf32>,
        %parallel_loop3A_246 = vector.shape_cast %parallel_loop3A_245 : vector<1x16xf32> to vector<16xf32>
        %parallel_loop3A_247 = vector.shape_cast %parallel_loop3A_242 : vector<16xf32> to vector<1x16xf32>
        tpu.vector_store %arg8[%parallel_loop3A_243, %parallel_loop3A_244], %parallel_loop3A_247 {strides = array<i32>} : memref<128x128xf32, #tpu.memory_space<vmem>>, vector<1x16xf32>,
        %parallel_loop3A_248 = arith.index_cast %parallel_loop3A_145 : i32 to index
        %parallel_loop3A_249 = arith.constant 96 : index
        %parallel_loop3A_250 = tpu.vector_load %arg10[%parallel_loop3A_248, %parallel_loop3A_249] {strides = array<i32>} : memref<128x128xf32, #tpu.memory_space<vmem>>, vector<1x16xf32>,
        %parallel_loop3A_251 = vector.shape_cast %parallel_loop3A_250 : vector<1x16xf32> to vector<16xf32>
        %parallel_loop3A_252 = arith.index_cast %parallel_loop3A_145 : i32 to index
        %parallel_loop3A_253 = arith.constant 96 : index
        %parallel_loop3A_254 = tpu.vector_load %arg8[%parallel_loop3A_252, %parallel_loop3A_253] {strides = array<i32>} : memref<128x128xf32, #tpu.memory_space<vmem>>, vector<1x16xf32>,
        %parallel_loop3A_255 = vector.shape_cast %parallel_loop3A_254 : vector<1x16xf32> to vector<16xf32>
        %parallel_loop3A_256 = arith.addf %parallel_loop3A_251, %parallel_loop3A_255 : vector<16xf32>
        %parallel_loop3A_257 = arith.constant 0.000000e+00 : f32
        %parallel_loop3A_258 = vector.broadcast %parallel_loop3A_257 : f32 to vector<16xf32>
        %parallel_loop3A_259 = arith.maximumf %parallel_loop3A_256, %parallel_loop3A_258 : vector<16xf32>
        %parallel_loop3A_260 = arith.index_cast %parallel_loop3A_145 : i32 to index
        %parallel_loop3A_261 = arith.constant 96 : index
        %parallel_loop3A_262 = tpu.vector_load %arg8[%parallel_loop3A_260, %parallel_loop3A_261] {strides = array<i32>} : memref<128x128xf32, #tpu.memory_space<vmem>>, vector<1x16xf32>,
        %parallel_loop3A_263 = vector.shape_cast %parallel_loop3A_262 : vector<1x16xf32> to vector<16xf32>
        %parallel_loop3A_264 = vector.shape_cast %parallel_loop3A_259 : vector<16xf32> to vector<1x16xf32>
        tpu.vector_store %arg8[%parallel_loop3A_260, %parallel_loop3A_261], %parallel_loop3A_264 {strides = array<i32>} : memref<128x128xf32, #tpu.memory_space<vmem>>, vector<1x16xf32>,
        %parallel_loop3A_265 = arith.index_cast %parallel_loop3A_145 : i32 to index
        %parallel_loop3A_266 = arith.constant 112 : index
        %parallel_loop3A_267 = tpu.vector_load %arg10[%parallel_loop3A_265, %parallel_loop3A_266] {strides = array<i32>} : memref<128x128xf32, #tpu.memory_space<vmem>>, vector<1x16xf32>,
        %parallel_loop3A_268 = vector.shape_cast %parallel_loop3A_267 : vector<1x16xf32> to vector<16xf32>
        %parallel_loop3A_269 = arith.index_cast %parallel_loop3A_145 : i32 to index
        %parallel_loop3A_270 = arith.constant 112 : index
        %parallel_loop3A_271 = tpu.vector_load %arg8[%parallel_loop3A_269, %parallel_loop3A_270] {strides = array<i32>} : memref<128x128xf32, #tpu.memory_space<vmem>>, vector<1x16xf32>,
        %parallel_loop3A_272 = vector.shape_cast %parallel_loop3A_271 : vector<1x16xf32> to vector<16xf32>
        %parallel_loop3A_273 = arith.addf %parallel_loop3A_268, %parallel_loop3A_272 : vector<16xf32>
        %parallel_loop3A_274 = arith.constant 0.000000e+00 : f32
        %parallel_loop3A_275 = vector.broadcast %parallel_loop3A_274 : f32 to vector<16xf32>
        %parallel_loop3A_276 = arith.maximumf %parallel_loop3A_273, %parallel_loop3A_275 : vector<16xf32>
        %parallel_loop3A_277 = arith.index_cast %parallel_loop3A_145 : i32 to index
        %parallel_loop3A_278 = arith.constant 112 : index
        %parallel_loop3A_279 = tpu.vector_load %arg8[%parallel_loop3A_277, %parallel_loop3A_278] {strides = array<i32>} : memref<128x128xf32, #tpu.memory_space<vmem>>, vector<1x16xf32>,
        %parallel_loop3A_280 = vector.shape_cast %parallel_loop3A_279 : vector<1x16xf32> to vector<16xf32>
        %parallel_loop3A_281 = vector.shape_cast %parallel_loop3A_276 : vector<16xf32> to vector<1x16xf32>
        tpu.vector_store %arg8[%parallel_loop3A_277, %parallel_loop3A_278], %parallel_loop3A_281 {strides = array<i32>} : memref<128x128xf32, #tpu.memory_space<vmem>>, vector<1x16xf32>,
      } {sc.loop_unroll_factor = 4 : i64, sc.parallel_access}
      %lt3A_132 = arith.constant 0 : i32
      %lt3A_133 = arith.cmpi slt, %add3A_107, %lt3A_132 : i32
      %convert_element_type3A_134 = arith.extui %lt3A_133 : i1 to i32
      %cond3A_135 = arith.constant 0 : i32
      %cond3A_136 = arith.cmpi ne, %convert_element_type3A_134, %cond3A_135 : i32
      scf.if %cond3A_136 {
        %run_scoped3A = arith.constant 1 : i32
        "tpu.region"() ({
          %run_scoped3A_145 = tpu.sem_alloc : memref<!tpu.dma_semaphore, #tpu.memory_space<semaphore_mem>>
          %dma_start3A_146 = arith.constant 0 : i32
          %dma_start3A_147 = tpu.memref_slice %arg7[%run_scoped3A, %dma_start3A_146] : memref<2x128xi32, #tpu.memory_space<vmem>> -> memref<1x128xi32, #tpu.memory_space<vmem>>
          %dma_start3A_148 = tpu.memref_squeeze %dma_start3A_147 : memref<1x128xi32, #tpu.memory_space<vmem>> -> memref<128xi32, #tpu.memory_space<vmem>>
          %dma_start3A_149 = arith.constant 0 : i32
          %dma_start3A_150 = arith.constant 0 : i32
          %dma_start3A_151 = tpu.memref_slice %arg11[%dma_start3A_149, %dma_start3A_150] : memref<10112x128xf32, #tpu.memory_space<vmem_shared>> -> memref<10112x128xf32, #tpu.memory_space<vmem_shared>>
          tpu.enqueue_indirect_dma source(%arg8 : memref<128x128xf32, #tpu.memory_space<vmem>>) target(%dma_start3A_151 : memref<10112x128xf32, #tpu.memory_space<vmem_shared>>) offsets(%dma_start3A_148 : memref<128xi32, #tpu.memory_space<vmem>>) semaphore(%run_scoped3A_145 : memref<!tpu.dma_semaphore, #tpu.memory_space<semaphore_mem>>) {add = true}
          %dma_wait3A_152 = arith.constant 0 : i32
          %dma_wait3A_153 = tpu.memref_slice %arg7[%run_scoped3A, %dma_wait3A_152] : memref<2x128xi32, #tpu.memory_space<vmem>> -> memref<1x128xi32, #tpu.memory_space<vmem>>
          %dma_wait3A_154 = tpu.memref_squeeze %dma_wait3A_153 : memref<1x128xi32, #tpu.memory_space<vmem>> -> memref<128xi32, #tpu.memory_space<vmem>>
          %dma_wait3A_155 = arith.constant 0 : i32
          %dma_wait3A_156 = arith.constant 0 : i32
          %dma_wait3A_157 = tpu.memref_slice %arg11[%dma_wait3A_155, %dma_wait3A_156] : memref<10112x128xf32, #tpu.memory_space<vmem_shared>> -> memref<10112x128xf32, #tpu.memory_space<vmem_shared>>
          tpu.wait_indirect_dma semaphore(%run_scoped3A_145 : memref<!tpu.dma_semaphore, #tpu.memory_space<semaphore_mem>>) src(%arg8 : memref<128x128xf32, #tpu.memory_space<vmem>>) dst(%dma_wait3A_157 : memref<10112x128xf32, #tpu.memory_space<vmem_shared>>)
          tpu.yield
        }) : () -> ()
      } else {
      }
      %add3A_137 = arith.constant 1 : i32
      %add3A_138 = arith.addi %add3A_106, %add3A_137 : i32
      %le3A_139 = arith.constant 79 : i32
      %le3A_140 = arith.cmpi sle, %add3A_138, %le3A_139 : i32
      %convert_element_type3A_141 = arith.extui %le3A_140 : i1 to i32
      %cond3A_142 = arith.constant 0 : i32
      %cond3A_143 = arith.cmpi ne, %convert_element_type3A_141, %cond3A_142 : i32
      scf.if %cond3A_143 {
        %add3A_145 = arith.constant 1 : i32
        %add3A_146 = arith.addi %add3A_106, %add3A_145 : i32
        %add3A_147 = arith.addi %mul3A_2, %add3A_146 : i32
        %mul3A_148 = arith.constant 128 : i32
        %mul3A_149 = arith.muli %add3A_147, %mul3A_148 : i32
        %dma_start3A_150 = arith.constant 0 : i32
        %dma_start3A_151 = tpu.memref_slice %arg3[%mul3A_149, %dma_start3A_150] : memref<327680x128xf32, #tpu.memory_space<hbm>> -> memref<128x128xf32, #tpu.memory_space<hbm>>
        %dma_start3A_152 = arith.constant 0 : i32
        %dma_start3A_153 = tpu.memref_slice %arg3[%mul3A_149, %dma_start3A_152] : memref<327680x128xf32, #tpu.memory_space<hbm>> -> memref<128x128xf32, #tpu.memory_space<hbm>>
        tpu.enqueue_dma source(%dma_start3A_153 : memref<128x128xf32, #tpu.memory_space<hbm>>) target(%arg8 : memref<128x128xf32, #tpu.memory_space<vmem>>) target_semaphore(%arg14 : memref<!tpu.dma_semaphore, #tpu.memory_space<semaphore_mem>>)
      } else {
      }
      %scan3A_144 = arith.constant 0 : i32
      scf.yield %scan3A_144 : i32
    }
    %scan3A_42 = arith.constant 40 : i32
    %barrier3A_43 = arith.constant 0 : index
    tpu.barrier barrier_id(%barrier3A_43)
    %add3A_44 = arith.constant 0 : i32
    %add3A_45 = arith.addi %mul3A_11, %add3A_44 : i32
    %add3A_46 = arith.constant 0 : i32
    %add3A_47 = arith.addi %mul3A_11, %add3A_46 : i32
    "tpu.region"() ({
      %run_scoped3A = tpu.sem_alloc : memref<!tpu.dma_semaphore, #tpu.memory_space<semaphore_mem>>
      %dma_start3A_66 = arith.constant 0 : i32
      %dma_start3A_67 = tpu.memref_slice %arg5[%arg0, %add3A_47, %dma_start3A_66] : memref<2x10240x128xf32, #tpu.memory_space<hbm>> -> memref<1x128x128xf32, #tpu.memory_space<hbm>>
      %dma_start3A_68 = tpu.memref_squeeze %dma_start3A_67 : memref<1x128x128xf32, #tpu.memory_space<hbm>> -> memref<128x128xf32, #tpu.memory_space<hbm>>
      %dma_start3A_69 = arith.constant 0 : i32
      %dma_start3A_70 = tpu.memref_slice %arg11[%add3A_45, %dma_start3A_69] : memref<10112x128xf32, #tpu.memory_space<vmem_shared>> -> memref<128x128xf32, #tpu.memory_space<vmem_shared>>
      tpu.enqueue_dma source(%dma_start3A_70 : memref<128x128xf32, #tpu.memory_space<vmem_shared>>) target(%dma_start3A_68 : memref<128x128xf32, #tpu.memory_space<hbm>>) target_semaphore(%run_scoped3A : memref<!tpu.dma_semaphore, #tpu.memory_space<semaphore_mem>>)
      %dma_wait3A = arith.constant 0 : i32
      %dma_wait3A_71 = tpu.memref_slice %arg5[%arg0, %add3A_47, %dma_wait3A] : memref<2x10240x128xf32, #tpu.memory_space<hbm>> -> memref<1x128x128xf32, #tpu.memory_space<hbm>>
      %dma_wait3A_72 = tpu.memref_squeeze %dma_wait3A_71 : memref<1x128x128xf32, #tpu.memory_space<hbm>> -> memref<128x128xf32, #tpu.memory_space<hbm>>
      %dma_wait3A_73 = arith.constant 0 : i32
      %dma_wait3A_74 = tpu.memref_slice %arg11[%add3A_45, %dma_wait3A_73] : memref<10112x128xf32, #tpu.memory_space<vmem_shared>> -> memref<128x128xf32, #tpu.memory_space<vmem_shared>>
      tpu.wait_dma2 semaphore(%run_scoped3A : memref<!tpu.dma_semaphore, #tpu.memory_space<semaphore_mem>>) src(%dma_wait3A_74 : memref<128x128xf32, #tpu.memory_space<vmem_shared>>) dst(%dma_wait3A_72 : memref<128x128xf32, #tpu.memory_space<hbm>>)
      tpu.yield
    }) : () -> ()
    %add3A_48 = arith.constant 128 : i32
    %add3A_49 = arith.addi %mul3A_11, %add3A_48 : i32
    %add3A_50 = arith.constant 128 : i32
    %add3A_51 = arith.addi %mul3A_11, %add3A_50 : i32
    "tpu.region"() ({
      %run_scoped3A = tpu.sem_alloc : memref<!tpu.dma_semaphore, #tpu.memory_space<semaphore_mem>>
      %dma_start3A_66 = arith.constant 0 : i32
      %dma_start3A_67 = tpu.memref_slice %arg5[%arg0, %add3A_51, %dma_start3A_66] : memref<2x10240x128xf32, #tpu.memory_space<hbm>> -> memref<1x128x128xf32, #tpu.memory_space<hbm>>
      %dma_start3A_68 = tpu.memref_squeeze %dma_start3A_67 : memref<1x128x128xf32, #tpu.memory_space<hbm>> -> memref<128x128xf32, #tpu.memory_space<hbm>>
      %dma_start3A_69 = arith.constant 0 : i32
      %dma_start3A_70 = tpu.memref_slice %arg11[%add3A_49, %dma_start3A_69] : memref<10112x128xf32, #tpu.memory_space<vmem_shared>> -> memref<128x128xf32, #tpu.memory_space<vmem_shared>>
      tpu.enqueue_dma source(%dma_start3A_70 : memref<128x128xf32, #tpu.memory_space<vmem_shared>>) target(%dma_start3A_68 : memref<128x128xf32, #tpu.memory_space<hbm>>) target_semaphore(%run_scoped3A : memref<!tpu.dma_semaphore, #tpu.memory_space<semaphore_mem>>)
      %dma_wait3A = arith.constant 0 : i32
      %dma_wait3A_71 = tpu.memref_slice %arg5[%arg0, %add3A_51, %dma_wait3A] : memref<2x10240x128xf32, #tpu.memory_space<hbm>> -> memref<1x128x128xf32, #tpu.memory_space<hbm>>
      %dma_wait3A_72 = tpu.memref_squeeze %dma_wait3A_71 : memref<1x128x128xf32, #tpu.memory_space<hbm>> -> memref<128x128xf32, #tpu.memory_space<hbm>>
      %dma_wait3A_73 = arith.constant 0 : i32
      %dma_wait3A_74 = tpu.memref_slice %arg11[%add3A_49, %dma_wait3A_73] : memref<10112x128xf32, #tpu.memory_space<vmem_shared>> -> memref<128x128xf32, #tpu.memory_space<vmem_shared>>
      tpu.wait_dma2 semaphore(%run_scoped3A : memref<!tpu.dma_semaphore, #tpu.memory_space<semaphore_mem>>) src(%dma_wait3A_74 : memref<128x128xf32, #tpu.memory_space<vmem_shared>>) dst(%dma_wait3A_72 : memref<128x128xf32, #tpu.memory_space<hbm>>)
      tpu.yield
    }) : () -> ()
    %add3A_52 = arith.constant 256 : i32
    %add3A_53 = arith.addi %mul3A_11, %add3A_52 : i32
    %add3A_54 = arith.constant 256 : i32
    %add3A_55 = arith.addi %mul3A_11, %add3A_54 : i32
    "tpu.region"() ({
      %run_scoped3A = tpu.sem_alloc : memref<!tpu.dma_semaphore, #tpu.memory_space<semaphore_mem>>
      %dma_start3A_66 = arith.constant 0 : i32
      %dma_start3A_67 = tpu.memref_slice %arg5[%arg0, %add3A_55, %dma_start3A_66] : memref<2x10240x128xf32, #tpu.memory_space<hbm>> -> memref<1x128x128xf32, #tpu.memory_space<hbm>>
      %dma_start3A_68 = tpu.memref_squeeze %dma_start3A_67 : memref<1x128x128xf32, #tpu.memory_space<hbm>> -> memref<128x128xf32, #tpu.memory_space<hbm>>
      %dma_start3A_69 = arith.constant 0 : i32
      %dma_start3A_70 = tpu.memref_slice %arg11[%add3A_53, %dma_start3A_69] : memref<10112x128xf32, #tpu.memory_space<vmem_shared>> -> memref<128x128xf32, #tpu.memory_space<vmem_shared>>
      tpu.enqueue_dma source(%dma_start3A_70 : memref<128x128xf32, #tpu.memory_space<vmem_shared>>) target(%dma_start3A_68 : memref<128x128xf32, #tpu.memory_space<hbm>>) target_semaphore(%run_scoped3A : memref<!tpu.dma_semaphore, #tpu.memory_space<semaphore_mem>>)
      %dma_wait3A = arith.constant 0 : i32
      %dma_wait3A_71 = tpu.memref_slice %arg5[%arg0, %add3A_55, %dma_wait3A] : memref<2x10240x128xf32, #tpu.memory_space<hbm>> -> memref<1x128x128xf32, #tpu.memory_space<hbm>>
      %dma_wait3A_72 = tpu.memref_squeeze %dma_wait3A_71 : memref<1x128x128xf32, #tpu.memory_space<hbm>> -> memref<128x128xf32, #tpu.memory_space<hbm>>
      %dma_wait3A_73 = arith.constant 0 : i32
      %dma_wait3A_74 = tpu.memref_slice %arg11[%add3A_53, %dma_wait3A_73] : memref<10112x128xf32, #tpu.memory_space<vmem_shared>> -> memref<128x128xf32, #tpu.memory_space<vmem_shared>>
      tpu.wait_dma2 semaphore(%run_scoped3A : memref<!tpu.dma_semaphore, #tpu.memory_space<semaphore_mem>>) src(%dma_wait3A_74 : memref<128x128xf32, #tpu.memory_space<vmem_shared>>) dst(%dma_wait3A_72 : memref<128x128xf32, #tpu.memory_space<hbm>>)
      tpu.yield
    }) : () -> ()
    %add3A_56 = arith.constant 384 : i32
    %add3A_57 = arith.addi %mul3A_11, %add3A_56 : i32
    %add3A_58 = arith.constant 384 : i32
    %add3A_59 = arith.addi %mul3A_11, %add3A_58 : i32
    "tpu.region"() ({
      %run_scoped3A = tpu.sem_alloc : memref<!tpu.dma_semaphore, #tpu.memory_space<semaphore_mem>>
      %dma_start3A_66 = arith.constant 0 : i32
      %dma_start3A_67 = tpu.memref_slice %arg5[%arg0, %add3A_59, %dma_start3A_66] : memref<2x10240x128xf32, #tpu.memory_space<hbm>> -> memref<1x128x128xf32, #tpu.memory_space<hbm>>
      %dma_start3A_68 = tpu.memref_squeeze %dma_start3A_67 : memref<1x128x128xf32, #tpu.memory_space<hbm>> -> memref<128x128xf32, #tpu.memory_space<hbm>>
      %dma_start3A_69 = arith.constant 0 : i32
      %dma_start3A_70 = tpu.memref_slice %arg11[%add3A_57, %dma_start3A_69] : memref<10112x128xf32, #tpu.memory_space<vmem_shared>> -> memref<128x128xf32, #tpu.memory_space<vmem_shared>>
      tpu.enqueue_dma source(%dma_start3A_70 : memref<128x128xf32, #tpu.memory_space<vmem_shared>>) target(%dma_start3A_68 : memref<128x128xf32, #tpu.memory_space<hbm>>) target_semaphore(%run_scoped3A : memref<!tpu.dma_semaphore, #tpu.memory_space<semaphore_mem>>)
      %dma_wait3A = arith.constant 0 : i32
      %dma_wait3A_71 = tpu.memref_slice %arg5[%arg0, %add3A_59, %dma_wait3A] : memref<2x10240x128xf32, #tpu.memory_space<hbm>> -> memref<1x128x128xf32, #tpu.memory_space<hbm>>
      %dma_wait3A_72 = tpu.memref_squeeze %dma_wait3A_71 : memref<1x128x128xf32, #tpu.memory_space<hbm>> -> memref<128x128xf32, #tpu.memory_space<hbm>>
      %dma_wait3A_73 = arith.constant 0 : i32
      %dma_wait3A_74 = tpu.memref_slice %arg11[%add3A_57, %dma_wait3A_73] : memref<10112x128xf32, #tpu.memory_space<vmem_shared>> -> memref<128x128xf32, #tpu.memory_space<vmem_shared>>
      tpu.wait_dma2 semaphore(%run_scoped3A : memref<!tpu.dma_semaphore, #tpu.memory_space<semaphore_mem>>) src(%dma_wait3A_74 : memref<128x128xf32, #tpu.memory_space<vmem_shared>>) dst(%dma_wait3A_72 : memref<128x128xf32, #tpu.memory_space<hbm>>)
      tpu.yield
    }) : () -> ()
    %add3A_60 = arith.constant 512 : i32
    %add3A_61 = arith.addi %mul3A_11, %add3A_60 : i32
    %add3A_62 = arith.constant 512 : i32
    %add3A_63 = arith.addi %mul3A_11, %add3A_62 : i32
    "tpu.region"() ({
      %run_scoped3A = tpu.sem_alloc : memref<!tpu.dma_semaphore, #tpu.memory_space<semaphore_mem>>
      %dma_start3A_66 = arith.constant 0 : i32
      %dma_start3A_67 = tpu.memref_slice %arg5[%arg0, %add3A_63, %dma_start3A_66] : memref<2x10240x128xf32, #tpu.memory_space<hbm>> -> memref<1x120x128xf32, #tpu.memory_space<hbm>>
      %dma_start3A_68 = tpu.memref_squeeze %dma_start3A_67 : memref<1x120x128xf32, #tpu.memory_space<hbm>> -> memref<120x128xf32, #tpu.memory_space<hbm>>
      %dma_start3A_69 = arith.constant 0 : i32
      %dma_start3A_70 = tpu.memref_slice %arg11[%add3A_61, %dma_start3A_69] : memref<10112x128xf32, #tpu.memory_space<vmem_shared>> -> memref<120x128xf32, #tpu.memory_space<vmem_shared>>
      tpu.enqueue_dma source(%dma_start3A_70 : memref<120x128xf32, #tpu.memory_space<vmem_shared>>) target(%dma_start3A_68 : memref<120x128xf32, #tpu.memory_space<hbm>>) target_semaphore(%run_scoped3A : memref<!tpu.dma_semaphore, #tpu.memory_space<semaphore_mem>>)
      %dma_wait3A = arith.constant 0 : i32
      %dma_wait3A_71 = tpu.memref_slice %arg5[%arg0, %add3A_63, %dma_wait3A] : memref<2x10240x128xf32, #tpu.memory_space<hbm>> -> memref<1x120x128xf32, #tpu.memory_space<hbm>>
      %dma_wait3A_72 = tpu.memref_squeeze %dma_wait3A_71 : memref<1x120x128xf32, #tpu.memory_space<hbm>> -> memref<120x128xf32, #tpu.memory_space<hbm>>
      %dma_wait3A_73 = arith.constant 0 : i32
      %dma_wait3A_74 = tpu.memref_slice %arg11[%add3A_61, %dma_wait3A_73] : memref<10112x128xf32, #tpu.memory_space<vmem_shared>> -> memref<120x128xf32, #tpu.memory_space<vmem_shared>>
      tpu.wait_dma2 semaphore(%run_scoped3A : memref<!tpu.dma_semaphore, #tpu.memory_space<semaphore_mem>>) src(%dma_wait3A_74 : memref<120x128xf32, #tpu.memory_space<vmem_shared>>) dst(%dma_wait3A_72 : memref<120x128xf32, #tpu.memory_space<hbm>>)
      tpu.yield
    }) : () -> ()
    %eq3A = arith.constant 15 : i32
    %eq3A_64 = arith.cmpi eq, %arg1, %eq3A : i32
    %convert_element_type3A = arith.extui %eq3A_64 : i1 to i32
    %cond3A = arith.constant 0 : i32
    %cond3A_65 = arith.cmpi ne, %convert_element_type3A, %cond3A : i32
    scf.if %cond3A_65 {
      %scan3A_66 = arith.constant 0 : i32
      %scan3A_67 = arith.constant 0 : i32
      %scan3A_68 = arith.constant 128 : i32
      %scan3A_69 = arith.addi %scan3A_67, %scan3A_68 : i32
      %scan3A_70 = arith.constant 1 : i32
      %scan3A_71 = scf.for %scan3A_73 = %scan3A_67 to %scan3A_69 step %scan3A_70 iter_args(%scan3A_74 = %scan3A_66) -> (i32)  : i32 {
        %swap3A = arith.index_cast %scan3A_73 : i32 to index
        %swap3A_75 = arith.constant 0 : index
        %swap3A_76 = tpu.vector_load %arg8[%swap3A, %swap3A_75] {strides = array<i32>} : memref<128x128xf32, #tpu.memory_space<vmem>>, vector<1x16xf32>,
        %swap3A_77 = vector.shape_cast %swap3A_76 : vector<1x16xf32> to vector<16xf32>
        %swap3A_78 = vector.shape_cast %broadcast_in_dim3A_3 : vector<16xf32> to vector<1x16xf32>
        tpu.vector_store %arg8[%swap3A, %swap3A_75], %swap3A_78 {strides = array<i32>} : memref<128x128xf32, #tpu.memory_space<vmem>>, vector<1x16xf32>,
        %swap3A_79 = arith.index_cast %scan3A_73 : i32 to index
        %swap3A_80 = arith.constant 16 : index
        %swap3A_81 = tpu.vector_load %arg8[%swap3A_79, %swap3A_80] {strides = array<i32>} : memref<128x128xf32, #tpu.memory_space<vmem>>, vector<1x16xf32>,
        %swap3A_82 = vector.shape_cast %swap3A_81 : vector<1x16xf32> to vector<16xf32>
        %swap3A_83 = vector.shape_cast %broadcast_in_dim3A_3 : vector<16xf32> to vector<1x16xf32>
        tpu.vector_store %arg8[%swap3A_79, %swap3A_80], %swap3A_83 {strides = array<i32>} : memref<128x128xf32, #tpu.memory_space<vmem>>, vector<1x16xf32>,
        %swap3A_84 = arith.index_cast %scan3A_73 : i32 to index
        %swap3A_85 = arith.constant 32 : index
        %swap3A_86 = tpu.vector_load %arg8[%swap3A_84, %swap3A_85] {strides = array<i32>} : memref<128x128xf32, #tpu.memory_space<vmem>>, vector<1x16xf32>,
        %swap3A_87 = vector.shape_cast %swap3A_86 : vector<1x16xf32> to vector<16xf32>
        %swap3A_88 = vector.shape_cast %broadcast_in_dim3A_3 : vector<16xf32> to vector<1x16xf32>
        tpu.vector_store %arg8[%swap3A_84, %swap3A_85], %swap3A_88 {strides = array<i32>} : memref<128x128xf32, #tpu.memory_space<vmem>>, vector<1x16xf32>,
        %swap3A_89 = arith.index_cast %scan3A_73 : i32 to index
        %swap3A_90 = arith.constant 48 : index
        %swap3A_91 = tpu.vector_load %arg8[%swap3A_89, %swap3A_90] {strides = array<i32>} : memref<128x128xf32, #tpu.memory_space<vmem>>, vector<1x16xf32>,
        %swap3A_92 = vector.shape_cast %swap3A_91 : vector<1x16xf32> to vector<16xf32>
        %swap3A_93 = vector.shape_cast %broadcast_in_dim3A_3 : vector<16xf32> to vector<1x16xf32>
        tpu.vector_store %arg8[%swap3A_89, %swap3A_90], %swap3A_93 {strides = array<i32>} : memref<128x128xf32, #tpu.memory_space<vmem>>, vector<1x16xf32>,
        %swap3A_94 = arith.index_cast %scan3A_73 : i32 to index
        %swap3A_95 = arith.constant 64 : index
        %swap3A_96 = tpu.vector_load %arg8[%swap3A_94, %swap3A_95] {strides = array<i32>} : memref<128x128xf32, #tpu.memory_space<vmem>>, vector<1x16xf32>,
        %swap3A_97 = vector.shape_cast %swap3A_96 : vector<1x16xf32> to vector<16xf32>
        %swap3A_98 = vector.shape_cast %broadcast_in_dim3A_3 : vector<16xf32> to vector<1x16xf32>
        tpu.vector_store %arg8[%swap3A_94, %swap3A_95], %swap3A_98 {strides = array<i32>} : memref<128x128xf32, #tpu.memory_space<vmem>>, vector<1x16xf32>,
        %swap3A_99 = arith.index_cast %scan3A_73 : i32 to index
        %swap3A_100 = arith.constant 80 : index
        %swap3A_101 = tpu.vector_load %arg8[%swap3A_99, %swap3A_100] {strides = array<i32>} : memref<128x128xf32, #tpu.memory_space<vmem>>, vector<1x16xf32>,
        %swap3A_102 = vector.shape_cast %swap3A_101 : vector<1x16xf32> to vector<16xf32>
        %swap3A_103 = vector.shape_cast %broadcast_in_dim3A_3 : vector<16xf32> to vector<1x16xf32>
        tpu.vector_store %arg8[%swap3A_99, %swap3A_100], %swap3A_103 {strides = array<i32>} : memref<128x128xf32, #tpu.memory_space<vmem>>, vector<1x16xf32>,
        %swap3A_104 = arith.index_cast %scan3A_73 : i32 to index
        %swap3A_105 = arith.constant 96 : index
        %swap3A_106 = tpu.vector_load %arg8[%swap3A_104, %swap3A_105] {strides = array<i32>} : memref<128x128xf32, #tpu.memory_space<vmem>>, vector<1x16xf32>,
        %swap3A_107 = vector.shape_cast %swap3A_106 : vector<1x16xf32> to vector<16xf32>
        %swap3A_108 = vector.shape_cast %broadcast_in_dim3A_3 : vector<16xf32> to vector<1x16xf32>
        tpu.vector_store %arg8[%swap3A_104, %swap3A_105], %swap3A_108 {strides = array<i32>} : memref<128x128xf32, #tpu.memory_space<vmem>>, vector<1x16xf32>,
        %swap3A_109 = arith.index_cast %scan3A_73 : i32 to index
        %swap3A_110 = arith.constant 112 : index
        %swap3A_111 = tpu.vector_load %arg8[%swap3A_109, %swap3A_110] {strides = array<i32>} : memref<128x128xf32, #tpu.memory_space<vmem>>, vector<1x16xf32>,
        %swap3A_112 = vector.shape_cast %swap3A_111 : vector<1x16xf32> to vector<16xf32>
        %swap3A_113 = vector.shape_cast %broadcast_in_dim3A_3 : vector<16xf32> to vector<1x16xf32>
        tpu.vector_store %arg8[%swap3A_109, %swap3A_110], %swap3A_113 {strides = array<i32>} : memref<128x128xf32, #tpu.memory_space<vmem>>, vector<1x16xf32>,
        %scan3A_114 = arith.constant 0 : i32
        scf.yield %scan3A_114 : i32
      }
      %scan3A_72 = arith.constant 128 : i32
      "tpu.region"() ({
        %run_scoped3A = tpu.sem_alloc : memref<!tpu.dma_semaphore, #tpu.memory_space<semaphore_mem>>
        %dma_start3A_73 = arith.constant 10112 : i32
        %dma_start3A_74 = arith.constant 0 : i32
        %dma_start3A_75 = tpu.memref_slice %arg5[%arg0, %dma_start3A_73, %dma_start3A_74] : memref<2x10240x128xf32, #tpu.memory_space<hbm>> -> memref<1x128x128xf32, #tpu.memory_space<hbm>>
        %dma_start3A_76 = tpu.memref_squeeze %dma_start3A_75 : memref<1x128x128xf32, #tpu.memory_space<hbm>> -> memref<128x128xf32, #tpu.memory_space<hbm>>
        %dma_start3A_77 = arith.constant 10112 : i32
        %dma_start3A_78 = arith.constant 0 : i32
        %dma_start3A_79 = tpu.memref_slice %arg5[%arg0, %dma_start3A_77, %dma_start3A_78] : memref<2x10240x128xf32, #tpu.memory_space<hbm>> -> memref<1x128x128xf32, #tpu.memory_space<hbm>>
        %dma_start3A_80 = tpu.memref_squeeze %dma_start3A_79 : memref<1x128x128xf32, #tpu.memory_space<hbm>> -> memref<128x128xf32, #tpu.memory_space<hbm>>
        tpu.enqueue_dma source(%arg8 : memref<128x128xf32, #tpu.memory_space<vmem>>) target(%dma_start3A_80 : memref<128x128xf32, #tpu.memory_space<hbm>>) target_semaphore(%run_scoped3A : memref<!tpu.dma_semaphore, #tpu.memory_space<semaphore_mem>>)
        %dma_wait3A = arith.constant 10112 : i32
        %dma_wait3A_81 = arith.constant 0 : i32
        %dma_wait3A_82 = tpu.memref_slice %arg5[%arg0, %dma_wait3A, %dma_wait3A_81] : memref<2x10240x128xf32, #tpu.memory_space<hbm>> -> memref<1x128x128xf32, #tpu.memory_space<hbm>>
        %dma_wait3A_83 = tpu.memref_squeeze %dma_wait3A_82 : memref<1x128x128xf32, #tpu.memory_space<hbm>> -> memref<128x128xf32, #tpu.memory_space<hbm>>
        %dma_wait3A_84 = arith.constant 10112 : i32
        %dma_wait3A_85 = arith.constant 0 : i32
        %dma_wait3A_86 = tpu.memref_slice %arg5[%arg0, %dma_wait3A_84, %dma_wait3A_85] : memref<2x10240x128xf32, #tpu.memory_space<hbm>> -> memref<1x128x128xf32, #tpu.memory_space<hbm>>
        %dma_wait3A_87 = tpu.memref_squeeze %dma_wait3A_86 : memref<1x128x128xf32, #tpu.memory_space<hbm>> -> memref<128x128xf32, #tpu.memory_space<hbm>>
        tpu.wait_dma2 semaphore(%run_scoped3A : memref<!tpu.dma_semaphore, #tpu.memory_space<semaphore_mem>>) src(%arg8 : memref<128x128xf32, #tpu.memory_space<vmem>>) dst(%dma_wait3A_87 : memref<128x128xf32, #tpu.memory_space<hbm>>)
        tpu.yield
      }) : () -> ()
    } else {
    }
    return
  }
}

#map = affine_map<(d0, d1) -> (0, 0)>
#map1 = affine_map<(d0, d1) -> (0, 0, 0)>
module attributes {stable_mosaic.version = 14 : i64} {
  func.func @_sc_msg_body(%arg0: i32, %arg1: i32, %arg2: memref<10240x128xf32, #tpu.memory_space<hbm>>, %arg3: memref<327680x128xf32, #tpu.memory_space<hbm>>, %arg4: memref<2560x2x128xi32, #tpu.memory_space<hbm>>, %arg5: memref<2x10240x128xf32, #tpu.memory_space<hbm>>, %arg6: memref<2x128xi32, #tpu.memory_space<vmem>>, %arg7: memref<2x128xi32, #tpu.memory_space<vmem>>, %arg8: memref<128x128xf32, #tpu.memory_space<vmem>>, %arg9: memref<128x128xf32, #tpu.memory_space<vmem>>, %arg10: memref<128x128xf32, #tpu.memory_space<vmem>>, %arg11: memref<10112x128xf32, #tpu.memory_space<vmem_shared>>, %arg12: memref<!tpu.dma_semaphore, #tpu.memory_space<semaphore_mem>>, %arg13: memref<!tpu.dma_semaphore, #tpu.memory_space<semaphore_mem>>, %arg14: memref<!tpu.dma_semaphore, #tpu.memory_space<semaphore_mem>>) attributes {dimension_semantics = [#tpu.dimension_semantics<core_parallel>, #tpu.dimension_semantics<subcore_parallel>], iteration_bounds = array<i64: 2, 16>, scalar_prefetch = 0 : i64, scratch_operands = 9 : i64, tpu.core_type = #tpu.core_type<sc_vector_subcore>, window_params = [{transform_indices = #map}, {transform_indices = #map}, {transform_indices = #map1}, {transform_indices = #map1}]} {
    %mul3A = arith.constant 16 : i32
    %mul3A_0 = arith.muli %arg0, %mul3A : i32
    %add3A = arith.addi %mul3A_0, %arg1 : i32
    %mul3A_1 = arith.constant 80 : i32
    %mul3A_2 = arith.muli %add3A, %mul3A_1 : i32
    %broadcast_in_dim3A = arith.constant 0.000000e+00 : f32
    %broadcast_in_dim3A_3 = vector.broadcast %broadcast_in_dim3A : f32 to vector<16xf32>
    %scan3A = arith.constant 0 : i32
    %scan3A_4 = arith.constant 0 : i32
    %scan3A_5 = arith.constant 128 : i32
    %scan3A_6 = arith.addi %scan3A_4, %scan3A_5 : i32
    %scan3A_7 = arith.constant 1 : i32
    %scan3A_8 = scf.for %scan3A_66 = %scan3A_4 to %scan3A_6 step %scan3A_7 iter_args(%scan3A_67 = %scan3A) -> (i32)  : i32 {
      %swap3A = arith.index_cast %scan3A_66 : i32 to index
      %swap3A_68 = arith.constant 0 : index
      %swap3A_69 = tpu.vector_load %arg8[%swap3A, %swap3A_68] {strides = array<i32>} : memref<128x128xf32, #tpu.memory_space<vmem>>, vector<1x16xf32>,
      %swap3A_70 = vector.shape_cast %swap3A_69 : vector<1x16xf32> to vector<16xf32>
      %swap3A_71 = vector.shape_cast %broadcast_in_dim3A_3 : vector<16xf32> to vector<1x16xf32>
      tpu.vector_store %arg8[%swap3A, %swap3A_68], %swap3A_71 {strides = array<i32>} : memref<128x128xf32, #tpu.memory_space<vmem>>, vector<1x16xf32>,
      %swap3A_72 = arith.index_cast %scan3A_66 : i32 to index
      %swap3A_73 = arith.constant 16 : index
      %swap3A_74 = tpu.vector_load %arg8[%swap3A_72, %swap3A_73] {strides = array<i32>} : memref<128x128xf32, #tpu.memory_space<vmem>>, vector<1x16xf32>,
      %swap3A_75 = vector.shape_cast %swap3A_74 : vector<1x16xf32> to vector<16xf32>
      %swap3A_76 = vector.shape_cast %broadcast_in_dim3A_3 : vector<16xf32> to vector<1x16xf32>
      tpu.vector_store %arg8[%swap3A_72, %swap3A_73], %swap3A_76 {strides = array<i32>} : memref<128x128xf32, #tpu.memory_space<vmem>>, vector<1x16xf32>,
      %swap3A_77 = arith.index_cast %scan3A_66 : i32 to index
      %swap3A_78 = arith.constant 32 : index
      %swap3A_79 = tpu.vector_load %arg8[%swap3A_77, %swap3A_78] {strides = array<i32>} : memref<128x128xf32, #tpu.memory_space<vmem>>, vector<1x16xf32>,
      %swap3A_80 = vector.shape_cast %swap3A_79 : vector<1x16xf32> to vector<16xf32>
      %swap3A_81 = vector.shape_cast %broadcast_in_dim3A_3 : vector<16xf32> to vector<1x16xf32>
      tpu.vector_store %arg8[%swap3A_77, %swap3A_78], %swap3A_81 {strides = array<i32>} : memref<128x128xf32, #tpu.memory_space<vmem>>, vector<1x16xf32>,
      %swap3A_82 = arith.index_cast %scan3A_66 : i32 to index
      %swap3A_83 = arith.constant 48 : index
      %swap3A_84 = tpu.vector_load %arg8[%swap3A_82, %swap3A_83] {strides = array<i32>} : memref<128x128xf32, #tpu.memory_space<vmem>>, vector<1x16xf32>,
      %swap3A_85 = vector.shape_cast %swap3A_84 : vector<1x16xf32> to vector<16xf32>
      %swap3A_86 = vector.shape_cast %broadcast_in_dim3A_3 : vector<16xf32> to vector<1x16xf32>
      tpu.vector_store %arg8[%swap3A_82, %swap3A_83], %swap3A_86 {strides = array<i32>} : memref<128x128xf32, #tpu.memory_space<vmem>>, vector<1x16xf32>,
      %swap3A_87 = arith.index_cast %scan3A_66 : i32 to index
      %swap3A_88 = arith.constant 64 : index
      %swap3A_89 = tpu.vector_load %arg8[%swap3A_87, %swap3A_88] {strides = array<i32>} : memref<128x128xf32, #tpu.memory_space<vmem>>, vector<1x16xf32>,
      %swap3A_90 = vector.shape_cast %swap3A_89 : vector<1x16xf32> to vector<16xf32>
      %swap3A_91 = vector.shape_cast %broadcast_in_dim3A_3 : vector<16xf32> to vector<1x16xf32>
      tpu.vector_store %arg8[%swap3A_87, %swap3A_88], %swap3A_91 {strides = array<i32>} : memref<128x128xf32, #tpu.memory_space<vmem>>, vector<1x16xf32>,
      %swap3A_92 = arith.index_cast %scan3A_66 : i32 to index
      %swap3A_93 = arith.constant 80 : index
      %swap3A_94 = tpu.vector_load %arg8[%swap3A_92, %swap3A_93] {strides = array<i32>} : memref<128x128xf32, #tpu.memory_space<vmem>>, vector<1x16xf32>,
      %swap3A_95 = vector.shape_cast %swap3A_94 : vector<1x16xf32> to vector<16xf32>
      %swap3A_96 = vector.shape_cast %broadcast_in_dim3A_3 : vector<16xf32> to vector<1x16xf32>
      tpu.vector_store %arg8[%swap3A_92, %swap3A_93], %swap3A_96 {strides = array<i32>} : memref<128x128xf32, #tpu.memory_space<vmem>>, vector<1x16xf32>,
      %swap3A_97 = arith.index_cast %scan3A_66 : i32 to index
      %swap3A_98 = arith.constant 96 : index
      %swap3A_99 = tpu.vector_load %arg8[%swap3A_97, %swap3A_98] {strides = array<i32>} : memref<128x128xf32, #tpu.memory_space<vmem>>, vector<1x16xf32>,
      %swap3A_100 = vector.shape_cast %swap3A_99 : vector<1x16xf32> to vector<16xf32>
      %swap3A_101 = vector.shape_cast %broadcast_in_dim3A_3 : vector<16xf32> to vector<1x16xf32>
      tpu.vector_store %arg8[%swap3A_97, %swap3A_98], %swap3A_101 {strides = array<i32>} : memref<128x128xf32, #tpu.memory_space<vmem>>, vector<1x16xf32>,
      %swap3A_102 = arith.index_cast %scan3A_66 : i32 to index
      %swap3A_103 = arith.constant 112 : index
      %swap3A_104 = tpu.vector_load %arg8[%swap3A_102, %swap3A_103] {strides = array<i32>} : memref<128x128xf32, #tpu.memory_space<vmem>>, vector<1x16xf32>,
      %swap3A_105 = vector.shape_cast %swap3A_104 : vector<1x16xf32> to vector<16xf32>
      %swap3A_106 = vector.shape_cast %broadcast_in_dim3A_3 : vector<16xf32> to vector<1x16xf32>
      tpu.vector_store %arg8[%swap3A_102, %swap3A_103], %swap3A_106 {strides = array<i32>} : memref<128x128xf32, #tpu.memory_space<vmem>>, vector<1x16xf32>,
      %scan3A_107 = arith.constant 0 : i32
      scf.yield %scan3A_107 : i32
    }
    %scan3A_9 = arith.constant 128 : i32
    %mul3A_10 = arith.constant 632 : i32
    %mul3A_11 = arith.muli %arg1, %mul3A_10 : i32
    %add3A_12 = arith.constant 0 : i32
    %add3A_13 = arith.addi %mul3A_11, %add3A_12 : i32
    "tpu.region"() ({
      %run_scoped3A = tpu.sem_alloc : memref<!tpu.dma_semaphore, #tpu.memory_space<semaphore_mem>>
      %dma_start3A_66 = arith.constant 0 : i32
      %dma_start3A_67 = tpu.memref_slice %arg11[%add3A_13, %dma_start3A_66] : memref<10112x128xf32, #tpu.memory_space<vmem_shared>> -> memref<128x128xf32, #tpu.memory_space<vmem_shared>>
      %dma_start3A_68 = arith.constant 0 : i32
      %dma_start3A_69 = tpu.memref_slice %arg11[%add3A_13, %dma_start3A_68] : memref<10112x128xf32, #tpu.memory_space<vmem_shared>> -> memref<128x128xf32, #tpu.memory_space<vmem_shared>>
      tpu.enqueue_dma source(%arg8 : memref<128x128xf32, #tpu.memory_space<vmem>>) target(%dma_start3A_69 : memref<128x128xf32, #tpu.memory_space<vmem_shared>>) target_semaphore(%run_scoped3A : memref<!tpu.dma_semaphore, #tpu.memory_space<semaphore_mem>>)
      %dma_wait3A = arith.constant 0 : i32
      %dma_wait3A_70 = tpu.memref_slice %arg11[%add3A_13, %dma_wait3A] : memref<10112x128xf32, #tpu.memory_space<vmem_shared>> -> memref<128x128xf32, #tpu.memory_space<vmem_shared>>
      %dma_wait3A_71 = arith.constant 0 : i32
      %dma_wait3A_72 = tpu.memref_slice %arg11[%add3A_13, %dma_wait3A_71] : memref<10112x128xf32, #tpu.memory_space<vmem_shared>> -> memref<128x128xf32, #tpu.memory_space<vmem_shared>>
      tpu.wait_dma2 semaphore(%run_scoped3A : memref<!tpu.dma_semaphore, #tpu.memory_space<semaphore_mem>>) src(%arg8 : memref<128x128xf32, #tpu.memory_space<vmem>>) dst(%dma_wait3A_72 : memref<128x128xf32, #tpu.memory_space<vmem_shared>>)
      tpu.yield
    }) : () -> ()
    %add3A_14 = arith.constant 128 : i32
    %add3A_15 = arith.addi %mul3A_11, %add3A_14 : i32
    "tpu.region"() ({
      %run_scoped3A = tpu.sem_alloc : memref<!tpu.dma_semaphore, #tpu.memory_space<semaphore_mem>>
      %dma_start3A_66 = arith.constant 0 : i32
      %dma_start3A_67 = tpu.memref_slice %arg11[%add3A_15, %dma_start3A_66] : memref<10112x128xf32, #tpu.memory_space<vmem_shared>> -> memref<128x128xf32, #tpu.memory_space<vmem_shared>>
      %dma_start3A_68 = arith.constant 0 : i32
      %dma_start3A_69 = tpu.memref_slice %arg11[%add3A_15, %dma_start3A_68] : memref<10112x128xf32, #tpu.memory_space<vmem_shared>> -> memref<128x128xf32, #tpu.memory_space<vmem_shared>>
      tpu.enqueue_dma source(%arg8 : memref<128x128xf32, #tpu.memory_space<vmem>>) target(%dma_start3A_69 : memref<128x128xf32, #tpu.memory_space<vmem_shared>>) target_semaphore(%run_scoped3A : memref<!tpu.dma_semaphore, #tpu.memory_space<semaphore_mem>>)
      %dma_wait3A = arith.constant 0 : i32
      %dma_wait3A_70 = tpu.memref_slice %arg11[%add3A_15, %dma_wait3A] : memref<10112x128xf32, #tpu.memory_space<vmem_shared>> -> memref<128x128xf32, #tpu.memory_space<vmem_shared>>
      %dma_wait3A_71 = arith.constant 0 : i32
      %dma_wait3A_72 = tpu.memref_slice %arg11[%add3A_15, %dma_wait3A_71] : memref<10112x128xf32, #tpu.memory_space<vmem_shared>> -> memref<128x128xf32, #tpu.memory_space<vmem_shared>>
      tpu.wait_dma2 semaphore(%run_scoped3A : memref<!tpu.dma_semaphore, #tpu.memory_space<semaphore_mem>>) src(%arg8 : memref<128x128xf32, #tpu.memory_space<vmem>>) dst(%dma_wait3A_72 : memref<128x128xf32, #tpu.memory_space<vmem_shared>>)
      tpu.yield
    }) : () -> ()
    %add3A_16 = arith.constant 256 : i32
    %add3A_17 = arith.addi %mul3A_11, %add3A_16 : i32
    "tpu.region"() ({
      %run_scoped3A = tpu.sem_alloc : memref<!tpu.dma_semaphore, #tpu.memory_space<semaphore_mem>>
      %dma_start3A_66 = arith.constant 0 : i32
      %dma_start3A_67 = tpu.memref_slice %arg11[%add3A_17, %dma_start3A_66] : memref<10112x128xf32, #tpu.memory_space<vmem_shared>> -> memref<128x128xf32, #tpu.memory_space<vmem_shared>>
      %dma_start3A_68 = arith.constant 0 : i32
      %dma_start3A_69 = tpu.memref_slice %arg11[%add3A_17, %dma_start3A_68] : memref<10112x128xf32, #tpu.memory_space<vmem_shared>> -> memref<128x128xf32, #tpu.memory_space<vmem_shared>>
      tpu.enqueue_dma source(%arg8 : memref<128x128xf32, #tpu.memory_space<vmem>>) target(%dma_start3A_69 : memref<128x128xf32, #tpu.memory_space<vmem_shared>>) target_semaphore(%run_scoped3A : memref<!tpu.dma_semaphore, #tpu.memory_space<semaphore_mem>>)
      %dma_wait3A = arith.constant 0 : i32
      %dma_wait3A_70 = tpu.memref_slice %arg11[%add3A_17, %dma_wait3A] : memref<10112x128xf32, #tpu.memory_space<vmem_shared>> -> memref<128x128xf32, #tpu.memory_space<vmem_shared>>
      %dma_wait3A_71 = arith.constant 0 : i32
      %dma_wait3A_72 = tpu.memref_slice %arg11[%add3A_17, %dma_wait3A_71] : memref<10112x128xf32, #tpu.memory_space<vmem_shared>> -> memref<128x128xf32, #tpu.memory_space<vmem_shared>>
      tpu.wait_dma2 semaphore(%run_scoped3A : memref<!tpu.dma_semaphore, #tpu.memory_space<semaphore_mem>>) src(%arg8 : memref<128x128xf32, #tpu.memory_space<vmem>>) dst(%dma_wait3A_72 : memref<128x128xf32, #tpu.memory_space<vmem_shared>>)
      tpu.yield
    }) : () -> ()
    %add3A_18 = arith.constant 384 : i32
    %add3A_19 = arith.addi %mul3A_11, %add3A_18 : i32
    "tpu.region"() ({
      %run_scoped3A = tpu.sem_alloc : memref<!tpu.dma_semaphore, #tpu.memory_space<semaphore_mem>>
      %dma_start3A_66 = arith.constant 0 : i32
      %dma_start3A_67 = tpu.memref_slice %arg11[%add3A_19, %dma_start3A_66] : memref<10112x128xf32, #tpu.memory_space<vmem_shared>> -> memref<128x128xf32, #tpu.memory_space<vmem_shared>>
      %dma_start3A_68 = arith.constant 0 : i32
      %dma_start3A_69 = tpu.memref_slice %arg11[%add3A_19, %dma_start3A_68] : memref<10112x128xf32, #tpu.memory_space<vmem_shared>> -> memref<128x128xf32, #tpu.memory_space<vmem_shared>>
      tpu.enqueue_dma source(%arg8 : memref<128x128xf32, #tpu.memory_space<vmem>>) target(%dma_start3A_69 : memref<128x128xf32, #tpu.memory_space<vmem_shared>>) target_semaphore(%run_scoped3A : memref<!tpu.dma_semaphore, #tpu.memory_space<semaphore_mem>>)
      %dma_wait3A = arith.constant 0 : i32
      %dma_wait3A_70 = tpu.memref_slice %arg11[%add3A_19, %dma_wait3A] : memref<10112x128xf32, #tpu.memory_space<vmem_shared>> -> memref<128x128xf32, #tpu.memory_space<vmem_shared>>
      %dma_wait3A_71 = arith.constant 0 : i32
      %dma_wait3A_72 = tpu.memref_slice %arg11[%add3A_19, %dma_wait3A_71] : memref<10112x128xf32, #tpu.memory_space<vmem_shared>> -> memref<128x128xf32, #tpu.memory_space<vmem_shared>>
      tpu.wait_dma2 semaphore(%run_scoped3A : memref<!tpu.dma_semaphore, #tpu.memory_space<semaphore_mem>>) src(%arg8 : memref<128x128xf32, #tpu.memory_space<vmem>>) dst(%dma_wait3A_72 : memref<128x128xf32, #tpu.memory_space<vmem_shared>>)
      tpu.yield
    }) : () -> ()
    %add3A_20 = arith.constant 512 : i32
    %add3A_21 = arith.addi %mul3A_11, %add3A_20 : i32
    "tpu.region"() ({
      %run_scoped3A = tpu.sem_alloc : memref<!tpu.dma_semaphore, #tpu.memory_space<semaphore_mem>>
      %dma_start3A_66 = arith.constant 0 : i32
      %dma_start3A_67 = arith.constant 0 : i32
      %dma_start3A_68 = tpu.memref_slice %arg8[%dma_start3A_66, %dma_start3A_67] : memref<128x128xf32, #tpu.memory_space<vmem>> -> memref<120x128xf32, #tpu.memory_space<vmem>>
      %dma_start3A_69 = arith.constant 0 : i32
      %dma_start3A_70 = tpu.memref_slice %arg11[%add3A_21, %dma_start3A_69] : memref<10112x128xf32, #tpu.memory_space<vmem_shared>> -> memref<120x128xf32, #tpu.memory_space<vmem_shared>>
      %dma_start3A_71 = arith.constant 0 : i32
      %dma_start3A_72 = tpu.memref_slice %arg11[%add3A_21, %dma_start3A_71] : memref<10112x128xf32, #tpu.memory_space<vmem_shared>> -> memref<120x128xf32, #tpu.memory_space<vmem_shared>>
      %dma_start3A_73 = arith.constant 0 : i32
      %dma_start3A_74 = arith.constant 0 : i32
      %dma_start3A_75 = tpu.memref_slice %arg8[%dma_start3A_73, %dma_start3A_74] : memref<128x128xf32, #tpu.memory_space<vmem>> -> memref<120x128xf32, #tpu.memory_space<vmem>>
      tpu.enqueue_dma source(%dma_start3A_75 : memref<120x128xf32, #tpu.memory_space<vmem>>) target(%dma_start3A_72 : memref<120x128xf32, #tpu.memory_space<vmem_shared>>) target_semaphore(%run_scoped3A : memref<!tpu.dma_semaphore, #tpu.memory_space<semaphore_mem>>)
      %dma_wait3A = arith.constant 0 : i32
      %dma_wait3A_76 = arith.constant 0 : i32
      %dma_wait3A_77 = tpu.memref_slice %arg8[%dma_wait3A, %dma_wait3A_76] : memref<128x128xf32, #tpu.memory_space<vmem>> -> memref<120x128xf32, #tpu.memory_space<vmem>>
      %dma_wait3A_78 = arith.constant 0 : i32
      %dma_wait3A_79 = tpu.memref_slice %arg11[%add3A_21, %dma_wait3A_78] : memref<10112x128xf32, #tpu.memory_space<vmem_shared>> -> memref<120x128xf32, #tpu.memory_space<vmem_shared>>
      %dma_wait3A_80 = arith.constant 0 : i32
      %dma_wait3A_81 = tpu.memref_slice %arg11[%add3A_21, %dma_wait3A_80] : memref<10112x128xf32, #tpu.memory_space<vmem_shared>> -> memref<120x128xf32, #tpu.memory_space<vmem_shared>>
      %dma_wait3A_82 = arith.constant 0 : i32
      %dma_wait3A_83 = arith.constant 0 : i32
      %dma_wait3A_84 = tpu.memref_slice %arg8[%dma_wait3A_82, %dma_wait3A_83] : memref<128x128xf32, #tpu.memory_space<vmem>> -> memref<120x128xf32, #tpu.memory_space<vmem>>
      tpu.wait_dma2 semaphore(%run_scoped3A : memref<!tpu.dma_semaphore, #tpu.memory_space<semaphore_mem>>) src(%dma_wait3A_84 : memref<120x128xf32, #tpu.memory_space<vmem>>) dst(%dma_wait3A_81 : memref<120x128xf32, #tpu.memory_space<vmem_shared>>)
      tpu.yield
    }) : () -> ()
    %barrier3A = arith.constant 0 : index
    tpu.barrier barrier_id(%barrier3A)
    "tpu.region"() ({
      %run_scoped3A = tpu.sem_alloc : memref<!tpu.dma_semaphore, #tpu.memory_space<semaphore_mem>>
      %dma_start3A_66 = arith.constant 0 : i32
      %dma_start3A_67 = arith.constant 0 : i32
      %dma_start3A_68 = tpu.memref_slice %arg4[%mul3A_2, %dma_start3A_66, %dma_start3A_67] : memref<2560x2x128xi32, #tpu.memory_space<hbm>> -> memref<1x2x128xi32, #tpu.memory_space<hbm>>
      %dma_start3A_69 = tpu.memref_squeeze %dma_start3A_68 : memref<1x2x128xi32, #tpu.memory_space<hbm>> -> memref<2x128xi32, #tpu.memory_space<hbm>>
      %dma_start3A_70 = arith.constant 0 : i32
      %dma_start3A_71 = arith.constant 0 : i32
      %dma_start3A_72 = tpu.memref_slice %arg4[%mul3A_2, %dma_start3A_70, %dma_start3A_71] : memref<2560x2x128xi32, #tpu.memory_space<hbm>> -> memref<1x2x128xi32, #tpu.memory_space<hbm>>
      %dma_start3A_73 = tpu.memref_squeeze %dma_start3A_72 : memref<1x2x128xi32, #tpu.memory_space<hbm>> -> memref<2x128xi32, #tpu.memory_space<hbm>>
      tpu.enqueue_dma source(%dma_start3A_73 : memref<2x128xi32, #tpu.memory_space<hbm>>) target(%arg6 : memref<2x128xi32, #tpu.memory_space<vmem>>) target_semaphore(%run_scoped3A : memref<!tpu.dma_semaphore, #tpu.memory_space<semaphore_mem>>)
      %dma_wait3A = arith.constant 0 : i32
      %dma_wait3A_74 = arith.constant 0 : i32
      %dma_wait3A_75 = tpu.memref_slice %arg4[%mul3A_2, %dma_wait3A, %dma_wait3A_74] : memref<2560x2x128xi32, #tpu.memory_space<hbm>> -> memref<1x2x128xi32, #tpu.memory_space<hbm>>
      %dma_wait3A_76 = tpu.memref_squeeze %dma_wait3A_75 : memref<1x2x128xi32, #tpu.memory_space<hbm>> -> memref<2x128xi32, #tpu.memory_space<hbm>>
      %dma_wait3A_77 = arith.constant 0 : i32
      %dma_wait3A_78 = arith.constant 0 : i32
      %dma_wait3A_79 = tpu.memref_slice %arg4[%mul3A_2, %dma_wait3A_77, %dma_wait3A_78] : memref<2560x2x128xi32, #tpu.memory_space<hbm>> -> memref<1x2x128xi32, #tpu.memory_space<hbm>>
      %dma_wait3A_80 = tpu.memref_squeeze %dma_wait3A_79 : memref<1x2x128xi32, #tpu.memory_space<hbm>> -> memref<2x128xi32, #tpu.memory_space<hbm>>
      tpu.wait_dma2 semaphore(%run_scoped3A : memref<!tpu.dma_semaphore, #tpu.memory_space<semaphore_mem>>) src(%dma_wait3A_80 : memref<2x128xi32, #tpu.memory_space<hbm>>) dst(%arg6 : memref<2x128xi32, #tpu.memory_space<vmem>>)
      tpu.yield
    }) : () -> ()
    %dma_start3A = arith.constant 0 : i32
    %dma_start3A_22 = arith.constant 0 : i32
    %dma_start3A_23 = tpu.memref_slice %arg6[%dma_start3A, %dma_start3A_22] : memref<2x128xi32, #tpu.memory_space<vmem>> -> memref<1x128xi32, #tpu.memory_space<vmem>>
    %dma_start3A_24 = tpu.memref_squeeze %dma_start3A_23 : memref<1x128xi32, #tpu.memory_space<vmem>> -> memref<128xi32, #tpu.memory_space<vmem>>
    %dma_start3A_25 = arith.constant 0 : i32
    %dma_start3A_26 = arith.constant 0 : i32
    %dma_start3A_27 = tpu.memref_slice %arg2[%dma_start3A_25, %dma_start3A_26] : memref<10240x128xf32, #tpu.memory_space<hbm>> -> memref<10240x128xf32, #tpu.memory_space<hbm>>
    tpu.enqueue_indirect_dma source(%dma_start3A_27 : memref<10240x128xf32, #tpu.memory_space<hbm>>) target(%arg9 : memref<128x128xf32, #tpu.memory_space<vmem>>) offsets(%dma_start3A_24 : memref<128xi32, #tpu.memory_space<vmem>>) semaphore(%arg12 : memref<!tpu.dma_semaphore, #tpu.memory_space<semaphore_mem>>)
    %add3A_28 = arith.constant 0 : i32
    %add3A_29 = arith.addi %mul3A_2, %add3A_28 : i32
    %mul3A_30 = arith.constant 128 : i32
    %mul3A_31 = arith.muli %add3A_29, %mul3A_30 : i32
    %dma_start3A_32 = arith.constant 0 : i32
    %dma_start3A_33 = tpu.memref_slice %arg3[%mul3A_31, %dma_start3A_32] : memref<327680x128xf32, #tpu.memory_space<hbm>> -> memref<128x128xf32, #tpu.memory_space<hbm>>
    %dma_start3A_34 = arith.constant 0 : i32
    %dma_start3A_35 = tpu.memref_slice %arg3[%mul3A_31, %dma_start3A_34] : memref<327680x128xf32, #tpu.memory_space<hbm>> -> memref<128x128xf32, #tpu.memory_space<hbm>>
    tpu.enqueue_dma source(%dma_start3A_35 : memref<128x128xf32, #tpu.memory_space<hbm>>) target(%arg8 : memref<128x128xf32, #tpu.memory_space<vmem>>) target_semaphore(%arg14 : memref<!tpu.dma_semaphore, #tpu.memory_space<semaphore_mem>>)
    %scan3A_36 = arith.constant 0 : i32
    %scan3A_37 = arith.constant 0 : i32
    %scan3A_38 = arith.constant 40 : i32
    %scan3A_39 = arith.addi %scan3A_37, %scan3A_38 : i32
    %scan3A_40 = arith.constant 1 : i32
    %scan3A_41 = scf.for %scan3A_66 = %scan3A_37 to %scan3A_39 step %scan3A_40 iter_args(%scan3A_67 = %scan3A_36) -> (i32)  : i32 {
      %mul3A_68 = arith.constant 2 : i32
      %mul3A_69 = arith.muli %mul3A_68, %scan3A_66 : i32
      %add3A_70 = arith.addi %mul3A_2, %mul3A_69 : i32
      %add3A_71 = arith.constant 1 : i32
      %add3A_72 = arith.addi %mul3A_69, %add3A_71 : i32
      %le3A = arith.constant 79 : i32
      %le3A_73 = arith.cmpi sle, %add3A_72, %le3A : i32
      %convert_element_type3A_74 = arith.extui %le3A_73 : i1 to i32
      %cond3A_75 = arith.constant 0 : i32
      %cond3A_76 = arith.cmpi ne, %convert_element_type3A_74, %cond3A_75 : i32
      scf.if %cond3A_76 {
        %add3A_145 = arith.addi %mul3A_2, %mul3A_69 : i32
        %add3A_146 = arith.constant 1 : i32
        %add3A_147 = arith.addi %add3A_145, %add3A_146 : i32
        "tpu.region"() ({
          %run_scoped3A = tpu.sem_alloc : memref<!tpu.dma_semaphore, #tpu.memory_space<semaphore_mem>>
          %dma_start3A_157 = arith.constant 0 : i32
          %dma_start3A_158 = arith.constant 0 : i32
          %dma_start3A_159 = tpu.memref_slice %arg4[%add3A_147, %dma_start3A_157, %dma_start3A_158] : memref<2560x2x128xi32, #tpu.memory_space<hbm>> -> memref<1x2x128xi32, #tpu.memory_space<hbm>>
          %dma_start3A_160 = tpu.memref_squeeze %dma_start3A_159 : memref<1x2x128xi32, #tpu.memory_space<hbm>> -> memref<2x128xi32, #tpu.memory_space<hbm>>
          %dma_start3A_161 = arith.constant 0 : i32
          %dma_start3A_162 = arith.constant 0 : i32
          %dma_start3A_163 = tpu.memref_slice %arg4[%add3A_147, %dma_start3A_161, %dma_start3A_162] : memref<2560x2x128xi32, #tpu.memory_space<hbm>> -> memref<1x2x128xi32, #tpu.memory_space<hbm>>
          %dma_start3A_164 = tpu.memref_squeeze %dma_start3A_163 : memref<1x2x128xi32, #tpu.memory_space<hbm>> -> memref<2x128xi32, #tpu.memory_space<hbm>>
          tpu.enqueue_dma source(%dma_start3A_164 : memref<2x128xi32, #tpu.memory_space<hbm>>) target(%arg7 : memref<2x128xi32, #tpu.memory_space<vmem>>) target_semaphore(%run_scoped3A : memref<!tpu.dma_semaphore, #tpu.memory_space<semaphore_mem>>)
          %dma_wait3A_165 = arith.constant 0 : i32
          %dma_wait3A_166 = arith.constant 0 : i32
          %dma_wait3A_167 = tpu.memref_slice %arg4[%add3A_147, %dma_wait3A_165, %dma_wait3A_166] : memref<2560x2x128xi32, #tpu.memory_space<hbm>> -> memref<1x2x128xi32, #tpu.memory_space<hbm>>
          %dma_wait3A_168 = tpu.memref_squeeze %dma_wait3A_167 : memref<1x2x128xi32, #tpu.memory_space<hbm>> -> memref<2x128xi32, #tpu.memory_space<hbm>>
          %dma_wait3A_169 = arith.constant 0 : i32
          %dma_wait3A_170 = arith.constant 0 : i32
          %dma_wait3A_171 = tpu.memref_slice %arg4[%add3A_147, %dma_wait3A_169, %dma_wait3A_170] : memref<2560x2x128xi32, #tpu.memory_space<hbm>> -> memref<1x2x128xi32, #tpu.memory_space<hbm>>
          %dma_wait3A_172 = tpu.memref_squeeze %dma_wait3A_171 : memref<1x2x128xi32, #tpu.memory_space<hbm>> -> memref<2x128xi32, #tpu.memory_space<hbm>>
          tpu.wait_dma2 semaphore(%run_scoped3A : memref<!tpu.dma_semaphore, #tpu.memory_space<semaphore_mem>>) src(%dma_wait3A_172 : memref<2x128xi32, #tpu.memory_space<hbm>>) dst(%arg7 : memref<2x128xi32, #tpu.memory_space<vmem>>)
          tpu.yield
        }) : () -> ()
        %add3A_148 = arith.constant 1 : i32
        %add3A_149 = arith.addi %mul3A_69, %add3A_148 : i32
        %dma_start3A_150 = arith.constant 0 : i32
        %dma_start3A_151 = arith.constant 0 : i32
        %dma_start3A_152 = tpu.memref_slice %arg7[%dma_start3A_150, %dma_start3A_151] : memref<2x128xi32, #tpu.memory_space<vmem>> -> memref<1x128xi32, #tpu.memory_space<vmem>>
        %dma_start3A_153 = tpu.memref_squeeze %dma_start3A_152 : memref<1x128xi32, #tpu.memory_space<vmem>> -> memref<128xi32, #tpu.memory_space<vmem>>
        %dma_start3A_154 = arith.constant 0 : i32
        %dma_start3A_155 = arith.constant 0 : i32
        %dma_start3A_156 = tpu.memref_slice %arg2[%dma_start3A_154, %dma_start3A_155] : memref<10240x128xf32, #tpu.memory_space<hbm>> -> memref<10240x128xf32, #tpu.memory_space<hbm>>
        tpu.enqueue_indirect_dma source(%dma_start3A_156 : memref<10240x128xf32, #tpu.memory_space<hbm>>) target(%arg10 : memref<128x128xf32, #tpu.memory_space<vmem>>) offsets(%dma_start3A_153 : memref<128xi32, #tpu.memory_space<vmem>>) semaphore(%arg13 : memref<!tpu.dma_semaphore, #tpu.memory_space<semaphore_mem>>)
      } else {
      }
      %add3A_77 = arith.addi %mul3A_2, %mul3A_69 : i32
      %mul3A_78 = arith.constant 128 : i32
      %mul3A_79 = arith.muli %add3A_77, %mul3A_78 : i32
      %dma_wait3A = arith.constant 0 : i32
      %dma_wait3A_80 = tpu.memref_slice %arg3[%mul3A_79, %dma_wait3A] : memref<327680x128xf32, #tpu.memory_space<hbm>> -> memref<128x128xf32, #tpu.memory_space<hbm>>
      %dma_wait3A_81 = arith.constant 0 : i32
      %dma_wait3A_82 = tpu.memref_slice %arg3[%mul3A_79, %dma_wait3A_81] : memref<327680x128xf32, #tpu.memory_space<hbm>> -> memref<128x128xf32, #tpu.memory_space<hbm>>
      tpu.wait_dma2 semaphore(%arg14 : memref<!tpu.dma_semaphore, #tpu.memory_space<semaphore_mem>>) src(%dma_wait3A_82 : memref<128x128xf32, #tpu.memory_space<hbm>>) dst(%arg8 : memref<128x128xf32, #tpu.memory_space<vmem>>)
      %dma_wait3A_83 = arith.constant 0 : i32
      %dma_wait3A_84 = arith.constant 0 : i32
      %dma_wait3A_85 = tpu.memref_slice %arg6[%dma_wait3A_83, %dma_wait3A_84] : memref<2x128xi32, #tpu.memory_space<vmem>> -> memref<1x128xi32, #tpu.memory_space<vmem>>
      %dma_wait3A_86 = tpu.memref_squeeze %dma_wait3A_85 : memref<1x128xi32, #tpu.memory_space<vmem>> -> memref<128xi32, #tpu.memory_space<vmem>>
      %dma_wait3A_87 = arith.constant 0 : i32
      %dma_wait3A_88 = arith.constant 0 : i32
      %dma_wait3A_89 = tpu.memref_slice %arg2[%dma_wait3A_87, %dma_wait3A_88] : memref<10240x128xf32, #tpu.memory_space<hbm>> -> memref<10240x128xf32, #tpu.memory_space<hbm>>
      tpu.wait_indirect_dma semaphore(%arg12 : memref<!tpu.dma_semaphore, #tpu.memory_space<semaphore_mem>>) src(%dma_wait3A_89 : memref<10240x128xf32, #tpu.memory_space<hbm>>) dst(%arg9 : memref<128x128xf32, #tpu.memory_space<vmem>>)
      %parallel_loop3A = arith.constant 0 : i32
      %parallel_loop3A_90 = arith.constant 128 : i32
      %parallel_loop3A_91 = arith.constant 1 : i32
      scf.for %parallel_loop3A_145 = %parallel_loop3A to %parallel_loop3A_90 step %parallel_loop3A_91  : i32 {
        %parallel_loop3A_146 = arith.index_cast %parallel_loop3A_145 : i32 to index
        %parallel_loop3A_147 = arith.constant 0 : index
        %parallel_loop3A_148 = tpu.vector_load %arg9[%parallel_loop3A_146, %parallel_loop3A_147] {strides = array<i32>} : memref<128x128xf32, #tpu.memory_space<vmem>>, vector<1x16xf32>,
        %parallel_loop3A_149 = vector.shape_cast %parallel_loop3A_148 : vector<1x16xf32> to vector<16xf32>
        %parallel_loop3A_150 = arith.index_cast %parallel_loop3A_145 : i32 to index
        %parallel_loop3A_151 = arith.constant 0 : index
        %parallel_loop3A_152 = tpu.vector_load %arg8[%parallel_loop3A_150, %parallel_loop3A_151] {strides = array<i32>} : memref<128x128xf32, #tpu.memory_space<vmem>>, vector<1x16xf32>,
        %parallel_loop3A_153 = vector.shape_cast %parallel_loop3A_152 : vector<1x16xf32> to vector<16xf32>
        %parallel_loop3A_154 = arith.addf %parallel_loop3A_149, %parallel_loop3A_153 : vector<16xf32>
        %parallel_loop3A_155 = arith.constant 0.000000e+00 : f32
        %parallel_loop3A_156 = vector.broadcast %parallel_loop3A_155 : f32 to vector<16xf32>
        %parallel_loop3A_157 = arith.maximumf %parallel_loop3A_154, %parallel_loop3A_156 : vector<16xf32>
        %parallel_loop3A_158 = arith.index_cast %parallel_loop3A_145 : i32 to index
        %parallel_loop3A_159 = arith.constant 0 : index
        %parallel_loop3A_160 = tpu.vector_load %arg8[%parallel_loop3A_158, %parallel_loop3A_159] {strides = array<i32>} : memref<128x128xf32, #tpu.memory_space<vmem>>, vector<1x16xf32>,
        %parallel_loop3A_161 = vector.shape_cast %parallel_loop3A_160 : vector<1x16xf32> to vector<16xf32>
        %parallel_loop3A_162 = vector.shape_cast %parallel_loop3A_157 : vector<16xf32> to vector<1x16xf32>
        tpu.vector_store %arg8[%parallel_loop3A_158, %parallel_loop3A_159], %parallel_loop3A_162 {strides = array<i32>} : memref<128x128xf32, #tpu.memory_space<vmem>>, vector<1x16xf32>,
        %parallel_loop3A_163 = arith.index_cast %parallel_loop3A_145 : i32 to index
        %parallel_loop3A_164 = arith.constant 16 : index
        %parallel_loop3A_165 = tpu.vector_load %arg9[%parallel_loop3A_163, %parallel_loop3A_164] {strides = array<i32>} : memref<128x128xf32, #tpu.memory_space<vmem>>, vector<1x16xf32>,
        %parallel_loop3A_166 = vector.shape_cast %parallel_loop3A_165 : vector<1x16xf32> to vector<16xf32>
        %parallel_loop3A_167 = arith.index_cast %parallel_loop3A_145 : i32 to index
        %parallel_loop3A_168 = arith.constant 16 : index
        %parallel_loop3A_169 = tpu.vector_load %arg8[%parallel_loop3A_167, %parallel_loop3A_168] {strides = array<i32>} : memref<128x128xf32, #tpu.memory_space<vmem>>, vector<1x16xf32>,
        %parallel_loop3A_170 = vector.shape_cast %parallel_loop3A_169 : vector<1x16xf32> to vector<16xf32>
        %parallel_loop3A_171 = arith.addf %parallel_loop3A_166, %parallel_loop3A_170 : vector<16xf32>
        %parallel_loop3A_172 = arith.constant 0.000000e+00 : f32
        %parallel_loop3A_173 = vector.broadcast %parallel_loop3A_172 : f32 to vector<16xf32>
        %parallel_loop3A_174 = arith.maximumf %parallel_loop3A_171, %parallel_loop3A_173 : vector<16xf32>
        %parallel_loop3A_175 = arith.index_cast %parallel_loop3A_145 : i32 to index
        %parallel_loop3A_176 = arith.constant 16 : index
        %parallel_loop3A_177 = tpu.vector_load %arg8[%parallel_loop3A_175, %parallel_loop3A_176] {strides = array<i32>} : memref<128x128xf32, #tpu.memory_space<vmem>>, vector<1x16xf32>,
        %parallel_loop3A_178 = vector.shape_cast %parallel_loop3A_177 : vector<1x16xf32> to vector<16xf32>
        %parallel_loop3A_179 = vector.shape_cast %parallel_loop3A_174 : vector<16xf32> to vector<1x16xf32>
        tpu.vector_store %arg8[%parallel_loop3A_175, %parallel_loop3A_176], %parallel_loop3A_179 {strides = array<i32>} : memref<128x128xf32, #tpu.memory_space<vmem>>, vector<1x16xf32>,
        %parallel_loop3A_180 = arith.index_cast %parallel_loop3A_145 : i32 to index
        %parallel_loop3A_181 = arith.constant 32 : index
        %parallel_loop3A_182 = tpu.vector_load %arg9[%parallel_loop3A_180, %parallel_loop3A_181] {strides = array<i32>} : memref<128x128xf32, #tpu.memory_space<vmem>>, vector<1x16xf32>,
        %parallel_loop3A_183 = vector.shape_cast %parallel_loop3A_182 : vector<1x16xf32> to vector<16xf32>
        %parallel_loop3A_184 = arith.index_cast %parallel_loop3A_145 : i32 to index
        %parallel_loop3A_185 = arith.constant 32 : index
        %parallel_loop3A_186 = tpu.vector_load %arg8[%parallel_loop3A_184, %parallel_loop3A_185] {strides = array<i32>} : memref<128x128xf32, #tpu.memory_space<vmem>>, vector<1x16xf32>,
        %parallel_loop3A_187 = vector.shape_cast %parallel_loop3A_186 : vector<1x16xf32> to vector<16xf32>
        %parallel_loop3A_188 = arith.addf %parallel_loop3A_183, %parallel_loop3A_187 : vector<16xf32>
        %parallel_loop3A_189 = arith.constant 0.000000e+00 : f32
        %parallel_loop3A_190 = vector.broadcast %parallel_loop3A_189 : f32 to vector<16xf32>
        %parallel_loop3A_191 = arith.maximumf %parallel_loop3A_188, %parallel_loop3A_190 : vector<16xf32>
        %parallel_loop3A_192 = arith.index_cast %parallel_loop3A_145 : i32 to index
        %parallel_loop3A_193 = arith.constant 32 : index
        %parallel_loop3A_194 = tpu.vector_load %arg8[%parallel_loop3A_192, %parallel_loop3A_193] {strides = array<i32>} : memref<128x128xf32, #tpu.memory_space<vmem>>, vector<1x16xf32>,
        %parallel_loop3A_195 = vector.shape_cast %parallel_loop3A_194 : vector<1x16xf32> to vector<16xf32>
        %parallel_loop3A_196 = vector.shape_cast %parallel_loop3A_191 : vector<16xf32> to vector<1x16xf32>
        tpu.vector_store %arg8[%parallel_loop3A_192, %parallel_loop3A_193], %parallel_loop3A_196 {strides = array<i32>} : memref<128x128xf32, #tpu.memory_space<vmem>>, vector<1x16xf32>,
        %parallel_loop3A_197 = arith.index_cast %parallel_loop3A_145 : i32 to index
        %parallel_loop3A_198 = arith.constant 48 : index
        %parallel_loop3A_199 = tpu.vector_load %arg9[%parallel_loop3A_197, %parallel_loop3A_198] {strides = array<i32>} : memref<128x128xf32, #tpu.memory_space<vmem>>, vector<1x16xf32>,
        %parallel_loop3A_200 = vector.shape_cast %parallel_loop3A_199 : vector<1x16xf32> to vector<16xf32>
        %parallel_loop3A_201 = arith.index_cast %parallel_loop3A_145 : i32 to index
        %parallel_loop3A_202 = arith.constant 48 : index
        %parallel_loop3A_203 = tpu.vector_load %arg8[%parallel_loop3A_201, %parallel_loop3A_202] {strides = array<i32>} : memref<128x128xf32, #tpu.memory_space<vmem>>, vector<1x16xf32>,
        %parallel_loop3A_204 = vector.shape_cast %parallel_loop3A_203 : vector<1x16xf32> to vector<16xf32>
        %parallel_loop3A_205 = arith.addf %parallel_loop3A_200, %parallel_loop3A_204 : vector<16xf32>
        %parallel_loop3A_206 = arith.constant 0.000000e+00 : f32
        %parallel_loop3A_207 = vector.broadcast %parallel_loop3A_206 : f32 to vector<16xf32>
        %parallel_loop3A_208 = arith.maximumf %parallel_loop3A_205, %parallel_loop3A_207 : vector<16xf32>
        %parallel_loop3A_209 = arith.index_cast %parallel_loop3A_145 : i32 to index
        %parallel_loop3A_210 = arith.constant 48 : index
        %parallel_loop3A_211 = tpu.vector_load %arg8[%parallel_loop3A_209, %parallel_loop3A_210] {strides = array<i32>} : memref<128x128xf32, #tpu.memory_space<vmem>>, vector<1x16xf32>,
        %parallel_loop3A_212 = vector.shape_cast %parallel_loop3A_211 : vector<1x16xf32> to vector<16xf32>
        %parallel_loop3A_213 = vector.shape_cast %parallel_loop3A_208 : vector<16xf32> to vector<1x16xf32>
        tpu.vector_store %arg8[%parallel_loop3A_209, %parallel_loop3A_210], %parallel_loop3A_213 {strides = array<i32>} : memref<128x128xf32, #tpu.memory_space<vmem>>, vector<1x16xf32>,
        %parallel_loop3A_214 = arith.index_cast %parallel_loop3A_145 : i32 to index
        %parallel_loop3A_215 = arith.constant 64 : index
        %parallel_loop3A_216 = tpu.vector_load %arg9[%parallel_loop3A_214, %parallel_loop3A_215] {strides = array<i32>} : memref<128x128xf32, #tpu.memory_space<vmem>>, vector<1x16xf32>,
        %parallel_loop3A_217 = vector.shape_cast %parallel_loop3A_216 : vector<1x16xf32> to vector<16xf32>
        %parallel_loop3A_218 = arith.index_cast %parallel_loop3A_145 : i32 to index
        %parallel_loop3A_219 = arith.constant 64 : index
        %parallel_loop3A_220 = tpu.vector_load %arg8[%parallel_loop3A_218, %parallel_loop3A_219] {strides = array<i32>} : memref<128x128xf32, #tpu.memory_space<vmem>>, vector<1x16xf32>,
        %parallel_loop3A_221 = vector.shape_cast %parallel_loop3A_220 : vector<1x16xf32> to vector<16xf32>
        %parallel_loop3A_222 = arith.addf %parallel_loop3A_217, %parallel_loop3A_221 : vector<16xf32>
        %parallel_loop3A_223 = arith.constant 0.000000e+00 : f32
        %parallel_loop3A_224 = vector.broadcast %parallel_loop3A_223 : f32 to vector<16xf32>
        %parallel_loop3A_225 = arith.maximumf %parallel_loop3A_222, %parallel_loop3A_224 : vector<16xf32>
        %parallel_loop3A_226 = arith.index_cast %parallel_loop3A_145 : i32 to index
        %parallel_loop3A_227 = arith.constant 64 : index
        %parallel_loop3A_228 = tpu.vector_load %arg8[%parallel_loop3A_226, %parallel_loop3A_227] {strides = array<i32>} : memref<128x128xf32, #tpu.memory_space<vmem>>, vector<1x16xf32>,
        %parallel_loop3A_229 = vector.shape_cast %parallel_loop3A_228 : vector<1x16xf32> to vector<16xf32>
        %parallel_loop3A_230 = vector.shape_cast %parallel_loop3A_225 : vector<16xf32> to vector<1x16xf32>
        tpu.vector_store %arg8[%parallel_loop3A_226, %parallel_loop3A_227], %parallel_loop3A_230 {strides = array<i32>} : memref<128x128xf32, #tpu.memory_space<vmem>>, vector<1x16xf32>,
        %parallel_loop3A_231 = arith.index_cast %parallel_loop3A_145 : i32 to index
        %parallel_loop3A_232 = arith.constant 80 : index
        %parallel_loop3A_233 = tpu.vector_load %arg9[%parallel_loop3A_231, %parallel_loop3A_232] {strides = array<i32>} : memref<128x128xf32, #tpu.memory_space<vmem>>, vector<1x16xf32>,
        %parallel_loop3A_234 = vector.shape_cast %parallel_loop3A_233 : vector<1x16xf32> to vector<16xf32>
        %parallel_loop3A_235 = arith.index_cast %parallel_loop3A_145 : i32 to index
        %parallel_loop3A_236 = arith.constant 80 : index
        %parallel_loop3A_237 = tpu.vector_load %arg8[%parallel_loop3A_235, %parallel_loop3A_236] {strides = array<i32>} : memref<128x128xf32, #tpu.memory_space<vmem>>, vector<1x16xf32>,
        %parallel_loop3A_238 = vector.shape_cast %parallel_loop3A_237 : vector<1x16xf32> to vector<16xf32>
        %parallel_loop3A_239 = arith.addf %parallel_loop3A_234, %parallel_loop3A_238 : vector<16xf32>
        %parallel_loop3A_240 = arith.constant 0.000000e+00 : f32
        %parallel_loop3A_241 = vector.broadcast %parallel_loop3A_240 : f32 to vector<16xf32>
        %parallel_loop3A_242 = arith.maximumf %parallel_loop3A_239, %parallel_loop3A_241 : vector<16xf32>
        %parallel_loop3A_243 = arith.index_cast %parallel_loop3A_145 : i32 to index
        %parallel_loop3A_244 = arith.constant 80 : index
        %parallel_loop3A_245 = tpu.vector_load %arg8[%parallel_loop3A_243, %parallel_loop3A_244] {strides = array<i32>} : memref<128x128xf32, #tpu.memory_space<vmem>>, vector<1x16xf32>,
        %parallel_loop3A_246 = vector.shape_cast %parallel_loop3A_245 : vector<1x16xf32> to vector<16xf32>
        %parallel_loop3A_247 = vector.shape_cast %parallel_loop3A_242 : vector<16xf32> to vector<1x16xf32>
        tpu.vector_store %arg8[%parallel_loop3A_243, %parallel_loop3A_244], %parallel_loop3A_247 {strides = array<i32>} : memref<128x128xf32, #tpu.memory_space<vmem>>, vector<1x16xf32>,
        %parallel_loop3A_248 = arith.index_cast %parallel_loop3A_145 : i32 to index
        %parallel_loop3A_249 = arith.constant 96 : index
        %parallel_loop3A_250 = tpu.vector_load %arg9[%parallel_loop3A_248, %parallel_loop3A_249] {strides = array<i32>} : memref<128x128xf32, #tpu.memory_space<vmem>>, vector<1x16xf32>,
        %parallel_loop3A_251 = vector.shape_cast %parallel_loop3A_250 : vector<1x16xf32> to vector<16xf32>
        %parallel_loop3A_252 = arith.index_cast %parallel_loop3A_145 : i32 to index
        %parallel_loop3A_253 = arith.constant 96 : index
        %parallel_loop3A_254 = tpu.vector_load %arg8[%parallel_loop3A_252, %parallel_loop3A_253] {strides = array<i32>} : memref<128x128xf32, #tpu.memory_space<vmem>>, vector<1x16xf32>,
        %parallel_loop3A_255 = vector.shape_cast %parallel_loop3A_254 : vector<1x16xf32> to vector<16xf32>
        %parallel_loop3A_256 = arith.addf %parallel_loop3A_251, %parallel_loop3A_255 : vector<16xf32>
        %parallel_loop3A_257 = arith.constant 0.000000e+00 : f32
        %parallel_loop3A_258 = vector.broadcast %parallel_loop3A_257 : f32 to vector<16xf32>
        %parallel_loop3A_259 = arith.maximumf %parallel_loop3A_256, %parallel_loop3A_258 : vector<16xf32>
        %parallel_loop3A_260 = arith.index_cast %parallel_loop3A_145 : i32 to index
        %parallel_loop3A_261 = arith.constant 96 : index
        %parallel_loop3A_262 = tpu.vector_load %arg8[%parallel_loop3A_260, %parallel_loop3A_261] {strides = array<i32>} : memref<128x128xf32, #tpu.memory_space<vmem>>, vector<1x16xf32>,
        %parallel_loop3A_263 = vector.shape_cast %parallel_loop3A_262 : vector<1x16xf32> to vector<16xf32>
        %parallel_loop3A_264 = vector.shape_cast %parallel_loop3A_259 : vector<16xf32> to vector<1x16xf32>
        tpu.vector_store %arg8[%parallel_loop3A_260, %parallel_loop3A_261], %parallel_loop3A_264 {strides = array<i32>} : memref<128x128xf32, #tpu.memory_space<vmem>>, vector<1x16xf32>,
        %parallel_loop3A_265 = arith.index_cast %parallel_loop3A_145 : i32 to index
        %parallel_loop3A_266 = arith.constant 112 : index
        %parallel_loop3A_267 = tpu.vector_load %arg9[%parallel_loop3A_265, %parallel_loop3A_266] {strides = array<i32>} : memref<128x128xf32, #tpu.memory_space<vmem>>, vector<1x16xf32>,
        %parallel_loop3A_268 = vector.shape_cast %parallel_loop3A_267 : vector<1x16xf32> to vector<16xf32>
        %parallel_loop3A_269 = arith.index_cast %parallel_loop3A_145 : i32 to index
        %parallel_loop3A_270 = arith.constant 112 : index
        %parallel_loop3A_271 = tpu.vector_load %arg8[%parallel_loop3A_269, %parallel_loop3A_270] {strides = array<i32>} : memref<128x128xf32, #tpu.memory_space<vmem>>, vector<1x16xf32>,
        %parallel_loop3A_272 = vector.shape_cast %parallel_loop3A_271 : vector<1x16xf32> to vector<16xf32>
        %parallel_loop3A_273 = arith.addf %parallel_loop3A_268, %parallel_loop3A_272 : vector<16xf32>
        %parallel_loop3A_274 = arith.constant 0.000000e+00 : f32
        %parallel_loop3A_275 = vector.broadcast %parallel_loop3A_274 : f32 to vector<16xf32>
        %parallel_loop3A_276 = arith.maximumf %parallel_loop3A_273, %parallel_loop3A_275 : vector<16xf32>
        %parallel_loop3A_277 = arith.index_cast %parallel_loop3A_145 : i32 to index
        %parallel_loop3A_278 = arith.constant 112 : index
        %parallel_loop3A_279 = tpu.vector_load %arg8[%parallel_loop3A_277, %parallel_loop3A_278] {strides = array<i32>} : memref<128x128xf32, #tpu.memory_space<vmem>>, vector<1x16xf32>,
        %parallel_loop3A_280 = vector.shape_cast %parallel_loop3A_279 : vector<1x16xf32> to vector<16xf32>
        %parallel_loop3A_281 = vector.shape_cast %parallel_loop3A_276 : vector<16xf32> to vector<1x16xf32>
        tpu.vector_store %arg8[%parallel_loop3A_277, %parallel_loop3A_278], %parallel_loop3A_281 {strides = array<i32>} : memref<128x128xf32, #tpu.memory_space<vmem>>, vector<1x16xf32>,
      } {sc.loop_unroll_factor = 4 : i64, sc.parallel_access}
      %lt3A = arith.constant 0 : i32
      %lt3A_92 = arith.cmpi slt, %add3A_70, %lt3A : i32
      %convert_element_type3A_93 = arith.extui %lt3A_92 : i1 to i32
      %cond3A_94 = arith.constant 0 : i32
      %cond3A_95 = arith.cmpi ne, %convert_element_type3A_93, %cond3A_94 : i32
      scf.if %cond3A_95 {
        %run_scoped3A = arith.constant 1 : i32
        "tpu.region"() ({
          %run_scoped3A_145 = tpu.sem_alloc : memref<!tpu.dma_semaphore, #tpu.memory_space<semaphore_mem>>
          %dma_start3A_146 = arith.constant 0 : i32
          %dma_start3A_147 = tpu.memref_slice %arg6[%run_scoped3A, %dma_start3A_146] : memref<2x128xi32, #tpu.memory_space<vmem>> -> memref<1x128xi32, #tpu.memory_space<vmem>>
          %dma_start3A_148 = tpu.memref_squeeze %dma_start3A_147 : memref<1x128xi32, #tpu.memory_space<vmem>> -> memref<128xi32, #tpu.memory_space<vmem>>
          %dma_start3A_149 = arith.constant 0 : i32
          %dma_start3A_150 = arith.constant 0 : i32
          %dma_start3A_151 = tpu.memref_slice %arg11[%dma_start3A_149, %dma_start3A_150] : memref<10112x128xf32, #tpu.memory_space<vmem_shared>> -> memref<10112x128xf32, #tpu.memory_space<vmem_shared>>
          tpu.enqueue_indirect_dma source(%arg8 : memref<128x128xf32, #tpu.memory_space<vmem>>) target(%dma_start3A_151 : memref<10112x128xf32, #tpu.memory_space<vmem_shared>>) offsets(%dma_start3A_148 : memref<128xi32, #tpu.memory_space<vmem>>) semaphore(%run_scoped3A_145 : memref<!tpu.dma_semaphore, #tpu.memory_space<semaphore_mem>>) {add = true}
          %dma_wait3A_152 = arith.constant 0 : i32
          %dma_wait3A_153 = tpu.memref_slice %arg6[%run_scoped3A, %dma_wait3A_152] : memref<2x128xi32, #tpu.memory_space<vmem>> -> memref<1x128xi32, #tpu.memory_space<vmem>>
          %dma_wait3A_154 = tpu.memref_squeeze %dma_wait3A_153 : memref<1x128xi32, #tpu.memory_space<vmem>> -> memref<128xi32, #tpu.memory_space<vmem>>
          %dma_wait3A_155 = arith.constant 0 : i32
          %dma_wait3A_156 = arith.constant 0 : i32
          %dma_wait3A_157 = tpu.memref_slice %arg11[%dma_wait3A_155, %dma_wait3A_156] : memref<10112x128xf32, #tpu.memory_space<vmem_shared>> -> memref<10112x128xf32, #tpu.memory_space<vmem_shared>>
          tpu.wait_indirect_dma semaphore(%run_scoped3A_145 : memref<!tpu.dma_semaphore, #tpu.memory_space<semaphore_mem>>) src(%arg8 : memref<128x128xf32, #tpu.memory_space<vmem>>) dst(%dma_wait3A_157 : memref<10112x128xf32, #tpu.memory_space<vmem_shared>>)
          tpu.yield
        }) : () -> ()
      } else {
      }
      %add3A_96 = arith.constant 1 : i32
      %add3A_97 = arith.addi %mul3A_69, %add3A_96 : i32
      %le3A_98 = arith.constant 79 : i32
      %le3A_99 = arith.cmpi sle, %add3A_97, %le3A_98 : i32
      %convert_element_type3A_100 = arith.extui %le3A_99 : i1 to i32
      %cond3A_101 = arith.constant 0 : i32
      %cond3A_102 = arith.cmpi ne, %convert_element_type3A_100, %cond3A_101 : i32
      scf.if %cond3A_102 {
        %add3A_145 = arith.constant 1 : i32
        %add3A_146 = arith.addi %mul3A_69, %add3A_145 : i32
        %add3A_147 = arith.addi %mul3A_2, %add3A_146 : i32
        %mul3A_148 = arith.constant 128 : i32
        %mul3A_149 = arith.muli %add3A_147, %mul3A_148 : i32
        %dma_start3A_150 = arith.constant 0 : i32
        %dma_start3A_151 = tpu.memref_slice %arg3[%mul3A_149, %dma_start3A_150] : memref<327680x128xf32, #tpu.memory_space<hbm>> -> memref<128x128xf32, #tpu.memory_space<hbm>>
        %dma_start3A_152 = arith.constant 0 : i32
        %dma_start3A_153 = tpu.memref_slice %arg3[%mul3A_149, %dma_start3A_152] : memref<327680x128xf32, #tpu.memory_space<hbm>> -> memref<128x128xf32, #tpu.memory_space<hbm>>
        tpu.enqueue_dma source(%dma_start3A_153 : memref<128x128xf32, #tpu.memory_space<hbm>>) target(%arg8 : memref<128x128xf32, #tpu.memory_space<vmem>>) target_semaphore(%arg14 : memref<!tpu.dma_semaphore, #tpu.memory_space<semaphore_mem>>)
      } else {
      }
      %mul3A_103 = arith.constant 2 : i32
      %mul3A_104 = arith.muli %mul3A_103, %scan3A_66 : i32
      %add3A_105 = arith.constant 1 : i32
      %add3A_106 = arith.addi %mul3A_104, %add3A_105 : i32
      %add3A_107 = arith.addi %mul3A_2, %add3A_106 : i32
      %add3A_108 = arith.constant 1 : i32
      %add3A_109 = arith.addi %add3A_106, %add3A_108 : i32
      %le3A_110 = arith.constant 79 : i32
      %le3A_111 = arith.cmpi sle, %add3A_109, %le3A_110 : i32
      %convert_element_type3A_112 = arith.extui %le3A_111 : i1 to i32
      %cond3A_113 = arith.constant 0 : i32
      %cond3A_114 = arith.cmpi ne, %convert_element_type3A_112, %cond3A_113 : i32
      scf.if %cond3A_114 {
        %add3A_145 = arith.addi %mul3A_2, %add3A_106 : i32
        %add3A_146 = arith.constant 1 : i32
        %add3A_147 = arith.addi %add3A_145, %add3A_146 : i32
        "tpu.region"() ({
          %run_scoped3A = tpu.sem_alloc : memref<!tpu.dma_semaphore, #tpu.memory_space<semaphore_mem>>
          %dma_start3A_157 = arith.constant 0 : i32
          %dma_start3A_158 = arith.constant 0 : i32
          %dma_start3A_159 = tpu.memref_slice %arg4[%add3A_147, %dma_start3A_157, %dma_start3A_158] : memref<2560x2x128xi32, #tpu.memory_space<hbm>> -> memref<1x2x128xi32, #tpu.memory_space<hbm>>
          %dma_start3A_160 = tpu.memref_squeeze %dma_start3A_159 : memref<1x2x128xi32, #tpu.memory_space<hbm>> -> memref<2x128xi32, #tpu.memory_space<hbm>>
          %dma_start3A_161 = arith.constant 0 : i32
          %dma_start3A_162 = arith.constant 0 : i32
          %dma_start3A_163 = tpu.memref_slice %arg4[%add3A_147, %dma_start3A_161, %dma_start3A_162] : memref<2560x2x128xi32, #tpu.memory_space<hbm>> -> memref<1x2x128xi32, #tpu.memory_space<hbm>>
          %dma_start3A_164 = tpu.memref_squeeze %dma_start3A_163 : memref<1x2x128xi32, #tpu.memory_space<hbm>> -> memref<2x128xi32, #tpu.memory_space<hbm>>
          tpu.enqueue_dma source(%dma_start3A_164 : memref<2x128xi32, #tpu.memory_space<hbm>>) target(%arg6 : memref<2x128xi32, #tpu.memory_space<vmem>>) target_semaphore(%run_scoped3A : memref<!tpu.dma_semaphore, #tpu.memory_space<semaphore_mem>>)
          %dma_wait3A_165 = arith.constant 0 : i32
          %dma_wait3A_166 = arith.constant 0 : i32
          %dma_wait3A_167 = tpu.memref_slice %arg4[%add3A_147, %dma_wait3A_165, %dma_wait3A_166] : memref<2560x2x128xi32, #tpu.memory_space<hbm>> -> memref<1x2x128xi32, #tpu.memory_space<hbm>>
          %dma_wait3A_168 = tpu.memref_squeeze %dma_wait3A_167 : memref<1x2x128xi32, #tpu.memory_space<hbm>> -> memref<2x128xi32, #tpu.memory_space<hbm>>
          %dma_wait3A_169 = arith.constant 0 : i32
          %dma_wait3A_170 = arith.constant 0 : i32
          %dma_wait3A_171 = tpu.memref_slice %arg4[%add3A_147, %dma_wait3A_169, %dma_wait3A_170] : memref<2560x2x128xi32, #tpu.memory_space<hbm>> -> memref<1x2x128xi32, #tpu.memory_space<hbm>>
          %dma_wait3A_172 = tpu.memref_squeeze %dma_wait3A_171 : memref<1x2x128xi32, #tpu.memory_space<hbm>> -> memref<2x128xi32, #tpu.memory_space<hbm>>
          tpu.wait_dma2 semaphore(%run_scoped3A : memref<!tpu.dma_semaphore, #tpu.memory_space<semaphore_mem>>) src(%dma_wait3A_172 : memref<2x128xi32, #tpu.memory_space<hbm>>) dst(%arg6 : memref<2x128xi32, #tpu.memory_space<vmem>>)
          tpu.yield
        }) : () -> ()
        %add3A_148 = arith.constant 1 : i32
        %add3A_149 = arith.addi %add3A_106, %add3A_148 : i32
        %dma_start3A_150 = arith.constant 0 : i32
        %dma_start3A_151 = arith.constant 0 : i32
        %dma_start3A_152 = tpu.memref_slice %arg6[%dma_start3A_150, %dma_start3A_151] : memref<2x128xi32, #tpu.memory_space<vmem>> -> memref<1x128xi32, #tpu.memory_space<vmem>>
        %dma_start3A_153 = tpu.memref_squeeze %dma_start3A_152 : memref<1x128xi32, #tpu.memory_space<vmem>> -> memref<128xi32, #tpu.memory_space<vmem>>
        %dma_start3A_154 = arith.constant 0 : i32
        %dma_start3A_155 = arith.constant 0 : i32
        %dma_start3A_156 = tpu.memref_slice %arg2[%dma_start3A_154, %dma_start3A_155] : memref<10240x128xf32, #tpu.memory_space<hbm>> -> memref<10240x128xf32, #tpu.memory_space<hbm>>
        tpu.enqueue_indirect_dma source(%dma_start3A_156 : memref<10240x128xf32, #tpu.memory_space<hbm>>) target(%arg9 : memref<128x128xf32, #tpu.memory_space<vmem>>) offsets(%dma_start3A_153 : memref<128xi32, #tpu.memory_space<vmem>>) semaphore(%arg12 : memref<!tpu.dma_semaphore, #tpu.memory_space<semaphore_mem>>)
      } else {
      }
      %add3A_115 = arith.addi %mul3A_2, %add3A_106 : i32
      %mul3A_116 = arith.constant 128 : i32
      %mul3A_117 = arith.muli %add3A_115, %mul3A_116 : i32
      %dma_wait3A_118 = arith.constant 0 : i32
      %dma_wait3A_119 = tpu.memref_slice %arg3[%mul3A_117, %dma_wait3A_118] : memref<327680x128xf32, #tpu.memory_space<hbm>> -> memref<128x128xf32, #tpu.memory_space<hbm>>
      %dma_wait3A_120 = arith.constant 0 : i32
      %dma_wait3A_121 = tpu.memref_slice %arg3[%mul3A_117, %dma_wait3A_120] : memref<327680x128xf32, #tpu.memory_space<hbm>> -> memref<128x128xf32, #tpu.memory_space<hbm>>
      tpu.wait_dma2 semaphore(%arg14 : memref<!tpu.dma_semaphore, #tpu.memory_space<semaphore_mem>>) src(%dma_wait3A_121 : memref<128x128xf32, #tpu.memory_space<hbm>>) dst(%arg8 : memref<128x128xf32, #tpu.memory_space<vmem>>)
      %dma_wait3A_122 = arith.constant 0 : i32
      %dma_wait3A_123 = arith.constant 0 : i32
      %dma_wait3A_124 = tpu.memref_slice %arg7[%dma_wait3A_122, %dma_wait3A_123] : memref<2x128xi32, #tpu.memory_space<vmem>> -> memref<1x128xi32, #tpu.memory_space<vmem>>
      %dma_wait3A_125 = tpu.memref_squeeze %dma_wait3A_124 : memref<1x128xi32, #tpu.memory_space<vmem>> -> memref<128xi32, #tpu.memory_space<vmem>>
      %dma_wait3A_126 = arith.constant 0 : i32
      %dma_wait3A_127 = arith.constant 0 : i32
      %dma_wait3A_128 = tpu.memref_slice %arg2[%dma_wait3A_126, %dma_wait3A_127] : memref<10240x128xf32, #tpu.memory_space<hbm>> -> memref<10240x128xf32, #tpu.memory_space<hbm>>
      tpu.wait_indirect_dma semaphore(%arg13 : memref<!tpu.dma_semaphore, #tpu.memory_space<semaphore_mem>>) src(%dma_wait3A_128 : memref<10240x128xf32, #tpu.memory_space<hbm>>) dst(%arg10 : memref<128x128xf32, #tpu.memory_space<vmem>>)
      %parallel_loop3A_129 = arith.constant 0 : i32
      %parallel_loop3A_130 = arith.constant 128 : i32
      %parallel_loop3A_131 = arith.constant 1 : i32
      scf.for %parallel_loop3A_145 = %parallel_loop3A_129 to %parallel_loop3A_130 step %parallel_loop3A_131  : i32 {
        %parallel_loop3A_146 = arith.index_cast %parallel_loop3A_145 : i32 to index
        %parallel_loop3A_147 = arith.constant 0 : index
        %parallel_loop3A_148 = tpu.vector_load %arg10[%parallel_loop3A_146, %parallel_loop3A_147] {strides = array<i32>} : memref<128x128xf32, #tpu.memory_space<vmem>>, vector<1x16xf32>,
        %parallel_loop3A_149 = vector.shape_cast %parallel_loop3A_148 : vector<1x16xf32> to vector<16xf32>
        %parallel_loop3A_150 = arith.index_cast %parallel_loop3A_145 : i32 to index
        %parallel_loop3A_151 = arith.constant 0 : index
        %parallel_loop3A_152 = tpu.vector_load %arg8[%parallel_loop3A_150, %parallel_loop3A_151] {strides = array<i32>} : memref<128x128xf32, #tpu.memory_space<vmem>>, vector<1x16xf32>,
        %parallel_loop3A_153 = vector.shape_cast %parallel_loop3A_152 : vector<1x16xf32> to vector<16xf32>
        %parallel_loop3A_154 = arith.addf %parallel_loop3A_149, %parallel_loop3A_153 : vector<16xf32>
        %parallel_loop3A_155 = arith.constant 0.000000e+00 : f32
        %parallel_loop3A_156 = vector.broadcast %parallel_loop3A_155 : f32 to vector<16xf32>
        %parallel_loop3A_157 = arith.maximumf %parallel_loop3A_154, %parallel_loop3A_156 : vector<16xf32>
        %parallel_loop3A_158 = arith.index_cast %parallel_loop3A_145 : i32 to index
        %parallel_loop3A_159 = arith.constant 0 : index
        %parallel_loop3A_160 = tpu.vector_load %arg8[%parallel_loop3A_158, %parallel_loop3A_159] {strides = array<i32>} : memref<128x128xf32, #tpu.memory_space<vmem>>, vector<1x16xf32>,
        %parallel_loop3A_161 = vector.shape_cast %parallel_loop3A_160 : vector<1x16xf32> to vector<16xf32>
        %parallel_loop3A_162 = vector.shape_cast %parallel_loop3A_157 : vector<16xf32> to vector<1x16xf32>
        tpu.vector_store %arg8[%parallel_loop3A_158, %parallel_loop3A_159], %parallel_loop3A_162 {strides = array<i32>} : memref<128x128xf32, #tpu.memory_space<vmem>>, vector<1x16xf32>,
        %parallel_loop3A_163 = arith.index_cast %parallel_loop3A_145 : i32 to index
        %parallel_loop3A_164 = arith.constant 16 : index
        %parallel_loop3A_165 = tpu.vector_load %arg10[%parallel_loop3A_163, %parallel_loop3A_164] {strides = array<i32>} : memref<128x128xf32, #tpu.memory_space<vmem>>, vector<1x16xf32>,
        %parallel_loop3A_166 = vector.shape_cast %parallel_loop3A_165 : vector<1x16xf32> to vector<16xf32>
        %parallel_loop3A_167 = arith.index_cast %parallel_loop3A_145 : i32 to index
        %parallel_loop3A_168 = arith.constant 16 : index
        %parallel_loop3A_169 = tpu.vector_load %arg8[%parallel_loop3A_167, %parallel_loop3A_168] {strides = array<i32>} : memref<128x128xf32, #tpu.memory_space<vmem>>, vector<1x16xf32>,
        %parallel_loop3A_170 = vector.shape_cast %parallel_loop3A_169 : vector<1x16xf32> to vector<16xf32>
        %parallel_loop3A_171 = arith.addf %parallel_loop3A_166, %parallel_loop3A_170 : vector<16xf32>
        %parallel_loop3A_172 = arith.constant 0.000000e+00 : f32
        %parallel_loop3A_173 = vector.broadcast %parallel_loop3A_172 : f32 to vector<16xf32>
        %parallel_loop3A_174 = arith.maximumf %parallel_loop3A_171, %parallel_loop3A_173 : vector<16xf32>
        %parallel_loop3A_175 = arith.index_cast %parallel_loop3A_145 : i32 to index
        %parallel_loop3A_176 = arith.constant 16 : index
        %parallel_loop3A_177 = tpu.vector_load %arg8[%parallel_loop3A_175, %parallel_loop3A_176] {strides = array<i32>} : memref<128x128xf32, #tpu.memory_space<vmem>>, vector<1x16xf32>,
        %parallel_loop3A_178 = vector.shape_cast %parallel_loop3A_177 : vector<1x16xf32> to vector<16xf32>
        %parallel_loop3A_179 = vector.shape_cast %parallel_loop3A_174 : vector<16xf32> to vector<1x16xf32>
        tpu.vector_store %arg8[%parallel_loop3A_175, %parallel_loop3A_176], %parallel_loop3A_179 {strides = array<i32>} : memref<128x128xf32, #tpu.memory_space<vmem>>, vector<1x16xf32>,
        %parallel_loop3A_180 = arith.index_cast %parallel_loop3A_145 : i32 to index
        %parallel_loop3A_181 = arith.constant 32 : index
        %parallel_loop3A_182 = tpu.vector_load %arg10[%parallel_loop3A_180, %parallel_loop3A_181] {strides = array<i32>} : memref<128x128xf32, #tpu.memory_space<vmem>>, vector<1x16xf32>,
        %parallel_loop3A_183 = vector.shape_cast %parallel_loop3A_182 : vector<1x16xf32> to vector<16xf32>
        %parallel_loop3A_184 = arith.index_cast %parallel_loop3A_145 : i32 to index
        %parallel_loop3A_185 = arith.constant 32 : index
        %parallel_loop3A_186 = tpu.vector_load %arg8[%parallel_loop3A_184, %parallel_loop3A_185] {strides = array<i32>} : memref<128x128xf32, #tpu.memory_space<vmem>>, vector<1x16xf32>,
        %parallel_loop3A_187 = vector.shape_cast %parallel_loop3A_186 : vector<1x16xf32> to vector<16xf32>
        %parallel_loop3A_188 = arith.addf %parallel_loop3A_183, %parallel_loop3A_187 : vector<16xf32>
        %parallel_loop3A_189 = arith.constant 0.000000e+00 : f32
        %parallel_loop3A_190 = vector.broadcast %parallel_loop3A_189 : f32 to vector<16xf32>
        %parallel_loop3A_191 = arith.maximumf %parallel_loop3A_188, %parallel_loop3A_190 : vector<16xf32>
        %parallel_loop3A_192 = arith.index_cast %parallel_loop3A_145 : i32 to index
        %parallel_loop3A_193 = arith.constant 32 : index
        %parallel_loop3A_194 = tpu.vector_load %arg8[%parallel_loop3A_192, %parallel_loop3A_193] {strides = array<i32>} : memref<128x128xf32, #tpu.memory_space<vmem>>, vector<1x16xf32>,
        %parallel_loop3A_195 = vector.shape_cast %parallel_loop3A_194 : vector<1x16xf32> to vector<16xf32>
        %parallel_loop3A_196 = vector.shape_cast %parallel_loop3A_191 : vector<16xf32> to vector<1x16xf32>
        tpu.vector_store %arg8[%parallel_loop3A_192, %parallel_loop3A_193], %parallel_loop3A_196 {strides = array<i32>} : memref<128x128xf32, #tpu.memory_space<vmem>>, vector<1x16xf32>,
        %parallel_loop3A_197 = arith.index_cast %parallel_loop3A_145 : i32 to index
        %parallel_loop3A_198 = arith.constant 48 : index
        %parallel_loop3A_199 = tpu.vector_load %arg10[%parallel_loop3A_197, %parallel_loop3A_198] {strides = array<i32>} : memref<128x128xf32, #tpu.memory_space<vmem>>, vector<1x16xf32>,
        %parallel_loop3A_200 = vector.shape_cast %parallel_loop3A_199 : vector<1x16xf32> to vector<16xf32>
        %parallel_loop3A_201 = arith.index_cast %parallel_loop3A_145 : i32 to index
        %parallel_loop3A_202 = arith.constant 48 : index
        %parallel_loop3A_203 = tpu.vector_load %arg8[%parallel_loop3A_201, %parallel_loop3A_202] {strides = array<i32>} : memref<128x128xf32, #tpu.memory_space<vmem>>, vector<1x16xf32>,
        %parallel_loop3A_204 = vector.shape_cast %parallel_loop3A_203 : vector<1x16xf32> to vector<16xf32>
        %parallel_loop3A_205 = arith.addf %parallel_loop3A_200, %parallel_loop3A_204 : vector<16xf32>
        %parallel_loop3A_206 = arith.constant 0.000000e+00 : f32
        %parallel_loop3A_207 = vector.broadcast %parallel_loop3A_206 : f32 to vector<16xf32>
        %parallel_loop3A_208 = arith.maximumf %parallel_loop3A_205, %parallel_loop3A_207 : vector<16xf32>
        %parallel_loop3A_209 = arith.index_cast %parallel_loop3A_145 : i32 to index
        %parallel_loop3A_210 = arith.constant 48 : index
        %parallel_loop3A_211 = tpu.vector_load %arg8[%parallel_loop3A_209, %parallel_loop3A_210] {strides = array<i32>} : memref<128x128xf32, #tpu.memory_space<vmem>>, vector<1x16xf32>,
        %parallel_loop3A_212 = vector.shape_cast %parallel_loop3A_211 : vector<1x16xf32> to vector<16xf32>
        %parallel_loop3A_213 = vector.shape_cast %parallel_loop3A_208 : vector<16xf32> to vector<1x16xf32>
        tpu.vector_store %arg8[%parallel_loop3A_209, %parallel_loop3A_210], %parallel_loop3A_213 {strides = array<i32>} : memref<128x128xf32, #tpu.memory_space<vmem>>, vector<1x16xf32>,
        %parallel_loop3A_214 = arith.index_cast %parallel_loop3A_145 : i32 to index
        %parallel_loop3A_215 = arith.constant 64 : index
        %parallel_loop3A_216 = tpu.vector_load %arg10[%parallel_loop3A_214, %parallel_loop3A_215] {strides = array<i32>} : memref<128x128xf32, #tpu.memory_space<vmem>>, vector<1x16xf32>,
        %parallel_loop3A_217 = vector.shape_cast %parallel_loop3A_216 : vector<1x16xf32> to vector<16xf32>
        %parallel_loop3A_218 = arith.index_cast %parallel_loop3A_145 : i32 to index
        %parallel_loop3A_219 = arith.constant 64 : index
        %parallel_loop3A_220 = tpu.vector_load %arg8[%parallel_loop3A_218, %parallel_loop3A_219] {strides = array<i32>} : memref<128x128xf32, #tpu.memory_space<vmem>>, vector<1x16xf32>,
        %parallel_loop3A_221 = vector.shape_cast %parallel_loop3A_220 : vector<1x16xf32> to vector<16xf32>
        %parallel_loop3A_222 = arith.addf %parallel_loop3A_217, %parallel_loop3A_221 : vector<16xf32>
        %parallel_loop3A_223 = arith.constant 0.000000e+00 : f32
        %parallel_loop3A_224 = vector.broadcast %parallel_loop3A_223 : f32 to vector<16xf32>
        %parallel_loop3A_225 = arith.maximumf %parallel_loop3A_222, %parallel_loop3A_224 : vector<16xf32>
        %parallel_loop3A_226 = arith.index_cast %parallel_loop3A_145 : i32 to index
        %parallel_loop3A_227 = arith.constant 64 : index
        %parallel_loop3A_228 = tpu.vector_load %arg8[%parallel_loop3A_226, %parallel_loop3A_227] {strides = array<i32>} : memref<128x128xf32, #tpu.memory_space<vmem>>, vector<1x16xf32>,
        %parallel_loop3A_229 = vector.shape_cast %parallel_loop3A_228 : vector<1x16xf32> to vector<16xf32>
        %parallel_loop3A_230 = vector.shape_cast %parallel_loop3A_225 : vector<16xf32> to vector<1x16xf32>
        tpu.vector_store %arg8[%parallel_loop3A_226, %parallel_loop3A_227], %parallel_loop3A_230 {strides = array<i32>} : memref<128x128xf32, #tpu.memory_space<vmem>>, vector<1x16xf32>,
        %parallel_loop3A_231 = arith.index_cast %parallel_loop3A_145 : i32 to index
        %parallel_loop3A_232 = arith.constant 80 : index
        %parallel_loop3A_233 = tpu.vector_load %arg10[%parallel_loop3A_231, %parallel_loop3A_232] {strides = array<i32>} : memref<128x128xf32, #tpu.memory_space<vmem>>, vector<1x16xf32>,
        %parallel_loop3A_234 = vector.shape_cast %parallel_loop3A_233 : vector<1x16xf32> to vector<16xf32>
        %parallel_loop3A_235 = arith.index_cast %parallel_loop3A_145 : i32 to index
        %parallel_loop3A_236 = arith.constant 80 : index
        %parallel_loop3A_237 = tpu.vector_load %arg8[%parallel_loop3A_235, %parallel_loop3A_236] {strides = array<i32>} : memref<128x128xf32, #tpu.memory_space<vmem>>, vector<1x16xf32>,
        %parallel_loop3A_238 = vector.shape_cast %parallel_loop3A_237 : vector<1x16xf32> to vector<16xf32>
        %parallel_loop3A_239 = arith.addf %parallel_loop3A_234, %parallel_loop3A_238 : vector<16xf32>
        %parallel_loop3A_240 = arith.constant 0.000000e+00 : f32
        %parallel_loop3A_241 = vector.broadcast %parallel_loop3A_240 : f32 to vector<16xf32>
        %parallel_loop3A_242 = arith.maximumf %parallel_loop3A_239, %parallel_loop3A_241 : vector<16xf32>
        %parallel_loop3A_243 = arith.index_cast %parallel_loop3A_145 : i32 to index
        %parallel_loop3A_244 = arith.constant 80 : index
        %parallel_loop3A_245 = tpu.vector_load %arg8[%parallel_loop3A_243, %parallel_loop3A_244] {strides = array<i32>} : memref<128x128xf32, #tpu.memory_space<vmem>>, vector<1x16xf32>,
        %parallel_loop3A_246 = vector.shape_cast %parallel_loop3A_245 : vector<1x16xf32> to vector<16xf32>
        %parallel_loop3A_247 = vector.shape_cast %parallel_loop3A_242 : vector<16xf32> to vector<1x16xf32>
        tpu.vector_store %arg8[%parallel_loop3A_243, %parallel_loop3A_244], %parallel_loop3A_247 {strides = array<i32>} : memref<128x128xf32, #tpu.memory_space<vmem>>, vector<1x16xf32>,
        %parallel_loop3A_248 = arith.index_cast %parallel_loop3A_145 : i32 to index
        %parallel_loop3A_249 = arith.constant 96 : index
        %parallel_loop3A_250 = tpu.vector_load %arg10[%parallel_loop3A_248, %parallel_loop3A_249] {strides = array<i32>} : memref<128x128xf32, #tpu.memory_space<vmem>>, vector<1x16xf32>,
        %parallel_loop3A_251 = vector.shape_cast %parallel_loop3A_250 : vector<1x16xf32> to vector<16xf32>
        %parallel_loop3A_252 = arith.index_cast %parallel_loop3A_145 : i32 to index
        %parallel_loop3A_253 = arith.constant 96 : index
        %parallel_loop3A_254 = tpu.vector_load %arg8[%parallel_loop3A_252, %parallel_loop3A_253] {strides = array<i32>} : memref<128x128xf32, #tpu.memory_space<vmem>>, vector<1x16xf32>,
        %parallel_loop3A_255 = vector.shape_cast %parallel_loop3A_254 : vector<1x16xf32> to vector<16xf32>
        %parallel_loop3A_256 = arith.addf %parallel_loop3A_251, %parallel_loop3A_255 : vector<16xf32>
        %parallel_loop3A_257 = arith.constant 0.000000e+00 : f32
        %parallel_loop3A_258 = vector.broadcast %parallel_loop3A_257 : f32 to vector<16xf32>
        %parallel_loop3A_259 = arith.maximumf %parallel_loop3A_256, %parallel_loop3A_258 : vector<16xf32>
        %parallel_loop3A_260 = arith.index_cast %parallel_loop3A_145 : i32 to index
        %parallel_loop3A_261 = arith.constant 96 : index
        %parallel_loop3A_262 = tpu.vector_load %arg8[%parallel_loop3A_260, %parallel_loop3A_261] {strides = array<i32>} : memref<128x128xf32, #tpu.memory_space<vmem>>, vector<1x16xf32>,
        %parallel_loop3A_263 = vector.shape_cast %parallel_loop3A_262 : vector<1x16xf32> to vector<16xf32>
        %parallel_loop3A_264 = vector.shape_cast %parallel_loop3A_259 : vector<16xf32> to vector<1x16xf32>
        tpu.vector_store %arg8[%parallel_loop3A_260, %parallel_loop3A_261], %parallel_loop3A_264 {strides = array<i32>} : memref<128x128xf32, #tpu.memory_space<vmem>>, vector<1x16xf32>,
        %parallel_loop3A_265 = arith.index_cast %parallel_loop3A_145 : i32 to index
        %parallel_loop3A_266 = arith.constant 112 : index
        %parallel_loop3A_267 = tpu.vector_load %arg10[%parallel_loop3A_265, %parallel_loop3A_266] {strides = array<i32>} : memref<128x128xf32, #tpu.memory_space<vmem>>, vector<1x16xf32>,
        %parallel_loop3A_268 = vector.shape_cast %parallel_loop3A_267 : vector<1x16xf32> to vector<16xf32>
        %parallel_loop3A_269 = arith.index_cast %parallel_loop3A_145 : i32 to index
        %parallel_loop3A_270 = arith.constant 112 : index
        %parallel_loop3A_271 = tpu.vector_load %arg8[%parallel_loop3A_269, %parallel_loop3A_270] {strides = array<i32>} : memref<128x128xf32, #tpu.memory_space<vmem>>, vector<1x16xf32>,
        %parallel_loop3A_272 = vector.shape_cast %parallel_loop3A_271 : vector<1x16xf32> to vector<16xf32>
        %parallel_loop3A_273 = arith.addf %parallel_loop3A_268, %parallel_loop3A_272 : vector<16xf32>
        %parallel_loop3A_274 = arith.constant 0.000000e+00 : f32
        %parallel_loop3A_275 = vector.broadcast %parallel_loop3A_274 : f32 to vector<16xf32>
        %parallel_loop3A_276 = arith.maximumf %parallel_loop3A_273, %parallel_loop3A_275 : vector<16xf32>
        %parallel_loop3A_277 = arith.index_cast %parallel_loop3A_145 : i32 to index
        %parallel_loop3A_278 = arith.constant 112 : index
        %parallel_loop3A_279 = tpu.vector_load %arg8[%parallel_loop3A_277, %parallel_loop3A_278] {strides = array<i32>} : memref<128x128xf32, #tpu.memory_space<vmem>>, vector<1x16xf32>,
        %parallel_loop3A_280 = vector.shape_cast %parallel_loop3A_279 : vector<1x16xf32> to vector<16xf32>
        %parallel_loop3A_281 = vector.shape_cast %parallel_loop3A_276 : vector<16xf32> to vector<1x16xf32>
        tpu.vector_store %arg8[%parallel_loop3A_277, %parallel_loop3A_278], %parallel_loop3A_281 {strides = array<i32>} : memref<128x128xf32, #tpu.memory_space<vmem>>, vector<1x16xf32>,
      } {sc.loop_unroll_factor = 4 : i64, sc.parallel_access}
      %lt3A_132 = arith.constant 0 : i32
      %lt3A_133 = arith.cmpi slt, %add3A_107, %lt3A_132 : i32
      %convert_element_type3A_134 = arith.extui %lt3A_133 : i1 to i32
      %cond3A_135 = arith.constant 0 : i32
      %cond3A_136 = arith.cmpi ne, %convert_element_type3A_134, %cond3A_135 : i32
      scf.if %cond3A_136 {
        %run_scoped3A = arith.constant 1 : i32
        "tpu.region"() ({
          %run_scoped3A_145 = tpu.sem_alloc : memref<!tpu.dma_semaphore, #tpu.memory_space<semaphore_mem>>
          %dma_start3A_146 = arith.constant 0 : i32
          %dma_start3A_147 = tpu.memref_slice %arg7[%run_scoped3A, %dma_start3A_146] : memref<2x128xi32, #tpu.memory_space<vmem>> -> memref<1x128xi32, #tpu.memory_space<vmem>>
          %dma_start3A_148 = tpu.memref_squeeze %dma_start3A_147 : memref<1x128xi32, #tpu.memory_space<vmem>> -> memref<128xi32, #tpu.memory_space<vmem>>
          %dma_start3A_149 = arith.constant 0 : i32
          %dma_start3A_150 = arith.constant 0 : i32
          %dma_start3A_151 = tpu.memref_slice %arg11[%dma_start3A_149, %dma_start3A_150] : memref<10112x128xf32, #tpu.memory_space<vmem_shared>> -> memref<10112x128xf32, #tpu.memory_space<vmem_shared>>
          tpu.enqueue_indirect_dma source(%arg8 : memref<128x128xf32, #tpu.memory_space<vmem>>) target(%dma_start3A_151 : memref<10112x128xf32, #tpu.memory_space<vmem_shared>>) offsets(%dma_start3A_148 : memref<128xi32, #tpu.memory_space<vmem>>) semaphore(%run_scoped3A_145 : memref<!tpu.dma_semaphore, #tpu.memory_space<semaphore_mem>>) {add = true}
          %dma_wait3A_152 = arith.constant 0 : i32
          %dma_wait3A_153 = tpu.memref_slice %arg7[%run_scoped3A, %dma_wait3A_152] : memref<2x128xi32, #tpu.memory_space<vmem>> -> memref<1x128xi32, #tpu.memory_space<vmem>>
          %dma_wait3A_154 = tpu.memref_squeeze %dma_wait3A_153 : memref<1x128xi32, #tpu.memory_space<vmem>> -> memref<128xi32, #tpu.memory_space<vmem>>
          %dma_wait3A_155 = arith.constant 0 : i32
          %dma_wait3A_156 = arith.constant 0 : i32
          %dma_wait3A_157 = tpu.memref_slice %arg11[%dma_wait3A_155, %dma_wait3A_156] : memref<10112x128xf32, #tpu.memory_space<vmem_shared>> -> memref<10112x128xf32, #tpu.memory_space<vmem_shared>>
          tpu.wait_indirect_dma semaphore(%run_scoped3A_145 : memref<!tpu.dma_semaphore, #tpu.memory_space<semaphore_mem>>) src(%arg8 : memref<128x128xf32, #tpu.memory_space<vmem>>) dst(%dma_wait3A_157 : memref<10112x128xf32, #tpu.memory_space<vmem_shared>>)
          tpu.yield
        }) : () -> ()
      } else {
      }
      %add3A_137 = arith.constant 1 : i32
      %add3A_138 = arith.addi %add3A_106, %add3A_137 : i32
      %le3A_139 = arith.constant 79 : i32
      %le3A_140 = arith.cmpi sle, %add3A_138, %le3A_139 : i32
      %convert_element_type3A_141 = arith.extui %le3A_140 : i1 to i32
      %cond3A_142 = arith.constant 0 : i32
      %cond3A_143 = arith.cmpi ne, %convert_element_type3A_141, %cond3A_142 : i32
      scf.if %cond3A_143 {
        %add3A_145 = arith.constant 1 : i32
        %add3A_146 = arith.addi %add3A_106, %add3A_145 : i32
        %add3A_147 = arith.addi %mul3A_2, %add3A_146 : i32
        %mul3A_148 = arith.constant 128 : i32
        %mul3A_149 = arith.muli %add3A_147, %mul3A_148 : i32
        %dma_start3A_150 = arith.constant 0 : i32
        %dma_start3A_151 = tpu.memref_slice %arg3[%mul3A_149, %dma_start3A_150] : memref<327680x128xf32, #tpu.memory_space<hbm>> -> memref<128x128xf32, #tpu.memory_space<hbm>>
        %dma_start3A_152 = arith.constant 0 : i32
        %dma_start3A_153 = tpu.memref_slice %arg3[%mul3A_149, %dma_start3A_152] : memref<327680x128xf32, #tpu.memory_space<hbm>> -> memref<128x128xf32, #tpu.memory_space<hbm>>
        tpu.enqueue_dma source(%dma_start3A_153 : memref<128x128xf32, #tpu.memory_space<hbm>>) target(%arg8 : memref<128x128xf32, #tpu.memory_space<vmem>>) target_semaphore(%arg14 : memref<!tpu.dma_semaphore, #tpu.memory_space<semaphore_mem>>)
      } else {
      }
      %scan3A_144 = arith.constant 0 : i32
      scf.yield %scan3A_144 : i32
    }
    %scan3A_42 = arith.constant 40 : i32
    %barrier3A_43 = arith.constant 0 : index
    tpu.barrier barrier_id(%barrier3A_43)
    %add3A_44 = arith.constant 0 : i32
    %add3A_45 = arith.addi %mul3A_11, %add3A_44 : i32
    %add3A_46 = arith.constant 0 : i32
    %add3A_47 = arith.addi %mul3A_11, %add3A_46 : i32
    "tpu.region"() ({
      %run_scoped3A = tpu.sem_alloc : memref<!tpu.dma_semaphore, #tpu.memory_space<semaphore_mem>>
      %dma_start3A_66 = arith.constant 0 : i32
      %dma_start3A_67 = tpu.memref_slice %arg5[%arg0, %add3A_47, %dma_start3A_66] : memref<2x10240x128xf32, #tpu.memory_space<hbm>> -> memref<1x128x128xf32, #tpu.memory_space<hbm>>
      %dma_start3A_68 = tpu.memref_squeeze %dma_start3A_67 : memref<1x128x128xf32, #tpu.memory_space<hbm>> -> memref<128x128xf32, #tpu.memory_space<hbm>>
      %dma_start3A_69 = arith.constant 0 : i32
      %dma_start3A_70 = tpu.memref_slice %arg11[%add3A_45, %dma_start3A_69] : memref<10112x128xf32, #tpu.memory_space<vmem_shared>> -> memref<128x128xf32, #tpu.memory_space<vmem_shared>>
      tpu.enqueue_dma source(%dma_start3A_70 : memref<128x128xf32, #tpu.memory_space<vmem_shared>>) target(%dma_start3A_68 : memref<128x128xf32, #tpu.memory_space<hbm>>) target_semaphore(%run_scoped3A : memref<!tpu.dma_semaphore, #tpu.memory_space<semaphore_mem>>)
      %dma_wait3A = arith.constant 0 : i32
      %dma_wait3A_71 = tpu.memref_slice %arg5[%arg0, %add3A_47, %dma_wait3A] : memref<2x10240x128xf32, #tpu.memory_space<hbm>> -> memref<1x128x128xf32, #tpu.memory_space<hbm>>
      %dma_wait3A_72 = tpu.memref_squeeze %dma_wait3A_71 : memref<1x128x128xf32, #tpu.memory_space<hbm>> -> memref<128x128xf32, #tpu.memory_space<hbm>>
      %dma_wait3A_73 = arith.constant 0 : i32
      %dma_wait3A_74 = tpu.memref_slice %arg11[%add3A_45, %dma_wait3A_73] : memref<10112x128xf32, #tpu.memory_space<vmem_shared>> -> memref<128x128xf32, #tpu.memory_space<vmem_shared>>
      tpu.wait_dma2 semaphore(%run_scoped3A : memref<!tpu.dma_semaphore, #tpu.memory_space<semaphore_mem>>) src(%dma_wait3A_74 : memref<128x128xf32, #tpu.memory_space<vmem_shared>>) dst(%dma_wait3A_72 : memref<128x128xf32, #tpu.memory_space<hbm>>)
      tpu.yield
    }) : () -> ()
    %add3A_48 = arith.constant 128 : i32
    %add3A_49 = arith.addi %mul3A_11, %add3A_48 : i32
    %add3A_50 = arith.constant 128 : i32
    %add3A_51 = arith.addi %mul3A_11, %add3A_50 : i32
    "tpu.region"() ({
      %run_scoped3A = tpu.sem_alloc : memref<!tpu.dma_semaphore, #tpu.memory_space<semaphore_mem>>
      %dma_start3A_66 = arith.constant 0 : i32
      %dma_start3A_67 = tpu.memref_slice %arg5[%arg0, %add3A_51, %dma_start3A_66] : memref<2x10240x128xf32, #tpu.memory_space<hbm>> -> memref<1x128x128xf32, #tpu.memory_space<hbm>>
      %dma_start3A_68 = tpu.memref_squeeze %dma_start3A_67 : memref<1x128x128xf32, #tpu.memory_space<hbm>> -> memref<128x128xf32, #tpu.memory_space<hbm>>
      %dma_start3A_69 = arith.constant 0 : i32
      %dma_start3A_70 = tpu.memref_slice %arg11[%add3A_49, %dma_start3A_69] : memref<10112x128xf32, #tpu.memory_space<vmem_shared>> -> memref<128x128xf32, #tpu.memory_space<vmem_shared>>
      tpu.enqueue_dma source(%dma_start3A_70 : memref<128x128xf32, #tpu.memory_space<vmem_shared>>) target(%dma_start3A_68 : memref<128x128xf32, #tpu.memory_space<hbm>>) target_semaphore(%run_scoped3A : memref<!tpu.dma_semaphore, #tpu.memory_space<semaphore_mem>>)
      %dma_wait3A = arith.constant 0 : i32
      %dma_wait3A_71 = tpu.memref_slice %arg5[%arg0, %add3A_51, %dma_wait3A] : memref<2x10240x128xf32, #tpu.memory_space<hbm>> -> memref<1x128x128xf32, #tpu.memory_space<hbm>>
      %dma_wait3A_72 = tpu.memref_squeeze %dma_wait3A_71 : memref<1x128x128xf32, #tpu.memory_space<hbm>> -> memref<128x128xf32, #tpu.memory_space<hbm>>
      %dma_wait3A_73 = arith.constant 0 : i32
      %dma_wait3A_74 = tpu.memref_slice %arg11[%add3A_49, %dma_wait3A_73] : memref<10112x128xf32, #tpu.memory_space<vmem_shared>> -> memref<128x128xf32, #tpu.memory_space<vmem_shared>>
      tpu.wait_dma2 semaphore(%run_scoped3A : memref<!tpu.dma_semaphore, #tpu.memory_space<semaphore_mem>>) src(%dma_wait3A_74 : memref<128x128xf32, #tpu.memory_space<vmem_shared>>) dst(%dma_wait3A_72 : memref<128x128xf32, #tpu.memory_space<hbm>>)
      tpu.yield
    }) : () -> ()
    %add3A_52 = arith.constant 256 : i32
    %add3A_53 = arith.addi %mul3A_11, %add3A_52 : i32
    %add3A_54 = arith.constant 256 : i32
    %add3A_55 = arith.addi %mul3A_11, %add3A_54 : i32
    "tpu.region"() ({
      %run_scoped3A = tpu.sem_alloc : memref<!tpu.dma_semaphore, #tpu.memory_space<semaphore_mem>>
      %dma_start3A_66 = arith.constant 0 : i32
      %dma_start3A_67 = tpu.memref_slice %arg5[%arg0, %add3A_55, %dma_start3A_66] : memref<2x10240x128xf32, #tpu.memory_space<hbm>> -> memref<1x128x128xf32, #tpu.memory_space<hbm>>
      %dma_start3A_68 = tpu.memref_squeeze %dma_start3A_67 : memref<1x128x128xf32, #tpu.memory_space<hbm>> -> memref<128x128xf32, #tpu.memory_space<hbm>>
      %dma_start3A_69 = arith.constant 0 : i32
      %dma_start3A_70 = tpu.memref_slice %arg11[%add3A_53, %dma_start3A_69] : memref<10112x128xf32, #tpu.memory_space<vmem_shared>> -> memref<128x128xf32, #tpu.memory_space<vmem_shared>>
      tpu.enqueue_dma source(%dma_start3A_70 : memref<128x128xf32, #tpu.memory_space<vmem_shared>>) target(%dma_start3A_68 : memref<128x128xf32, #tpu.memory_space<hbm>>) target_semaphore(%run_scoped3A : memref<!tpu.dma_semaphore, #tpu.memory_space<semaphore_mem>>)
      %dma_wait3A = arith.constant 0 : i32
      %dma_wait3A_71 = tpu.memref_slice %arg5[%arg0, %add3A_55, %dma_wait3A] : memref<2x10240x128xf32, #tpu.memory_space<hbm>> -> memref<1x128x128xf32, #tpu.memory_space<hbm>>
      %dma_wait3A_72 = tpu.memref_squeeze %dma_wait3A_71 : memref<1x128x128xf32, #tpu.memory_space<hbm>> -> memref<128x128xf32, #tpu.memory_space<hbm>>
      %dma_wait3A_73 = arith.constant 0 : i32
      %dma_wait3A_74 = tpu.memref_slice %arg11[%add3A_53, %dma_wait3A_73] : memref<10112x128xf32, #tpu.memory_space<vmem_shared>> -> memref<128x128xf32, #tpu.memory_space<vmem_shared>>
      tpu.wait_dma2 semaphore(%run_scoped3A : memref<!tpu.dma_semaphore, #tpu.memory_space<semaphore_mem>>) src(%dma_wait3A_74 : memref<128x128xf32, #tpu.memory_space<vmem_shared>>) dst(%dma_wait3A_72 : memref<128x128xf32, #tpu.memory_space<hbm>>)
      tpu.yield
    }) : () -> ()
    %add3A_56 = arith.constant 384 : i32
    %add3A_57 = arith.addi %mul3A_11, %add3A_56 : i32
    %add3A_58 = arith.constant 384 : i32
    %add3A_59 = arith.addi %mul3A_11, %add3A_58 : i32
    "tpu.region"() ({
      %run_scoped3A = tpu.sem_alloc : memref<!tpu.dma_semaphore, #tpu.memory_space<semaphore_mem>>
      %dma_start3A_66 = arith.constant 0 : i32
      %dma_start3A_67 = tpu.memref_slice %arg5[%arg0, %add3A_59, %dma_start3A_66] : memref<2x10240x128xf32, #tpu.memory_space<hbm>> -> memref<1x128x128xf32, #tpu.memory_space<hbm>>
      %dma_start3A_68 = tpu.memref_squeeze %dma_start3A_67 : memref<1x128x128xf32, #tpu.memory_space<hbm>> -> memref<128x128xf32, #tpu.memory_space<hbm>>
      %dma_start3A_69 = arith.constant 0 : i32
      %dma_start3A_70 = tpu.memref_slice %arg11[%add3A_57, %dma_start3A_69] : memref<10112x128xf32, #tpu.memory_space<vmem_shared>> -> memref<128x128xf32, #tpu.memory_space<vmem_shared>>
      tpu.enqueue_dma source(%dma_start3A_70 : memref<128x128xf32, #tpu.memory_space<vmem_shared>>) target(%dma_start3A_68 : memref<128x128xf32, #tpu.memory_space<hbm>>) target_semaphore(%run_scoped3A : memref<!tpu.dma_semaphore, #tpu.memory_space<semaphore_mem>>)
      %dma_wait3A = arith.constant 0 : i32
      %dma_wait3A_71 = tpu.memref_slice %arg5[%arg0, %add3A_59, %dma_wait3A] : memref<2x10240x128xf32, #tpu.memory_space<hbm>> -> memref<1x128x128xf32, #tpu.memory_space<hbm>>
      %dma_wait3A_72 = tpu.memref_squeeze %dma_wait3A_71 : memref<1x128x128xf32, #tpu.memory_space<hbm>> -> memref<128x128xf32, #tpu.memory_space<hbm>>
      %dma_wait3A_73 = arith.constant 0 : i32
      %dma_wait3A_74 = tpu.memref_slice %arg11[%add3A_57, %dma_wait3A_73] : memref<10112x128xf32, #tpu.memory_space<vmem_shared>> -> memref<128x128xf32, #tpu.memory_space<vmem_shared>>
      tpu.wait_dma2 semaphore(%run_scoped3A : memref<!tpu.dma_semaphore, #tpu.memory_space<semaphore_mem>>) src(%dma_wait3A_74 : memref<128x128xf32, #tpu.memory_space<vmem_shared>>) dst(%dma_wait3A_72 : memref<128x128xf32, #tpu.memory_space<hbm>>)
      tpu.yield
    }) : () -> ()
    %add3A_60 = arith.constant 512 : i32
    %add3A_61 = arith.addi %mul3A_11, %add3A_60 : i32
    %add3A_62 = arith.constant 512 : i32
    %add3A_63 = arith.addi %mul3A_11, %add3A_62 : i32
    "tpu.region"() ({
      %run_scoped3A = tpu.sem_alloc : memref<!tpu.dma_semaphore, #tpu.memory_space<semaphore_mem>>
      %dma_start3A_66 = arith.constant 0 : i32
      %dma_start3A_67 = tpu.memref_slice %arg5[%arg0, %add3A_63, %dma_start3A_66] : memref<2x10240x128xf32, #tpu.memory_space<hbm>> -> memref<1x120x128xf32, #tpu.memory_space<hbm>>
      %dma_start3A_68 = tpu.memref_squeeze %dma_start3A_67 : memref<1x120x128xf32, #tpu.memory_space<hbm>> -> memref<120x128xf32, #tpu.memory_space<hbm>>
      %dma_start3A_69 = arith.constant 0 : i32
      %dma_start3A_70 = tpu.memref_slice %arg11[%add3A_61, %dma_start3A_69] : memref<10112x128xf32, #tpu.memory_space<vmem_shared>> -> memref<120x128xf32, #tpu.memory_space<vmem_shared>>
      tpu.enqueue_dma source(%dma_start3A_70 : memref<120x128xf32, #tpu.memory_space<vmem_shared>>) target(%dma_start3A_68 : memref<120x128xf32, #tpu.memory_space<hbm>>) target_semaphore(%run_scoped3A : memref<!tpu.dma_semaphore, #tpu.memory_space<semaphore_mem>>)
      %dma_wait3A = arith.constant 0 : i32
      %dma_wait3A_71 = tpu.memref_slice %arg5[%arg0, %add3A_63, %dma_wait3A] : memref<2x10240x128xf32, #tpu.memory_space<hbm>> -> memref<1x120x128xf32, #tpu.memory_space<hbm>>
      %dma_wait3A_72 = tpu.memref_squeeze %dma_wait3A_71 : memref<1x120x128xf32, #tpu.memory_space<hbm>> -> memref<120x128xf32, #tpu.memory_space<hbm>>
      %dma_wait3A_73 = arith.constant 0 : i32
      %dma_wait3A_74 = tpu.memref_slice %arg11[%add3A_61, %dma_wait3A_73] : memref<10112x128xf32, #tpu.memory_space<vmem_shared>> -> memref<120x128xf32, #tpu.memory_space<vmem_shared>>
      tpu.wait_dma2 semaphore(%run_scoped3A : memref<!tpu.dma_semaphore, #tpu.memory_space<semaphore_mem>>) src(%dma_wait3A_74 : memref<120x128xf32, #tpu.memory_space<vmem_shared>>) dst(%dma_wait3A_72 : memref<120x128xf32, #tpu.memory_space<hbm>>)
      tpu.yield
    }) : () -> ()
    %eq3A = arith.constant 15 : i32
    %eq3A_64 = arith.cmpi eq, %arg1, %eq3A : i32
    %convert_element_type3A = arith.extui %eq3A_64 : i1 to i32
    %cond3A = arith.constant 0 : i32
    %cond3A_65 = arith.cmpi ne, %convert_element_type3A, %cond3A : i32
    scf.if %cond3A_65 {
      %scan3A_66 = arith.constant 0 : i32
      %scan3A_67 = arith.constant 0 : i32
      %scan3A_68 = arith.constant 128 : i32
      %scan3A_69 = arith.addi %scan3A_67, %scan3A_68 : i32
      %scan3A_70 = arith.constant 1 : i32
      %scan3A_71 = scf.for %scan3A_73 = %scan3A_67 to %scan3A_69 step %scan3A_70 iter_args(%scan3A_74 = %scan3A_66) -> (i32)  : i32 {
        %swap3A = arith.index_cast %scan3A_73 : i32 to index
        %swap3A_75 = arith.constant 0 : index
        %swap3A_76 = tpu.vector_load %arg8[%swap3A, %swap3A_75] {strides = array<i32>} : memref<128x128xf32, #tpu.memory_space<vmem>>, vector<1x16xf32>,
        %swap3A_77 = vector.shape_cast %swap3A_76 : vector<1x16xf32> to vector<16xf32>
        %swap3A_78 = vector.shape_cast %broadcast_in_dim3A_3 : vector<16xf32> to vector<1x16xf32>
        tpu.vector_store %arg8[%swap3A, %swap3A_75], %swap3A_78 {strides = array<i32>} : memref<128x128xf32, #tpu.memory_space<vmem>>, vector<1x16xf32>,
        %swap3A_79 = arith.index_cast %scan3A_73 : i32 to index
        %swap3A_80 = arith.constant 16 : index
        %swap3A_81 = tpu.vector_load %arg8[%swap3A_79, %swap3A_80] {strides = array<i32>} : memref<128x128xf32, #tpu.memory_space<vmem>>, vector<1x16xf32>,
        %swap3A_82 = vector.shape_cast %swap3A_81 : vector<1x16xf32> to vector<16xf32>
        %swap3A_83 = vector.shape_cast %broadcast_in_dim3A_3 : vector<16xf32> to vector<1x16xf32>
        tpu.vector_store %arg8[%swap3A_79, %swap3A_80], %swap3A_83 {strides = array<i32>} : memref<128x128xf32, #tpu.memory_space<vmem>>, vector<1x16xf32>,
        %swap3A_84 = arith.index_cast %scan3A_73 : i32 to index
        %swap3A_85 = arith.constant 32 : index
        %swap3A_86 = tpu.vector_load %arg8[%swap3A_84, %swap3A_85] {strides = array<i32>} : memref<128x128xf32, #tpu.memory_space<vmem>>, vector<1x16xf32>,
        %swap3A_87 = vector.shape_cast %swap3A_86 : vector<1x16xf32> to vector<16xf32>
        %swap3A_88 = vector.shape_cast %broadcast_in_dim3A_3 : vector<16xf32> to vector<1x16xf32>
        tpu.vector_store %arg8[%swap3A_84, %swap3A_85], %swap3A_88 {strides = array<i32>} : memref<128x128xf32, #tpu.memory_space<vmem>>, vector<1x16xf32>,
        %swap3A_89 = arith.index_cast %scan3A_73 : i32 to index
        %swap3A_90 = arith.constant 48 : index
        %swap3A_91 = tpu.vector_load %arg8[%swap3A_89, %swap3A_90] {strides = array<i32>} : memref<128x128xf32, #tpu.memory_space<vmem>>, vector<1x16xf32>,
        %swap3A_92 = vector.shape_cast %swap3A_91 : vector<1x16xf32> to vector<16xf32>
        %swap3A_93 = vector.shape_cast %broadcast_in_dim3A_3 : vector<16xf32> to vector<1x16xf32>
        tpu.vector_store %arg8[%swap3A_89, %swap3A_90], %swap3A_93 {strides = array<i32>} : memref<128x128xf32, #tpu.memory_space<vmem>>, vector<1x16xf32>,
        %swap3A_94 = arith.index_cast %scan3A_73 : i32 to index
        %swap3A_95 = arith.constant 64 : index
        %swap3A_96 = tpu.vector_load %arg8[%swap3A_94, %swap3A_95] {strides = array<i32>} : memref<128x128xf32, #tpu.memory_space<vmem>>, vector<1x16xf32>,
        %swap3A_97 = vector.shape_cast %swap3A_96 : vector<1x16xf32> to vector<16xf32>
        %swap3A_98 = vector.shape_cast %broadcast_in_dim3A_3 : vector<16xf32> to vector<1x16xf32>
        tpu.vector_store %arg8[%swap3A_94, %swap3A_95], %swap3A_98 {strides = array<i32>} : memref<128x128xf32, #tpu.memory_space<vmem>>, vector<1x16xf32>,
        %swap3A_99 = arith.index_cast %scan3A_73 : i32 to index
        %swap3A_100 = arith.constant 80 : index
        %swap3A_101 = tpu.vector_load %arg8[%swap3A_99, %swap3A_100] {strides = array<i32>} : memref<128x128xf32, #tpu.memory_space<vmem>>, vector<1x16xf32>,
        %swap3A_102 = vector.shape_cast %swap3A_101 : vector<1x16xf32> to vector<16xf32>
        %swap3A_103 = vector.shape_cast %broadcast_in_dim3A_3 : vector<16xf32> to vector<1x16xf32>
        tpu.vector_store %arg8[%swap3A_99, %swap3A_100], %swap3A_103 {strides = array<i32>} : memref<128x128xf32, #tpu.memory_space<vmem>>, vector<1x16xf32>,
        %swap3A_104 = arith.index_cast %scan3A_73 : i32 to index
        %swap3A_105 = arith.constant 96 : index
        %swap3A_106 = tpu.vector_load %arg8[%swap3A_104, %swap3A_105] {strides = array<i32>} : memref<128x128xf32, #tpu.memory_space<vmem>>, vector<1x16xf32>,
        %swap3A_107 = vector.shape_cast %swap3A_106 : vector<1x16xf32> to vector<16xf32>
        %swap3A_108 = vector.shape_cast %broadcast_in_dim3A_3 : vector<16xf32> to vector<1x16xf32>
        tpu.vector_store %arg8[%swap3A_104, %swap3A_105], %swap3A_108 {strides = array<i32>} : memref<128x128xf32, #tpu.memory_space<vmem>>, vector<1x16xf32>,
        %swap3A_109 = arith.index_cast %scan3A_73 : i32 to index
        %swap3A_110 = arith.constant 112 : index
        %swap3A_111 = tpu.vector_load %arg8[%swap3A_109, %swap3A_110] {strides = array<i32>} : memref<128x128xf32, #tpu.memory_space<vmem>>, vector<1x16xf32>,
        %swap3A_112 = vector.shape_cast %swap3A_111 : vector<1x16xf32> to vector<16xf32>
        %swap3A_113 = vector.shape_cast %broadcast_in_dim3A_3 : vector<16xf32> to vector<1x16xf32>
        tpu.vector_store %arg8[%swap3A_109, %swap3A_110], %swap3A_113 {strides = array<i32>} : memref<128x128xf32, #tpu.memory_space<vmem>>, vector<1x16xf32>,
        %scan3A_114 = arith.constant 0 : i32
        scf.yield %scan3A_114 : i32
      }
      %scan3A_72 = arith.constant 128 : i32
      "tpu.region"() ({
        %run_scoped3A = tpu.sem_alloc : memref<!tpu.dma_semaphore, #tpu.memory_space<semaphore_mem>>
        %dma_start3A_73 = arith.constant 10112 : i32
        %dma_start3A_74 = arith.constant 0 : i32
        %dma_start3A_75 = tpu.memref_slice %arg5[%arg0, %dma_start3A_73, %dma_start3A_74] : memref<2x10240x128xf32, #tpu.memory_space<hbm>> -> memref<1x128x128xf32, #tpu.memory_space<hbm>>
        %dma_start3A_76 = tpu.memref_squeeze %dma_start3A_75 : memref<1x128x128xf32, #tpu.memory_space<hbm>> -> memref<128x128xf32, #tpu.memory_space<hbm>>
        %dma_start3A_77 = arith.constant 10112 : i32
        %dma_start3A_78 = arith.constant 0 : i32
        %dma_start3A_79 = tpu.memref_slice %arg5[%arg0, %dma_start3A_77, %dma_start3A_78] : memref<2x10240x128xf32, #tpu.memory_space<hbm>> -> memref<1x128x128xf32, #tpu.memory_space<hbm>>
        %dma_start3A_80 = tpu.memref_squeeze %dma_start3A_79 : memref<1x128x128xf32, #tpu.memory_space<hbm>> -> memref<128x128xf32, #tpu.memory_space<hbm>>
        tpu.enqueue_dma source(%arg8 : memref<128x128xf32, #tpu.memory_space<vmem>>) target(%dma_start3A_80 : memref<128x128xf32, #tpu.memory_space<hbm>>) target_semaphore(%run_scoped3A : memref<!tpu.dma_semaphore, #tpu.memory_space<semaphore_mem>>)
        %dma_wait3A = arith.constant 10112 : i32
        %dma_wait3A_81 = arith.constant 0 : i32
        %dma_wait3A_82 = tpu.memref_slice %arg5[%arg0, %dma_wait3A, %dma_wait3A_81] : memref<2x10240x128xf32, #tpu.memory_space<hbm>> -> memref<1x128x128xf32, #tpu.memory_space<hbm>>
        %dma_wait3A_83 = tpu.memref_squeeze %dma_wait3A_82 : memref<1x128x128xf32, #tpu.memory_space<hbm>> -> memref<128x128xf32, #tpu.memory_space<hbm>>
        %dma_wait3A_84 = arith.constant 10112 : i32
        %dma_wait3A_85 = arith.constant 0 : i32
        %dma_wait3A_86 = tpu.memref_slice %arg5[%arg0, %dma_wait3A_84, %dma_wait3A_85] : memref<2x10240x128xf32, #tpu.memory_space<hbm>> -> memref<1x128x128xf32, #tpu.memory_space<hbm>>
        %dma_wait3A_87 = tpu.memref_squeeze %dma_wait3A_86 : memref<1x128x128xf32, #tpu.memory_space<hbm>> -> memref<128x128xf32, #tpu.memory_space<hbm>>
        tpu.wait_dma2 semaphore(%run_scoped3A : memref<!tpu.dma_semaphore, #tpu.memory_space<semaphore_mem>>) src(%arg8 : memref<128x128xf32, #tpu.memory_space<vmem>>) dst(%dma_wait3A_87 : memref<128x128xf32, #tpu.memory_space<hbm>>)
        tpu.yield
      }) : () -> ()
    } else {
    }
    return
  }
}

module attributes {stable_mosaic.version = 14 : i64} {
  func.func @_ln_z_body(%arg0: i32, %arg1: memref<512x128xf32, #tpu.memory_space<vmem>>, %arg2: memref<1x128xf32, #tpu.memory_space<vmem>>, %arg3: memref<1x128xf32, #tpu.memory_space<vmem>>, %arg4: memref<128x128xf32, #tpu.memory_space<vmem>>, %arg5: memref<512x128xf32, #tpu.memory_space<vmem>>, %arg6: memref<512x128xf32, #tpu.memory_space<vmem>>) attributes {dimension_semantics = [#tpu.dimension_semantics<arbitrary>], iteration_bounds = array<i64: 20>, scalar_prefetch = 0 : i64, scratch_operands = 0 : i64, tpu.core_type = #tpu.core_type<tc>, window_params = [{transform_indices = @transform_0, window_bounds = array<i64: 512, 128>}, {pipeline_mode = #tpu.pipeline_mode<synchronous>, transform_indices = @transform_1, window_bounds = array<i64: 1, 128>}, {pipeline_mode = #tpu.pipeline_mode<synchronous>, transform_indices = @transform_2, window_bounds = array<i64: 1, 128>}, {pipeline_mode = #tpu.pipeline_mode<synchronous>, transform_indices = @transform_3, window_bounds = array<i64: 128, 128>}, {transform_indices = @transform_4, window_bounds = array<i64: 512, 128>}, {transform_indices = @transform_5, window_bounds = array<i64: 512, 128>}]} {
    %get3A = arith.constant 0 : index
    %get3A_0 = arith.constant 0 : index
    %get3A_1 = vector.load %arg1[%get3A, %get3A_0] : memref<512x128xf32, #tpu.memory_space<vmem>>, vector<512x128xf32>
    %reduce_sum3A = arith.constant dense<0.000000e+00> : vector<512xf32>
    %reduce_sum3A_2 = vector.multi_reduction <add>, %get3A_1, %reduce_sum3A [1] : vector<512x128xf32> to vector<512xf32>
    %broadcast_in_dim3A = vector.shape_cast %reduce_sum3A_2 : vector<512xf32> to vector<512x1xf32>
    %div3A = arith.constant 1.280000e+02 : f32
    %div3A_3 = vector.broadcast %div3A : f32 to vector<512x1xf32>
    %div3A_4 = arith.divf %broadcast_in_dim3A, %div3A_3 : vector<512x1xf32>
    %sub3A = vector.broadcast %div3A_4 : vector<512x1xf32> to vector<512x128xf32>
    %sub3A_5 = arith.subf %get3A_1, %sub3A : vector<512x128xf32>
    %integer_pow3A = arith.mulf %sub3A_5, %sub3A_5 : vector<512x128xf32>
    %reduce_sum3A_6 = arith.constant dense<0.000000e+00> : vector<512xf32>
    %reduce_sum3A_7 = vector.multi_reduction <add>, %integer_pow3A, %reduce_sum3A_6 [1] : vector<512x128xf32> to vector<512xf32>
    %broadcast_in_dim3A_8 = vector.shape_cast %reduce_sum3A_7 : vector<512xf32> to vector<512x1xf32>
    %div3A_9 = arith.constant 1.280000e+02 : f32
    %div3A_10 = vector.broadcast %div3A_9 : f32 to vector<512x1xf32>
    %div3A_11 = arith.divf %broadcast_in_dim3A_8, %div3A_10 : vector<512x1xf32>
    %sub3A_12 = vector.broadcast %div3A_4 : vector<512x1xf32> to vector<512x128xf32>
    %sub3A_13 = arith.subf %get3A_1, %sub3A_12 : vector<512x128xf32>
    %add3A = arith.constant 9.99999974E-6 : f32
    %add3A_14 = vector.broadcast %add3A : f32 to vector<512x1xf32>
    %add3A_15 = arith.addf %div3A_11, %add3A_14 : vector<512x1xf32>
    %rsqrt3A = math.rsqrt %add3A_15 : vector<512x1xf32>
    %mul3A = vector.broadcast %rsqrt3A : vector<512x1xf32> to vector<512x128xf32>
    %mul3A_16 = arith.mulf %sub3A_13, %mul3A : vector<512x128xf32>
    %get3A_17 = arith.constant 0 : index
    %get3A_18 = arith.constant 0 : index
    %get3A_19 = vector.load %arg2[%get3A_17, %get3A_18] : memref<1x128xf32, #tpu.memory_space<vmem>>, vector<1x128xf32>
    %mul3A_20 = vector.broadcast %get3A_19 : vector<1x128xf32> to vector<512x128xf32>
    %mul3A_21 = arith.mulf %mul3A_16, %mul3A_20 : vector<512x128xf32>
    %get3A_22 = arith.constant 0 : index
    %get3A_23 = arith.constant 0 : index
    %get3A_24 = vector.load %arg3[%get3A_22, %get3A_23] : memref<1x128xf32, #tpu.memory_space<vmem>>, vector<1x128xf32>
    %add3A_25 = vector.broadcast %get3A_24 : vector<1x128xf32> to vector<512x128xf32>
    %add3A_26 = arith.addf %mul3A_21, %add3A_25 : vector<512x128xf32>
    %swap3A = arith.constant 0 : index
    %swap3A_27 = arith.constant 0 : index
    %swap3A_28 = vector.load %arg5[%swap3A, %swap3A_27] : memref<512x128xf32, #tpu.memory_space<vmem>>, vector<512x128xf32>
    tpu.vector_store %arg5[%swap3A, %swap3A_27], %add3A_26 {strides = array<i32>} : memref<512x128xf32, #tpu.memory_space<vmem>>, vector<512x128xf32>,
    %get3A_29 = arith.constant 0 : index
    %get3A_30 = arith.constant 0 : index
    %get3A_31 = vector.load %arg4[%get3A_29, %get3A_30] : memref<128x128xf32, #tpu.memory_space<vmem>>, vector<128x128xf32>
    %dot_general3A = arith.constant dense<0.000000e+00> : vector<512x128xf32>
    %dot_general3A_32 = tpu.matmul %add3A_26, %get3A_31, %dot_general3A {dimension_numbers = #tpu.dot_dimension_numbers<[1], [0], [0], [1], [0, 0, 1, 1], [], []>, transpose_lhs_hint = false} : vector<512x128xf32>, vector<128x128xf32>, vector<512x128xf32> -> vector<512x128xf32>
    %swap3A_33 = arith.constant 0 : index
    %swap3A_34 = arith.constant 0 : index
    %swap3A_35 = vector.load %arg6[%swap3A_33, %swap3A_34] : memref<512x128xf32, #tpu.memory_space<vmem>>, vector<512x128xf32>
    tpu.vector_store %arg6[%swap3A_33, %swap3A_34], %dot_general3A_32 {strides = array<i32>} : memref<512x128xf32, #tpu.memory_space<vmem>>, vector<512x128xf32>,
    return
  }
  func.func @transform_0(%arg0: i32) -> (i32, i32) {
    %c0_i32 = arith.constant 0 : i32
    %c0_i32_0 = arith.constant 0 : i32
    return %arg0, %c0_i32 : i32, i32
  }
  func.func @transform_1(%arg0: i32) -> (i32, i32) {
    %c0_i32 = arith.constant 0 : i32
    %c0_i32_0 = arith.constant 0 : i32
    %c0_i32_1 = arith.constant 0 : i32
    return %c0_i32, %c0_i32_0 : i32, i32
  }
  func.func @transform_2(%arg0: i32) -> (i32, i32) {
    %c0_i32 = arith.constant 0 : i32
    %c0_i32_0 = arith.constant 0 : i32
    %c0_i32_1 = arith.constant 0 : i32
    return %c0_i32, %c0_i32_0 : i32, i32
  }
  func.func @transform_3(%arg0: i32) -> (i32, i32) {
    %c0_i32 = arith.constant 0 : i32
    %c0_i32_0 = arith.constant 0 : i32
    %c0_i32_1 = arith.constant 0 : i32
    return %c0_i32, %c0_i32_0 : i32, i32
  }
  func.func @transform_4(%arg0: i32) -> (i32, i32) {
    %c0_i32 = arith.constant 0 : i32
    %c0_i32_0 = arith.constant 0 : i32
    return %arg0, %c0_i32 : i32, i32
  }
  func.func @transform_5(%arg0: i32) -> (i32, i32) {
    %c0_i32 = arith.constant 0 : i32
    %c0_i32_0 = arith.constant 0 : i32
    return %arg0, %c0_i32 : i32, i32
  }
}

module attributes {stable_mosaic.version = 14 : i64} {
  func.func @_eterm1_body(%arg0: i32, %arg1: memref<2560x16xf32, #tpu.memory_space<vmem>>, %arg2: memref<1x16xf32, #tpu.memory_space<vmem>>, %arg3: memref<1x16xf32, #tpu.memory_space<vmem>>, %arg4: memref<16x128xf32, #tpu.memory_space<vmem>>, %arg5: memref<1x128xf32, #tpu.memory_space<vmem>>, %arg6: memref<2560x128xf32, #tpu.memory_space<vmem>>) attributes {dimension_semantics = [#tpu.dimension_semantics<arbitrary>], iteration_bounds = array<i64: 125>, scalar_prefetch = 0 : i64, scratch_operands = 0 : i64, tpu.core_type = #tpu.core_type<tc>, window_params = [{transform_indices = @transform_0, window_bounds = array<i64: 2560, 16>}, {pipeline_mode = #tpu.pipeline_mode<synchronous>, transform_indices = @transform_1, window_bounds = array<i64: 1, 16>}, {pipeline_mode = #tpu.pipeline_mode<synchronous>, transform_indices = @transform_2, window_bounds = array<i64: 1, 16>}, {pipeline_mode = #tpu.pipeline_mode<synchronous>, transform_indices = @transform_3, window_bounds = array<i64: 16, 128>}, {pipeline_mode = #tpu.pipeline_mode<synchronous>, transform_indices = @transform_4, window_bounds = array<i64: 1, 128>}, {transform_indices = @transform_5, window_bounds = array<i64: 2560, 128>}]} {
    %get3A = arith.constant 0 : index
    %get3A_0 = arith.constant 0 : index
    %get3A_1 = vector.load %arg1[%get3A, %get3A_0] : memref<2560x16xf32, #tpu.memory_space<vmem>>, vector<2560x16xf32>
    %reduce_sum3A = arith.constant dense<0.000000e+00> : vector<2560xf32>
    %reduce_sum3A_2 = vector.multi_reduction <add>, %get3A_1, %reduce_sum3A [1] : vector<2560x16xf32> to vector<2560xf32>
    %broadcast_in_dim3A = vector.shape_cast %reduce_sum3A_2 : vector<2560xf32> to vector<2560x1xf32>
    %div3A = arith.constant 1.600000e+01 : f32
    %div3A_3 = vector.broadcast %div3A : f32 to vector<2560x1xf32>
    %div3A_4 = arith.divf %broadcast_in_dim3A, %div3A_3 : vector<2560x1xf32>
    %sub3A = vector.broadcast %div3A_4 : vector<2560x1xf32> to vector<2560x16xf32>
    %sub3A_5 = arith.subf %get3A_1, %sub3A : vector<2560x16xf32>
    %integer_pow3A = arith.mulf %sub3A_5, %sub3A_5 : vector<2560x16xf32>
    %reduce_sum3A_6 = arith.constant dense<0.000000e+00> : vector<2560xf32>
    %reduce_sum3A_7 = vector.multi_reduction <add>, %integer_pow3A, %reduce_sum3A_6 [1] : vector<2560x16xf32> to vector<2560xf32>
    %broadcast_in_dim3A_8 = vector.shape_cast %reduce_sum3A_7 : vector<2560xf32> to vector<2560x1xf32>
    %div3A_9 = arith.constant 1.600000e+01 : f32
    %div3A_10 = vector.broadcast %div3A_9 : f32 to vector<2560x1xf32>
    %div3A_11 = arith.divf %broadcast_in_dim3A_8, %div3A_10 : vector<2560x1xf32>
    %sub3A_12 = vector.broadcast %div3A_4 : vector<2560x1xf32> to vector<2560x16xf32>
    %sub3A_13 = arith.subf %get3A_1, %sub3A_12 : vector<2560x16xf32>
    %add3A = arith.constant 9.99999974E-6 : f32
    %add3A_14 = vector.broadcast %add3A : f32 to vector<2560x1xf32>
    %add3A_15 = arith.addf %div3A_11, %add3A_14 : vector<2560x1xf32>
    %rsqrt3A = math.rsqrt %add3A_15 : vector<2560x1xf32>
    %mul3A = vector.broadcast %rsqrt3A : vector<2560x1xf32> to vector<2560x16xf32>
    %mul3A_16 = arith.mulf %sub3A_13, %mul3A : vector<2560x16xf32>
    %get3A_17 = arith.constant 0 : index
    %get3A_18 = arith.constant 0 : index
    %get3A_19 = vector.load %arg2[%get3A_17, %get3A_18] : memref<1x16xf32, #tpu.memory_space<vmem>>, vector<1x16xf32>
    %mul3A_20 = vector.broadcast %get3A_19 : vector<1x16xf32> to vector<2560x16xf32>
    %mul3A_21 = arith.mulf %mul3A_16, %mul3A_20 : vector<2560x16xf32>
    %get3A_22 = arith.constant 0 : index
    %get3A_23 = arith.constant 0 : index
    %get3A_24 = vector.load %arg3[%get3A_22, %get3A_23] : memref<1x16xf32, #tpu.memory_space<vmem>>, vector<1x16xf32>
    %add3A_25 = vector.broadcast %get3A_24 : vector<1x16xf32> to vector<2560x16xf32>
    %add3A_26 = arith.addf %mul3A_21, %add3A_25 : vector<2560x16xf32>
    %get3A_27 = arith.constant 0 : index
    %get3A_28 = arith.constant 0 : index
    %get3A_29 = vector.load %arg4[%get3A_27, %get3A_28] : memref<16x128xf32, #tpu.memory_space<vmem>>, vector<16x128xf32>
    %dot_general3A = arith.constant dense<0.000000e+00> : vector<2560x128xf32>
    %dot_general3A_30 = tpu.matmul %add3A_26, %get3A_29, %dot_general3A {dimension_numbers = #tpu.dot_dimension_numbers<[1], [0], [0], [1], [0, 0, 1, 1], [], []>, transpose_lhs_hint = false} : vector<2560x16xf32>, vector<16x128xf32>, vector<2560x128xf32> -> vector<2560x128xf32>
    %get3A_31 = arith.constant 0 : index
    %get3A_32 = arith.constant 0 : index
    %get3A_33 = vector.load %arg5[%get3A_31, %get3A_32] : memref<1x128xf32, #tpu.memory_space<vmem>>, vector<1x128xf32>
    %add3A_34 = vector.broadcast %get3A_33 : vector<1x128xf32> to vector<2560x128xf32>
    %add3A_35 = arith.addf %dot_general3A_30, %add3A_34 : vector<2560x128xf32>
    %swap3A = arith.constant 0 : index
    %swap3A_36 = arith.constant 0 : index
    %swap3A_37 = vector.load %arg6[%swap3A, %swap3A_36] : memref<2560x128xf32, #tpu.memory_space<vmem>>, vector<2560x128xf32>
    tpu.vector_store %arg6[%swap3A, %swap3A_36], %add3A_35 {strides = array<i32>} : memref<2560x128xf32, #tpu.memory_space<vmem>>, vector<2560x128xf32>,
    return
  }
  func.func @transform_0(%arg0: i32) -> (i32, i32) {
    %c0_i32 = arith.constant 0 : i32
    %c0_i32_0 = arith.constant 0 : i32
    return %arg0, %c0_i32 : i32, i32
  }
  func.func @transform_1(%arg0: i32) -> (i32, i32) {
    %c0_i32 = arith.constant 0 : i32
    %c0_i32_0 = arith.constant 0 : i32
    %c0_i32_1 = arith.constant 0 : i32
    return %c0_i32, %c0_i32_0 : i32, i32
  }
  func.func @transform_2(%arg0: i32) -> (i32, i32) {
    %c0_i32 = arith.constant 0 : i32
    %c0_i32_0 = arith.constant 0 : i32
    %c0_i32_1 = arith.constant 0 : i32
    return %c0_i32, %c0_i32_0 : i32, i32
  }
  func.func @transform_3(%arg0: i32) -> (i32, i32) {
    %c0_i32 = arith.constant 0 : i32
    %c0_i32_0 = arith.constant 0 : i32
    %c0_i32_1 = arith.constant 0 : i32
    return %c0_i32, %c0_i32_0 : i32, i32
  }
  func.func @transform_4(%arg0: i32) -> (i32, i32) {
    %c0_i32 = arith.constant 0 : i32
    %c0_i32_0 = arith.constant 0 : i32
    %c0_i32_1 = arith.constant 0 : i32
    return %c0_i32, %c0_i32_0 : i32, i32
  }
  func.func @transform_5(%arg0: i32) -> (i32, i32) {
    %c0_i32 = arith.constant 0 : i32
    %c0_i32_0 = arith.constant 0 : i32
    return %arg0, %c0_i32 : i32, i32
  }
}

module attributes {stable_mosaic.version = 14 : i64} {
  func.func @_upd_body(%arg0: i32, %arg1: memref<512x128xf32, #tpu.memory_space<vmem>>, %arg2: memref<2x512x128xf32, #tpu.memory_space<vmem>>, %arg3: memref<512x1xi32, #tpu.memory_space<vmem>>, %arg4: memref<128x128xf32, #tpu.memory_space<vmem>>, %arg5: memref<128x128xf32, #tpu.memory_space<vmem>>, %arg6: memref<1x128xf32, #tpu.memory_space<vmem>>, %arg7: memref<128x128xf32, #tpu.memory_space<vmem>>, %arg8: memref<512x128xf32, #tpu.memory_space<vmem>>, %arg9: memref<512x128xf32, #tpu.memory_space<vmem>>, %arg10: memref<64x128xf32, #tpu.memory_space<vmem>>) attributes {dimension_semantics = [#tpu.dimension_semantics<arbitrary>], iteration_bounds = array<i64: 20>, scalar_prefetch = 0 : i64, scratch_operands = 0 : i64, tpu.core_type = #tpu.core_type<tc>, window_params = [{transform_indices = @transform_0, window_bounds = array<i64: 512, 128>}, {transform_indices = @transform_1, window_bounds = array<i64: 2, 512, 128>}, {transform_indices = @transform_2, window_bounds = array<i64: 512, 1>}, {pipeline_mode = #tpu.pipeline_mode<synchronous>, transform_indices = @transform_3, window_bounds = array<i64: 128, 128>}, {pipeline_mode = #tpu.pipeline_mode<synchronous>, transform_indices = @transform_4, window_bounds = array<i64: 128, 128>}, {pipeline_mode = #tpu.pipeline_mode<synchronous>, transform_indices = @transform_5, window_bounds = array<i64: 1, 128>}, {pipeline_mode = #tpu.pipeline_mode<synchronous>, transform_indices = @transform_6, window_bounds = array<i64: 128, 128>}, {transform_indices = @transform_7, window_bounds = array<i64: 512, 128>}, {transform_indices = @transform_8, window_bounds = array<i64: 512, 128>}, {pipeline_mode = #tpu.pipeline_mode<synchronous>, transform_indices = @transform_9, window_bounds = array<i64: 64, 128>}]} {
    %get3A = arith.constant 0 : index
    %get3A_0 = arith.constant 0 : index
    %get3A_1 = vector.load %arg1[%get3A, %get3A_0] : memref<512x128xf32, #tpu.memory_space<vmem>>, vector<512x128xf32>
    %get3A_2 = arith.constant 0 : index
    %get3A_3 = arith.constant 0 : index
    %get3A_4 = arith.constant 0 : index
    %get3A_5 = vector.load %arg2[%get3A_2, %get3A_3, %get3A_4] : memref<2x512x128xf32, #tpu.memory_space<vmem>>, vector<1x512x128xf32>
    %get3A_6 = vector.shape_cast %get3A_5 : vector<1x512x128xf32> to vector<512x128xf32>
    %get3A_7 = arith.constant 1 : index
    %get3A_8 = arith.constant 0 : index
    %get3A_9 = arith.constant 0 : index
    %get3A_10 = vector.load %arg2[%get3A_7, %get3A_8, %get3A_9] : memref<2x512x128xf32, #tpu.memory_space<vmem>>, vector<1x512x128xf32>
    %get3A_11 = vector.shape_cast %get3A_10 : vector<1x512x128xf32> to vector<512x128xf32>
    %add3A = arith.addf %get3A_6, %get3A_11 : vector<512x128xf32>
    %get3A_12 = arith.constant 0 : index
    %get3A_13 = arith.constant 0 : index
    %get3A_14 = vector.load %arg4[%get3A_12, %get3A_13] : memref<128x128xf32, #tpu.memory_space<vmem>>, vector<128x128xf32>
    %dot_general3A = arith.constant dense<0.000000e+00> : vector<512x128xf32>
    %dot_general3A_15 = tpu.matmul %get3A_1, %get3A_14, %dot_general3A {dimension_numbers = #tpu.dot_dimension_numbers<[1], [0], [0], [1], [0, 0, 1, 1], [], []>, transpose_lhs_hint = false} : vector<512x128xf32>, vector<128x128xf32>, vector<512x128xf32> -> vector<512x128xf32>
    %get3A_16 = arith.constant 0 : index
    %get3A_17 = arith.constant 0 : index
    %get3A_18 = vector.load %arg5[%get3A_16, %get3A_17] : memref<128x128xf32, #tpu.memory_space<vmem>>, vector<128x128xf32>
    %dot_general3A_19 = arith.constant dense<0.000000e+00> : vector<512x128xf32>
    %dot_general3A_20 = tpu.matmul %add3A, %get3A_18, %dot_general3A_19 {dimension_numbers = #tpu.dot_dimension_numbers<[1], [0], [0], [1], [0, 0, 1, 1], [], []>, transpose_lhs_hint = false} : vector<512x128xf32>, vector<128x128xf32>, vector<512x128xf32> -> vector<512x128xf32>
    %add3A_21 = arith.addf %dot_general3A_15, %dot_general3A_20 : vector<512x128xf32>
    %get3A_22 = arith.constant 0 : index
    %get3A_23 = arith.constant 0 : index
    %get3A_24 = vector.load %arg6[%get3A_22, %get3A_23] : memref<1x128xf32, #tpu.memory_space<vmem>>, vector<1x128xf32>
    %add3A_25 = vector.broadcast %get3A_24 : vector<1x128xf32> to vector<512x128xf32>
    %add3A_26 = arith.addf %add3A_21, %add3A_25 : vector<512x128xf32>
    %max3A = arith.constant 0.000000e+00 : f32
    %max3A_27 = vector.broadcast %max3A : f32 to vector<512x128xf32>
    %max3A_28 = arith.maximumf %add3A_26, %max3A_27 : vector<512x128xf32>
    %get3A_29 = arith.constant 0 : index
    %get3A_30 = arith.constant 0 : index
    %get3A_31 = vector.load %arg3[%get3A_29, %get3A_30] : memref<512x1xi32, #tpu.memory_space<vmem>>, vector<512x1xi32>
    %iota3A = tpu.iota {dimensions = array<i32: 1>} : vector<512x64xi32>
    %eq3A = vector.broadcast %get3A_31 : vector<512x1xi32> to vector<512x64xi32>
    %eq3A_32 = arith.cmpi eq, %eq3A, %iota3A : vector<512x64xi32>
    %convert_element_type3A = arith.extui %eq3A_32 : vector<512x64xi1> to vector<512x64xi32>
    %convert_element_type3A_33 = arith.sitofp %convert_element_type3A : vector<512x64xi32> to vector<512x64xf32>
    %dot_general3A_34 = arith.constant dense<0.000000e+00> : vector<64x128xf32>
    %dot_general3A_35 = tpu.matmul %convert_element_type3A_33, %max3A_28, %dot_general3A_34 {dimension_numbers = #tpu.dot_dimension_numbers<[0], [0], [1], [1], [0, 1, 1, 1], [], []>, transpose_lhs_hint = false} : vector<512x64xf32>, vector<512x128xf32>, vector<64x128xf32> -> vector<64x128xf32>
    %swap3A = arith.constant 0 : index
    %swap3A_36 = arith.constant 0 : index
    %swap3A_37 = vector.load %arg8[%swap3A, %swap3A_36] : memref<512x128xf32, #tpu.memory_space<vmem>>, vector<512x128xf32>
    tpu.vector_store %arg8[%swap3A, %swap3A_36], %max3A_28 {strides = array<i32>} : memref<512x128xf32, #tpu.memory_space<vmem>>, vector<512x128xf32>,
    %get3A_38 = arith.constant 0 : index
    %get3A_39 = arith.constant 0 : index
    %get3A_40 = vector.load %arg7[%get3A_38, %get3A_39] : memref<128x128xf32, #tpu.memory_space<vmem>>, vector<128x128xf32>
    %dot_general3A_41 = arith.constant dense<0.000000e+00> : vector<512x128xf32>
    %dot_general3A_42 = tpu.matmul %max3A_28, %get3A_40, %dot_general3A_41 {dimension_numbers = #tpu.dot_dimension_numbers<[1], [0], [0], [1], [0, 0, 1, 1], [], []>, transpose_lhs_hint = false} : vector<512x128xf32>, vector<128x128xf32>, vector<512x128xf32> -> vector<512x128xf32>
    %swap3A_43 = arith.constant 0 : index
    %swap3A_44 = arith.constant 0 : index
    %swap3A_45 = vector.load %arg9[%swap3A_43, %swap3A_44] : memref<512x128xf32, #tpu.memory_space<vmem>>, vector<512x128xf32>
    tpu.vector_store %arg9[%swap3A_43, %swap3A_44], %dot_general3A_42 {strides = array<i32>} : memref<512x128xf32, #tpu.memory_space<vmem>>, vector<512x128xf32>,
    %eq3A_46 = arith.constant 0 : i32
    %eq3A_47 = arith.cmpi eq, %arg0, %eq3A_46 : i32
    %convert_element_type3A_48 = arith.extui %eq3A_47 : i1 to i32
    %cond3A = arith.constant 0 : i32
    %cond3A_49 = arith.cmpi ne, %convert_element_type3A_48, %cond3A : i32
    scf.if %cond3A_49 {
      %broadcast_in_dim3A = arith.constant 0.000000e+00 : f32
      %broadcast_in_dim3A_57 = vector.broadcast %broadcast_in_dim3A : f32 to vector<64x128xf32>
      %swap3A_58 = arith.constant 0 : index
      %swap3A_59 = arith.constant 0 : index
      %swap3A_60 = vector.load %arg10[%swap3A_58, %swap3A_59] : memref<64x128xf32, #tpu.memory_space<vmem>>, vector<64x128xf32>
      tpu.vector_store %arg10[%swap3A_58, %swap3A_59], %broadcast_in_dim3A_57 {strides = array<i32>} : memref<64x128xf32, #tpu.memory_space<vmem>>, vector<64x128xf32>,
    } else {
    }
    %get3A_50 = arith.constant 0 : index
    %get3A_51 = arith.constant 0 : index
    %get3A_52 = vector.load %arg10[%get3A_50, %get3A_51] : memref<64x128xf32, #tpu.memory_space<vmem>>, vector<64x128xf32>
    %add3A_53 = arith.addf %get3A_52, %dot_general3A_35 : vector<64x128xf32>
    %swap3A_54 = arith.constant 0 : index
    %swap3A_55 = arith.constant 0 : index
    %swap3A_56 = vector.load %arg10[%swap3A_54, %swap3A_55] : memref<64x128xf32, #tpu.memory_space<vmem>>, vector<64x128xf32>
    tpu.vector_store %arg10[%swap3A_54, %swap3A_55], %add3A_53 {strides = array<i32>} : memref<64x128xf32, #tpu.memory_space<vmem>>, vector<64x128xf32>,
    return
  }
  func.func @transform_0(%arg0: i32) -> (i32, i32) {
    %c0_i32 = arith.constant 0 : i32
    %c0_i32_0 = arith.constant 0 : i32
    return %arg0, %c0_i32 : i32, i32
  }
  func.func @transform_1(%arg0: i32) -> (i32, i32, i32) {
    %c0_i32 = arith.constant 0 : i32
    %c0_i32_0 = arith.constant 0 : i32
    %c0_i32_1 = arith.constant 0 : i32
    return %c0_i32, %arg0, %c0_i32_0 : i32, i32, i32
  }
  func.func @transform_2(%arg0: i32) -> (i32, i32) {
    %c0_i32 = arith.constant 0 : i32
    %c0_i32_0 = arith.constant 0 : i32
    return %arg0, %c0_i32 : i32, i32
  }
  func.func @transform_3(%arg0: i32) -> (i32, i32) {
    %c0_i32 = arith.constant 0 : i32
    %c0_i32_0 = arith.constant 0 : i32
    %c0_i32_1 = arith.constant 0 : i32
    return %c0_i32, %c0_i32_0 : i32, i32
  }
  func.func @transform_4(%arg0: i32) -> (i32, i32) {
    %c0_i32 = arith.constant 0 : i32
    %c0_i32_0 = arith.constant 0 : i32
    %c0_i32_1 = arith.constant 0 : i32
    return %c0_i32, %c0_i32_0 : i32, i32
  }
  func.func @transform_5(%arg0: i32) -> (i32, i32) {
    %c0_i32 = arith.constant 0 : i32
    %c0_i32_0 = arith.constant 0 : i32
    %c0_i32_1 = arith.constant 0 : i32
    return %c0_i32, %c0_i32_0 : i32, i32
  }
  func.func @transform_6(%arg0: i32) -> (i32, i32) {
    %c0_i32 = arith.constant 0 : i32
    %c0_i32_0 = arith.constant 0 : i32
    %c0_i32_1 = arith.constant 0 : i32
    return %c0_i32, %c0_i32_0 : i32, i32
  }
  func.func @transform_7(%arg0: i32) -> (i32, i32) {
    %c0_i32 = arith.constant 0 : i32
    %c0_i32_0 = arith.constant 0 : i32
    return %arg0, %c0_i32 : i32, i32
  }
  func.func @transform_8(%arg0: i32) -> (i32, i32) {
    %c0_i32 = arith.constant 0 : i32
    %c0_i32_0 = arith.constant 0 : i32
    return %arg0, %c0_i32 : i32, i32
  }
  func.func @transform_9(%arg0: i32) -> (i32, i32) {
    %c0_i32 = arith.constant 0 : i32
    %c0_i32_0 = arith.constant 0 : i32
    %c0_i32_1 = arith.constant 0 : i32
    return %c0_i32, %c0_i32_0 : i32, i32
  }
}

module attributes {stable_mosaic.version = 14 : i64} {
  func.func @_upd_pool_body(%arg0: i32, %arg1: memref<512x128xf32, #tpu.memory_space<vmem>>, %arg2: memref<2x512x128xf32, #tpu.memory_space<vmem>>, %arg3: memref<512x1xi32, #tpu.memory_space<vmem>>, %arg4: memref<128x128xf32, #tpu.memory_space<vmem>>, %arg5: memref<128x128xf32, #tpu.memory_space<vmem>>, %arg6: memref<1x128xf32, #tpu.memory_space<vmem>>, %arg7: memref<64x128xf32, #tpu.memory_space<vmem>>) attributes {dimension_semantics = [#tpu.dimension_semantics<arbitrary>], iteration_bounds = array<i64: 20>, scalar_prefetch = 0 : i64, scratch_operands = 0 : i64, tpu.core_type = #tpu.core_type<tc>, window_params = [{transform_indices = @transform_0, window_bounds = array<i64: 512, 128>}, {transform_indices = @transform_1, window_bounds = array<i64: 2, 512, 128>}, {transform_indices = @transform_2, window_bounds = array<i64: 512, 1>}, {pipeline_mode = #tpu.pipeline_mode<synchronous>, transform_indices = @transform_3, window_bounds = array<i64: 128, 128>}, {pipeline_mode = #tpu.pipeline_mode<synchronous>, transform_indices = @transform_4, window_bounds = array<i64: 128, 128>}, {pipeline_mode = #tpu.pipeline_mode<synchronous>, transform_indices = @transform_5, window_bounds = array<i64: 1, 128>}, {pipeline_mode = #tpu.pipeline_mode<synchronous>, transform_indices = @transform_6, window_bounds = array<i64: 64, 128>}]} {
    %get3A = arith.constant 0 : index
    %get3A_0 = arith.constant 0 : index
    %get3A_1 = vector.load %arg1[%get3A, %get3A_0] : memref<512x128xf32, #tpu.memory_space<vmem>>, vector<512x128xf32>
    %get3A_2 = arith.constant 0 : index
    %get3A_3 = arith.constant 0 : index
    %get3A_4 = arith.constant 0 : index
    %get3A_5 = vector.load %arg2[%get3A_2, %get3A_3, %get3A_4] : memref<2x512x128xf32, #tpu.memory_space<vmem>>, vector<1x512x128xf32>
    %get3A_6 = vector.shape_cast %get3A_5 : vector<1x512x128xf32> to vector<512x128xf32>
    %get3A_7 = arith.constant 1 : index
    %get3A_8 = arith.constant 0 : index
    %get3A_9 = arith.constant 0 : index
    %get3A_10 = vector.load %arg2[%get3A_7, %get3A_8, %get3A_9] : memref<2x512x128xf32, #tpu.memory_space<vmem>>, vector<1x512x128xf32>
    %get3A_11 = vector.shape_cast %get3A_10 : vector<1x512x128xf32> to vector<512x128xf32>
    %add3A = arith.addf %get3A_6, %get3A_11 : vector<512x128xf32>
    %get3A_12 = arith.constant 0 : index
    %get3A_13 = arith.constant 0 : index
    %get3A_14 = vector.load %arg4[%get3A_12, %get3A_13] : memref<128x128xf32, #tpu.memory_space<vmem>>, vector<128x128xf32>
    %dot_general3A = arith.constant dense<0.000000e+00> : vector<512x128xf32>
    %dot_general3A_15 = tpu.matmul %get3A_1, %get3A_14, %dot_general3A {dimension_numbers = #tpu.dot_dimension_numbers<[1], [0], [0], [1], [0, 0, 1, 1], [], []>, transpose_lhs_hint = false} : vector<512x128xf32>, vector<128x128xf32>, vector<512x128xf32> -> vector<512x128xf32>
    %get3A_16 = arith.constant 0 : index
    %get3A_17 = arith.constant 0 : index
    %get3A_18 = vector.load %arg5[%get3A_16, %get3A_17] : memref<128x128xf32, #tpu.memory_space<vmem>>, vector<128x128xf32>
    %dot_general3A_19 = arith.constant dense<0.000000e+00> : vector<512x128xf32>
    %dot_general3A_20 = tpu.matmul %add3A, %get3A_18, %dot_general3A_19 {dimension_numbers = #tpu.dot_dimension_numbers<[1], [0], [0], [1], [0, 0, 1, 1], [], []>, transpose_lhs_hint = false} : vector<512x128xf32>, vector<128x128xf32>, vector<512x128xf32> -> vector<512x128xf32>
    %add3A_21 = arith.addf %dot_general3A_15, %dot_general3A_20 : vector<512x128xf32>
    %get3A_22 = arith.constant 0 : index
    %get3A_23 = arith.constant 0 : index
    %get3A_24 = vector.load %arg6[%get3A_22, %get3A_23] : memref<1x128xf32, #tpu.memory_space<vmem>>, vector<1x128xf32>
    %add3A_25 = vector.broadcast %get3A_24 : vector<1x128xf32> to vector<512x128xf32>
    %add3A_26 = arith.addf %add3A_21, %add3A_25 : vector<512x128xf32>
    %max3A = arith.constant 0.000000e+00 : f32
    %max3A_27 = vector.broadcast %max3A : f32 to vector<512x128xf32>
    %max3A_28 = arith.maximumf %add3A_26, %max3A_27 : vector<512x128xf32>
    %get3A_29 = arith.constant 0 : index
    %get3A_30 = arith.constant 0 : index
    %get3A_31 = vector.load %arg3[%get3A_29, %get3A_30] : memref<512x1xi32, #tpu.memory_space<vmem>>, vector<512x1xi32>
    %iota3A = tpu.iota {dimensions = array<i32: 1>} : vector<512x64xi32>
    %eq3A = vector.broadcast %get3A_31 : vector<512x1xi32> to vector<512x64xi32>
    %eq3A_32 = arith.cmpi eq, %eq3A, %iota3A : vector<512x64xi32>
    %convert_element_type3A = arith.extui %eq3A_32 : vector<512x64xi1> to vector<512x64xi32>
    %convert_element_type3A_33 = arith.sitofp %convert_element_type3A : vector<512x64xi32> to vector<512x64xf32>
    %dot_general3A_34 = arith.constant dense<0.000000e+00> : vector<64x128xf32>
    %dot_general3A_35 = tpu.matmul %convert_element_type3A_33, %max3A_28, %dot_general3A_34 {dimension_numbers = #tpu.dot_dimension_numbers<[0], [0], [1], [1], [0, 1, 1, 1], [], []>, transpose_lhs_hint = false} : vector<512x64xf32>, vector<512x128xf32>, vector<64x128xf32> -> vector<64x128xf32>
    %eq3A_36 = arith.constant 0 : i32
    %eq3A_37 = arith.cmpi eq, %arg0, %eq3A_36 : i32
    %convert_element_type3A_38 = arith.extui %eq3A_37 : i1 to i32
    %cond3A = arith.constant 0 : i32
    %cond3A_39 = arith.cmpi ne, %convert_element_type3A_38, %cond3A : i32
    scf.if %cond3A_39 {
      %broadcast_in_dim3A = arith.constant 0.000000e+00 : f32
      %broadcast_in_dim3A_46 = vector.broadcast %broadcast_in_dim3A : f32 to vector<64x128xf32>
      %swap3A_47 = arith.constant 0 : index
      %swap3A_48 = arith.constant 0 : index
      %swap3A_49 = vector.load %arg7[%swap3A_47, %swap3A_48] : memref<64x128xf32, #tpu.memory_space<vmem>>, vector<64x128xf32>
      tpu.vector_store %arg7[%swap3A_47, %swap3A_48], %broadcast_in_dim3A_46 {strides = array<i32>} : memref<64x128xf32, #tpu.memory_space<vmem>>, vector<64x128xf32>,
    } else {
    }
    %get3A_40 = arith.constant 0 : index
    %get3A_41 = arith.constant 0 : index
    %get3A_42 = vector.load %arg7[%get3A_40, %get3A_41] : memref<64x128xf32, #tpu.memory_space<vmem>>, vector<64x128xf32>
    %add3A_43 = arith.addf %get3A_42, %dot_general3A_35 : vector<64x128xf32>
    %swap3A = arith.constant 0 : index
    %swap3A_44 = arith.constant 0 : index
    %swap3A_45 = vector.load %arg7[%swap3A, %swap3A_44] : memref<64x128xf32, #tpu.memory_space<vmem>>, vector<64x128xf32>
    tpu.vector_store %arg7[%swap3A, %swap3A_44], %add3A_43 {strides = array<i32>} : memref<64x128xf32, #tpu.memory_space<vmem>>, vector<64x128xf32>,
    return
  }
  func.func @transform_0(%arg0: i32) -> (i32, i32) {
    %c0_i32 = arith.constant 0 : i32
    %c0_i32_0 = arith.constant 0 : i32
    return %arg0, %c0_i32 : i32, i32
  }
  func.func @transform_1(%arg0: i32) -> (i32, i32, i32) {
    %c0_i32 = arith.constant 0 : i32
    %c0_i32_0 = arith.constant 0 : i32
    %c0_i32_1 = arith.constant 0 : i32
    return %c0_i32, %arg0, %c0_i32_0 : i32, i32, i32
  }
  func.func @transform_2(%arg0: i32) -> (i32, i32) {
    %c0_i32 = arith.constant 0 : i32
    %c0_i32_0 = arith.constant 0 : i32
    return %arg0, %c0_i32 : i32, i32
  }
  func.func @transform_3(%arg0: i32) -> (i32, i32) {
    %c0_i32 = arith.constant 0 : i32
    %c0_i32_0 = arith.constant 0 : i32
    %c0_i32_1 = arith.constant 0 : i32
    return %c0_i32, %c0_i32_0 : i32, i32
  }
  func.func @transform_4(%arg0: i32) -> (i32, i32) {
    %c0_i32 = arith.constant 0 : i32
    %c0_i32_0 = arith.constant 0 : i32
    %c0_i32_1 = arith.constant 0 : i32
    return %c0_i32, %c0_i32_0 : i32, i32
  }
  func.func @transform_5(%arg0: i32) -> (i32, i32) {
    %c0_i32 = arith.constant 0 : i32
    %c0_i32_0 = arith.constant 0 : i32
    %c0_i32_1 = arith.constant 0 : i32
    return %c0_i32, %c0_i32_0 : i32, i32
  }
  func.func @transform_6(%arg0: i32) -> (i32, i32) {
    %c0_i32 = arith.constant 0 : i32
    %c0_i32_0 = arith.constant 0 : i32
    %c0_i32_1 = arith.constant 0 : i32
    return %c0_i32, %c0_i32_0 : i32, i32
  }
}

module attributes {stable_mosaic.version = 14 : i64} {
  func.func @_head_body(%arg0: memref<64x128xf32, #tpu.memory_space<vmem>>, %arg1: memref<64x128xf32, #tpu.memory_space<vmem>>, %arg2: memref<64x128xf32, #tpu.memory_space<vmem>>, %arg3: memref<10240x1xi32, #tpu.memory_space<vmem>>, %arg4: memref<384x384xf32, #tpu.memory_space<vmem>>, %arg5: memref<1x384xf32, #tpu.memory_space<vmem>>, %arg6: memref<384x128xf32, #tpu.memory_space<vmem>>, %arg7: memref<1x128xf32, #tpu.memory_space<vmem>>, %arg8: memref<64x128xf32, #tpu.memory_space<vmem>>) attributes {dimension_semantics = [], scalar_prefetch = 0 : i64, scratch_operands = 0 : i64, tpu.core_type = #tpu.core_type<tc>} {
    %get3A = arith.constant 0 : index
    %get3A_0 = arith.constant 0 : index
    %get3A_1 = vector.load %arg3[%get3A, %get3A_0] : memref<10240x1xi32, #tpu.memory_space<vmem>>, vector<10240x1xi32>
    %iota3A = tpu.iota {dimensions = array<i32: 1>} : vector<10240x64xi32>
    %eq3A = vector.broadcast %get3A_1 : vector<10240x1xi32> to vector<10240x64xi32>
    %eq3A_2 = arith.cmpi eq, %eq3A, %iota3A : vector<10240x64xi32>
    %convert_element_type3A = arith.extui %eq3A_2 : vector<10240x64xi1> to vector<10240x64xi32>
    %convert_element_type3A_3 = arith.sitofp %convert_element_type3A : vector<10240x64xi32> to vector<10240x64xf32>
    %reduce_sum3A = arith.constant dense<0.000000e+00> : vector<64xf32>
    %reduce_sum3A_4 = vector.multi_reduction <add>, %convert_element_type3A_3, %reduce_sum3A [0] : vector<10240x64xf32> to vector<64xf32>
    %max3A = arith.constant 1.000000e+00 : f32
    %max3A_5 = vector.broadcast %max3A : f32 to vector<64xf32>
    %max3A_6 = arith.maximumf %reduce_sum3A_4, %max3A_5 : vector<64xf32>
    %div3A = arith.constant 1.000000e+00 : f32
    %div3A_7 = vector.broadcast %div3A : f32 to vector<64xf32>
    %div3A_8 = arith.divf %div3A_7, %max3A_6 : vector<64xf32>
    %broadcast_in_dim3A = vector.shape_cast %div3A_8 : vector<64xf32> to vector<64x1xf32>
    %get3A_9 = arith.constant 0 : index
    %get3A_10 = arith.constant 0 : index
    %get3A_11 = vector.load %arg0[%get3A_9, %get3A_10] : memref<64x128xf32, #tpu.memory_space<vmem>>, vector<64x128xf32>
    %mul3A = vector.broadcast %broadcast_in_dim3A : vector<64x1xf32> to vector<64x128xf32>
    %mul3A_12 = arith.mulf %get3A_11, %mul3A : vector<64x128xf32>
    %get3A_13 = arith.constant 0 : index
    %get3A_14 = arith.constant 0 : index
    %get3A_15 = vector.load %arg1[%get3A_13, %get3A_14] : memref<64x128xf32, #tpu.memory_space<vmem>>, vector<64x128xf32>
    %mul3A_16 = vector.broadcast %broadcast_in_dim3A : vector<64x1xf32> to vector<64x128xf32>
    %mul3A_17 = arith.mulf %get3A_15, %mul3A_16 : vector<64x128xf32>
    %get3A_18 = arith.constant 0 : index
    %get3A_19 = arith.constant 0 : index
    %get3A_20 = vector.load %arg2[%get3A_18, %get3A_19] : memref<64x128xf32, #tpu.memory_space<vmem>>, vector<64x128xf32>
    %mul3A_21 = vector.broadcast %broadcast_in_dim3A : vector<64x1xf32> to vector<64x128xf32>
    %mul3A_22 = arith.mulf %get3A_20, %mul3A_21 : vector<64x128xf32>
    %concatenate3A = tpu.concatenate %mul3A_12, %mul3A_17, %mul3A_22 in 1 : vector<64x128xf32>, vector<64x128xf32>, vector<64x128xf32> -> vector<64x384xf32>
    %get3A_23 = arith.constant 0 : index
    %get3A_24 = arith.constant 0 : index
    %get3A_25 = vector.load %arg4[%get3A_23, %get3A_24] : memref<384x384xf32, #tpu.memory_space<vmem>>, vector<384x384xf32>
    %dot_general3A = arith.constant dense<0.000000e+00> : vector<64x384xf32>
    %dot_general3A_26 = tpu.matmul %concatenate3A, %get3A_25, %dot_general3A {dimension_numbers = #tpu.dot_dimension_numbers<[1], [0], [0], [1], [0, 0, 1, 1], [], []>, transpose_lhs_hint = false} : vector<64x384xf32>, vector<384x384xf32>, vector<64x384xf32> -> vector<64x384xf32>
    %get3A_27 = arith.constant 0 : index
    %get3A_28 = arith.constant 0 : index
    %get3A_29 = vector.load %arg5[%get3A_27, %get3A_28] : memref<1x384xf32, #tpu.memory_space<vmem>>, vector<1x384xf32>
    %add3A = vector.broadcast %get3A_29 : vector<1x384xf32> to vector<64x384xf32>
    %add3A_30 = arith.addf %dot_general3A_26, %add3A : vector<64x384xf32>
    %ge3A = arith.constant 0.000000e+00 : f32
    %ge3A_31 = vector.broadcast %ge3A : f32 to vector<64x384xf32>
    %ge3A_32 = arith.cmpf oge, %add3A_30, %ge3A_31 : vector<64x384xf32>
    %mul3A_33 = arith.constant 2.000000e-01 : f32
    %mul3A_34 = vector.broadcast %mul3A_33 : f32 to vector<64x384xf32>
    %mul3A_35 = arith.mulf %mul3A_34, %add3A_30 : vector<64x384xf32>
    %select_n3A = arith.select %ge3A_32, %add3A_30, %mul3A_35 : vector<64x384xi1>, vector<64x384xf32>
    %get3A_36 = arith.constant 0 : index
    %get3A_37 = arith.constant 0 : index
    %get3A_38 = vector.load %arg6[%get3A_36, %get3A_37] : memref<384x128xf32, #tpu.memory_space<vmem>>, vector<384x128xf32>
    %dot_general3A_39 = arith.constant dense<0.000000e+00> : vector<64x128xf32>
    %dot_general3A_40 = tpu.matmul %select_n3A, %get3A_38, %dot_general3A_39 {dimension_numbers = #tpu.dot_dimension_numbers<[1], [0], [0], [1], [0, 0, 1, 1], [], []>, transpose_lhs_hint = false} : vector<64x384xf32>, vector<384x128xf32>, vector<64x128xf32> -> vector<64x128xf32>
    %get3A_41 = arith.constant 0 : index
    %get3A_42 = arith.constant 0 : index
    %get3A_43 = vector.load %arg7[%get3A_41, %get3A_42] : memref<1x128xf32, #tpu.memory_space<vmem>>, vector<1x128xf32>
    %add3A_44 = vector.broadcast %get3A_43 : vector<1x128xf32> to vector<64x128xf32>
    %add3A_45 = arith.addf %dot_general3A_40, %add3A_44 : vector<64x128xf32>
    %swap3A = arith.constant 0 : index
    %swap3A_46 = arith.constant 0 : index
    %swap3A_47 = vector.load %arg8[%swap3A, %swap3A_46] : memref<64x128xf32, #tpu.memory_space<vmem>>, vector<64x128xf32>
    tpu.vector_store %arg8[%swap3A, %swap3A_46], %add3A_45 {strides = array<i32>} : memref<64x128xf32, #tpu.memory_space<vmem>>, vector<64x128xf32>,
    return
  }
}

</mosaic_0001>

<sc_bundles>
// kernel: kernel.13.cloned.1.call-start
scs
__scs_entry_jumppad:
0x0: {  	(pc) =	sbr.rel $0x88, $3  }
0x1: {  	(tag) =	ssettag $0x0;
	lr =	simm.s32 $0x1  }
0x2: {  	[smem:$0x3F89] =	sst lr;
	_ =	strace $0xD0000000  }
0x3: {  	_ = 	snop  }
0x4: {  	_ = 	snop  }
0x5: {  	_ = 	snop  }
0x6: {  	_ = 	snop  }
0x7: {  	_ = 	snop  }
__scs_overlays_trampoline_lowered:
0x8: {  	[smem:$0x3F98] =	sst s0  }
0x9: {  	[smem:$0x3F99] =	sst s1  }
0xa: {  	[smem:$0x3F9A] =	sst s2  }
0xb: {  	[smem:$0x3F9B] =	sst s3  }
0xc: {  	[smem:$0x3F9C] =	sst s4  }
0xd: {  	[smem:$0x3F9D] =	sst s5  }
0xe: {  	[smem:$0x3F9E] =	sst s6  }
0xf: {  	[smem:$0x3F9F] =	sst s7  }
0x10: {  	[smem:$0x3FA0] =	sst s8  }
0x11: {  	[smem:$0x3FA1] =	sst s9;
	s0 =	simm.s32 @!p0 $0x0  }
0x12: {  	s1 =	sld [smem:$0x3F87];
	s0 =	simm.s32 @p0 $0x1  }
0x13: {  	[smem:$0x3FA2] =	sst s0;
	s0 =	simm.s32 @!p1 $0x0  }
0x14: {  	s2 =	sld [smem:$0x3F86];
	s0 =	simm.s32 @p1 $0x1  }
0x15: {  	[smem:$0x3FA3] =	sst s0;
	s0 =	simm.s32 @!p2 $0x0  }
0x16: {  	s3 =	sld [smem:$0x3FDB];
	s0 =	simm.s32 @p2 $0x1  }
0x17: {  	s4 =	simm.s32 $0x1BF5;
	[smem:$0x3FA5] =	sst s0  }
0x18: {  	s0 =	sld [smem:$0x3F88];
	_ =	swait.ge [sflag:s4], $0x0  }
0x19: {  	s7 =	sld [smem:$0x3F89]  }
0x1a: {  	s8 =	sadd.s32 $0xFFFFE003, lr  }
0x1b: {  	s9 =	sadd.s32 $0xFFFFFEF7, lr;
	s5 =	simm.s32 $0xFFFFFFFF;
	p2 =	slt.u32 s8, $0xFFFFF086  }
0x1c: {  	p1 =	slt.u32 s9, $0xF7A;
	s5 =	simm.s32 @!p2 $0x0  }
0x1d: {  	s5 =	simm.s32 @p1 $0x1;
	p0 =	seq.s32 s7, s2  }
0x1e: {  	s7 =	smul.u32 @!p0 $0xF7A, s2;
	p2 =	seq.s32 @!p0 s5, $0x0  }
0x1f: {  	s9 =	smul.u32 $0xF7A, s1;
	s8 =	simm.s32 @!p0 $0x1BF5;
	p2 =	por !p2, p0  }
0x20: {  	[sflag:s8] =	ssyncset.s32 @!p0 $0xFFFFF086;
	s6 =	sadd.s32 @!p0 s3, s7;
	s7 =	simm.s32 @!p0 $0x108  }
0x21: {  	s3 =	sadd.s32 s3, s9;
	s6 =	sadd.s32 @!p0 $0x88, s6;
	s7 =	simm.s32 @p2 $0x1082  }
0x22: {  	[simem:s7], [sflag:s8] =	dma.local @!p0 [hbm:s6], $0xF7A  }
0x23: {  	s9 =	sor.u32 $0xD0000000, s2;
	s6 =	simm.s32 $0x108;
	_ =	swait.ge @!p0 [sflag:s8], $0x0  }
0x24: {  	s3 =	sadd.s32 $0x88, s3;
	s6 =	simm.s32 @!p1 $0x1082;
	[sflag:s4] =	ssyncset.s32 $0xFFFFF086  }
0x25: {  	[simem:s6], [sflag:s4] =	dma.local [hbm:s3], $0xF7A  }
0x26: {  	[smem:$0x3F89] =	sst s1;
	(tag) =	ssettag s2;
	_ =	strace s9  }
0x27: {  	s1 =	sld [smem:$0x3F99]  }
0x28: {  	s2 =	sld [smem:$0x3F9A]  }
0x29: {  	s4 =	sld [smem:$0x3F9C]  }
0x2a: {  	p0 =	seq.s32 s5, $0x0;
	s5 =	sld [smem:$0x3F9D]  }
0x2b: {  	s6 =	sld [smem:$0x3F9E]  }
0x2c: {  	s7 =	sld [smem:$0x3F9F]  }
0x2d: {  	s3 =	simm.s32 $0x108;
	s8 =	sld [smem:$0x3FA0]  }
0x2e: {  	s3 =	simm.s32 @!p0 $0x1082;
	s9 =	sld [smem:$0x3FA1]  }
0x2f: {  	lr =	sadd.s32 s0, s3;
	s0 =	sld [smem:$0x3F98]  }
0x30: {  	s3 =	sld [smem:$0x3F9B]  }
0x31: {  	[smem:$0x3FA4] =	sst s10  }
0x32: {  	s10 =	sld [smem:$0x3FA2];
	_ =	sdelay $0x3  }
0x33: {  	p0 =	seq.s32 s10, $0x1;
	s10 =	sld [smem:$0x3FA4];
	_ =	sdelay $0x3  }
0x34: {  	[smem:$0x3FA4] =	sst s10  }
0x35: {  	s10 =	sld [smem:$0x3FA3];
	_ =	sdelay $0x3  }
0x36: {  	p1 =	seq.s32 s10, $0x1;
	s10 =	sld [smem:$0x3FA4];
	_ =	sdelay $0x3  }
0x37: {  	[smem:$0x3FA4] =	sst s10  }
0x38: {  	s10 =	sld [smem:$0x3FA5]  }
0x39: {  	_ = 	snop;
	(pc) =	sbr.ind lr, $3  }
0x3a: {  	_ = 	snop  }
0x3b: {  	_ = 	snop  }
0x3c: {  	p2 =	seq.s32 s10, $0x1;
	s10 =	sld [smem:$0x3FA4]  }
0x3d: {  	_ =	shalt  }
0x3e: {  	_ =	shalt  }
0x3f: {  	_ =	shalt  }
0x40: {  	_ =	shalt  }
0x41: {  	_ =	shalt  }
0x42: {  	_ =	shalt  }
0x43: {  	_ =	shalt  }
0x44: {  	_ =	shalt  }
0x45: {  	_ =	shalt  }
0x46: {  	_ =	shalt  }
0x47: {  	_ =	shalt  }
0x48: {  	_ =	shalt  }
0x49: {  	_ =	shalt  }
0x4a: {  	_ =	shalt  }
0x4b: {  	_ =	shalt  }
0x4c: {  	_ =	shalt  }
0x4d: {  	_ =	shalt  }
0x4e: {  	_ =	shalt  }
0x4f: {  	_ =	shalt  }
0x50: {  	_ =	shalt  }
0x51: {  	_ =	shalt  }
0x52: {  	_ =	shalt  }
0x53: {  	_ =	shalt  }
0x54: {  	_ =	shalt  }
0x55: {  	_ =	shalt  }
0x56: {  	_ =	shalt  }
0x57: {  	_ =	shalt  }
0x58: {  	_ =	shalt  }
0x59: {  	_ =	shalt  }
0x5a: {  	_ =	shalt  }
0x5b: {  	_ =	shalt  }
0x5c: {  	_ =	shalt  }
0x5d: {  	_ =	shalt  }
0x5e: {  	_ =	shalt  }
0x5f: {  	_ =	shalt  }
0x60: {  	_ =	shalt  }
0x61: {  	_ =	shalt  }
0x62: {  	_ =	shalt  }
0x63: {  	_ =	shalt  }
0x64: {  	_ =	shalt  }
0x65: {  	_ =	shalt  }
0x66: {  	_ =	shalt  }
0x67: {  	_ =	shalt  }
0x68: {  	_ =	shalt  }
0x69: {  	_ =	shalt  }
0x6a: {  	_ =	shalt  }
0x6b: {  	_ =	shalt  }
0x6c: {  	_ =	shalt  }
0x6d: {  	_ =	shalt  }
0x6e: {  	_ =	shalt  }
0x6f: {  	_ =	shalt  }
0x70: {  	_ =	shalt  }
0x71: {  	_ =	shalt  }
0x72: {  	_ =	shalt  }
0x73: {  	_ =	shalt  }
0x74: {  	_ =	shalt  }
0x75: {  	_ =	shalt  }
0x76: {  	_ =	shalt  }
0x77: {  	_ =	shalt  }
0x78: {  	_ =	shalt  }
0x79: {  	_ =	shalt  }
0x7a: {  	_ =	shalt  }
0x7b: {  	_ =	shalt  }
0x7c: {  	_ =	shalt  }
0x7d: {  	_ =	shalt  }
0x7e: {  	_ =	shalt  }
0x7f: {  	_ =	shalt  }
0x80: {  	_ =	shalt  }
0x81: {  	_ =	shalt  }
0x82: {  	_ =	shalt  }
0x83: {  	_ =	shalt  }
0x84: {  	_ =	shalt  }
0x85: {  	_ =	shalt  }
0x86: {  	_ =	shalt  }
0x87: {  	_ =	shalt  }
.Lfunc_end0:
.L_simem_size_0:
called_computation_lowered:
.L_overlay_start_0:
0x88: {  	s2 =	sld [smem:$0x3FD9]  }
0x89: {  	s3 =	sld [smem:$0x3FFE];
	_ =	sdelay $0x1  }
0x8a: {  	s1 =	srdreg.scid  }
0x8b: {  	s0 =	sand.u32 $0x1, s1  }
0x8c: {  	s16 =	sshll.u32 s0, $0xA;
	s2 =	sadd.s32 s3, s2  }
0x8d: {  	s2 =	sadd.s32 s2, s16  }
0x8e: {  	[smem:$0x3FB0] =	sst s2  }
0x8f: {  	_ = 	snop  }
0x90: {  	(tm) =	ssettm $0x1  }
0x91: {  	s17 =	sld [smem:$0x3FFB];
	_ =	sdelay $0x3  }
0x92: {  	_ =	strace s17  }
0x93: {  	s2 =	sld [smem:$0x3FFC];
	_ =	sdelay $0x3  }
0x94: {  	_ =	strace s2  }
0x95: {  	s2 =	sld [smem:$0x3FFD];
	_ =	sdelay $0x3  }
0x96: {  	_ =	strace s2  }
0x97: {  	_ =	strace $0x8FFFFFFF  }
0x98: {  	s18 =	sld [smem:$0x3FDB];
	_ =	sdelay $0x1  }
0x99: {  	s19 =	simm.s32 $_scs_section_size  }
0x9a: {  	s4 =	simm.s32 $_size__tile_overlayer_lowered;
	s5 =	simm.s32 $_tile_overlayer_lowered  }
0x9b: {  	s22 =	simm.s32 $0x1BFF;
	s21 =	sshll.u32 s5, $0x1;
	s2 =	sadd.s32 s19, s18  }
0x9c: {  	s6 =	simm.s32 $0x0;
	s20 =	sshll.u32 s4, $0x1;
	s4 =	sadd.s32 s21, s2  }
0x9d: {  	[timem:s6], [sflag:s22] =	dma.local [hbm:s4], s20  }
0x9e: {  	_ =	swait.ge [sflag:s22], s20  }
0x9f: {  	s3 =	ssub.s32 $0x0, s20;
	[sflag:s22] =	ssyncset.done $0x0  }
0xa0: {  	[sflag:s22] =	ssyncadd.s32 s3;
	_ =	sdelay $0x1  }
0xa1: {  	s23 =	simm.s32 $0x1B8B  }
0xa2: {  	_ =	swait.ge [sflag:s23], $0x1  }
0xa3: {  	[sflag:s23] =	ssyncset.done $0x0  }
0xa4: {  	s25 =	simm.s32 $0x1B8E;
	s24 =	sld [smem:$0x3FFE];
	[sflag:s23] =	ssyncadd.s32 $0xFFFFFFFF  }
0xa5: {  	s26 =	simm.s32 $execute0_lowered;
	[smem:$0x3FD2] =	sst s25  }
0xa6: {  	s4 =	sshll.u32 s26, $0x1;
	_ =	strace $0x80000046;
	[dreg:$0x1] =	wrdreg $0xFFFFFFFF  }
0xa7: {  	s28 =	simm.s32 $_size_execute0_lowered;
	s2 =	sadd.s32 s2, s4;
	[dreg:$0x0] =	wrdreg $0x0  }
0xa8: {  	s4 =	sshll.u32 s28, $0x1;
	[dreg:$0x2] =	wrdreg s2  }
0xa9: {  	[dreg:$0x3] =	wrdreg s4  }
0xaa: {  	[dreg:$0x4] =	wrdreg $0xC0  }
0xab: {  	_ =	task [dreg:s6], $0x5FFFF  }
0xac: {  	[dreg:$0x1] =	wrdreg $0xFFFFFFFF  }
0xad: {  	[dreg:$0x0] =	wrdreg $0x60  }
0xae: {  	[dreg:$0x2] =	wrdreg s24  }
0xaf: {  	[dreg:$0x3] =	wrdreg $0xC2000  }
0xb0: {  	[dreg:$0x4] =	wrdreg $0x9  }
0xb1: {  	_ =	task.clear_ibuf [dreg:s6], $0x5FFFF;
	_ =	strace $0x90000046  }
0xb2: {  	s29 =	simm.s32 $0x9;
	_ =	strace $0x80000048  }
0xb3: {  	_ =	swait.ge [sflag:s29], $0x1  }
0xb4: {  	[sflag:s29] =	ssyncadd.s32 $0xFFFFFFFF  }
0xb5: {  	_ =	strace $0x90000048  }
0xb6: {  	_ =	sfence  }
0xb7: {  	s30 =	sld [smem:$0x0];
	_ =	sdelay $0x2  }
0xb8: {  	s31 =	sshll.u32 s1, $0xD;
	s1 =	sshrl.u32 s1, $0x2  }
0xb9: {  	s3 =	sand.u32 $0x4000, s31;
	s1 =	sadd.s32 s1, s30  }
0xba: {  	s0 =	sor.u32 s3, s0;
	s1 =	sshll.u32 s1, $0x11  }
0xbb: {  	s0 =	sor.u32 s1, s0  }
0xbc: {  	s0 =	sadd.s32 $0x8F2B, s0  }
0xbd: {  	[sflag:s0] =	ssyncadd.remote.s32 $0x1  }
0xbe: {  	_ =	sfence.sel $0xFFFF  }
0xbf: {  	[dreg:$0x0] =	wrdreg $0xFFFFFFFF;
	(pc) =	sbr.abs _section_cstart, $3  }
0xc0: {  	[dreg:$0x1] =	wrdreg $0xFFFFFFFF  }
0xc1: {  	_ =	task.clear_ibuf [dreg:s6], $0x2FFFF;
	_ =	strace $0x9FFFFFFF  }
0xc2: {  	(tm) =	ssettm $0x7FFFFFFF  }
0xc3: {  	_ =	shalt  }
tec
execute0_lowered:
.L_overlay_start_1:
0x0: {  	(tag) =	ssettag $0x1  }
0x1: {  	s0 =	rddreg [dreg:$0x0]  }
0x2: {  	s1 =	rddreg [dreg:$0x1];
	s2 =	srdreg.scid  }
0x3: {  	s25 =	stileid.u32;
	s28 =	simm.s32 $0x8200;
	s29 =	simm.s32 $0x3  }
0x4: {  	s30 =	simm.s32 $0x1;
	s31 =	simm.s32 $0x2;
	s11 =	sand.u32 $0x1, s2  }
0x5: {  	s2 =	simm.s32 $0x0;
	s4 =	sadd.s32 $0x54DA00, s0;
	s6 =	smul.u32 $0x4F000, s25  }
0x6: {  	s15 =	sadd.s32 $0xA4DA00, s0;
	s16 =	smul.u32 $0x13C00, s25;
	p0 =	sne.s32 s25, $0xF  }
0x7: {  	s3 =	sshll.u32 s11, $0x4;
	[smem:$0x7FF] =	sst s2;
	s23 =	ssub.s32 $0x2, s11  }
0x8: {  	s26 =	smul.u32 $0x140000, s11;
	s10 =	sor.u32 s25, s3;
	_ =	strace $0x80000047  }
0x9: {  	s3 =	sadd.s32 $0x4FDA00, s0;
	s7 =	sshrl.u32 s23, $0x1;
	s6 =	sshrl.u32 s6, $0x2  }
0xa: {  	s17 =	sadd.s32 $0x4000, s16;
	s18 =	sadd.s32 $0x8000, s16;
	s19 =	sadd.s32 $0xC000, s16  }
0xb: {  	s21 =	sadd.s32 $0x10000, s16;
	s5 =	smul.u32 $0xA00, s10;
	s20 =	ssub.s32 s23, s7  }
0xc: {  	s6 =	sadd.s32 s6, s1;
	s7 =	sadd.s32 s17, s1;
	s8 =	sadd.s32 s18, s1  }
0xd: {  	s9 =	sadd.s32 s19, s1;
	s13 =	smul.u32 $0x28000, s10;
	s16 =	sadd.s32 s16, s26  }
0xe: {  	s17 =	sadd.s32 s26, s17;
	s18 =	sadd.s32 s26, s18;
	s23 =	sadd.s32 s26, s19  }
0xf: {  	s11 =	sshrl.u32 s17, $0x3;
	s12 =	sadd.s32 s5, s0;
	s5 =	smul.u32 $0x50, s10  }
0x10: {  	s10 =	sadd.s32 s21, s1;
	s14 =	sadd.s32 s4, s13;
	s13 =	sadd.s32 $0x4E9A20, s0  }
0x11: {  	s0 =	sshrl.u32 s16, $0x3;
	s22 =	sadd.s32 s15, s11;
	s1 =	sshrl.u32 s26, $0x3  }
0x12: {  	s24 =	sadd.s32 $0x4E9A00, s12;
	[dreg:$0x4] =	wrdreg s14;
	s12 =	sshrl.u32 s18, $0x3  }
0x13: {  	s0 =	sadd.s32 s15, s0;
	[dreg:$0x6] =	wrdreg s22;
	s1 =	sadd.s32 s15, s1  }
0x14: {  	s22 =	simm.s32 $0x200;
	[dreg:$0x3] =	wrdreg s24;
	s14 =	sor.u32 $0x2, s5  }
.Ltmp0:
0x15: {  	[dreg:$0x5] =	wrdreg s0;
	s17 =	sadd.s32 s15, s12;
	(pc) =	sbr.rel .LBB2_1-.Ltmp0, $4  }
0x16: {  	s24 =	sadd.s32 s26, s21;
	s0 =	sshrl.u32 s23, $0x3;
	s26 =	sadd.s32 $0x27800, s1  }
0x17: {  	s21 =	smax.u32 s20, $0x1;
	s23 =	simm.s32 $0x4;
	s11 =	sshrl.u32 s24, $0x3  }
0x18: {  	s18 =	sadd.s32 s15, s0;
	[dreg:$0x7] =	wrdreg s26;
	s24 =	simm.s32 $0x80  }
0x19: {  	v0 =	vimm.f32 $0.0e+00;
	s26 =	simm.s32 $0x100;
	s0 =	simm.s32 $0x0;
	s19 =	sadd.s32 s15, s11  }
.LBB2_14:
0x1a: {  	s0 =	sadd.s32 $0x1, s0  }
0x1b: {  	p1 =	sne.s32 s0, s21  }
.Ltmp1:
0x1c: {  	_ = 	snop;
	(pc) =	sbr.rel @!p1 .LBB2_15-.Ltmp1, $1  }
0x1d: {  	_ =	sdelay $0x3  }
.LBB2_1:
0x1e: {  	s1 =	simm.s32 $0x0;
	s11 =	simm.s32 $0x200  }
.LBB2_2:
0x1f: {  	p1 =	sne.s32 s11, $0xFE00;
	[tilespmem:s1+$0x270] =	vst v0  }
0x20: {  	[tilespmem:s1+$0x200] =	vst v0  }
0x21: {  	[tilespmem:s1+$0x210] =	vst v0  }
.Ltmp2:
0x22: {  	[tilespmem:s1+$0x220] =	vst v0;
	(pc) =	sbr.rel @p1 .LBB2_2-.Ltmp2, $4  }
0x23: {  	[tilespmem:s1+$0x230] =	vst v0  }
0x24: {  	[tilespmem:s1+$0x240] =	vst v0  }
0x25: {  	[tilespmem:s1+$0x250] =	vst v0  }
0x26: {  	[tilespmem:s1+$0x260] =	vst v0;
	s1 =	sshra.s32 s11, $0x2;
	s11 =	sadd.s32 $0x200, s11  }
0x27: {  	[tilespmem:s1+$0x270] =	vst v0  }
0x28: {  	[tilespmem:s1+$0x200] =	vst v0  }
0x29: {  	[tilespmem:s1+$0x210] =	vst v0  }
0x2a: {  	[tilespmem:s1+$0x220] =	vst v0  }
0x2b: {  	[tilespmem:s1+$0x230] =	vst v0  }
0x2c: {  	[tilespmem:s1+$0x240] =	vst v0  }
0x2d: {  	[tilespmem:s1+$0x250] =	vst v0  }
0x2e: {  	[tilespmem:s1+$0x260] =	vst v0  }
0x2f: {  	[spmem:s6] =	stream.linear.scatter [tilespmem:s22], [sflag:$0x4], $0x4000, $0x38;
	[tilespmem:$0x1FE00] =	vst v63  }
0x30: {  	_ =	swait.ge [sflag:s23], $0x4000  }
0x31: {  	[sflag:s23] =	ssyncset.done $0x0  }
0x32: {  	[sflag:s23] =	ssyncadd.s32 $0xFFFFC000  }
0x33: {  	[spmem:s7] =	stream.linear.scatter [tilespmem:s22], [sflag:$0x4], $0x4000, $0x38;
	[tilespmem:$0x1FE00] =	vst v63  }
0x34: {  	_ =	swait.ge [sflag:s23], $0x4000  }
0x35: {  	[sflag:s23] =	ssyncset.done $0x0  }
0x36: {  	[sflag:s23] =	ssyncadd.s32 $0xFFFFC000  }
0x37: {  	[spmem:s8] =	stream.linear.scatter [tilespmem:s22], [sflag:$0x4], $0x4000, $0x38;
	[tilespmem:$0x1FE00] =	vst v63  }
0x38: {  	_ =	swait.ge [sflag:s23], $0x4000  }
0x39: {  	[sflag:s23] =	ssyncset.done $0x0  }
0x3a: {  	[sflag:s23] =	ssyncadd.s32 $0xFFFFC000  }
0x3b: {  	[spmem:s9] =	stream.linear.scatter [tilespmem:s22], [sflag:$0x4], $0x4000, $0x38;
	[tilespmem:$0x1FE00] =	vst v63  }
0x3c: {  	_ =	swait.ge [sflag:s23], $0x4000  }
0x3d: {  	[sflag:s23] =	ssyncset.done $0x0  }
0x3e: {  	[sflag:s23] =	ssyncadd.s32 $0xFFFFC000  }
0x3f: {  	[spmem:s10] =	stream.linear.scatter [tilespmem:s22], [sflag:$0x4], $0x3C00, $0x38;
	[tilespmem:$0x1FE00] =	vst v63  }
0x40: {  	_ =	swait.ge [sflag:s23], $0x3C00  }
0x41: {  	[sflag:s23] =	ssyncset.done $0x0  }
0x42: {  	[sflag:s23] =	ssyncadd.s32 $0xFFFFC400  }
0x43: {  	[bflag:$0x0] =	sbarrier.arrive $0xFFFF  }
0x44: {  	s25 =	simm.s32 $0x0;
	s15 =	rddreg [dreg:$0x3]  }
0x45: {  	[tilespmem:s25], [sflag:$0x4] =	stream.linear.gather [hbm4b:s15+s25], $0x100, $0x38;
	[tilespmem:$0x1FE00] =	vst v63  }
0x46: {  	_ =	swait.ge [sflag:s23], $0x100  }
0x47: {  	[sflag:s23] =	ssyncset.done $0x0  }
0x48: {  	s16 =	simm.s32 $0x4200;
	[sflag:s23] =	ssyncadd.s32 $0xFFFFFF00  }
0x49: {  	[tilespmem:s16], [sflag:$0x1] =	stream.indirect.gather [hbm4b:s3+s24], $0x80, s25, s24, $0xb8;
	[tilespmem:$0x1FE00] =	vst v63  }
0x4a: {  	s20 =	rddreg [dreg:$0x4]  }
0x4b: {  	[tilespmem:s22], [sflag:$0x3] =	stream.linear.gather [hbm4b:s20+s25], $0x4000, $0x38;
	[tilespmem:$0x1FE00] =	vst v63  }
.LBB2_4:
0x4c: {  	s20 =	sshll.u32 s25, $0x1  }
0x4d: {  	s1 =	sadd.s32 s5, s20  }
0x4e: {  	s1 =	sshll.u32 s1, $0x5  }
0x4f: {  	s1 =	sadd.s32 s1, s13  }
0x50: {  	[tilespmem:s26], [sflag:$0x4] =	stream.linear.gather [hbm4b:s1+s2], $0x100, $0x38;
	[tilespmem:$0x1FE00] =	vst v63  }
0x51: {  	_ =	swait.ge [sflag:s23], $0x100  }
0x52: {  	[sflag:s23] =	ssyncset.done $0x0  }
0x53: {  	[sflag:s23] =	ssyncadd.s32 $0xFFFFFF00  }
0x54: {  	[tilespmem:s28], [sflag:$0x2] =	stream.indirect.gather [hbm4b:s3+s24], $0x80, s26, s24, $0xb8;
	[tilespmem:$0x1FE00] =	vst v63  }
0x55: {  	_ =	swait.ge [sflag:s29], $0x4000  }
0x56: {  	[sflag:s29] =	ssyncset.done $0x0  }
0x57: {  	[sflag:s29] =	ssyncadd.s32 $0xFFFFC000  }
0x58: {  	_ =	swait.ge [sflag:s30], $0x4000  }
0x59: {  	[sflag:s30] =	ssyncset.done $0x0  }
0x5a: {  	s1 =	simm.s32 $0x4300;
	[sflag:s30] =	ssyncadd.s32 $0xFFFFC000  }
0x5b: {  	s11 =	simm.s32 $0x300;
	v1 =	vld [tilespmem:s1+$0x80]  }
0x5c: {  	v2 =	vld [tilespmem:s11+$0x80]  }
0x5d: {  	v3 =	vld [tilespmem:s11+$0xFFFFFF00]  }
0x5e: {  	v4 =	vld [tilespmem:s1+$0xFFFFFF80]  }
0x5f: {  	v5 =	vld [tilespmem:s11+$0xFFFFFF80]  }
0x60: {  	v6 =	vld [tilespmem:s11+$0x0]  }
0x61: {  	v1 =	vadd.f32 v2, v1;
	v2 =	vld [tilespmem:s1+$0x0]  }
0x62: {  	v7 =	vld [tilespmem:s1+$0xFFFFFF00]  }
0x63: {  	v1 =	vmax.f32 v1, $0.0e+00  }
0x64: {  	v4 =	vadd.f32 v5, v4;
	[tilespmem:s11+$0x80] =	vst v1;
	v1 =	vld [tilespmem:s11+$0x90]  }
0x65: {  	v8 =	vld [tilespmem:s1+$0x90]  }
0x66: {  	v9 =	vld [tilespmem:s11+$0xFFFFFF90];
	v4 =	vmax.f32 v4, $0.0e+00;
	v2 =	vadd.f32 v6, v2  }
0x67: {  	v5 =	vld [tilespmem:s11+$0xFFFFFF10];
	v3 =	vadd.f32 v3, v7;
	[tilespmem:s11+$0xFFFFFF80] =	vst v4  }
0x68: {  	v6 =	vld [tilespmem:s1+$0xFFFFFF90];
	v2 =	vmax.f32 v2, $0.0e+00  }
0x69: {  	v3 =	vmax.f32 v3, $0.0e+00;
	v4 =	vld [tilespmem:s11+$0x10];
	[tilespmem:s11+$0x0] =	vst v2  }
0x6a: {  	[tilespmem:s11+$0xFFFFFF00] =	vst v3;
	v1 =	vadd.f32 v1, v8;
	v2 =	vld [tilespmem:s1+$0x10]  }
0x6b: {  	v3 =	vld [tilespmem:s1+$0xFFFFFF10]  }
0x6c: {  	v1 =	vmax.f32 v1, $0.0e+00  }
0x6d: {  	v6 =	vadd.f32 v9, v6;
	[tilespmem:s11+$0x90] =	vst v1;
	v1 =	vld [tilespmem:s11+$0xA0]  }
0x6e: {  	v8 =	vld [tilespmem:s1+$0xA0]  }
0x6f: {  	v7 =	vld [tilespmem:s11+$0xFFFFFF20];
	v6 =	vmax.f32 v6, $0.0e+00;
	v2 =	vadd.f32 v4, v2  }
0x70: {  	v3 =	vadd.f32 v5, v3;
	v9 =	vld [tilespmem:s11+$0xFFFFFFA0];
	[tilespmem:s11+$0xFFFFFF90] =	vst v6  }
0x71: {  	v5 =	vld [tilespmem:s1+$0xFFFFFFA0];
	v2 =	vmax.f32 v2, $0.0e+00  }
0x72: {  	v3 =	vmax.f32 v3, $0.0e+00;
	v4 =	vld [tilespmem:s11+$0x20];
	[tilespmem:s11+$0x10] =	vst v2  }
0x73: {  	[tilespmem:s11+$0xFFFFFF10] =	vst v3;
	v1 =	vadd.f32 v1, v8;
	v2 =	vld [tilespmem:s1+$0x20]  }
0x74: {  	v3 =	vld [tilespmem:s1+$0xFFFFFF20]  }
0x75: {  	v1 =	vmax.f32 v1, $0.0e+00  }
0x76: {  	v5 =	vadd.f32 v9, v5;
	[tilespmem:s11+$0xA0] =	vst v1;
	v1 =	vld [tilespmem:s11+$0xB0]  }
0x77: {  	v8 =	vld [tilespmem:s1+$0xB0]  }
0x78: {  	v10 =	vld [tilespmem:s11+$0x30];
	v5 =	vmax.f32 v5, $0.0e+00;
	v2 =	vadd.f32 v4, v2  }
0x79: {  	v3 =	vadd.f32 v7, v3;
	v9 =	vld [tilespmem:s11+$0xFFFFFFB0];
	[tilespmem:s11+$0xFFFFFFA0] =	vst v5  }
0x7a: {  	v4 =	vld [tilespmem:s1+$0xFFFFFFB0];
	v2 =	vmax.f32 v2, $0.0e+00  }
0x7b: {  	v6 =	vld [tilespmem:s11+$0xFFFFFF30];
	[tilespmem:s11+$0x20] =	vst v2;
	v2 =	vmax.f32 v3, $0.0e+00  }
0x7c: {  	v1 =	vadd.f32 v1, v8;
	[tilespmem:s11+$0xFFFFFF20] =	vst v2;
	v2 =	vld [tilespmem:s1+$0x30]  }
0x7d: {  	v7 =	vld [tilespmem:s1+$0xFFFFFF30]  }
0x7e: {  	v11 =	vld [tilespmem:s11+$0xFFFFFF40];
	v1 =	vmax.f32 v1, $0.0e+00  }
0x7f: {  	v4 =	vadd.f32 v9, v4;
	[tilespmem:s11+$0xB0] =	vst v1;
	v1 =	vld [tilespmem:s11+$0xC0]  }
0x80: {  	v8 =	vld [tilespmem:s1+$0xC0]  }
0x81: {  	v12 =	vld [tilespmem:s11+$0xFFFFFFD0];
	v4 =	vmax.f32 v4, $0.0e+00;
	v2 =	vadd.f32 v10, v2  }
0x82: {  	v5 =	vld [tilespmem:s11+$0xFFFFFFC0];
	[tilespmem:s11+$0xFFFFFFB0] =	vst v4;
	v6 =	vadd.f32 v6, v7  }
0x83: {  	v7 =	vld [tilespmem:s1+$0xFFFFFFC0];
	v2 =	vmax.f32 v2, $0.0e+00  }
0x84: {  	v3 =	vld [tilespmem:s11+$0x40];
	[tilespmem:s11+$0x30] =	vst v2;
	v2 =	vmax.f32 v6, $0.0e+00  }
0x85: {  	v1 =	vadd.f32 v1, v8;
	v6 =	vld [tilespmem:s1+$0x40];
	[tilespmem:s11+$0xFFFFFF30] =	vst v2  }
0x86: {  	v2 =	vld [tilespmem:s1+$0xFFFFFF40]  }
0x87: {  	v9 =	vld [tilespmem:s11+$0xFFFFFF50];
	v1 =	vmax.f32 v1, $0.0e+00  }
0x88: {  	[tilespmem:s11+$0xC0] =	vst v1;
	v1 =	vadd.f32 v5, v7;
	v7 =	vld [tilespmem:s11+$0xD0]  }
0x89: {  	v8 =	vld [tilespmem:s1+$0xD0]  }
0x8a: {  	v4 =	vld [tilespmem:s11+$0xFFFFFF60];
	v1 =	vmax.f32 v1, $0.0e+00;
	v3 =	vadd.f32 v3, v6  }
0x8b: {  	v10 =	vld [tilespmem:s11+$0x50];
	[tilespmem:s11+$0xFFFFFFC0] =	vst v1;
	v1 =	vadd.f32 v11, v2  }
0x8c: {  	v2 =	vld [tilespmem:s1+$0xFFFFFFD0];
	v3 =	vmax.f32 v3, $0.0e+00  }
0x8d: {  	v5 =	vld [tilespmem:s11+$0xFFFFFFE0];
	[tilespmem:s11+$0x40] =	vst v3;
	v1 =	vmax.f32 v1, $0.0e+00  }
0x8e: {  	v3 =	vld [tilespmem:s1+$0x50];
	v7 =	vadd.f32 v7, v8;
	[tilespmem:s11+$0xFFFFFF40] =	vst v1  }
0x8f: {  	v1 =	vld [tilespmem:s1+$0xFFFFFF50]  }
0x90: {  	v6 =	vld [tilespmem:s11+$0x60];
	v7 =	vmax.f32 v7, $0.0e+00  }
0x91: {  	v2 =	vadd.f32 v12, v2;
	[tilespmem:s11+$0xD0] =	vst v7;
	v7 =	vld [tilespmem:s11+$0xE0]  }
0x92: {  	v11 =	vld [tilespmem:s1+$0xE0]  }
0x93: {  	v2 =	vmax.f32 v2, $0.0e+00;
	v8 =	vadd.f32 v10, v3;
	v3 =	vld [tilespmem:s11+$0xFFFFFF70]  }
0x94: {  	[tilespmem:s11+$0xFFFFFFD0] =	vst v2;
	v1 =	vadd.f32 v9, v1;
	v2 =	vld [tilespmem:s11+$0xFFFFFFF0]  }
0x95: {  	v9 =	vmax.f32 v8, $0.0e+00;
	v8 =	vld [tilespmem:s1+$0xFFFFFFE0]  }
0x96: {  	[tilespmem:s11+$0x50] =	vst v9;
	v9 =	vmax.f32 v1, $0.0e+00;
	v1 =	vld [tilespmem:s11+$0x70]  }
0x97: {  	[tilespmem:s11+$0xFFFFFF50] =	vst v9;
	v9 =	vld [tilespmem:s1+$0x60];
	v7 =	vadd.f32 v7, v11  }
0x98: {  	v10 =	vld [tilespmem:s1+$0xFFFFFF60]  }
0x99: {  	s15 =	simm.s32 $0x0;
	s16 =	simm.s32 $0x4500;
	s12 =	simm.s32 $0x300;
	v11 =	vmax.f32 v7, $0.0e+00;
	v7 =	vld [tilespmem:s11+$0xF0]  }
.LBB2_5:
0x9a: {  	v12 =	vld [tilespmem:s16+$0x80];
	v5 =	vadd.f32 v5, v8;
	[tilespmem:s11+$0xE0] =	vst v11  }
0x9b: {  	s11 =	sadd.s32 $0x200, s11;
	v8 =	vld [tilespmem:s1+$0xF0]  }
0x9c: {  	s15 =	sadd.s32 $0x4, s15;
	v11 =	vld [tilespmem:s11+$0x80];
	v5 =	vmax.f32 v5, $0.0e+00;
	v6 =	vadd.f32 v6, v9  }
0x9d: {  	p1 =	slt.u32 s15, $0x7C;
	v9 =	vld [tilespmem:s11+$0xFFFFFF00];
	v4 =	vadd.f32 v4, v10;
	[tilespmem:s12+$0xFFFFFFE0] =	vst v5  }
0x9e: {  	v5 =	vld [tilespmem:s16+$0xFFFFFF80];
	v6 =	vmax.f32 v6, $0.0e+00  }
0x9f: {  	v10 =	vld [tilespmem:s11+$0xFFFFFF80];
	v4 =	vmax.f32 v4, $0.0e+00;
	[tilespmem:s12+$0x60] =	vst v6  }
0xa0: {  	v6 =	vld [tilespmem:s16+$0x0];
	[tilespmem:s12+$0xFFFFFF60] =	vst v4;
	v4 =	vadd.f32 v7, v8  }
0xa1: {  	v7 =	vld [tilespmem:s11+$0x0];
	v8 =	vadd.f32 v11, v12  }
0xa2: {  	v11 =	vld [tilespmem:s16+$0xFFFFFF00];
	v4 =	vmax.f32 v4, $0.0e+00  }
0xa3: {  	v12 =	vld [tilespmem:s11+$0xFFFFFF10];
	v8 =	vmax.f32 v8, $0.0e+00;
	[tilespmem:s12+$0xF0] =	vst v4  }
0xa4: {  	v4 =	vadd.f32 v10, v5;
	[tilespmem:s11+$0x80] =	vst v8;
	v5 =	vld [tilespmem:s11+$0x90]  }
0xa5: {  	v8 =	vld [tilespmem:s16+$0x90]  }
0xa6: {  	v4 =	vmax.f32 v4, $0.0e+00;
	v10 =	vld [tilespmem:s11+$0xFFFFFF90];
	v6 =	vadd.f32 v7, v6  }
0xa7: {  	v7 =	vadd.f32 v9, v11;
	[tilespmem:s11+$0xFFFFFF80] =	vst v4;
	v4 =	vld [tilespmem:s11+$0x10]  }
0xa8: {  	v9 =	vld [tilespmem:s16+$0xFFFFFF90];
	v6 =	vmax.f32 v6, $0.0e+00  }
0xa9: {  	v7 =	vmax.f32 v7, $0.0e+00;
	v11 =	vld [tilespmem:s11+$0xFFFFFF20];
	[tilespmem:s11+$0x0] =	vst v6  }
0xaa: {  	[tilespmem:s11+$0xFFFFFF00] =	vst v7;
	v6 =	vld [tilespmem:s16+$0x10];
	v5 =	vadd.f32 v5, v8  }
0xab: {  	v7 =	vld [tilespmem:s16+$0xFFFFFF10]  }
0xac: {  	v8 =	vld [tilespmem:s11+$0xFFFFFFA0];
	v5 =	vmax.f32 v5, $0.0e+00  }
0xad: {  	v9 =	vadd.f32 v10, v9;
	[tilespmem:s11+$0x90] =	vst v5;
	v5 =	vld [tilespmem:s11+$0xA0]  }
0xae: {  	v10 =	vld [tilespmem:s16+$0xA0]  }
0xaf: {  	v9 =	vmax.f32 v9, $0.0e+00;
	v4 =	vadd.f32 v4, v6;
	v6 =	vld [tilespmem:s11+$0x20]  }
0xb0: {  	v7 =	vadd.f32 v12, v7;
	v12 =	vld [tilespmem:s11+$0xFFFFFF30];
	[tilespmem:s11+$0xFFFFFF90] =	vst v9  }
0xb1: {  	v9 =	vld [tilespmem:s16+$0xFFFFFFA0];
	v4 =	vmax.f32 v4, $0.0e+00  }
0xb2: {  	v7 =	vmax.f32 v7, $0.0e+00;
	v13 =	vld [tilespmem:s11+$0xFFFFFFB0];
	[tilespmem:s11+$0x10] =	vst v4  }
0xb3: {  	[tilespmem:s11+$0xFFFFFF10] =	vst v7;
	v4 =	vld [tilespmem:s16+$0x20];
	v5 =	vadd.f32 v5, v10  }
0xb4: {  	v7 =	vld [tilespmem:s16+$0xFFFFFF20]  }
0xb5: {  	v10 =	vld [tilespmem:s11+$0x30];
	v5 =	vmax.f32 v5, $0.0e+00  }
0xb6: {  	v8 =	vadd.f32 v8, v9;
	[tilespmem:s11+$0xA0] =	vst v5;
	v5 =	vld [tilespmem:s11+$0xB0]  }
0xb7: {  	v9 =	vld [tilespmem:s16+$0xB0]  }
0xb8: {  	v14 =	vld [tilespmem:s11+$0xFFFFFF40];
	v8 =	vmax.f32 v8, $0.0e+00;
	v4 =	vadd.f32 v6, v4  }
0xb9: {  	v6 =	vadd.f32 v11, v7;
	[tilespmem:s11+$0xFFFFFFA0] =	vst v8;
	v7 =	vld [tilespmem:s11+$0xFFFFFFC0]  }
0xba: {  	v8 =	vld [tilespmem:s16+$0xFFFFFFB0];
	v4 =	vmax.f32 v4, $0.0e+00  }
0xbb: {  	v6 =	vmax.f32 v6, $0.0e+00;
	[tilespmem:s11+$0x20] =	vst v4;
	v11 =	vld [tilespmem:s11+$0x40]  }
0xbc: {  	[tilespmem:s11+$0xFFFFFF20] =	vst v6;
	v4 =	vld [tilespmem:s16+$0x30];
	v5 =	vadd.f32 v5, v9  }
0xbd: {  	v6 =	vld [tilespmem:s16+$0xFFFFFF30]  }
0xbe: {  	v9 =	vld [tilespmem:s11+$0xFFFFFF50];
	v5 =	vmax.f32 v5, $0.0e+00  }
0xbf: {  	v8 =	vadd.f32 v13, v8;
	[tilespmem:s11+$0xB0] =	vst v5;
	v5 =	vld [tilespmem:s11+$0xC0]  }
0xc0: {  	v13 =	vld [tilespmem:s16+$0xC0]  }
0xc1: {  	v8 =	vmax.f32 v8, $0.0e+00;
	v15 =	vld [tilespmem:s11+$0xFFFFFFD0];
	v4 =	vadd.f32 v10, v4  }
0xc2: {  	v6 =	vadd.f32 v12, v6;
	[tilespmem:s11+$0xFFFFFFB0] =	vst v8;
	v8 =	vld [tilespmem:s11+$0x50]  }
0xc3: {  	v10 =	vld [tilespmem:s16+$0xFFFFFFC0];
	v12 =	vmax.f32 v4, $0.0e+00  }
0xc4: {  	v6 =	vmax.f32 v6, $0.0e+00;
	v4 =	vld [tilespmem:s11+$0xFFFFFF60];
	[tilespmem:s11+$0x30] =	vst v12  }
0xc5: {  	[tilespmem:s11+$0xFFFFFF30] =	vst v6;
	v6 =	vld [tilespmem:s16+$0x40];
	v12 =	vadd.f32 v5, v13  }
0xc6: {  	v13 =	vld [tilespmem:s16+$0xFFFFFF40]  }
0xc7: {  	v5 =	vld [tilespmem:s11+$0xFFFFFFE0];
	v12 =	vmax.f32 v12, $0.0e+00  }
0xc8: {  	v7 =	vadd.f32 v7, v10;
	[tilespmem:s11+$0xC0] =	vst v12;
	v10 =	vld [tilespmem:s11+$0xD0]  }
0xc9: {  	v12 =	vld [tilespmem:s16+$0xD0]  }
0xca: {  	v7 =	vmax.f32 v7, $0.0e+00;
	v11 =	vadd.f32 v11, v6;
	v6 =	vld [tilespmem:s11+$0x60]  }
0xcb: {  	v13 =	vadd.f32 v14, v13;
	[tilespmem:s11+$0xFFFFFFC0] =	vst v7;
	v7 =	vld [tilespmem:s1+$0xFFFFFF70]  }
0xcc: {  	v14 =	vld [tilespmem:s16+$0xFFFFFFD0];
	v11 =	vmax.f32 v11, $0.0e+00  }
0xcd: {  	v13 =	vmax.f32 v13, $0.0e+00;
	[tilespmem:s11+$0x40] =	vst v11;
	v11 =	vld [tilespmem:s1+$0xFFFFFFF0]  }
0xce: {  	[tilespmem:s11+$0xFFFFFF40] =	vst v13;
	v13 =	vld [tilespmem:s16+$0x50];
	v10 =	vadd.f32 v10, v12  }
0xcf: {  	v12 =	vld [tilespmem:s16+$0xFFFFFF50]  }
0xd0: {  	v10 =	vmax.f32 v10, $0.0e+00;
	v3 =	vadd.f32 v3, v7;
	v7 =	vld [tilespmem:s1+$0x70];
	s1 =	smov.u32 s16  }
0xd1: {  	v14 =	vadd.f32 v15, v14;
	[tilespmem:s11+$0xD0] =	vst v10;
	v10 =	vld [tilespmem:s11+$0xE0]  }
0xd2: {  	v15 =	vld [tilespmem:s16+$0xE0];
	v16 =	vmax.f32 v3, $0.0e+00;
	v11 =	vadd.f32 v2, v11  }
0xd3: {  	v3 =	vld [tilespmem:s11+$0xFFFFFF70];
	v2 =	vmax.f32 v14, $0.0e+00;
	v13 =	vadd.f32 v8, v13;
	[tilespmem:s12+$0xFFFFFF70] =	vst v16  }
0xd4: {  	v9 =	vadd.f32 v9, v12;
	[tilespmem:s11+$0xFFFFFFD0] =	vst v2;
	v2 =	vld [tilespmem:s11+$0xFFFFFFF0];
	v11 =	vmax.f32 v11, $0.0e+00  }
.Ltmp3:
0xd5: {  	v8 =	vld [tilespmem:s16+$0xFFFFFFE0];
	v12 =	vmax.f32 v13, $0.0e+00;
	[tilespmem:s12+$0xFFFFFFF0] =	vst v11;
	v7 =	vadd.f32 v1, v7;
	(pc) =	sbr.rel @p1 .LBB2_5-.Ltmp3, $4  }
0xd6: {  	v9 =	vmax.f32 v9, $0.0e+00;
	[tilespmem:s11+$0x50] =	vst v12;
	v1 =	vld [tilespmem:s11+$0x70]  }
0xd7: {  	[tilespmem:s11+$0xFFFFFF50] =	vst v9;
	v9 =	vld [tilespmem:s16+$0x60];
	v11 =	vadd.f32 v10, v15;
	v7 =	vmax.f32 v7, $0.0e+00  }
0xd8: {  	v10 =	vld [tilespmem:s16+$0xFFFFFF60];
	[tilespmem:s12+$0x70] =	vst v7;
	s12 =	smov.u32 s11  }
0xd9: {  	s16 =	sadd.s32 $0x200, s16;
	v11 =	vmax.f32 v11, $0.0e+00;
	v7 =	vld [tilespmem:s11+$0xF0]  }
0xda: {  	_ =	sdelay $0x2  }
0xdb: {  	v4 =	vadd.f32 v4, v10  }
0xdc: {  	v5 =	vadd.f32 v5, v8  }
0xdd: {  	[tilespmem:s11+$0xE0] =	vst v11;
	v6 =	vadd.f32 v6, v9;
	v4 =	vmax.f32 v4, $0.0e+00  }
0xde: {  	v8 =	vld [tilespmem:s1+$0xF0];
	v5 =	vmax.f32 v5, $0.0e+00;
	[tilespmem:s12+$0xFFFFFF60] =	vst v4  }
0xdf: {  	[tilespmem:s12+$0xFFFFFFE0] =	vst v5;
	v4 =	vmax.f32 v6, $0.0e+00;
	v5 =	vld [tilespmem:s1+$0xFFFFFF70]  }
0xe0: {  	[tilespmem:s12+$0x60] =	vst v4;
	v4 =	vld [tilespmem:s1+$0xFFFFFFF0]  }
0xe1: {  	v6 =	vld [tilespmem:s1+$0x70];
	_ =	sdelay $0x1  }
0xe2: {  	v7 =	vadd.f32 v7, v8  }
0xe3: {  	v3 =	vadd.f32 v3, v5  }
0xe4: {  	s15 =	sadd.s32 s20, s5;
	v5 =	vmax.f32 v7, $0.0e+00;
	v2 =	vadd.f32 v2, v4  }
0xe5: {  	s1 =	sadd.s32 $0x1, s15;
	[tilespmem:s12+$0xF0] =	vst v5;
	v1 =	vadd.f32 v1, v6;
	v3 =	vmax.f32 v3, $0.0e+00  }
0xe6: {  	s16 =	sshll.u32 s1, $0xB;
	v2 =	vmax.f32 v2, $0.0e+00;
	[tilespmem:s12+$0xFFFFFF70] =	vst v3  }
0xe7: {  	p1 =	seq.s32 s25, $0x27;
	s11 =	sand.u32 $0x1FFFF800, s16;
	[tilespmem:s12+$0xFFFFFFF0] =	vst v2;
	v1 =	vmax.f32 v1, $0.0e+00  }
0xe8: {  	s1 =	sshll.u32 @!p1 s1, $0x5;
	s11 =	sadd.s32 s4, s11;
	[tilespmem:s12+$0x70] =	vst v1  }
0xe9: {  	[tilespmem:s22], [sflag:$0x3] =	stream.linear.gather [hbm4b:s11+s2], $0x4000, $0x38;
	[tilespmem:$0x1FE00] =	vst v63  }
0xea: {  	s1 =	sadd.s32 @!p1 s1, s13;
	s11 =	simm.s32 @!p1 $0x0  }
0xeb: {  	[tilespmem:s11], [sflag:$0x4] =	stream.linear.gather @!p1 [hbm4b:s1+s11], $0x100, $0x38;
	[tilespmem:$0x1FE00] =	vst v63  }
0xec: {  	s1 =	simm.s32 @!p1 $0x4  }
0xed: {  	_ =	swait.ge @!p1 [sflag:s1], $0x100  }
0xee: {  	[sflag:s1] =	ssyncset.done @!p1 $0x0  }
0xef: {  	s12 =	simm.s32 @!p1 $0x4200;
	[sflag:s1] =	ssyncadd.s32 @!p1 $0xFFFFFF00;
	s1 =	simm.s32 @!p1 $0x80  }
0xf0: {  	[tilespmem:s12], [sflag:$0x1] =	stream.indirect.gather @!p1 [hbm4b:s3+s1], $0x80, s11, s1, $0xb8;
	[tilespmem:$0x1FE00] =	vst v63  }
0xf1: {  	_ =	swait.ge [sflag:s29], $0x4000  }
0xf2: {  	[sflag:s29] =	ssyncset.done $0x0  }
0xf3: {  	[sflag:s29] =	ssyncadd.s32 $0xFFFFC000  }
0xf4: {  	_ =	swait.ge [sflag:s31], $0x4000  }
0xf5: {  	[sflag:s31] =	ssyncset.done $0x0  }
0xf6: {  	s1 =	simm.s32 $0x8300;
	[sflag:s31] =	ssyncadd.s32 $0xFFFFC000  }
0xf7: {  	s11 =	simm.s32 $0x300;
	v1 =	vld [tilespmem:s1+$0x80]  }
0xf8: {  	v2 =	vld [tilespmem:s11+$0x80]  }
0xf9: {  	v3 =	vld [tilespmem:s11+$0xFFFFFF00]  }
0xfa: {  	v4 =	vld [tilespmem:s1+$0xFFFFFF80]  }
0xfb: {  	v5 =	vld [tilespmem:s11+$0xFFFFFF80]  }
0xfc: {  	v6 =	vld [tilespmem:s11+$0x0]  }
0xfd: {  	v1 =	vadd.f32 v2, v1;
	v2 =	vld [tilespmem:s1+$0x0]  }
0xfe: {  	v7 =	vld [tilespmem:s1+$0xFFFFFF00]  }
0xff: {  	v1 =	vmax.f32 v1, $0.0e+00  }
0x100: {  	v4 =	vadd.f32 v5, v4;
	[tilespmem:s11+$0x80] =	vst v1;
	v1 =	vld [tilespmem:s11+$0x90]  }
0x101: {  	v8 =	vld [tilespmem:s1+$0x90]  }
0x102: {  	v9 =	vld [tilespmem:s11+$0xFFFFFF90];
	v4 =	vmax.f32 v4, $0.0e+00;
	v2 =	vadd.f32 v6, v2  }
0x103: {  	v5 =	vld [tilespmem:s11+$0xFFFFFF10];
	v3 =	vadd.f32 v3, v7;
	[tilespmem:s11+$0xFFFFFF80] =	vst v4  }
0x104: {  	v6 =	vld [tilespmem:s1+$0xFFFFFF90];
	v2 =	vmax.f32 v2, $0.0e+00  }
0x105: {  	v3 =	vmax.f32 v3, $0.0e+00;
	v4 =	vld [tilespmem:s11+$0x10];
	[tilespmem:s11+$0x0] =	vst v2  }
0x106: {  	[tilespmem:s11+$0xFFFFFF00] =	vst v3;
	v1 =	vadd.f32 v1, v8;
	v2 =	vld [tilespmem:s1+$0x10]  }
0x107: {  	v3 =	vld [tilespmem:s1+$0xFFFFFF10]  }
0x108: {  	v1 =	vmax.f32 v1, $0.0e+00  }
0x109: {  	v6 =	vadd.f32 v9, v6;
	[tilespmem:s11+$0x90] =	vst v1;
	v1 =	vld [tilespmem:s11+$0xA0]  }
0x10a: {  	v8 =	vld [tilespmem:s1+$0xA0]  }
0x10b: {  	v7 =	vld [tilespmem:s11+$0xFFFFFF20];
	v6 =	vmax.f32 v6, $0.0e+00;
	v2 =	vadd.f32 v4, v2  }
0x10c: {  	v3 =	vadd.f32 v5, v3;
	v9 =	vld [tilespmem:s11+$0xFFFFFFA0];
	[tilespmem:s11+$0xFFFFFF90] =	vst v6  }
0x10d: {  	v5 =	vld [tilespmem:s1+$0xFFFFFFA0];
	v2 =	vmax.f32 v2, $0.0e+00  }
0x10e: {  	v3 =	vmax.f32 v3, $0.0e+00;
	v4 =	vld [tilespmem:s11+$0x20];
	[tilespmem:s11+$0x10] =	vst v2  }
0x10f: {  	[tilespmem:s11+$0xFFFFFF10] =	vst v3;
	v1 =	vadd.f32 v1, v8;
	v2 =	vld [tilespmem:s1+$0x20]  }
0x110: {  	v3 =	vld [tilespmem:s1+$0xFFFFFF20]  }
0x111: {  	v1 =	vmax.f32 v1, $0.0e+00  }
0x112: {  	v5 =	vadd.f32 v9, v5;
	[tilespmem:s11+$0xA0] =	vst v1;
	v1 =	vld [tilespmem:s11+$0xB0]  }
0x113: {  	v8 =	vld [tilespmem:s1+$0xB0]  }
0x114: {  	v10 =	vld [tilespmem:s11+$0x30];
	v5 =	vmax.f32 v5, $0.0e+00;
	v2 =	vadd.f32 v4, v2  }
0x115: {  	v3 =	vadd.f32 v7, v3;
	v9 =	vld [tilespmem:s11+$0xFFFFFFB0];
	[tilespmem:s11+$0xFFFFFFA0] =	vst v5  }
0x116: {  	v4 =	vld [tilespmem:s1+$0xFFFFFFB0];
	v2 =	vmax.f32 v2, $0.0e+00  }
0x117: {  	v6 =	vld [tilespmem:s11+$0xFFFFFF30];
	[tilespmem:s11+$0x20] =	vst v2;
	v2 =	vmax.f32 v3, $0.0e+00  }
0x118: {  	v1 =	vadd.f32 v1, v8;
	[tilespmem:s11+$0xFFFFFF20] =	vst v2;
	v2 =	vld [tilespmem:s1+$0x30]  }
0x119: {  	v7 =	vld [tilespmem:s1+$0xFFFFFF30]  }
0x11a: {  	v11 =	vld [tilespmem:s11+$0xFFFFFF40];
	v1 =	vmax.f32 v1, $0.0e+00  }
0x11b: {  	v4 =	vadd.f32 v9, v4;
	[tilespmem:s11+$0xB0] =	vst v1;
	v1 =	vld [tilespmem:s11+$0xC0]  }
0x11c: {  	v8 =	vld [tilespmem:s1+$0xC0]  }
0x11d: {  	v12 =	vld [tilespmem:s11+$0xFFFFFFD0];
	v4 =	vmax.f32 v4, $0.0e+00;
	v2 =	vadd.f32 v10, v2  }
0x11e: {  	v5 =	vld [tilespmem:s11+$0xFFFFFFC0];
	[tilespmem:s11+$0xFFFFFFB0] =	vst v4;
	v6 =	vadd.f32 v6, v7  }
0x11f: {  	v7 =	vld [tilespmem:s1+$0xFFFFFFC0];
	v2 =	vmax.f32 v2, $0.0e+00  }
0x120: {  	v3 =	vld [tilespmem:s11+$0x40];
	[tilespmem:s11+$0x30] =	vst v2;
	v2 =	vmax.f32 v6, $0.0e+00  }
0x121: {  	v1 =	vadd.f32 v1, v8;
	v6 =	vld [tilespmem:s1+$0x40];
	[tilespmem:s11+$0xFFFFFF30] =	vst v2  }
0x122: {  	v2 =	vld [tilespmem:s1+$0xFFFFFF40]  }
0x123: {  	v9 =	vld [tilespmem:s11+$0xFFFFFF50];
	v1 =	vmax.f32 v1, $0.0e+00  }
0x124: {  	[tilespmem:s11+$0xC0] =	vst v1;
	v1 =	vadd.f32 v5, v7;
	v7 =	vld [tilespmem:s11+$0xD0]  }
0x125: {  	v8 =	vld [tilespmem:s1+$0xD0]  }
0x126: {  	v4 =	vld [tilespmem:s11+$0xFFFFFF60];
	v1 =	vmax.f32 v1, $0.0e+00;
	v3 =	vadd.f32 v3, v6  }
0x127: {  	v10 =	vld [tilespmem:s11+$0x50];
	[tilespmem:s11+$0xFFFFFFC0] =	vst v1;
	v1 =	vadd.f32 v11, v2  }
0x128: {  	v2 =	vld [tilespmem:s1+$0xFFFFFFD0];
	v3 =	vmax.f32 v3, $0.0e+00  }
0x129: {  	v5 =	vld [tilespmem:s11+$0xFFFFFFE0];
	[tilespmem:s11+$0x40] =	vst v3;
	v1 =	vmax.f32 v1, $0.0e+00  }
0x12a: {  	v3 =	vld [tilespmem:s1+$0x50];
	v7 =	vadd.f32 v7, v8;
	[tilespmem:s11+$0xFFFFFF40] =	vst v1  }
0x12b: {  	v1 =	vld [tilespmem:s1+$0xFFFFFF50]  }
0x12c: {  	v6 =	vld [tilespmem:s11+$0x60];
	v7 =	vmax.f32 v7, $0.0e+00  }
0x12d: {  	v2 =	vadd.f32 v12, v2;
	[tilespmem:s11+$0xD0] =	vst v7;
	v7 =	vld [tilespmem:s11+$0xE0]  }
0x12e: {  	v11 =	vld [tilespmem:s1+$0xE0]  }
0x12f: {  	v2 =	vmax.f32 v2, $0.0e+00;
	v8 =	vadd.f32 v10, v3;
	v3 =	vld [tilespmem:s11+$0xFFFFFF70]  }
0x130: {  	[tilespmem:s11+$0xFFFFFFD0] =	vst v2;
	v1 =	vadd.f32 v9, v1;
	v2 =	vld [tilespmem:s11+$0xFFFFFFF0]  }
0x131: {  	v9 =	vmax.f32 v8, $0.0e+00;
	v8 =	vld [tilespmem:s1+$0xFFFFFFE0]  }
0x132: {  	[tilespmem:s11+$0x50] =	vst v9;
	v9 =	vmax.f32 v1, $0.0e+00;
	v1 =	vld [tilespmem:s11+$0x70]  }
0x133: {  	[tilespmem:s11+$0xFFFFFF50] =	vst v9;
	v9 =	vld [tilespmem:s1+$0x60];
	v7 =	vadd.f32 v7, v11  }
0x134: {  	v10 =	vld [tilespmem:s1+$0xFFFFFF60]  }
0x135: {  	s15 =	simm.s32 $0x0;
	s16 =	simm.s32 $0x8500;
	s12 =	simm.s32 $0x300;
	v11 =	vmax.f32 v7, $0.0e+00;
	v7 =	vld [tilespmem:s11+$0xF0]  }
.LBB2_7:
0x136: {  	v12 =	vld [tilespmem:s16+$0x80];
	v5 =	vadd.f32 v5, v8;
	[tilespmem:s11+$0xE0] =	vst v11  }
0x137: {  	s11 =	sadd.s32 $0x200, s11;
	v8 =	vld [tilespmem:s1+$0xF0]  }
0x138: {  	s15 =	sadd.s32 $0x4, s15;
	v11 =	vld [tilespmem:s11+$0x80];
	v5 =	vmax.f32 v5, $0.0e+00;
	v6 =	vadd.f32 v6, v9  }
0x139: {  	p2 =	slt.u32 s15, $0x7C;
	v9 =	vld [tilespmem:s11+$0xFFFFFF00];
	v4 =	vadd.f32 v4, v10;
	[tilespmem:s12+$0xFFFFFFE0] =	vst v5  }
0x13a: {  	v5 =	vld [tilespmem:s16+$0xFFFFFF80];
	v6 =	vmax.f32 v6, $0.0e+00  }
0x13b: {  	v10 =	vld [tilespmem:s11+$0xFFFFFF80];
	v4 =	vmax.f32 v4, $0.0e+00;
	[tilespmem:s12+$0x60] =	vst v6  }
0x13c: {  	v6 =	vld [tilespmem:s16+$0x0];
	[tilespmem:s12+$0xFFFFFF60] =	vst v4;
	v4 =	vadd.f32 v7, v8  }
0x13d: {  	v7 =	vld [tilespmem:s11+$0x0];
	v8 =	vadd.f32 v11, v12  }
0x13e: {  	v11 =	vld [tilespmem:s16+$0xFFFFFF00];
	v4 =	vmax.f32 v4, $0.0e+00  }
0x13f: {  	v12 =	vld [tilespmem:s11+$0xFFFFFF10];
	v8 =	vmax.f32 v8, $0.0e+00;
	[tilespmem:s12+$0xF0] =	vst v4  }
0x140: {  	v4 =	vadd.f32 v10, v5;
	[tilespmem:s11+$0x80] =	vst v8;
	v5 =	vld [tilespmem:s11+$0x90]  }
0x141: {  	v8 =	vld [tilespmem:s16+$0x90]  }
0x142: {  	v4 =	vmax.f32 v4, $0.0e+00;
	v10 =	vld [tilespmem:s11+$0xFFFFFF90];
	v6 =	vadd.f32 v7, v6  }
0x143: {  	v7 =	vadd.f32 v9, v11;
	[tilespmem:s11+$0xFFFFFF80] =	vst v4;
	v4 =	vld [tilespmem:s11+$0x10]  }
0x144: {  	v9 =	vld [tilespmem:s16+$0xFFFFFF90];
	v6 =	vmax.f32 v6, $0.0e+00  }
0x145: {  	v7 =	vmax.f32 v7, $0.0e+00;
	v11 =	vld [tilespmem:s11+$0xFFFFFF20];
	[tilespmem:s11+$0x0] =	vst v6  }
0x146: {  	[tilespmem:s11+$0xFFFFFF00] =	vst v7;
	v6 =	vld [tilespmem:s16+$0x10];
	v5 =	vadd.f32 v5, v8  }
0x147: {  	v7 =	vld [tilespmem:s16+$0xFFFFFF10]  }
0x148: {  	v8 =	vld [tilespmem:s11+$0xFFFFFFA0];
	v5 =	vmax.f32 v5, $0.0e+00  }
0x149: {  	v9 =	vadd.f32 v10, v9;
	[tilespmem:s11+$0x90] =	vst v5;
	v5 =	vld [tilespmem:s11+$0xA0]  }
0x14a: {  	v10 =	vld [tilespmem:s16+$0xA0]  }
0x14b: {  	v9 =	vmax.f32 v9, $0.0e+00;
	v4 =	vadd.f32 v4, v6;
	v6 =	vld [tilespmem:s11+$0x20]  }
0x14c: {  	v7 =	vadd.f32 v12, v7;
	v12 =	vld [tilespmem:s11+$0xFFFFFF30];
	[tilespmem:s11+$0xFFFFFF90] =	vst v9  }
0x14d: {  	v9 =	vld [tilespmem:s16+$0xFFFFFFA0];
	v4 =	vmax.f32 v4, $0.0e+00  }
0x14e: {  	v7 =	vmax.f32 v7, $0.0e+00;
	v13 =	vld [tilespmem:s11+$0xFFFFFFB0];
	[tilespmem:s11+$0x10] =	vst v4  }
0x14f: {  	[tilespmem:s11+$0xFFFFFF10] =	vst v7;
	v4 =	vld [tilespmem:s16+$0x20];
	v5 =	vadd.f32 v5, v10  }
0x150: {  	v7 =	vld [tilespmem:s16+$0xFFFFFF20]  }
0x151: {  	v10 =	vld [tilespmem:s11+$0x30];
	v5 =	vmax.f32 v5, $0.0e+00  }
0x152: {  	v8 =	vadd.f32 v8, v9;
	[tilespmem:s11+$0xA0] =	vst v5;
	v5 =	vld [tilespmem:s11+$0xB0]  }
0x153: {  	v9 =	vld [tilespmem:s16+$0xB0]  }
0x154: {  	v14 =	vld [tilespmem:s11+$0xFFFFFF40];
	v8 =	vmax.f32 v8, $0.0e+00;
	v4 =	vadd.f32 v6, v4  }
0x155: {  	v6 =	vadd.f32 v11, v7;
	[tilespmem:s11+$0xFFFFFFA0] =	vst v8;
	v7 =	vld [tilespmem:s11+$0xFFFFFFC0]  }
0x156: {  	v8 =	vld [tilespmem:s16+$0xFFFFFFB0];
	v4 =	vmax.f32 v4, $0.0e+00  }
0x157: {  	v6 =	vmax.f32 v6, $0.0e+00;
	[tilespmem:s11+$0x20] =	vst v4;
	v11 =	vld [tilespmem:s11+$0x40]  }
0x158: {  	[tilespmem:s11+$0xFFFFFF20] =	vst v6;
	v4 =	vld [tilespmem:s16+$0x30];
	v5 =	vadd.f32 v5, v9  }
0x159: {  	v6 =	vld [tilespmem:s16+$0xFFFFFF30]  }
0x15a: {  	v9 =	vld [tilespmem:s11+$0xFFFFFF50];
	v5 =	vmax.f32 v5, $0.0e+00  }
0x15b: {  	v8 =	vadd.f32 v13, v8;
	[tilespmem:s11+$0xB0] =	vst v5;
	v5 =	vld [tilespmem:s11+$0xC0]  }
0x15c: {  	v13 =	vld [tilespmem:s16+$0xC0]  }
0x15d: {  	v8 =	vmax.f32 v8, $0.0e+00;
	v15 =	vld [tilespmem:s11+$0xFFFFFFD0];
	v4 =	vadd.f32 v10, v4  }
0x15e: {  	v6 =	vadd.f32 v12, v6;
	[tilespmem:s11+$0xFFFFFFB0] =	vst v8;
	v8 =	vld [tilespmem:s11+$0x50]  }
0x15f: {  	v10 =	vld [tilespmem:s16+$0xFFFFFFC0];
	v12 =	vmax.f32 v4, $0.0e+00  }
0x160: {  	v6 =	vmax.f32 v6, $0.0e+00;
	v4 =	vld [tilespmem:s11+$0xFFFFFF60];
	[tilespmem:s11+$0x30] =	vst v12  }
0x161: {  	[tilespmem:s11+$0xFFFFFF30] =	vst v6;
	v6 =	vld [tilespmem:s16+$0x40];
	v12 =	vadd.f32 v5, v13  }
0x162: {  	v13 =	vld [tilespmem:s16+$0xFFFFFF40]  }
0x163: {  	v5 =	vld [tilespmem:s11+$0xFFFFFFE0];
	v12 =	vmax.f32 v12, $0.0e+00  }
0x164: {  	v7 =	vadd.f32 v7, v10;
	[tilespmem:s11+$0xC0] =	vst v12;
	v10 =	vld [tilespmem:s11+$0xD0]  }
0x165: {  	v12 =	vld [tilespmem:s16+$0xD0]  }
0x166: {  	v7 =	vmax.f32 v7, $0.0e+00;
	v11 =	vadd.f32 v11, v6;
	v6 =	vld [tilespmem:s11+$0x60]  }
0x167: {  	v13 =	vadd.f32 v14, v13;
	[tilespmem:s11+$0xFFFFFFC0] =	vst v7;
	v7 =	vld [tilespmem:s1+$0xFFFFFF70]  }
0x168: {  	v14 =	vld [tilespmem:s16+$0xFFFFFFD0];
	v11 =	vmax.f32 v11, $0.0e+00  }
0x169: {  	v13 =	vmax.f32 v13, $0.0e+00;
	[tilespmem:s11+$0x40] =	vst v11;
	v11 =	vld [tilespmem:s1+$0xFFFFFFF0]  }
0x16a: {  	[tilespmem:s11+$0xFFFFFF40] =	vst v13;
	v13 =	vld [tilespmem:s16+$0x50];
	v10 =	vadd.f32 v10, v12  }
0x16b: {  	v12 =	vld [tilespmem:s16+$0xFFFFFF50]  }
0x16c: {  	v10 =	vmax.f32 v10, $0.0e+00;
	v3 =	vadd.f32 v3, v7;
	v7 =	vld [tilespmem:s1+$0x70];
	s1 =	smov.u32 s16  }
0x16d: {  	v14 =	vadd.f32 v15, v14;
	[tilespmem:s11+$0xD0] =	vst v10;
	v10 =	vld [tilespmem:s11+$0xE0]  }
0x16e: {  	v15 =	vld [tilespmem:s16+$0xE0];
	v16 =	vmax.f32 v3, $0.0e+00;
	v11 =	vadd.f32 v2, v11  }
0x16f: {  	v3 =	vld [tilespmem:s11+$0xFFFFFF70];
	v2 =	vmax.f32 v14, $0.0e+00;
	v13 =	vadd.f32 v8, v13;
	[tilespmem:s12+$0xFFFFFF70] =	vst v16  }
0x170: {  	v9 =	vadd.f32 v9, v12;
	[tilespmem:s11+$0xFFFFFFD0] =	vst v2;
	v2 =	vld [tilespmem:s11+$0xFFFFFFF0];
	v11 =	vmax.f32 v11, $0.0e+00  }
.Ltmp4:
0x171: {  	v8 =	vld [tilespmem:s16+$0xFFFFFFE0];
	v12 =	vmax.f32 v13, $0.0e+00;
	[tilespmem:s12+$0xFFFFFFF0] =	vst v11;
	v7 =	vadd.f32 v1, v7;
	(pc) =	sbr.rel @p2 .LBB2_7-.Ltmp4, $4  }
0x172: {  	v9 =	vmax.f32 v9, $0.0e+00;
	[tilespmem:s11+$0x50] =	vst v12;
	v1 =	vld [tilespmem:s11+$0x70]  }
0x173: {  	[tilespmem:s11+$0xFFFFFF50] =	vst v9;
	v9 =	vld [tilespmem:s16+$0x60];
	v11 =	vadd.f32 v10, v15;
	v7 =	vmax.f32 v7, $0.0e+00  }
0x174: {  	v10 =	vld [tilespmem:s16+$0xFFFFFF60];
	[tilespmem:s12+$0x70] =	vst v7;
	s12 =	smov.u32 s11  }
0x175: {  	s16 =	sadd.s32 $0x200, s16;
	v11 =	vmax.f32 v11, $0.0e+00;
	v7 =	vld [tilespmem:s11+$0xF0]  }
0x176: {  	_ = 	snop  }
0x177: {  	v5 =	vadd.f32 v5, v8  }
0x178: {  	v6 =	vadd.f32 v6, v9  }
0x179: {  	[tilespmem:s11+$0xE0] =	vst v11;
	v5 =	vmax.f32 v5, $0.0e+00;
	v4 =	vadd.f32 v4, v10  }
0x17a: {  	v58 =	vld [tilespmem:s1+$0xF0];
	[tilespmem:s12+$0xFFFFFFE0] =	vst v5;
	v59 =	vmax.f32 v6, $0.0e+00  }
0x17b: {  	v61 =	vld [tilespmem:s1+$0xFFFFFFF0];
	v4 =	vmax.f32 v4, $0.0e+00;
	[tilespmem:s12+$0x60] =	vst v59  }
0x17c: {  	[tilespmem:s12+$0xFFFFFF60] =	vst v4;
	v62 =	vld [tilespmem:s1+$0x70]  }
0x17d: {  	v60 =	vld [tilespmem:s1+$0xFFFFFF70];
	_ =	sdelay $0x1  }
0x17e: {  	v7 =	vadd.f32 v7, v58  }
0x17f: {  	v2 =	vadd.f32 v2, v61  }
.Ltmp5:
0x180: {  	v63 =	vmax.f32 v7, $0.0e+00;
	v1 =	vadd.f32 v1, v62;
	(pc) =	sbr.rel @p1 .LBB2_10-.Ltmp5, $4  }
0x181: {  	[tilespmem:s12+$0xF0] =	vst v63;
	v2 =	vmax.f32 v2, $0.0e+00;
	v3 =	vadd.f32 v3, v60  }
0x182: {  	[tilespmem:s12+$0xFFFFFFF0] =	vst v2;
	v1 =	vmax.f32 v1, $0.0e+00  }
0x183: {  	v3 =	vmax.f32 v3, $0.0e+00;
	[tilespmem:s12+$0x70] =	vst v1  }
0x184: {  	[tilespmem:s12+$0xFFFFFF70] =	vst v3  }
.Ltmp6:
0x185: {  	s1 =	sadd.s32 s20, s14;
	(pc) =	sbr.rel .LBB2_4-.Ltmp6, $4  }
0x186: {  	s1 =	sshll.u32 s1, $0xB  }
0x187: {  	s1 =	sand.u32 $0x1FFFF000, s1  }
0x188: {  	s25 =	sadd.s32 $0x1, s25;
	s1 =	sadd.s32 s4, s1  }
0x189: {  	[tilespmem:s22], [sflag:$0x3] =	stream.linear.gather [hbm4b:s1+s2], $0x4000, $0x38;
	[tilespmem:$0x1FE00] =	vst v63  }
.LBB2_10:
0x18a: {  	s1 =	stileid.u32  }
0x18b: {  	[bflag:$0x0] =	sbarrier.arrive $0xFFFF;
	s1 =	sshll.u32 s1, $0x6  }
0x18c: {  	s11 =	sshrl.u32 s6, $0x3;
	s12 =	rddreg [dreg:$0x5];
	s1 =	sor.u32 $0x1C04, s1  }
0x18d: {  	[hbm:s12], [sflag:s1] =	dma.local [spmem:s11], $0x800  }
0x18e: {  	_ =	swait.ge [sflag:s23], $0x800  }
0x18f: {  	[sflag:s23] =	ssyncset.done $0x0  }
0x190: {  	s12 =	sshrl.u32 s7, $0x3;
	s15 =	rddreg [dreg:$0x6];
	[sflag:s23] =	ssyncadd.s32 $0xFFFFF800  }
0x191: {  	[hbm:s15], [sflag:s1] =	dma.local [spmem:s12], $0x800  }
0x192: {  	_ =	swait.ge [sflag:s23], $0x800  }
0x193: {  	[sflag:s23] =	ssyncset.done $0x0  }
0x194: {  	s16 =	sshrl.u32 s8, $0x3;
	[sflag:s23] =	ssyncadd.s32 $0xFFFFF800  }
0x195: {  	[hbm:s17], [sflag:s1] =	dma.local [spmem:s16], $0x800  }
0x196: {  	_ =	swait.ge [sflag:s23], $0x800  }
0x197: {  	[sflag:s23] =	ssyncset.done $0x0  }
0x198: {  	s20 =	sshrl.u32 s9, $0x3;
	[sflag:s23] =	ssyncadd.s32 $0xFFFFF800  }
0x199: {  	[hbm:s18], [sflag:s1] =	dma.local [spmem:s20], $0x800  }
0x19a: {  	_ =	swait.ge [sflag:s23], $0x800  }
0x19b: {  	[sflag:s23] =	ssyncset.done $0x0  }
.Ltmp7:
0x19c: {  	s25 =	sshrl.u32 s10, $0x3;
	[sflag:s23] =	ssyncadd.s32 $0xFFFFF800;
	(pc) =	sbr.rel @p0 .LBB2_14-.Ltmp7, $4  }
0x19d: {  	[hbm:s19], [sflag:s1] =	dma.local [spmem:s25], $0x780  }
0x19e: {  	_ =	swait.ge [sflag:s23], $0x780  }
0x19f: {  	[sflag:s23] =	ssyncset.done $0x0  }
0x1a0: {  	s11 =	simm.s32 $0x0;
	[sflag:s23] =	ssyncadd.s32 $0xFFFFF880  }
0x1a1: {  	s1 =	sshra.s32 s11, $0x2;
	s11 =	sadd.s32 $0x200, s11  }
.LBB2_12:
0x1a2: {  	p1 =	sne.s32 s11, $0xFE00;
	[tilespmem:s1+$0x270] =	vst v0  }
0x1a3: {  	[tilespmem:s1+$0x200] =	vst v0  }
0x1a4: {  	[tilespmem:s1+$0x210] =	vst v0  }
.Ltmp8:
0x1a5: {  	[tilespmem:s1+$0x220] =	vst v0;
	(pc) =	sbr.rel @p1 .LBB2_12-.Ltmp8, $4  }
0x1a6: {  	[tilespmem:s1+$0x230] =	vst v0  }
0x1a7: {  	[tilespmem:s1+$0x240] =	vst v0  }
0x1a8: {  	[tilespmem:s1+$0x250] =	vst v0  }
0x1a9: {  	[tilespmem:s1+$0x260] =	vst v0;
	s1 =	sshra.s32 s11, $0x2;
	s11 =	sadd.s32 $0x200, s11  }
0x1aa: {  	[tilespmem:s1+$0x270] =	vst v0  }
0x1ab: {  	[tilespmem:s1+$0x200] =	vst v0  }
0x1ac: {  	[tilespmem:s1+$0x210] =	vst v0  }
0x1ad: {  	[tilespmem:s1+$0x220] =	vst v0  }
0x1ae: {  	[tilespmem:s1+$0x230] =	vst v0  }
0x1af: {  	[tilespmem:s1+$0x240] =	vst v0  }
0x1b0: {  	[tilespmem:s1+$0x250] =	vst v0  }
.Ltmp9:
0x1b1: {  	[tilespmem:s1+$0x260] =	vst v0;
	s25 =	rddreg [dreg:$0x7];
	(pc) =	sbr.rel .LBB2_14-.Ltmp9, $4  }
0x1b2: {  	[hbm4b:s25+s2] =	stream.linear.scatter [tilespmem:s22], [sflag:$0x4], $0x4000, $0x38;
	[tilespmem:$0x1FE00] =	vst v63  }
0x1b3: {  	_ =	swait.ge [sflag:s23], $0x4000  }
0x1b4: {  	[sflag:s23] =	ssyncset.done $0x0  }
0x1b5: {  	[sflag:s23] =	ssyncadd.s32 $0xFFFFC000  }
.LBB2_15:
0x1b6: {  	_ =	sfence.sel $0x180000  }
0x1b7: {  	[bflag:$0x0] =	sbarrier.arrive $0xFFFF  }
0x1b8: {  	_ =	strace $0x90000047  }
0x1b9: {  	s0 =	stileid.u32;
	[bflag:$0x2] =	sbarrier.arrive $0xFFFF  }
0x1ba: {  	p0 =	sne.s32 s0, $0x0;
	s0 =	rddreg [dreg:$0x2]  }
0x1bb: {  	s0 =	sadd.s32 @!p0 $0x100000, s0  }
0x1bc: {  	[sflag:s0] =	ssyncadd.tile.s32 @!p0 $0x1;
	_ =	shalt  }
.Lfunc_end2:
_tile_overlayer_lowered:
.L_overlay_start_2:
0x1bd: {  	(tag) =	ssettag $0x2  }
0x1be: {  	s0 =	rddreg [dreg:$0x0];
	s2 =	stileid.u32  }
0x1bf: {  	s1 =	rddreg [dreg:$0x1];
	p0 =	sne.s32 s2, $0x0  }
0x1c0: {  	s3 =	rddreg [dreg:$0x2];
	[bflag:$0x3] =	sbarrier.arrive $0xFFFF;
	s2 =	simm.s32 @!p0 $0x1C04  }
0x1c1: {  	[timem:s3], [sflag:s2] =	dma.local @!p0 [hbm:s0], s1  }
0x1c2: {  	s0 =	simm.s32 @!p0 $0x4  }
0x1c3: {  	_ =	swait.ge @!p0 [sflag:s0], s1  }
0x1c4: {  	s1 =	ssub.s32 @!p0 $0x0, s1;
	[sflag:s0] =	ssyncset.done @!p0 $0x0  }
0x1c5: {  	[sflag:s0] =	ssyncadd.s32 @!p0 s1  }
0x1c6: {  	[bflag:$0x3] =	sbarrier.arrive $0xFFFF  }
0x1c7: {  	_ =	shalt  }

// kernel: kernel.16.cloned.1.call-start
scs
__scs_entry_jumppad:
0x0: {  	(pc) =	sbr.rel $0x88, $3  }
0x1: {  	(tag) =	ssettag $0x0;
	lr =	simm.s32 $0x1  }
0x2: {  	[smem:$0x3F89] =	sst lr;
	_ =	strace $0xD0000000  }
0x3: {  	_ = 	snop  }
0x4: {  	_ = 	snop  }
0x5: {  	_ = 	snop  }
0x6: {  	_ = 	snop  }
0x7: {  	_ = 	snop  }
__scs_overlays_trampoline_lowered:
0x8: {  	[smem:$0x3F98] =	sst s0  }
0x9: {  	[smem:$0x3F99] =	sst s1  }
0xa: {  	[smem:$0x3F9A] =	sst s2  }
0xb: {  	[smem:$0x3F9B] =	sst s3  }
0xc: {  	[smem:$0x3F9C] =	sst s4  }
0xd: {  	[smem:$0x3F9D] =	sst s5  }
0xe: {  	[smem:$0x3F9E] =	sst s6  }
0xf: {  	[smem:$0x3F9F] =	sst s7  }
0x10: {  	[smem:$0x3FA0] =	sst s8  }
0x11: {  	[smem:$0x3FA1] =	sst s9;
	s0 =	simm.s32 @!p0 $0x0  }
0x12: {  	s1 =	sld [smem:$0x3F87];
	s0 =	simm.s32 @p0 $0x1  }
0x13: {  	[smem:$0x3FA2] =	sst s0;
	s0 =	simm.s32 @!p1 $0x0  }
0x14: {  	s2 =	sld [smem:$0x3F86];
	s0 =	simm.s32 @p1 $0x1  }
0x15: {  	[smem:$0x3FA3] =	sst s0;
	s0 =	simm.s32 @!p2 $0x0  }
0x16: {  	s3 =	sld [smem:$0x3FDB];
	s0 =	simm.s32 @p2 $0x1  }
0x17: {  	s4 =	simm.s32 $0x1BF5;
	[smem:$0x3FA5] =	sst s0  }
0x18: {  	s0 =	sld [smem:$0x3F88];
	_ =	swait.ge [sflag:s4], $0x0  }
0x19: {  	s7 =	sld [smem:$0x3F89]  }
0x1a: {  	s8 =	sadd.s32 $0xFFFFE003, lr  }
0x1b: {  	s9 =	sadd.s32 $0xFFFFFEF7, lr;
	s5 =	simm.s32 $0xFFFFFFFF;
	p2 =	slt.u32 s8, $0xFFFFF086  }
0x1c: {  	p1 =	slt.u32 s9, $0xF7A;
	s5 =	simm.s32 @!p2 $0x0  }
0x1d: {  	s5 =	simm.s32 @p1 $0x1;
	p0 =	seq.s32 s7, s2  }
0x1e: {  	s7 =	smul.u32 @!p0 $0xF7A, s2;
	p2 =	seq.s32 @!p0 s5, $0x0  }
0x1f: {  	s9 =	smul.u32 $0xF7A, s1;
	s8 =	simm.s32 @!p0 $0x1BF5;
	p2 =	por !p2, p0  }
0x20: {  	[sflag:s8] =	ssyncset.s32 @!p0 $0xFFFFF086;
	s6 =	sadd.s32 @!p0 s3, s7;
	s7 =	simm.s32 @!p0 $0x108  }
0x21: {  	s3 =	sadd.s32 s3, s9;
	s6 =	sadd.s32 @!p0 $0x88, s6;
	s7 =	simm.s32 @p2 $0x1082  }
0x22: {  	[simem:s7], [sflag:s8] =	dma.local @!p0 [hbm:s6], $0xF7A  }
0x23: {  	s9 =	sor.u32 $0xD0000000, s2;
	s6 =	simm.s32 $0x108;
	_ =	swait.ge @!p0 [sflag:s8], $0x0  }
0x24: {  	s3 =	sadd.s32 $0x88, s3;
	s6 =	simm.s32 @!p1 $0x1082;
	[sflag:s4] =	ssyncset.s32 $0xFFFFF086  }
0x25: {  	[simem:s6], [sflag:s4] =	dma.local [hbm:s3], $0xF7A  }
0x26: {  	[smem:$0x3F89] =	sst s1;
	(tag) =	ssettag s2;
	_ =	strace s9  }
0x27: {  	s1 =	sld [smem:$0x3F99]  }
0x28: {  	s2 =	sld [smem:$0x3F9A]  }
0x29: {  	s4 =	sld [smem:$0x3F9C]  }
0x2a: {  	p0 =	seq.s32 s5, $0x0;
	s5 =	sld [smem:$0x3F9D]  }
0x2b: {  	s6 =	sld [smem:$0x3F9E]  }
0x2c: {  	s7 =	sld [smem:$0x3F9F]  }
0x2d: {  	s3 =	simm.s32 $0x108;
	s8 =	sld [smem:$0x3FA0]  }
0x2e: {  	s3 =	simm.s32 @!p0 $0x1082;
	s9 =	sld [smem:$0x3FA1]  }
0x2f: {  	lr =	sadd.s32 s0, s3;
	s0 =	sld [smem:$0x3F98]  }
0x30: {  	s3 =	sld [smem:$0x3F9B]  }
0x31: {  	[smem:$0x3FA4] =	sst s10  }
0x32: {  	s10 =	sld [smem:$0x3FA2];
	_ =	sdelay $0x3  }
0x33: {  	p0 =	seq.s32 s10, $0x1;
	s10 =	sld [smem:$0x3FA4];
	_ =	sdelay $0x3  }
0x34: {  	[smem:$0x3FA4] =	sst s10  }
0x35: {  	s10 =	sld [smem:$0x3FA3];
	_ =	sdelay $0x3  }
0x36: {  	p1 =	seq.s32 s10, $0x1;
	s10 =	sld [smem:$0x3FA4];
	_ =	sdelay $0x3  }
0x37: {  	[smem:$0x3FA4] =	sst s10  }
0x38: {  	s10 =	sld [smem:$0x3FA5]  }
0x39: {  	_ = 	snop;
	(pc) =	sbr.ind lr, $3  }
0x3a: {  	_ = 	snop  }
0x3b: {  	_ = 	snop  }
0x3c: {  	p2 =	seq.s32 s10, $0x1;
	s10 =	sld [smem:$0x3FA4]  }
0x3d: {  	_ =	shalt  }
0x3e: {  	_ =	shalt  }
0x3f: {  	_ =	shalt  }
0x40: {  	_ =	shalt  }
0x41: {  	_ =	shalt  }
0x42: {  	_ =	shalt  }
0x43: {  	_ =	shalt  }
0x44: {  	_ =	shalt  }
0x45: {  	_ =	shalt  }
0x46: {  	_ =	shalt  }
0x47: {  	_ =	shalt  }
0x48: {  	_ =	shalt  }
0x49: {  	_ =	shalt  }
0x4a: {  	_ =	shalt  }
0x4b: {  	_ =	shalt  }
0x4c: {  	_ =	shalt  }
0x4d: {  	_ =	shalt  }
0x4e: {  	_ =	shalt  }
0x4f: {  	_ =	shalt  }
0x50: {  	_ =	shalt  }
0x51: {  	_ =	shalt  }
0x52: {  	_ =	shalt  }
0x53: {  	_ =	shalt  }
0x54: {  	_ =	shalt  }
0x55: {  	_ =	shalt  }
0x56: {  	_ =	shalt  }
0x57: {  	_ =	shalt  }
0x58: {  	_ =	shalt  }
0x59: {  	_ =	shalt  }
0x5a: {  	_ =	shalt  }
0x5b: {  	_ =	shalt  }
0x5c: {  	_ =	shalt  }
0x5d: {  	_ =	shalt  }
0x5e: {  	_ =	shalt  }
0x5f: {  	_ =	shalt  }
0x60: {  	_ =	shalt  }
0x61: {  	_ =	shalt  }
0x62: {  	_ =	shalt  }
0x63: {  	_ =	shalt  }
0x64: {  	_ =	shalt  }
0x65: {  	_ =	shalt  }
0x66: {  	_ =	shalt  }
0x67: {  	_ =	shalt  }
0x68: {  	_ =	shalt  }
0x69: {  	_ =	shalt  }
0x6a: {  	_ =	shalt  }
0x6b: {  	_ =	shalt  }
0x6c: {  	_ =	shalt  }
0x6d: {  	_ =	shalt  }
0x6e: {  	_ =	shalt  }
0x6f: {  	_ =	shalt  }
0x70: {  	_ =	shalt  }
0x71: {  	_ =	shalt  }
0x72: {  	_ =	shalt  }
0x73: {  	_ =	shalt  }
0x74: {  	_ =	shalt  }
0x75: {  	_ =	shalt  }
0x76: {  	_ =	shalt  }
0x77: {  	_ =	shalt  }
0x78: {  	_ =	shalt  }
0x79: {  	_ =	shalt  }
0x7a: {  	_ =	shalt  }
0x7b: {  	_ =	shalt  }
0x7c: {  	_ =	shalt  }
0x7d: {  	_ =	shalt  }
0x7e: {  	_ =	shalt  }
0x7f: {  	_ =	shalt  }
0x80: {  	_ =	shalt  }
0x81: {  	_ =	shalt  }
0x82: {  	_ =	shalt  }
0x83: {  	_ =	shalt  }
0x84: {  	_ =	shalt  }
0x85: {  	_ =	shalt  }
0x86: {  	_ =	shalt  }
0x87: {  	_ =	shalt  }
.Lfunc_end0:
.L_simem_size_0:
called_computation.1_lowered:
.L_overlay_start_0:
0x88: {  	s2 =	sld [smem:$0x3FD9]  }
0x89: {  	s3 =	sld [smem:$0x3FFE];
	_ =	sdelay $0x1  }
0x8a: {  	s1 =	srdreg.scid  }
0x8b: {  	s0 =	sand.u32 $0x1, s1  }
0x8c: {  	s16 =	sshll.u32 s0, $0xA;
	s2 =	sadd.s32 s3, s2  }
0x8d: {  	s2 =	sadd.s32 s2, s16  }
0x8e: {  	[smem:$0x3FB0] =	sst s2  }
0x8f: {  	_ = 	snop  }
0x90: {  	(tm) =	ssettm $0x1  }
0x91: {  	s17 =	sld [smem:$0x3FFB];
	_ =	sdelay $0x3  }
0x92: {  	_ =	strace s17  }
0x93: {  	s2 =	sld [smem:$0x3FFC];
	_ =	sdelay $0x3  }
0x94: {  	_ =	strace s2  }
0x95: {  	s2 =	sld [smem:$0x3FFD];
	_ =	sdelay $0x3  }
0x96: {  	_ =	strace s2  }
0x97: {  	_ =	strace $0x8FFFFFFF  }
0x98: {  	s18 =	sld [smem:$0x3FDB];
	_ =	sdelay $0x1  }
0x99: {  	s19 =	simm.s32 $_scs_section_size  }
0x9a: {  	s4 =	simm.s32 $_size__tile_overlayer_lowered;
	s5 =	simm.s32 $_tile_overlayer_lowered  }
0x9b: {  	s22 =	simm.s32 $0x1BFF;
	s21 =	sshll.u32 s5, $0x1;
	s2 =	sadd.s32 s19, s18  }
0x9c: {  	s6 =	simm.s32 $0x0;
	s20 =	sshll.u32 s4, $0x1;
	s4 =	sadd.s32 s21, s2  }
0x9d: {  	[timem:s6], [sflag:s22] =	dma.local [hbm:s4], s20  }
0x9e: {  	_ =	swait.ge [sflag:s22], s20  }
0x9f: {  	s3 =	ssub.s32 $0x0, s20;
	[sflag:s22] =	ssyncset.done $0x0  }
0xa0: {  	[sflag:s22] =	ssyncadd.s32 s3;
	_ =	sdelay $0x1  }
0xa1: {  	s23 =	simm.s32 $0x1B8B  }
0xa2: {  	_ =	swait.ge [sflag:s23], $0x1  }
0xa3: {  	[sflag:s23] =	ssyncset.done $0x0  }
0xa4: {  	s25 =	simm.s32 $0x1B8E;
	s24 =	sld [smem:$0x3FFE];
	[sflag:s23] =	ssyncadd.s32 $0xFFFFFFFF  }
0xa5: {  	s26 =	simm.s32 $execute0_lowered;
	[smem:$0x3FD2] =	sst s25  }
0xa6: {  	s4 =	sshll.u32 s26, $0x1;
	_ =	strace $0x80000049;
	[dreg:$0x1] =	wrdreg $0xFFFFFFFF  }
0xa7: {  	s28 =	simm.s32 $_size_execute0_lowered;
	s2 =	sadd.s32 s2, s4;
	[dreg:$0x0] =	wrdreg $0x0  }
0xa8: {  	s4 =	sshll.u32 s28, $0x1;
	[dreg:$0x2] =	wrdreg s2  }
0xa9: {  	[dreg:$0x3] =	wrdreg s4  }
0xaa: {  	[dreg:$0x4] =	wrdreg $0xC0  }
0xab: {  	_ =	task [dreg:s6], $0x5FFFF  }
0xac: {  	[dreg:$0x1] =	wrdreg $0xFFFFFFFF  }
0xad: {  	[dreg:$0x0] =	wrdreg $0x60  }
0xae: {  	[dreg:$0x2] =	wrdreg s24  }
0xaf: {  	[dreg:$0x3] =	wrdreg $0xC2000  }
0xb0: {  	[dreg:$0x4] =	wrdreg $0x9  }
0xb1: {  	_ =	task.clear_ibuf [dreg:s6], $0x5FFFF;
	_ =	strace $0x90000049  }
0xb2: {  	s29 =	simm.s32 $0x9;
	_ =	strace $0x8000004B  }
0xb3: {  	_ =	swait.ge [sflag:s29], $0x1  }
0xb4: {  	[sflag:s29] =	ssyncadd.s32 $0xFFFFFFFF  }
0xb5: {  	_ =	strace $0x9000004B  }
0xb6: {  	_ =	sfence  }
0xb7: {  	s30 =	sld [smem:$0x0];
	_ =	sdelay $0x2  }
0xb8: {  	s31 =	sshll.u32 s1, $0xD;
	s1 =	sshrl.u32 s1, $0x2  }
0xb9: {  	s3 =	sand.u32 $0x4000, s31;
	s1 =	sadd.s32 s1, s30  }
0xba: {  	s0 =	sor.u32 s3, s0;
	s1 =	sshll.u32 s1, $0x11  }
0xbb: {  	s0 =	sor.u32 s1, s0  }
0xbc: {  	s0 =	sadd.s32 $0x8F2B, s0  }
0xbd: {  	[sflag:s0] =	ssyncadd.remote.s32 $0x1  }
0xbe: {  	_ =	sfence.sel $0xFFFF  }
0xbf: {  	[dreg:$0x0] =	wrdreg $0xFFFFFFFF;
	(pc) =	sbr.abs _section_cstart, $3  }
0xc0: {  	[dreg:$0x1] =	wrdreg $0xFFFFFFFF  }
0xc1: {  	_ =	task.clear_ibuf [dreg:s6], $0x2FFFF;
	_ =	strace $0x9FFFFFFF  }
0xc2: {  	(tm) =	ssettm $0x7FFFFFFF  }
0xc3: {  	_ =	shalt  }
tec
execute0_lowered:
.L_overlay_start_1:
0x0: {  	(tag) =	ssettag $0x1  }
0x1: {  	s0 =	rddreg [dreg:$0x0]  }
0x2: {  	s1 =	rddreg [dreg:$0x1];
	s2 =	srdreg.scid  }
0x3: {  	s25 =	stileid.u32;
	s28 =	simm.s32 $0x8200;
	s29 =	simm.s32 $0x3  }
0x4: {  	s30 =	simm.s32 $0x1;
	s31 =	simm.s32 $0x2;
	s11 =	sand.u32 $0x1, s2  }
0x5: {  	s2 =	simm.s32 $0x0;
	s4 =	sadd.s32 $0xAC5A00, s0;
	s6 =	smul.u32 $0x4F000, s25  }
0x6: {  	s15 =	sadd.s32 $0x54DE00, s0;
	s16 =	smul.u32 $0x13C00, s25;
	p0 =	sne.s32 s25, $0xF  }
0x7: {  	s3 =	sshll.u32 s11, $0x4;
	[smem:$0x7FF] =	sst s2;
	s23 =	ssub.s32 $0x2, s11  }
0x8: {  	s26 =	smul.u32 $0x140000, s11;
	s10 =	sor.u32 s25, s3;
	_ =	strace $0x8000004A  }
0x9: {  	s3 =	sadd.s32 $0x4FDA00, s0;
	s7 =	sshrl.u32 s23, $0x1;
	s6 =	sshrl.u32 s6, $0x2  }
0xa: {  	s17 =	sadd.s32 $0x4000, s16;
	s18 =	sadd.s32 $0x8000, s16;
	s19 =	sadd.s32 $0xC000, s16  }
0xb: {  	s21 =	sadd.s32 $0x10000, s16;
	s5 =	smul.u32 $0xA00, s10;
	s20 =	ssub.s32 s23, s7  }
0xc: {  	s6 =	sadd.s32 s6, s1;
	s7 =	sadd.s32 s17, s1;
	s8 =	sadd.s32 s18, s1  }
0xd: {  	s9 =	sadd.s32 s19, s1;
	s13 =	smul.u32 $0x28000, s10;
	s16 =	sadd.s32 s16, s26  }
0xe: {  	s17 =	sadd.s32 s26, s17;
	s18 =	sadd.s32 s26, s18;
	s23 =	sadd.s32 s26, s19  }
0xf: {  	s11 =	sshrl.u32 s17, $0x3;
	s12 =	sadd.s32 s5, s0;
	s5 =	smul.u32 $0x50, s10  }
0x10: {  	s10 =	sadd.s32 s21, s1;
	s14 =	sadd.s32 s4, s13;
	s13 =	sadd.s32 $0x4E9A20, s0  }
0x11: {  	s0 =	sshrl.u32 s16, $0x3;
	s22 =	sadd.s32 s15, s11;
	s1 =	sshrl.u32 s26, $0x3  }
0x12: {  	s24 =	sadd.s32 $0x4E9A00, s12;
	[dreg:$0x4] =	wrdreg s14;
	s12 =	sshrl.u32 s18, $0x3  }
0x13: {  	s0 =	sadd.s32 s15, s0;
	[dreg:$0x6] =	wrdreg s22;
	s1 =	sadd.s32 s15, s1  }
0x14: {  	s22 =	simm.s32 $0x200;
	[dreg:$0x3] =	wrdreg s24;
	s14 =	sor.u32 $0x2, s5  }
.Ltmp0:
0x15: {  	[dreg:$0x5] =	wrdreg s0;
	s17 =	sadd.s32 s15, s12;
	(pc) =	sbr.rel .LBB2_1-.Ltmp0, $4  }
0x16: {  	s24 =	sadd.s32 s26, s21;
	s0 =	sshrl.u32 s23, $0x3;
	s26 =	sadd.s32 $0x27800, s1  }
0x17: {  	s21 =	smax.u32 s20, $0x1;
	s23 =	simm.s32 $0x4;
	s11 =	sshrl.u32 s24, $0x3  }
0x18: {  	s18 =	sadd.s32 s15, s0;
	[dreg:$0x7] =	wrdreg s26;
	s24 =	simm.s32 $0x80  }
0x19: {  	v0 =	vimm.f32 $0.0e+00;
	s26 =	simm.s32 $0x100;
	s0 =	simm.s32 $0x0;
	s19 =	sadd.s32 s15, s11  }
.LBB2_14:
0x1a: {  	s0 =	sadd.s32 $0x1, s0  }
0x1b: {  	p1 =	sne.s32 s0, s21  }
.Ltmp1:
0x1c: {  	_ = 	snop;
	(pc) =	sbr.rel @!p1 .LBB2_15-.Ltmp1, $1  }
0x1d: {  	_ =	sdelay $0x3  }
.LBB2_1:
0x1e: {  	s1 =	simm.s32 $0x0;
	s11 =	simm.s32 $0x200  }
.LBB2_2:
0x1f: {  	p1 =	sne.s32 s11, $0xFE00;
	[tilespmem:s1+$0x270] =	vst v0  }
0x20: {  	[tilespmem:s1+$0x200] =	vst v0  }
0x21: {  	[tilespmem:s1+$0x210] =	vst v0  }
.Ltmp2:
0x22: {  	[tilespmem:s1+$0x220] =	vst v0;
	(pc) =	sbr.rel @p1 .LBB2_2-.Ltmp2, $4  }
0x23: {  	[tilespmem:s1+$0x230] =	vst v0  }
0x24: {  	[tilespmem:s1+$0x240] =	vst v0  }
0x25: {  	[tilespmem:s1+$0x250] =	vst v0  }
0x26: {  	[tilespmem:s1+$0x260] =	vst v0;
	s1 =	sshra.s32 s11, $0x2;
	s11 =	sadd.s32 $0x200, s11  }
0x27: {  	[tilespmem:s1+$0x270] =	vst v0  }
0x28: {  	[tilespmem:s1+$0x200] =	vst v0  }
0x29: {  	[tilespmem:s1+$0x210] =	vst v0  }
0x2a: {  	[tilespmem:s1+$0x220] =	vst v0  }
0x2b: {  	[tilespmem:s1+$0x230] =	vst v0  }
0x2c: {  	[tilespmem:s1+$0x240] =	vst v0  }
0x2d: {  	[tilespmem:s1+$0x250] =	vst v0  }
0x2e: {  	[tilespmem:s1+$0x260] =	vst v0  }
0x2f: {  	[spmem:s6] =	stream.linear.scatter [tilespmem:s22], [sflag:$0x4], $0x4000, $0x38;
	[tilespmem:$0x1FE00] =	vst v63  }
0x30: {  	_ =	swait.ge [sflag:s23], $0x4000  }
0x31: {  	[sflag:s23] =	ssyncset.done $0x0  }
0x32: {  	[sflag:s23] =	ssyncadd.s32 $0xFFFFC000  }
0x33: {  	[spmem:s7] =	stream.linear.scatter [tilespmem:s22], [sflag:$0x4], $0x4000, $0x38;
	[tilespmem:$0x1FE00] =	vst v63  }
0x34: {  	_ =	swait.ge [sflag:s23], $0x4000  }
0x35: {  	[sflag:s23] =	ssyncset.done $0x0  }
0x36: {  	[sflag:s23] =	ssyncadd.s32 $0xFFFFC000  }
0x37: {  	[spmem:s8] =	stream.linear.scatter [tilespmem:s22], [sflag:$0x4], $0x4000, $0x38;
	[tilespmem:$0x1FE00] =	vst v63  }
0x38: {  	_ =	swait.ge [sflag:s23], $0x4000  }
0x39: {  	[sflag:s23] =	ssyncset.done $0x0  }
0x3a: {  	[sflag:s23] =	ssyncadd.s32 $0xFFFFC000  }
0x3b: {  	[spmem:s9] =	stream.linear.scatter [tilespmem:s22], [sflag:$0x4], $0x4000, $0x38;
	[tilespmem:$0x1FE00] =	vst v63  }
0x3c: {  	_ =	swait.ge [sflag:s23], $0x4000  }
0x3d: {  	[sflag:s23] =	ssyncset.done $0x0  }
0x3e: {  	[sflag:s23] =	ssyncadd.s32 $0xFFFFC000  }
0x3f: {  	[spmem:s10] =	stream.linear.scatter [tilespmem:s22], [sflag:$0x4], $0x3C00, $0x38;
	[tilespmem:$0x1FE00] =	vst v63  }
0x40: {  	_ =	swait.ge [sflag:s23], $0x3C00  }
0x41: {  	[sflag:s23] =	ssyncset.done $0x0  }
0x42: {  	[sflag:s23] =	ssyncadd.s32 $0xFFFFC400  }
0x43: {  	[bflag:$0x0] =	sbarrier.arrive $0xFFFF  }
0x44: {  	s25 =	simm.s32 $0x0;
	s15 =	rddreg [dreg:$0x3]  }
0x45: {  	[tilespmem:s25], [sflag:$0x4] =	stream.linear.gather [hbm4b:s15+s25], $0x100, $0x38;
	[tilespmem:$0x1FE00] =	vst v63  }
0x46: {  	_ =	swait.ge [sflag:s23], $0x100  }
0x47: {  	[sflag:s23] =	ssyncset.done $0x0  }
0x48: {  	s16 =	simm.s32 $0x4200;
	[sflag:s23] =	ssyncadd.s32 $0xFFFFFF00  }
0x49: {  	[tilespmem:s16], [sflag:$0x1] =	stream.indirect.gather [hbm4b:s3+s24], $0x80, s25, s24, $0xb8;
	[tilespmem:$0x1FE00] =	vst v63  }
0x4a: {  	s20 =	rddreg [dreg:$0x4]  }
0x4b: {  	[tilespmem:s22], [sflag:$0x3] =	stream.linear.gather [hbm4b:s20+s25], $0x4000, $0x38;
	[tilespmem:$0x1FE00] =	vst v63  }
.LBB2_4:
0x4c: {  	s20 =	sshll.u32 s25, $0x1  }
0x4d: {  	s1 =	sadd.s32 s5, s20  }
0x4e: {  	s1 =	sshll.u32 s1, $0x5  }
0x4f: {  	s1 =	sadd.s32 s1, s13  }
0x50: {  	[tilespmem:s26], [sflag:$0x4] =	stream.linear.gather [hbm4b:s1+s2], $0x100, $0x38;
	[tilespmem:$0x1FE00] =	vst v63  }
0x51: {  	_ =	swait.ge [sflag:s23], $0x100  }
0x52: {  	[sflag:s23] =	ssyncset.done $0x0  }
0x53: {  	[sflag:s23] =	ssyncadd.s32 $0xFFFFFF00  }
0x54: {  	[tilespmem:s28], [sflag:$0x2] =	stream.indirect.gather [hbm4b:s3+s24], $0x80, s26, s24, $0xb8;
	[tilespmem:$0x1FE00] =	vst v63  }
0x55: {  	_ =	swait.ge [sflag:s29], $0x4000  }
0x56: {  	[sflag:s29] =	ssyncset.done $0x0  }
0x57: {  	[sflag:s29] =	ssyncadd.s32 $0xFFFFC000  }
0x58: {  	_ =	swait.ge [sflag:s30], $0x4000  }
0x59: {  	[sflag:s30] =	ssyncset.done $0x0  }
0x5a: {  	s1 =	simm.s32 $0x4300;
	[sflag:s30] =	ssyncadd.s32 $0xFFFFC000  }
0x5b: {  	s11 =	simm.s32 $0x300;
	v1 =	vld [tilespmem:s1+$0x80]  }
0x5c: {  	v2 =	vld [tilespmem:s11+$0x80]  }
0x5d: {  	v3 =	vld [tilespmem:s11+$0xFFFFFF00]  }
0x5e: {  	v4 =	vld [tilespmem:s1+$0xFFFFFF80]  }
0x5f: {  	v5 =	vld [tilespmem:s11+$0xFFFFFF80]  }
0x60: {  	v6 =	vld [tilespmem:s11+$0x0]  }
0x61: {  	v1 =	vadd.f32 v2, v1;
	v2 =	vld [tilespmem:s1+$0x0]  }
0x62: {  	v7 =	vld [tilespmem:s1+$0xFFFFFF00]  }
0x63: {  	v1 =	vmax.f32 v1, $0.0e+00  }
0x64: {  	v4 =	vadd.f32 v5, v4;
	[tilespmem:s11+$0x80] =	vst v1;
	v1 =	vld [tilespmem:s11+$0x90]  }
0x65: {  	v8 =	vld [tilespmem:s1+$0x90]  }
0x66: {  	v9 =	vld [tilespmem:s11+$0xFFFFFF90];
	v4 =	vmax.f32 v4, $0.0e+00;
	v2 =	vadd.f32 v6, v2  }
0x67: {  	v5 =	vld [tilespmem:s11+$0xFFFFFF10];
	v3 =	vadd.f32 v3, v7;
	[tilespmem:s11+$0xFFFFFF80] =	vst v4  }
0x68: {  	v6 =	vld [tilespmem:s1+$0xFFFFFF90];
	v2 =	vmax.f32 v2, $0.0e+00  }
0x69: {  	v3 =	vmax.f32 v3, $0.0e+00;
	v4 =	vld [tilespmem:s11+$0x10];
	[tilespmem:s11+$0x0] =	vst v2  }
0x6a: {  	[tilespmem:s11+$0xFFFFFF00] =	vst v3;
	v1 =	vadd.f32 v1, v8;
	v2 =	vld [tilespmem:s1+$0x10]  }
0x6b: {  	v3 =	vld [tilespmem:s1+$0xFFFFFF10]  }
0x6c: {  	v1 =	vmax.f32 v1, $0.0e+00  }
0x6d: {  	v6 =	vadd.f32 v9, v6;
	[tilespmem:s11+$0x90] =	vst v1;
	v1 =	vld [tilespmem:s11+$0xA0]  }
0x6e: {  	v8 =	vld [tilespmem:s1+$0xA0]  }
0x6f: {  	v7 =	vld [tilespmem:s11+$0xFFFFFF20];
	v6 =	vmax.f32 v6, $0.0e+00;
	v2 =	vadd.f32 v4, v2  }
0x70: {  	v3 =	vadd.f32 v5, v3;
	v9 =	vld [tilespmem:s11+$0xFFFFFFA0];
	[tilespmem:s11+$0xFFFFFF90] =	vst v6  }
0x71: {  	v5 =	vld [tilespmem:s1+$0xFFFFFFA0];
	v2 =	vmax.f32 v2, $0.0e+00  }
0x72: {  	v3 =	vmax.f32 v3, $0.0e+00;
	v4 =	vld [tilespmem:s11+$0x20];
	[tilespmem:s11+$0x10] =	vst v2  }
0x73: {  	[tilespmem:s11+$0xFFFFFF10] =	vst v3;
	v1 =	vadd.f32 v1, v8;
	v2 =	vld [tilespmem:s1+$0x20]  }
0x74: {  	v3 =	vld [tilespmem:s1+$0xFFFFFF20]  }
0x75: {  	v1 =	vmax.f32 v1, $0.0e+00  }
0x76: {  	v5 =	vadd.f32 v9, v5;
	[tilespmem:s11+$0xA0] =	vst v1;
	v1 =	vld [tilespmem:s11+$0xB0]  }
0x77: {  	v8 =	vld [tilespmem:s1+$0xB0]  }
0x78: {  	v10 =	vld [tilespmem:s11+$0x30];
	v5 =	vmax.f32 v5, $0.0e+00;
	v2 =	vadd.f32 v4, v2  }
0x79: {  	v3 =	vadd.f32 v7, v3;
	v9 =	vld [tilespmem:s11+$0xFFFFFFB0];
	[tilespmem:s11+$0xFFFFFFA0] =	vst v5  }
0x7a: {  	v4 =	vld [tilespmem:s1+$0xFFFFFFB0];
	v2 =	vmax.f32 v2, $0.0e+00  }
0x7b: {  	v6 =	vld [tilespmem:s11+$0xFFFFFF30];
	[tilespmem:s11+$0x20] =	vst v2;
	v2 =	vmax.f32 v3, $0.0e+00  }
0x7c: {  	v1 =	vadd.f32 v1, v8;
	[tilespmem:s11+$0xFFFFFF20] =	vst v2;
	v2 =	vld [tilespmem:s1+$0x30]  }
0x7d: {  	v7 =	vld [tilespmem:s1+$0xFFFFFF30]  }
0x7e: {  	v11 =	vld [tilespmem:s11+$0xFFFFFF40];
	v1 =	vmax.f32 v1, $0.0e+00  }
0x7f: {  	v4 =	vadd.f32 v9, v4;
	[tilespmem:s11+$0xB0] =	vst v1;
	v1 =	vld [tilespmem:s11+$0xC0]  }
0x80: {  	v8 =	vld [tilespmem:s1+$0xC0]  }
0x81: {  	v12 =	vld [tilespmem:s11+$0xFFFFFFD0];
	v4 =	vmax.f32 v4, $0.0e+00;
	v2 =	vadd.f32 v10, v2  }
0x82: {  	v5 =	vld [tilespmem:s11+$0xFFFFFFC0];
	[tilespmem:s11+$0xFFFFFFB0] =	vst v4;
	v6 =	vadd.f32 v6, v7  }
0x83: {  	v7 =	vld [tilespmem:s1+$0xFFFFFFC0];
	v2 =	vmax.f32 v2, $0.0e+00  }
0x84: {  	v3 =	vld [tilespmem:s11+$0x40];
	[tilespmem:s11+$0x30] =	vst v2;
	v2 =	vmax.f32 v6, $0.0e+00  }
0x85: {  	v1 =	vadd.f32 v1, v8;
	v6 =	vld [tilespmem:s1+$0x40];
	[tilespmem:s11+$0xFFFFFF30] =	vst v2  }
0x86: {  	v2 =	vld [tilespmem:s1+$0xFFFFFF40]  }
0x87: {  	v9 =	vld [tilespmem:s11+$0xFFFFFF50];
	v1 =	vmax.f32 v1, $0.0e+00  }
0x88: {  	[tilespmem:s11+$0xC0] =	vst v1;
	v1 =	vadd.f32 v5, v7;
	v7 =	vld [tilespmem:s11+$0xD0]  }
0x89: {  	v8 =	vld [tilespmem:s1+$0xD0]  }
0x8a: {  	v4 =	vld [tilespmem:s11+$0xFFFFFF60];
	v1 =	vmax.f32 v1, $0.0e+00;
	v3 =	vadd.f32 v3, v6  }
0x8b: {  	v10 =	vld [tilespmem:s11+$0x50];
	[tilespmem:s11+$0xFFFFFFC0] =	vst v1;
	v1 =	vadd.f32 v11, v2  }
0x8c: {  	v2 =	vld [tilespmem:s1+$0xFFFFFFD0];
	v3 =	vmax.f32 v3, $0.0e+00  }
0x8d: {  	v5 =	vld [tilespmem:s11+$0xFFFFFFE0];
	[tilespmem:s11+$0x40] =	vst v3;
	v1 =	vmax.f32 v1, $0.0e+00  }
0x8e: {  	v3 =	vld [tilespmem:s1+$0x50];
	v7 =	vadd.f32 v7, v8;
	[tilespmem:s11+$0xFFFFFF40] =	vst v1  }
0x8f: {  	v1 =	vld [tilespmem:s1+$0xFFFFFF50]  }
0x90: {  	v6 =	vld [tilespmem:s11+$0x60];
	v7 =	vmax.f32 v7, $0.0e+00  }
0x91: {  	v2 =	vadd.f32 v12, v2;
	[tilespmem:s11+$0xD0] =	vst v7;
	v7 =	vld [tilespmem:s11+$0xE0]  }
0x92: {  	v11 =	vld [tilespmem:s1+$0xE0]  }
0x93: {  	v2 =	vmax.f32 v2, $0.0e+00;
	v8 =	vadd.f32 v10, v3;
	v3 =	vld [tilespmem:s11+$0xFFFFFF70]  }
0x94: {  	[tilespmem:s11+$0xFFFFFFD0] =	vst v2;
	v1 =	vadd.f32 v9, v1;
	v2 =	vld [tilespmem:s11+$0xFFFFFFF0]  }
0x95: {  	v9 =	vmax.f32 v8, $0.0e+00;
	v8 =	vld [tilespmem:s1+$0xFFFFFFE0]  }
0x96: {  	[tilespmem:s11+$0x50] =	vst v9;
	v9 =	vmax.f32 v1, $0.0e+00;
	v1 =	vld [tilespmem:s11+$0x70]  }
0x97: {  	[tilespmem:s11+$0xFFFFFF50] =	vst v9;
	v9 =	vld [tilespmem:s1+$0x60];
	v7 =	vadd.f32 v7, v11  }
0x98: {  	v10 =	vld [tilespmem:s1+$0xFFFFFF60]  }
0x99: {  	s15 =	simm.s32 $0x0;
	s16 =	simm.s32 $0x4500;
	s12 =	simm.s32 $0x300;
	v11 =	vmax.f32 v7, $0.0e+00;
	v7 =	vld [tilespmem:s11+$0xF0]  }
.LBB2_5:
0x9a: {  	v12 =	vld [tilespmem:s16+$0x80];
	v5 =	vadd.f32 v5, v8;
	[tilespmem:s11+$0xE0] =	vst v11  }
0x9b: {  	s11 =	sadd.s32 $0x200, s11;
	v8 =	vld [tilespmem:s1+$0xF0]  }
0x9c: {  	s15 =	sadd.s32 $0x4, s15;
	v11 =	vld [tilespmem:s11+$0x80];
	v5 =	vmax.f32 v5, $0.0e+00;
	v6 =	vadd.f32 v6, v9  }
0x9d: {  	p1 =	slt.u32 s15, $0x7C;
	v9 =	vld [tilespmem:s11+$0xFFFFFF00];
	v4 =	vadd.f32 v4, v10;
	[tilespmem:s12+$0xFFFFFFE0] =	vst v5  }
0x9e: {  	v5 =	vld [tilespmem:s16+$0xFFFFFF80];
	v6 =	vmax.f32 v6, $0.0e+00  }
0x9f: {  	v10 =	vld [tilespmem:s11+$0xFFFFFF80];
	v4 =	vmax.f32 v4, $0.0e+00;
	[tilespmem:s12+$0x60] =	vst v6  }
0xa0: {  	v6 =	vld [tilespmem:s16+$0x0];
	[tilespmem:s12+$0xFFFFFF60] =	vst v4;
	v4 =	vadd.f32 v7, v8  }
0xa1: {  	v7 =	vld [tilespmem:s11+$0x0];
	v8 =	vadd.f32 v11, v12  }
0xa2: {  	v11 =	vld [tilespmem:s16+$0xFFFFFF00];
	v4 =	vmax.f32 v4, $0.0e+00  }
0xa3: {  	v12 =	vld [tilespmem:s11+$0xFFFFFF10];
	v8 =	vmax.f32 v8, $0.0e+00;
	[tilespmem:s12+$0xF0] =	vst v4  }
0xa4: {  	v4 =	vadd.f32 v10, v5;
	[tilespmem:s11+$0x80] =	vst v8;
	v5 =	vld [tilespmem:s11+$0x90]  }
0xa5: {  	v8 =	vld [tilespmem:s16+$0x90]  }
0xa6: {  	v4 =	vmax.f32 v4, $0.0e+00;
	v10 =	vld [tilespmem:s11+$0xFFFFFF90];
	v6 =	vadd.f32 v7, v6  }
0xa7: {  	v7 =	vadd.f32 v9, v11;
	[tilespmem:s11+$0xFFFFFF80] =	vst v4;
	v4 =	vld [tilespmem:s11+$0x10]  }
0xa8: {  	v9 =	vld [tilespmem:s16+$0xFFFFFF90];
	v6 =	vmax.f32 v6, $0.0e+00  }
0xa9: {  	v7 =	vmax.f32 v7, $0.0e+00;
	v11 =	vld [tilespmem:s11+$0xFFFFFF20];
	[tilespmem:s11+$0x0] =	vst v6  }
0xaa: {  	[tilespmem:s11+$0xFFFFFF00] =	vst v7;
	v6 =	vld [tilespmem:s16+$0x10];
	v5 =	vadd.f32 v5, v8  }
0xab: {  	v7 =	vld [tilespmem:s16+$0xFFFFFF10]  }
0xac: {  	v8 =	vld [tilespmem:s11+$0xFFFFFFA0];
	v5 =	vmax.f32 v5, $0.0e+00  }
0xad: {  	v9 =	vadd.f32 v10, v9;
	[tilespmem:s11+$0x90] =	vst v5;
	v5 =	vld [tilespmem:s11+$0xA0]  }
0xae: {  	v10 =	vld [tilespmem:s16+$0xA0]  }
0xaf: {  	v9 =	vmax.f32 v9, $0.0e+00;
	v4 =	vadd.f32 v4, v6;
	v6 =	vld [tilespmem:s11+$0x20]  }
0xb0: {  	v7 =	vadd.f32 v12, v7;
	v12 =	vld [tilespmem:s11+$0xFFFFFF30];
	[tilespmem:s11+$0xFFFFFF90] =	vst v9  }
0xb1: {  	v9 =	vld [tilespmem:s16+$0xFFFFFFA0];
	v4 =	vmax.f32 v4, $0.0e+00  }
0xb2: {  	v7 =	vmax.f32 v7, $0.0e+00;
	v13 =	vld [tilespmem:s11+$0xFFFFFFB0];
	[tilespmem:s11+$0x10] =	vst v4  }
0xb3: {  	[tilespmem:s11+$0xFFFFFF10] =	vst v7;
	v4 =	vld [tilespmem:s16+$0x20];
	v5 =	vadd.f32 v5, v10  }
0xb4: {  	v7 =	vld [tilespmem:s16+$0xFFFFFF20]  }
0xb5: {  	v10 =	vld [tilespmem:s11+$0x30];
	v5 =	vmax.f32 v5, $0.0e+00  }
0xb6: {  	v8 =	vadd.f32 v8, v9;
	[tilespmem:s11+$0xA0] =	vst v5;
	v5 =	vld [tilespmem:s11+$0xB0]  }
0xb7: {  	v9 =	vld [tilespmem:s16+$0xB0]  }
0xb8: {  	v14 =	vld [tilespmem:s11+$0xFFFFFF40];
	v8 =	vmax.f32 v8, $0.0e+00;
	v4 =	vadd.f32 v6, v4  }
0xb9: {  	v6 =	vadd.f32 v11, v7;
	[tilespmem:s11+$0xFFFFFFA0] =	vst v8;
	v7 =	vld [tilespmem:s11+$0xFFFFFFC0]  }
0xba: {  	v8 =	vld [tilespmem:s16+$0xFFFFFFB0];
	v4 =	vmax.f32 v4, $0.0e+00  }
0xbb: {  	v6 =	vmax.f32 v6, $0.0e+00;
	[tilespmem:s11+$0x20] =	vst v4;
	v11 =	vld [tilespmem:s11+$0x40]  }
0xbc: {  	[tilespmem:s11+$0xFFFFFF20] =	vst v6;
	v4 =	vld [tilespmem:s16+$0x30];
	v5 =	vadd.f32 v5, v9  }
0xbd: {  	v6 =	vld [tilespmem:s16+$0xFFFFFF30]  }
0xbe: {  	v9 =	vld [tilespmem:s11+$0xFFFFFF50];
	v5 =	vmax.f32 v5, $0.0e+00  }
0xbf: {  	v8 =	vadd.f32 v13, v8;
	[tilespmem:s11+$0xB0] =	vst v5;
	v5 =	vld [tilespmem:s11+$0xC0]  }
0xc0: {  	v13 =	vld [tilespmem:s16+$0xC0]  }
0xc1: {  	v8 =	vmax.f32 v8, $0.0e+00;
	v15 =	vld [tilespmem:s11+$0xFFFFFFD0];
	v4 =	vadd.f32 v10, v4  }
0xc2: {  	v6 =	vadd.f32 v12, v6;
	[tilespmem:s11+$0xFFFFFFB0] =	vst v8;
	v8 =	vld [tilespmem:s11+$0x50]  }
0xc3: {  	v10 =	vld [tilespmem:s16+$0xFFFFFFC0];
	v12 =	vmax.f32 v4, $0.0e+00  }
0xc4: {  	v6 =	vmax.f32 v6, $0.0e+00;
	v4 =	vld [tilespmem:s11+$0xFFFFFF60];
	[tilespmem:s11+$0x30] =	vst v12  }
0xc5: {  	[tilespmem:s11+$0xFFFFFF30] =	vst v6;
	v6 =	vld [tilespmem:s16+$0x40];
	v12 =	vadd.f32 v5, v13  }
0xc6: {  	v13 =	vld [tilespmem:s16+$0xFFFFFF40]  }
0xc7: {  	v5 =	vld [tilespmem:s11+$0xFFFFFFE0];
	v12 =	vmax.f32 v12, $0.0e+00  }
0xc8: {  	v7 =	vadd.f32 v7, v10;
	[tilespmem:s11+$0xC0] =	vst v12;
	v10 =	vld [tilespmem:s11+$0xD0]  }
0xc9: {  	v12 =	vld [tilespmem:s16+$0xD0]  }
0xca: {  	v7 =	vmax.f32 v7, $0.0e+00;
	v11 =	vadd.f32 v11, v6;
	v6 =	vld [tilespmem:s11+$0x60]  }
0xcb: {  	v13 =	vadd.f32 v14, v13;
	[tilespmem:s11+$0xFFFFFFC0] =	vst v7;
	v7 =	vld [tilespmem:s1+$0xFFFFFF70]  }
0xcc: {  	v14 =	vld [tilespmem:s16+$0xFFFFFFD0];
	v11 =	vmax.f32 v11, $0.0e+00  }
0xcd: {  	v13 =	vmax.f32 v13, $0.0e+00;
	[tilespmem:s11+$0x40] =	vst v11;
	v11 =	vld [tilespmem:s1+$0xFFFFFFF0]  }
0xce: {  	[tilespmem:s11+$0xFFFFFF40] =	vst v13;
	v13 =	vld [tilespmem:s16+$0x50];
	v10 =	vadd.f32 v10, v12  }
0xcf: {  	v12 =	vld [tilespmem:s16+$0xFFFFFF50]  }
0xd0: {  	v10 =	vmax.f32 v10, $0.0e+00;
	v3 =	vadd.f32 v3, v7;
	v7 =	vld [tilespmem:s1+$0x70];
	s1 =	smov.u32 s16  }
0xd1: {  	v14 =	vadd.f32 v15, v14;
	[tilespmem:s11+$0xD0] =	vst v10;
	v10 =	vld [tilespmem:s11+$0xE0]  }
0xd2: {  	v15 =	vld [tilespmem:s16+$0xE0];
	v16 =	vmax.f32 v3, $0.0e+00;
	v11 =	vadd.f32 v2, v11  }
0xd3: {  	v3 =	vld [tilespmem:s11+$0xFFFFFF70];
	v2 =	vmax.f32 v14, $0.0e+00;
	v13 =	vadd.f32 v8, v13;
	[tilespmem:s12+$0xFFFFFF70] =	vst v16  }
0xd4: {  	v9 =	vadd.f32 v9, v12;
	[tilespmem:s11+$0xFFFFFFD0] =	vst v2;
	v2 =	vld [tilespmem:s11+$0xFFFFFFF0];
	v11 =	vmax.f32 v11, $0.0e+00  }
.Ltmp3:
0xd5: {  	v8 =	vld [tilespmem:s16+$0xFFFFFFE0];
	v12 =	vmax.f32 v13, $0.0e+00;
	[tilespmem:s12+$0xFFFFFFF0] =	vst v11;
	v7 =	vadd.f32 v1, v7;
	(pc) =	sbr.rel @p1 .LBB2_5-.Ltmp3, $4  }
0xd6: {  	v9 =	vmax.f32 v9, $0.0e+00;
	[tilespmem:s11+$0x50] =	vst v12;
	v1 =	vld [tilespmem:s11+$0x70]  }
0xd7: {  	[tilespmem:s11+$0xFFFFFF50] =	vst v9;
	v9 =	vld [tilespmem:s16+$0x60];
	v11 =	vadd.f32 v10, v15;
	v7 =	vmax.f32 v7, $0.0e+00  }
0xd8: {  	v10 =	vld [tilespmem:s16+$0xFFFFFF60];
	[tilespmem:s12+$0x70] =	vst v7;
	s12 =	smov.u32 s11  }
0xd9: {  	s16 =	sadd.s32 $0x200, s16;
	v11 =	vmax.f32 v11, $0.0e+00;
	v7 =	vld [tilespmem:s11+$0xF0]  }
0xda: {  	_ =	sdelay $0x2  }
0xdb: {  	v4 =	vadd.f32 v4, v10  }
0xdc: {  	v5 =	vadd.f32 v5, v8  }
0xdd: {  	[tilespmem:s11+$0xE0] =	vst v11;
	v6 =	vadd.f32 v6, v9;
	v4 =	vmax.f32 v4, $0.0e+00  }
0xde: {  	v8 =	vld [tilespmem:s1+$0xF0];
	v5 =	vmax.f32 v5, $0.0e+00;
	[tilespmem:s12+$0xFFFFFF60] =	vst v4  }
0xdf: {  	[tilespmem:s12+$0xFFFFFFE0] =	vst v5;
	v4 =	vmax.f32 v6, $0.0e+00;
	v5 =	vld [tilespmem:s1+$0xFFFFFF70]  }
0xe0: {  	[tilespmem:s12+$0x60] =	vst v4;
	v4 =	vld [tilespmem:s1+$0xFFFFFFF0]  }
0xe1: {  	v6 =	vld [tilespmem:s1+$0x70];
	_ =	sdelay $0x1  }
0xe2: {  	v7 =	vadd.f32 v7, v8  }
0xe3: {  	v3 =	vadd.f32 v3, v5  }
0xe4: {  	s15 =	sadd.s32 s20, s5;
	v5 =	vmax.f32 v7, $0.0e+00;
	v2 =	vadd.f32 v2, v4  }
0xe5: {  	s1 =	sadd.s32 $0x1, s15;
	[tilespmem:s12+$0xF0] =	vst v5;
	v1 =	vadd.f32 v1, v6;
	v3 =	vmax.f32 v3, $0.0e+00  }
0xe6: {  	s16 =	sshll.u32 s1, $0xB;
	v2 =	vmax.f32 v2, $0.0e+00;
	[tilespmem:s12+$0xFFFFFF70] =	vst v3  }
0xe7: {  	p1 =	seq.s32 s25, $0x27;
	s11 =	sand.u32 $0x1FFFF800, s16;
	[tilespmem:s12+$0xFFFFFFF0] =	vst v2;
	v1 =	vmax.f32 v1, $0.0e+00  }
0xe8: {  	s1 =	sshll.u32 @!p1 s1, $0x5;
	s11 =	sadd.s32 s4, s11;
	[tilespmem:s12+$0x70] =	vst v1  }
0xe9: {  	[tilespmem:s22], [sflag:$0x3] =	stream.linear.gather [hbm4b:s11+s2], $0x4000, $0x38;
	[tilespmem:$0x1FE00] =	vst v63  }
0xea: {  	s1 =	sadd.s32 @!p1 s1, s13;
	s11 =	simm.s32 @!p1 $0x0  }
0xeb: {  	[tilespmem:s11], [sflag:$0x4] =	stream.linear.gather @!p1 [hbm4b:s1+s11], $0x100, $0x38;
	[tilespmem:$0x1FE00] =	vst v63  }
0xec: {  	s1 =	simm.s32 @!p1 $0x4  }
0xed: {  	_ =	swait.ge @!p1 [sflag:s1], $0x100  }
0xee: {  	[sflag:s1] =	ssyncset.done @!p1 $0x0  }
0xef: {  	s12 =	simm.s32 @!p1 $0x4200;
	[sflag:s1] =	ssyncadd.s32 @!p1 $0xFFFFFF00;
	s1 =	simm.s32 @!p1 $0x80  }
0xf0: {  	[tilespmem:s12], [sflag:$0x1] =	stream.indirect.gather @!p1 [hbm4b:s3+s1], $0x80, s11, s1, $0xb8;
	[tilespmem:$0x1FE00] =	vst v63  }
0xf1: {  	_ =	swait.ge [sflag:s29], $0x4000  }
0xf2: {  	[sflag:s29] =	ssyncset.done $0x0  }
0xf3: {  	[sflag:s29] =	ssyncadd.s32 $0xFFFFC000  }
0xf4: {  	_ =	swait.ge [sflag:s31], $0x4000  }
0xf5: {  	[sflag:s31] =	ssyncset.done $0x0  }
0xf6: {  	s1 =	simm.s32 $0x8300;
	[sflag:s31] =	ssyncadd.s32 $0xFFFFC000  }
0xf7: {  	s11 =	simm.s32 $0x300;
	v1 =	vld [tilespmem:s1+$0x80]  }
0xf8: {  	v2 =	vld [tilespmem:s11+$0x80]  }
0xf9: {  	v3 =	vld [tilespmem:s11+$0xFFFFFF00]  }
0xfa: {  	v4 =	vld [tilespmem:s1+$0xFFFFFF80]  }
0xfb: {  	v5 =	vld [tilespmem:s11+$0xFFFFFF80]  }
0xfc: {  	v6 =	vld [tilespmem:s11+$0x0]  }
0xfd: {  	v1 =	vadd.f32 v2, v1;
	v2 =	vld [tilespmem:s1+$0x0]  }
0xfe: {  	v7 =	vld [tilespmem:s1+$0xFFFFFF00]  }
0xff: {  	v1 =	vmax.f32 v1, $0.0e+00  }
0x100: {  	v4 =	vadd.f32 v5, v4;
	[tilespmem:s11+$0x80] =	vst v1;
	v1 =	vld [tilespmem:s11+$0x90]  }
0x101: {  	v8 =	vld [tilespmem:s1+$0x90]  }
0x102: {  	v9 =	vld [tilespmem:s11+$0xFFFFFF90];
	v4 =	vmax.f32 v4, $0.0e+00;
	v2 =	vadd.f32 v6, v2  }
0x103: {  	v5 =	vld [tilespmem:s11+$0xFFFFFF10];
	v3 =	vadd.f32 v3, v7;
	[tilespmem:s11+$0xFFFFFF80] =	vst v4  }
0x104: {  	v6 =	vld [tilespmem:s1+$0xFFFFFF90];
	v2 =	vmax.f32 v2, $0.0e+00  }
0x105: {  	v3 =	vmax.f32 v3, $0.0e+00;
	v4 =	vld [tilespmem:s11+$0x10];
	[tilespmem:s11+$0x0] =	vst v2  }
0x106: {  	[tilespmem:s11+$0xFFFFFF00] =	vst v3;
	v1 =	vadd.f32 v1, v8;
	v2 =	vld [tilespmem:s1+$0x10]  }
0x107: {  	v3 =	vld [tilespmem:s1+$0xFFFFFF10]  }
0x108: {  	v1 =	vmax.f32 v1, $0.0e+00  }
0x109: {  	v6 =	vadd.f32 v9, v6;
	[tilespmem:s11+$0x90] =	vst v1;
	v1 =	vld [tilespmem:s11+$0xA0]  }
0x10a: {  	v8 =	vld [tilespmem:s1+$0xA0]  }
0x10b: {  	v7 =	vld [tilespmem:s11+$0xFFFFFF20];
	v6 =	vmax.f32 v6, $0.0e+00;
	v2 =	vadd.f32 v4, v2  }
0x10c: {  	v3 =	vadd.f32 v5, v3;
	v9 =	vld [tilespmem:s11+$0xFFFFFFA0];
	[tilespmem:s11+$0xFFFFFF90] =	vst v6  }
0x10d: {  	v5 =	vld [tilespmem:s1+$0xFFFFFFA0];
	v2 =	vmax.f32 v2, $0.0e+00  }
0x10e: {  	v3 =	vmax.f32 v3, $0.0e+00;
	v4 =	vld [tilespmem:s11+$0x20];
	[tilespmem:s11+$0x10] =	vst v2  }
0x10f: {  	[tilespmem:s11+$0xFFFFFF10] =	vst v3;
	v1 =	vadd.f32 v1, v8;
	v2 =	vld [tilespmem:s1+$0x20]  }
0x110: {  	v3 =	vld [tilespmem:s1+$0xFFFFFF20]  }
0x111: {  	v1 =	vmax.f32 v1, $0.0e+00  }
0x112: {  	v5 =	vadd.f32 v9, v5;
	[tilespmem:s11+$0xA0] =	vst v1;
	v1 =	vld [tilespmem:s11+$0xB0]  }
0x113: {  	v8 =	vld [tilespmem:s1+$0xB0]  }
0x114: {  	v10 =	vld [tilespmem:s11+$0x30];
	v5 =	vmax.f32 v5, $0.0e+00;
	v2 =	vadd.f32 v4, v2  }
0x115: {  	v3 =	vadd.f32 v7, v3;
	v9 =	vld [tilespmem:s11+$0xFFFFFFB0];
	[tilespmem:s11+$0xFFFFFFA0] =	vst v5  }
0x116: {  	v4 =	vld [tilespmem:s1+$0xFFFFFFB0];
	v2 =	vmax.f32 v2, $0.0e+00  }
0x117: {  	v6 =	vld [tilespmem:s11+$0xFFFFFF30];
	[tilespmem:s11+$0x20] =	vst v2;
	v2 =	vmax.f32 v3, $0.0e+00  }
0x118: {  	v1 =	vadd.f32 v1, v8;
	[tilespmem:s11+$0xFFFFFF20] =	vst v2;
	v2 =	vld [tilespmem:s1+$0x30]  }
0x119: {  	v7 =	vld [tilespmem:s1+$0xFFFFFF30]  }
0x11a: {  	v11 =	vld [tilespmem:s11+$0xFFFFFF40];
	v1 =	vmax.f32 v1, $0.0e+00  }
0x11b: {  	v4 =	vadd.f32 v9, v4;
	[tilespmem:s11+$0xB0] =	vst v1;
	v1 =	vld [tilespmem:s11+$0xC0]  }
0x11c: {  	v8 =	vld [tilespmem:s1+$0xC0]  }
0x11d: {  	v12 =	vld [tilespmem:s11+$0xFFFFFFD0];
	v4 =	vmax.f32 v4, $0.0e+00;
	v2 =	vadd.f32 v10, v2  }
0x11e: {  	v5 =	vld [tilespmem:s11+$0xFFFFFFC0];
	[tilespmem:s11+$0xFFFFFFB0] =	vst v4;
	v6 =	vadd.f32 v6, v7  }
0x11f: {  	v7 =	vld [tilespmem:s1+$0xFFFFFFC0];
	v2 =	vmax.f32 v2, $0.0e+00  }
0x120: {  	v3 =	vld [tilespmem:s11+$0x40];
	[tilespmem:s11+$0x30] =	vst v2;
	v2 =	vmax.f32 v6, $0.0e+00  }
0x121: {  	v1 =	vadd.f32 v1, v8;
	v6 =	vld [tilespmem:s1+$0x40];
	[tilespmem:s11+$0xFFFFFF30] =	vst v2  }
0x122: {  	v2 =	vld [tilespmem:s1+$0xFFFFFF40]  }
0x123: {  	v9 =	vld [tilespmem:s11+$0xFFFFFF50];
	v1 =	vmax.f32 v1, $0.0e+00  }
0x124: {  	[tilespmem:s11+$0xC0] =	vst v1;
	v1 =	vadd.f32 v5, v7;
	v7 =	vld [tilespmem:s11+$0xD0]  }
0x125: {  	v8 =	vld [tilespmem:s1+$0xD0]  }
0x126: {  	v4 =	vld [tilespmem:s11+$0xFFFFFF60];
	v1 =	vmax.f32 v1, $0.0e+00;
	v3 =	vadd.f32 v3, v6  }
0x127: {  	v10 =	vld [tilespmem:s11+$0x50];
	[tilespmem:s11+$0xFFFFFFC0] =	vst v1;
	v1 =	vadd.f32 v11, v2  }
0x128: {  	v2 =	vld [tilespmem:s1+$0xFFFFFFD0];
	v3 =	vmax.f32 v3, $0.0e+00  }
0x129: {  	v5 =	vld [tilespmem:s11+$0xFFFFFFE0];
	[tilespmem:s11+$0x40] =	vst v3;
	v1 =	vmax.f32 v1, $0.0e+00  }
0x12a: {  	v3 =	vld [tilespmem:s1+$0x50];
	v7 =	vadd.f32 v7, v8;
	[tilespmem:s11+$0xFFFFFF40] =	vst v1  }
0x12b: {  	v1 =	vld [tilespmem:s1+$0xFFFFFF50]  }
0x12c: {  	v6 =	vld [tilespmem:s11+$0x60];
	v7 =	vmax.f32 v7, $0.0e+00  }
0x12d: {  	v2 =	vadd.f32 v12, v2;
	[tilespmem:s11+$0xD0] =	vst v7;
	v7 =	vld [tilespmem:s11+$0xE0]  }
0x12e: {  	v11 =	vld [tilespmem:s1+$0xE0]  }
0x12f: {  	v2 =	vmax.f32 v2, $0.0e+00;
	v8 =	vadd.f32 v10, v3;
	v3 =	vld [tilespmem:s11+$0xFFFFFF70]  }
0x130: {  	[tilespmem:s11+$0xFFFFFFD0] =	vst v2;
	v1 =	vadd.f32 v9, v1;
	v2 =	vld [tilespmem:s11+$0xFFFFFFF0]  }
0x131: {  	v9 =	vmax.f32 v8, $0.0e+00;
	v8 =	vld [tilespmem:s1+$0xFFFFFFE0]  }
0x132: {  	[tilespmem:s11+$0x50] =	vst v9;
	v9 =	vmax.f32 v1, $0.0e+00;
	v1 =	vld [tilespmem:s11+$0x70]  }
0x133: {  	[tilespmem:s11+$0xFFFFFF50] =	vst v9;
	v9 =	vld [tilespmem:s1+$0x60];
	v7 =	vadd.f32 v7, v11  }
0x134: {  	v10 =	vld [tilespmem:s1+$0xFFFFFF60]  }
0x135: {  	s15 =	simm.s32 $0x0;
	s16 =	simm.s32 $0x8500;
	s12 =	simm.s32 $0x300;
	v11 =	vmax.f32 v7, $0.0e+00;
	v7 =	vld [tilespmem:s11+$0xF0]  }
.LBB2_7:
0x136: {  	v12 =	vld [tilespmem:s16+$0x80];
	v5 =	vadd.f32 v5, v8;
	[tilespmem:s11+$0xE0] =	vst v11  }
0x137: {  	s11 =	sadd.s32 $0x200, s11;
	v8 =	vld [tilespmem:s1+$0xF0]  }
0x138: {  	s15 =	sadd.s32 $0x4, s15;
	v11 =	vld [tilespmem:s11+$0x80];
	v5 =	vmax.f32 v5, $0.0e+00;
	v6 =	vadd.f32 v6, v9  }
0x139: {  	p2 =	slt.u32 s15, $0x7C;
	v9 =	vld [tilespmem:s11+$0xFFFFFF00];
	v4 =	vadd.f32 v4, v10;
	[tilespmem:s12+$0xFFFFFFE0] =	vst v5  }
0x13a: {  	v5 =	vld [tilespmem:s16+$0xFFFFFF80];
	v6 =	vmax.f32 v6, $0.0e+00  }
0x13b: {  	v10 =	vld [tilespmem:s11+$0xFFFFFF80];
	v4 =	vmax.f32 v4, $0.0e+00;
	[tilespmem:s12+$0x60] =	vst v6  }
0x13c: {  	v6 =	vld [tilespmem:s16+$0x0];
	[tilespmem:s12+$0xFFFFFF60] =	vst v4;
	v4 =	vadd.f32 v7, v8  }
0x13d: {  	v7 =	vld [tilespmem:s11+$0x0];
	v8 =	vadd.f32 v11, v12  }
0x13e: {  	v11 =	vld [tilespmem:s16+$0xFFFFFF00];
	v4 =	vmax.f32 v4, $0.0e+00  }
0x13f: {  	v12 =	vld [tilespmem:s11+$0xFFFFFF10];
	v8 =	vmax.f32 v8, $0.0e+00;
	[tilespmem:s12+$0xF0] =	vst v4  }
0x140: {  	v4 =	vadd.f32 v10, v5;
	[tilespmem:s11+$0x80] =	vst v8;
	v5 =	vld [tilespmem:s11+$0x90]  }
0x141: {  	v8 =	vld [tilespmem:s16+$0x90]  }
0x142: {  	v4 =	vmax.f32 v4, $0.0e+00;
	v10 =	vld [tilespmem:s11+$0xFFFFFF90];
	v6 =	vadd.f32 v7, v6  }
0x143: {  	v7 =	vadd.f32 v9, v11;
	[tilespmem:s11+$0xFFFFFF80] =	vst v4;
	v4 =	vld [tilespmem:s11+$0x10]  }
0x144: {  	v9 =	vld [tilespmem:s16+$0xFFFFFF90];
	v6 =	vmax.f32 v6, $0.0e+00  }
0x145: {  	v7 =	vmax.f32 v7, $0.0e+00;
	v11 =	vld [tilespmem:s11+$0xFFFFFF20];
	[tilespmem:s11+$0x0] =	vst v6  }
0x146: {  	[tilespmem:s11+$0xFFFFFF00] =	vst v7;
	v6 =	vld [tilespmem:s16+$0x10];
	v5 =	vadd.f32 v5, v8  }
0x147: {  	v7 =	vld [tilespmem:s16+$0xFFFFFF10]  }
0x148: {  	v8 =	vld [tilespmem:s11+$0xFFFFFFA0];
	v5 =	vmax.f32 v5, $0.0e+00  }
0x149: {  	v9 =	vadd.f32 v10, v9;
	[tilespmem:s11+$0x90] =	vst v5;
	v5 =	vld [tilespmem:s11+$0xA0]  }
0x14a: {  	v10 =	vld [tilespmem:s16+$0xA0]  }
0x14b: {  	v9 =	vmax.f32 v9, $0.0e+00;
	v4 =	vadd.f32 v4, v6;
	v6 =	vld [tilespmem:s11+$0x20]  }
0x14c: {  	v7 =	vadd.f32 v12, v7;
	v12 =	vld [tilespmem:s11+$0xFFFFFF30];
	[tilespmem:s11+$0xFFFFFF90] =	vst v9  }
0x14d: {  	v9 =	vld [tilespmem:s16+$0xFFFFFFA0];
	v4 =	vmax.f32 v4, $0.0e+00  }
0x14e: {  	v7 =	vmax.f32 v7, $0.0e+00;
	v13 =	vld [tilespmem:s11+$0xFFFFFFB0];
	[tilespmem:s11+$0x10] =	vst v4  }
0x14f: {  	[tilespmem:s11+$0xFFFFFF10] =	vst v7;
	v4 =	vld [tilespmem:s16+$0x20];
	v5 =	vadd.f32 v5, v10  }
0x150: {  	v7 =	vld [tilespmem:s16+$0xFFFFFF20]  }
0x151: {  	v10 =	vld [tilespmem:s11+$0x30];
	v5 =	vmax.f32 v5, $0.0e+00  }
0x152: {  	v8 =	vadd.f32 v8, v9;
	[tilespmem:s11+$0xA0] =	vst v5;
	v5 =	vld [tilespmem:s11+$0xB0]  }
0x153: {  	v9 =	vld [tilespmem:s16+$0xB0]  }
0x154: {  	v14 =	vld [tilespmem:s11+$0xFFFFFF40];
	v8 =	vmax.f32 v8, $0.0e+00;
	v4 =	vadd.f32 v6, v4  }
0x155: {  	v6 =	vadd.f32 v11, v7;
	[tilespmem:s11+$0xFFFFFFA0] =	vst v8;
	v7 =	vld [tilespmem:s11+$0xFFFFFFC0]  }
0x156: {  	v8 =	vld [tilespmem:s16+$0xFFFFFFB0];
	v4 =	vmax.f32 v4, $0.0e+00  }
0x157: {  	v6 =	vmax.f32 v6, $0.0e+00;
	[tilespmem:s11+$0x20] =	vst v4;
	v11 =	vld [tilespmem:s11+$0x40]  }
0x158: {  	[tilespmem:s11+$0xFFFFFF20] =	vst v6;
	v4 =	vld [tilespmem:s16+$0x30];
	v5 =	vadd.f32 v5, v9  }
0x159: {  	v6 =	vld [tilespmem:s16+$0xFFFFFF30]  }
0x15a: {  	v9 =	vld [tilespmem:s11+$0xFFFFFF50];
	v5 =	vmax.f32 v5, $0.0e+00  }
0x15b: {  	v8 =	vadd.f32 v13, v8;
	[tilespmem:s11+$0xB0] =	vst v5;
	v5 =	vld [tilespmem:s11+$0xC0]  }
0x15c: {  	v13 =	vld [tilespmem:s16+$0xC0]  }
0x15d: {  	v8 =	vmax.f32 v8, $0.0e+00;
	v15 =	vld [tilespmem:s11+$0xFFFFFFD0];
	v4 =	vadd.f32 v10, v4  }
0x15e: {  	v6 =	vadd.f32 v12, v6;
	[tilespmem:s11+$0xFFFFFFB0] =	vst v8;
	v8 =	vld [tilespmem:s11+$0x50]  }
0x15f: {  	v10 =	vld [tilespmem:s16+$0xFFFFFFC0];
	v12 =	vmax.f32 v4, $0.0e+00  }
0x160: {  	v6 =	vmax.f32 v6, $0.0e+00;
	v4 =	vld [tilespmem:s11+$0xFFFFFF60];
	[tilespmem:s11+$0x30] =	vst v12  }
0x161: {  	[tilespmem:s11+$0xFFFFFF30] =	vst v6;
	v6 =	vld [tilespmem:s16+$0x40];
	v12 =	vadd.f32 v5, v13  }
0x162: {  	v13 =	vld [tilespmem:s16+$0xFFFFFF40]  }
0x163: {  	v5 =	vld [tilespmem:s11+$0xFFFFFFE0];
	v12 =	vmax.f32 v12, $0.0e+00  }
0x164: {  	v7 =	vadd.f32 v7, v10;
	[tilespmem:s11+$0xC0] =	vst v12;
	v10 =	vld [tilespmem:s11+$0xD0]  }
0x165: {  	v12 =	vld [tilespmem:s16+$0xD0]  }
0x166: {  	v7 =	vmax.f32 v7, $0.0e+00;
	v11 =	vadd.f32 v11, v6;
	v6 =	vld [tilespmem:s11+$0x60]  }
0x167: {  	v13 =	vadd.f32 v14, v13;
	[tilespmem:s11+$0xFFFFFFC0] =	vst v7;
	v7 =	vld [tilespmem:s1+$0xFFFFFF70]  }
0x168: {  	v14 =	vld [tilespmem:s16+$0xFFFFFFD0];
	v11 =	vmax.f32 v11, $0.0e+00  }
0x169: {  	v13 =	vmax.f32 v13, $0.0e+00;
	[tilespmem:s11+$0x40] =	vst v11;
	v11 =	vld [tilespmem:s1+$0xFFFFFFF0]  }
0x16a: {  	[tilespmem:s11+$0xFFFFFF40] =	vst v13;
	v13 =	vld [tilespmem:s16+$0x50];
	v10 =	vadd.f32 v10, v12  }
0x16b: {  	v12 =	vld [tilespmem:s16+$0xFFFFFF50]  }
0x16c: {  	v10 =	vmax.f32 v10, $0.0e+00;
	v3 =	vadd.f32 v3, v7;
	v7 =	vld [tilespmem:s1+$0x70];
	s1 =	smov.u32 s16  }
0x16d: {  	v14 =	vadd.f32 v15, v14;
	[tilespmem:s11+$0xD0] =	vst v10;
	v10 =	vld [tilespmem:s11+$0xE0]  }
0x16e: {  	v15 =	vld [tilespmem:s16+$0xE0];
	v16 =	vmax.f32 v3, $0.0e+00;
	v11 =	vadd.f32 v2, v11  }
0x16f: {  	v3 =	vld [tilespmem:s11+$0xFFFFFF70];
	v2 =	vmax.f32 v14, $0.0e+00;
	v13 =	vadd.f32 v8, v13;
	[tilespmem:s12+$0xFFFFFF70] =	vst v16  }
0x170: {  	v9 =	vadd.f32 v9, v12;
	[tilespmem:s11+$0xFFFFFFD0] =	vst v2;
	v2 =	vld [tilespmem:s11+$0xFFFFFFF0];
	v11 =	vmax.f32 v11, $0.0e+00  }
.Ltmp4:
0x171: {  	v8 =	vld [tilespmem:s16+$0xFFFFFFE0];
	v12 =	vmax.f32 v13, $0.0e+00;
	[tilespmem:s12+$0xFFFFFFF0] =	vst v11;
	v7 =	vadd.f32 v1, v7;
	(pc) =	sbr.rel @p2 .LBB2_7-.Ltmp4, $4  }
0x172: {  	v9 =	vmax.f32 v9, $0.0e+00;
	[tilespmem:s11+$0x50] =	vst v12;
	v1 =	vld [tilespmem:s11+$0x70]  }
0x173: {  	[tilespmem:s11+$0xFFFFFF50] =	vst v9;
	v9 =	vld [tilespmem:s16+$0x60];
	v11 =	vadd.f32 v10, v15;
	v7 =	vmax.f32 v7, $0.0e+00  }
0x174: {  	v10 =	vld [tilespmem:s16+$0xFFFFFF60];
	[tilespmem:s12+$0x70] =	vst v7;
	s12 =	smov.u32 s11  }
0x175: {  	s16 =	sadd.s32 $0x200, s16;
	v11 =	vmax.f32 v11, $0.0e+00;
	v7 =	vld [tilespmem:s11+$0xF0]  }
0x176: {  	_ = 	snop  }
0x177: {  	v5 =	vadd.f32 v5, v8  }
0x178: {  	v6 =	vadd.f32 v6, v9  }
0x179: {  	[tilespmem:s11+$0xE0] =	vst v11;
	v5 =	vmax.f32 v5, $0.0e+00;
	v4 =	vadd.f32 v4, v10  }
0x17a: {  	v58 =	vld [tilespmem:s1+$0xF0];
	[tilespmem:s12+$0xFFFFFFE0] =	vst v5;
	v59 =	vmax.f32 v6, $0.0e+00  }
0x17b: {  	v61 =	vld [tilespmem:s1+$0xFFFFFFF0];
	v4 =	vmax.f32 v4, $0.0e+00;
	[tilespmem:s12+$0x60] =	vst v59  }
0x17c: {  	[tilespmem:s12+$0xFFFFFF60] =	vst v4;
	v62 =	vld [tilespmem:s1+$0x70]  }
0x17d: {  	v60 =	vld [tilespmem:s1+$0xFFFFFF70];
	_ =	sdelay $0x1  }
0x17e: {  	v7 =	vadd.f32 v7, v58  }
0x17f: {  	v2 =	vadd.f32 v2, v61  }
.Ltmp5:
0x180: {  	v63 =	vmax.f32 v7, $0.0e+00;
	v1 =	vadd.f32 v1, v62;
	(pc) =	sbr.rel @p1 .LBB2_10-.Ltmp5, $4  }
0x181: {  	[tilespmem:s12+$0xF0] =	vst v63;
	v2 =	vmax.f32 v2, $0.0e+00;
	v3 =	vadd.f32 v3, v60  }
0x182: {  	[tilespmem:s12+$0xFFFFFFF0] =	vst v2;
	v1 =	vmax.f32 v1, $0.0e+00  }
0x183: {  	v3 =	vmax.f32 v3, $0.0e+00;
	[tilespmem:s12+$0x70] =	vst v1  }
0x184: {  	[tilespmem:s12+$0xFFFFFF70] =	vst v3  }
.Ltmp6:
0x185: {  	s1 =	sadd.s32 s20, s14;
	(pc) =	sbr.rel .LBB2_4-.Ltmp6, $4  }
0x186: {  	s1 =	sshll.u32 s1, $0xB  }
0x187: {  	s1 =	sand.u32 $0x1FFFF000, s1  }
0x188: {  	s25 =	sadd.s32 $0x1, s25;
	s1 =	sadd.s32 s4, s1  }
0x189: {  	[tilespmem:s22], [sflag:$0x3] =	stream.linear.gather [hbm4b:s1+s2], $0x4000, $0x38;
	[tilespmem:$0x1FE00] =	vst v63  }
.LBB2_10:
0x18a: {  	s1 =	stileid.u32  }
0x18b: {  	[bflag:$0x0] =	sbarrier.arrive $0xFFFF;
	s1 =	sshll.u32 s1, $0x6  }
0x18c: {  	s11 =	sshrl.u32 s6, $0x3;
	s12 =	rddreg [dreg:$0x5];
	s1 =	sor.u32 $0x1C04, s1  }
0x18d: {  	[hbm:s12], [sflag:s1] =	dma.local [spmem:s11], $0x800  }
0x18e: {  	_ =	swait.ge [sflag:s23], $0x800  }
0x18f: {  	[sflag:s23] =	ssyncset.done $0x0  }
0x190: {  	s12 =	sshrl.u32 s7, $0x3;
	s15 =	rddreg [dreg:$0x6];
	[sflag:s23] =	ssyncadd.s32 $0xFFFFF800  }
0x191: {  	[hbm:s15], [sflag:s1] =	dma.local [spmem:s12], $0x800  }
0x192: {  	_ =	swait.ge [sflag:s23], $0x800  }
0x193: {  	[sflag:s23] =	ssyncset.done $0x0  }
0x194: {  	s16 =	sshrl.u32 s8, $0x3;
	[sflag:s23] =	ssyncadd.s32 $0xFFFFF800  }
0x195: {  	[hbm:s17], [sflag:s1] =	dma.local [spmem:s16], $0x800  }
0x196: {  	_ =	swait.ge [sflag:s23], $0x800  }
0x197: {  	[sflag:s23] =	ssyncset.done $0x0  }
0x198: {  	s20 =	sshrl.u32 s9, $0x3;
	[sflag:s23] =	ssyncadd.s32 $0xFFFFF800  }
0x199: {  	[hbm:s18], [sflag:s1] =	dma.local [spmem:s20], $0x800  }
0x19a: {  	_ =	swait.ge [sflag:s23], $0x800  }
0x19b: {  	[sflag:s23] =	ssyncset.done $0x0  }
.Ltmp7:
0x19c: {  	s25 =	sshrl.u32 s10, $0x3;
	[sflag:s23] =	ssyncadd.s32 $0xFFFFF800;
	(pc) =	sbr.rel @p0 .LBB2_14-.Ltmp7, $4  }
0x19d: {  	[hbm:s19], [sflag:s1] =	dma.local [spmem:s25], $0x780  }
0x19e: {  	_ =	swait.ge [sflag:s23], $0x780  }
0x19f: {  	[sflag:s23] =	ssyncset.done $0x0  }
0x1a0: {  	s11 =	simm.s32 $0x0;
	[sflag:s23] =	ssyncadd.s32 $0xFFFFF880  }
0x1a1: {  	s1 =	sshra.s32 s11, $0x2;
	s11 =	sadd.s32 $0x200, s11  }
.LBB2_12:
0x1a2: {  	p1 =	sne.s32 s11, $0xFE00;
	[tilespmem:s1+$0x270] =	vst v0  }
0x1a3: {  	[tilespmem:s1+$0x200] =	vst v0  }
0x1a4: {  	[tilespmem:s1+$0x210] =	vst v0  }
.Ltmp8:
0x1a5: {  	[tilespmem:s1+$0x220] =	vst v0;
	(pc) =	sbr.rel @p1 .LBB2_12-.Ltmp8, $4  }
0x1a6: {  	[tilespmem:s1+$0x230] =	vst v0  }
0x1a7: {  	[tilespmem:s1+$0x240] =	vst v0  }
0x1a8: {  	[tilespmem:s1+$0x250] =	vst v0  }
0x1a9: {  	[tilespmem:s1+$0x260] =	vst v0;
	s1 =	sshra.s32 s11, $0x2;
	s11 =	sadd.s32 $0x200, s11  }
0x1aa: {  	[tilespmem:s1+$0x270] =	vst v0  }
0x1ab: {  	[tilespmem:s1+$0x200] =	vst v0  }
0x1ac: {  	[tilespmem:s1+$0x210] =	vst v0  }
0x1ad: {  	[tilespmem:s1+$0x220] =	vst v0  }
0x1ae: {  	[tilespmem:s1+$0x230] =	vst v0  }
0x1af: {  	[tilespmem:s1+$0x240] =	vst v0  }
0x1b0: {  	[tilespmem:s1+$0x250] =	vst v0  }
.Ltmp9:
0x1b1: {  	[tilespmem:s1+$0x260] =	vst v0;
	s25 =	rddreg [dreg:$0x7];
	(pc) =	sbr.rel .LBB2_14-.Ltmp9, $4  }
0x1b2: {  	[hbm4b:s25+s2] =	stream.linear.scatter [tilespmem:s22], [sflag:$0x4], $0x4000, $0x38;
	[tilespmem:$0x1FE00] =	vst v63  }
0x1b3: {  	_ =	swait.ge [sflag:s23], $0x4000  }
0x1b4: {  	[sflag:s23] =	ssyncset.done $0x0  }
0x1b5: {  	[sflag:s23] =	ssyncadd.s32 $0xFFFFC000  }
.LBB2_15:
0x1b6: {  	_ =	sfence.sel $0x180000  }
0x1b7: {  	[bflag:$0x0] =	sbarrier.arrive $0xFFFF  }
0x1b8: {  	_ =	strace $0x9000004A  }
0x1b9: {  	s0 =	stileid.u32;
	[bflag:$0x2] =	sbarrier.arrive $0xFFFF  }
0x1ba: {  	p0 =	sne.s32 s0, $0x0;
	s0 =	rddreg [dreg:$0x2]  }
0x1bb: {  	s0 =	sadd.s32 @!p0 $0x100000, s0  }
0x1bc: {  	[sflag:s0] =	ssyncadd.tile.s32 @!p0 $0x1;
	_ =	shalt  }
.Lfunc_end2:
_tile_overlayer_lowered:
.L_overlay_start_2:
0x1bd: {  	(tag) =	ssettag $0x2  }
0x1be: {  	s0 =	rddreg [dreg:$0x0];
	s2 =	stileid.u32  }
0x1bf: {  	s1 =	rddreg [dreg:$0x1];
	p0 =	sne.s32 s2, $0x0  }
0x1c0: {  	s3 =	rddreg [dreg:$0x2];
	[bflag:$0x3] =	sbarrier.arrive $0xFFFF;
	s2 =	simm.s32 @!p0 $0x1C04  }
0x1c1: {  	[timem:s3], [sflag:s2] =	dma.local @!p0 [hbm:s0], s1  }
0x1c2: {  	s0 =	simm.s32 @!p0 $0x4  }
0x1c3: {  	_ =	swait.ge @!p0 [sflag:s0], s1  }
0x1c4: {  	s1 =	ssub.s32 @!p0 $0x0, s1;
	[sflag:s0] =	ssyncset.done @!p0 $0x0  }
0x1c5: {  	[sflag:s0] =	ssyncadd.s32 @!p0 s1  }
0x1c6: {  	[bflag:$0x3] =	sbarrier.arrive $0xFFFF  }
0x1c7: {  	_ =	shalt  }

// kernel: kernel.19.cloned.1.call-start
scs
__scs_entry_jumppad:
0x0: {  	(pc) =	sbr.rel $0x88, $3  }
0x1: {  	(tag) =	ssettag $0x0;
	lr =	simm.s32 $0x1  }
0x2: {  	[smem:$0x3F89] =	sst lr;
	_ =	strace $0xD0000000  }
0x3: {  	_ = 	snop  }
0x4: {  	_ = 	snop  }
0x5: {  	_ = 	snop  }
0x6: {  	_ = 	snop  }
0x7: {  	_ = 	snop  }
__scs_overlays_trampoline_lowered:
0x8: {  	[smem:$0x3F98] =	sst s0  }
0x9: {  	[smem:$0x3F99] =	sst s1  }
0xa: {  	[smem:$0x3F9A] =	sst s2  }
0xb: {  	[smem:$0x3F9B] =	sst s3  }
0xc: {  	[smem:$0x3F9C] =	sst s4  }
0xd: {  	[smem:$0x3F9D] =	sst s5  }
0xe: {  	[smem:$0x3F9E] =	sst s6  }
0xf: {  	[smem:$0x3F9F] =	sst s7  }
0x10: {  	[smem:$0x3FA0] =	sst s8  }
0x11: {  	[smem:$0x3FA1] =	sst s9;
	s0 =	simm.s32 @!p0 $0x0  }
0x12: {  	s1 =	sld [smem:$0x3F87];
	s0 =	simm.s32 @p0 $0x1  }
0x13: {  	[smem:$0x3FA2] =	sst s0;
	s0 =	simm.s32 @!p1 $0x0  }
0x14: {  	s2 =	sld [smem:$0x3F86];
	s0 =	simm.s32 @p1 $0x1  }
0x15: {  	[smem:$0x3FA3] =	sst s0;
	s0 =	simm.s32 @!p2 $0x0  }
0x16: {  	s3 =	sld [smem:$0x3FDB];
	s0 =	simm.s32 @p2 $0x1  }
0x17: {  	s4 =	simm.s32 $0x1BF5;
	[smem:$0x3FA5] =	sst s0  }
0x18: {  	s0 =	sld [smem:$0x3F88];
	_ =	swait.ge [sflag:s4], $0x0  }
0x19: {  	s7 =	sld [smem:$0x3F89]  }
0x1a: {  	s8 =	sadd.s32 $0xFFFFE003, lr  }
0x1b: {  	s9 =	sadd.s32 $0xFFFFFEF7, lr;
	s5 =	simm.s32 $0xFFFFFFFF;
	p2 =	slt.u32 s8, $0xFFFFF086  }
0x1c: {  	p1 =	slt.u32 s9, $0xF7A;
	s5 =	simm.s32 @!p2 $0x0  }
0x1d: {  	s5 =	simm.s32 @p1 $0x1;
	p0 =	seq.s32 s7, s2  }
0x1e: {  	s7 =	smul.u32 @!p0 $0xF7A, s2;
	p2 =	seq.s32 @!p0 s5, $0x0  }
0x1f: {  	s9 =	smul.u32 $0xF7A, s1;
	s8 =	simm.s32 @!p0 $0x1BF5;
	p2 =	por !p2, p0  }
0x20: {  	[sflag:s8] =	ssyncset.s32 @!p0 $0xFFFFF086;
	s6 =	sadd.s32 @!p0 s3, s7;
	s7 =	simm.s32 @!p0 $0x108  }
0x21: {  	s3 =	sadd.s32 s3, s9;
	s6 =	sadd.s32 @!p0 $0x88, s6;
	s7 =	simm.s32 @p2 $0x1082  }
0x22: {  	[simem:s7], [sflag:s8] =	dma.local @!p0 [hbm:s6], $0xF7A  }
0x23: {  	s9 =	sor.u32 $0xD0000000, s2;
	s6 =	simm.s32 $0x108;
	_ =	swait.ge @!p0 [sflag:s8], $0x0  }
0x24: {  	s3 =	sadd.s32 $0x88, s3;
	s6 =	simm.s32 @!p1 $0x1082;
	[sflag:s4] =	ssyncset.s32 $0xFFFFF086  }
0x25: {  	[simem:s6], [sflag:s4] =	dma.local [hbm:s3], $0xF7A  }
0x26: {  	[smem:$0x3F89] =	sst s1;
	(tag) =	ssettag s2;
	_ =	strace s9  }
0x27: {  	s1 =	sld [smem:$0x3F99]  }
0x28: {  	s2 =	sld [smem:$0x3F9A]  }
0x29: {  	s4 =	sld [smem:$0x3F9C]  }
0x2a: {  	p0 =	seq.s32 s5, $0x0;
	s5 =	sld [smem:$0x3F9D]  }
0x2b: {  	s6 =	sld [smem:$0x3F9E]  }
0x2c: {  	s7 =	sld [smem:$0x3F9F]  }
0x2d: {  	s3 =	simm.s32 $0x108;
	s8 =	sld [smem:$0x3FA0]  }
0x2e: {  	s3 =	simm.s32 @!p0 $0x1082;
	s9 =	sld [smem:$0x3FA1]  }
0x2f: {  	lr =	sadd.s32 s0, s3;
	s0 =	sld [smem:$0x3F98]  }
0x30: {  	s3 =	sld [smem:$0x3F9B]  }
0x31: {  	[smem:$0x3FA4] =	sst s10  }
0x32: {  	s10 =	sld [smem:$0x3FA2];
	_ =	sdelay $0x3  }
0x33: {  	p0 =	seq.s32 s10, $0x1;
	s10 =	sld [smem:$0x3FA4];
	_ =	sdelay $0x3  }
0x34: {  	[smem:$0x3FA4] =	sst s10  }
0x35: {  	s10 =	sld [smem:$0x3FA3];
	_ =	sdelay $0x3  }
0x36: {  	p1 =	seq.s32 s10, $0x1;
	s10 =	sld [smem:$0x3FA4];
	_ =	sdelay $0x3  }
0x37: {  	[smem:$0x3FA4] =	sst s10  }
0x38: {  	s10 =	sld [smem:$0x3FA5]  }
0x39: {  	_ = 	snop;
	(pc) =	sbr.ind lr, $3  }
0x3a: {  	_ = 	snop  }
0x3b: {  	_ = 	snop  }
0x3c: {  	p2 =	seq.s32 s10, $0x1;
	s10 =	sld [smem:$0x3FA4]  }
0x3d: {  	_ =	shalt  }
0x3e: {  	_ =	shalt  }
0x3f: {  	_ =	shalt  }
0x40: {  	_ =	shalt  }
0x41: {  	_ =	shalt  }
0x42: {  	_ =	shalt  }
0x43: {  	_ =	shalt  }
0x44: {  	_ =	shalt  }
0x45: {  	_ =	shalt  }
0x46: {  	_ =	shalt  }
0x47: {  	_ =	shalt  }
0x48: {  	_ =	shalt  }
0x49: {  	_ =	shalt  }
0x4a: {  	_ =	shalt  }
0x4b: {  	_ =	shalt  }
0x4c: {  	_ =	shalt  }
0x4d: {  	_ =	shalt  }
0x4e: {  	_ =	shalt  }
0x4f: {  	_ =	shalt  }
0x50: {  	_ =	shalt  }
0x51: {  	_ =	shalt  }
0x52: {  	_ =	shalt  }
0x53: {  	_ =	shalt  }
0x54: {  	_ =	shalt  }
0x55: {  	_ =	shalt  }
0x56: {  	_ =	shalt  }
0x57: {  	_ =	shalt  }
0x58: {  	_ =	shalt  }
0x59: {  	_ =	shalt  }
0x5a: {  	_ =	shalt  }
0x5b: {  	_ =	shalt  }
0x5c: {  	_ =	shalt  }
0x5d: {  	_ =	shalt  }
0x5e: {  	_ =	shalt  }
0x5f: {  	_ =	shalt  }
0x60: {  	_ =	shalt  }
0x61: {  	_ =	shalt  }
0x62: {  	_ =	shalt  }
0x63: {  	_ =	shalt  }
0x64: {  	_ =	shalt  }
0x65: {  	_ =	shalt  }
0x66: {  	_ =	shalt  }
0x67: {  	_ =	shalt  }
0x68: {  	_ =	shalt  }
0x69: {  	_ =	shalt  }
0x6a: {  	_ =	shalt  }
0x6b: {  	_ =	shalt  }
0x6c: {  	_ =	shalt  }
0x6d: {  	_ =	shalt  }
0x6e: {  	_ =	shalt  }
0x6f: {  	_ =	shalt  }
0x70: {  	_ =	shalt  }
0x71: {  	_ =	shalt  }
0x72: {  	_ =	shalt  }
0x73: {  	_ =	shalt  }
0x74: {  	_ =	shalt  }
0x75: {  	_ =	shalt  }
0x76: {  	_ =	shalt  }
0x77: {  	_ =	shalt  }
0x78: {  	_ =	shalt  }
0x79: {  	_ =	shalt  }
0x7a: {  	_ =	shalt  }
0x7b: {  	_ =	shalt  }
0x7c: {  	_ =	shalt  }
0x7d: {  	_ =	shalt  }
0x7e: {  	_ =	shalt  }
0x7f: {  	_ =	shalt  }
0x80: {  	_ =	shalt  }
0x81: {  	_ =	shalt  }
0x82: {  	_ =	shalt  }
0x83: {  	_ =	shalt  }
0x84: {  	_ =	shalt  }
0x85: {  	_ =	shalt  }
0x86: {  	_ =	shalt  }
0x87: {  	_ =	shalt  }
.Lfunc_end0:
.L_simem_size_0:
called_computation.2_lowered:
.L_overlay_start_0:
0x88: {  	s2 =	sld [smem:$0x3FD9]  }
0x89: {  	s3 =	sld [smem:$0x3FFE];
	_ =	sdelay $0x1  }
0x8a: {  	s1 =	srdreg.scid  }
0x8b: {  	s0 =	sand.u32 $0x1, s1  }
0x8c: {  	s16 =	sshll.u32 s0, $0xA;
	s2 =	sadd.s32 s3, s2  }
0x8d: {  	s2 =	sadd.s32 s2, s16  }
0x8e: {  	[smem:$0x3FB0] =	sst s2  }
0x8f: {  	_ = 	snop  }
0x90: {  	(tm) =	ssettm $0x1  }
0x91: {  	s17 =	sld [smem:$0x3FFB];
	_ =	sdelay $0x3  }
0x92: {  	_ =	strace s17  }
0x93: {  	s2 =	sld [smem:$0x3FFC];
	_ =	sdelay $0x3  }
0x94: {  	_ =	strace s2  }
0x95: {  	s2 =	sld [smem:$0x3FFD];
	_ =	sdelay $0x3  }
0x96: {  	_ =	strace s2  }
0x97: {  	_ =	strace $0x8FFFFFFF  }
0x98: {  	s18 =	sld [smem:$0x3FDB];
	_ =	sdelay $0x1  }
0x99: {  	s19 =	simm.s32 $_scs_section_size  }
0x9a: {  	s4 =	simm.s32 $_size__tile_overlayer_lowered;
	s5 =	simm.s32 $_tile_overlayer_lowered  }
0x9b: {  	s22 =	simm.s32 $0x1BFF;
	s21 =	sshll.u32 s5, $0x1;
	s2 =	sadd.s32 s19, s18  }
0x9c: {  	s6 =	simm.s32 $0x0;
	s20 =	sshll.u32 s4, $0x1;
	s4 =	sadd.s32 s21, s2  }
0x9d: {  	[timem:s6], [sflag:s22] =	dma.local [hbm:s4], s20  }
0x9e: {  	_ =	swait.ge [sflag:s22], s20  }
0x9f: {  	s3 =	ssub.s32 $0x0, s20;
	[sflag:s22] =	ssyncset.done $0x0  }
0xa0: {  	[sflag:s22] =	ssyncadd.s32 s3;
	_ =	sdelay $0x1  }
0xa1: {  	s23 =	simm.s32 $0x1B8B  }
0xa2: {  	_ =	swait.ge [sflag:s23], $0x1  }
0xa3: {  	[sflag:s23] =	ssyncset.done $0x0  }
0xa4: {  	s25 =	simm.s32 $0x1B8E;
	s24 =	sld [smem:$0x3FFE];
	[sflag:s23] =	ssyncadd.s32 $0xFFFFFFFF  }
0xa5: {  	s26 =	simm.s32 $execute0_lowered;
	[smem:$0x3FD2] =	sst s25  }
0xa6: {  	s4 =	sshll.u32 s26, $0x1;
	_ =	strace $0x8000004C;
	[dreg:$0x1] =	wrdreg $0xFFFFFFFF  }
0xa7: {  	s28 =	simm.s32 $_size_execute0_lowered;
	s2 =	sadd.s32 s2, s4;
	[dreg:$0x0] =	wrdreg $0x0  }
0xa8: {  	s4 =	sshll.u32 s28, $0x1;
	[dreg:$0x2] =	wrdreg s2  }
0xa9: {  	[dreg:$0x3] =	wrdreg s4  }
0xaa: {  	[dreg:$0x4] =	wrdreg $0xC0  }
0xab: {  	_ =	task [dreg:s6], $0x5FFFF  }
0xac: {  	[dreg:$0x1] =	wrdreg $0xFFFFFFFF  }
0xad: {  	[dreg:$0x0] =	wrdreg $0x60  }
0xae: {  	[dreg:$0x2] =	wrdreg s24  }
0xaf: {  	[dreg:$0x3] =	wrdreg $0xC2000  }
0xb0: {  	[dreg:$0x4] =	wrdreg $0x9  }
0xb1: {  	_ =	task.clear_ibuf [dreg:s6], $0x5FFFF;
	_ =	strace $0x9000004C  }
0xb2: {  	s29 =	simm.s32 $0x9;
	_ =	strace $0x8000004E  }
0xb3: {  	_ =	swait.ge [sflag:s29], $0x1  }
0xb4: {  	[sflag:s29] =	ssyncadd.s32 $0xFFFFFFFF  }
0xb5: {  	_ =	strace $0x9000004E  }
0xb6: {  	_ =	sfence  }
0xb7: {  	s30 =	sld [smem:$0x0];
	_ =	sdelay $0x2  }
0xb8: {  	s31 =	sshll.u32 s1, $0xD;
	s1 =	sshrl.u32 s1, $0x2  }
0xb9: {  	s3 =	sand.u32 $0x4000, s31;
	s1 =	sadd.s32 s1, s30  }
0xba: {  	s0 =	sor.u32 s3, s0;
	s1 =	sshll.u32 s1, $0x11  }
0xbb: {  	s0 =	sor.u32 s1, s0  }
0xbc: {  	s0 =	sadd.s32 $0x8F2B, s0  }
0xbd: {  	[sflag:s0] =	ssyncadd.remote.s32 $0x1  }
0xbe: {  	_ =	sfence.sel $0xFFFF  }
0xbf: {  	[dreg:$0x0] =	wrdreg $0xFFFFFFFF;
	(pc) =	sbr.abs _section_cstart, $3  }
0xc0: {  	[dreg:$0x1] =	wrdreg $0xFFFFFFFF  }
0xc1: {  	_ =	task.clear_ibuf [dreg:s6], $0x2FFFF;
	_ =	strace $0x9FFFFFFF  }
0xc2: {  	(tm) =	ssettm $0x7FFFFFFF  }
0xc3: {  	_ =	shalt  }
tec
execute0_lowered:
.L_overlay_start_1:
0x0: {  	(tag) =	ssettag $0x1  }
0x1: {  	s0 =	rddreg [dreg:$0x0]  }
0x2: {  	s1 =	rddreg [dreg:$0x1];
	s2 =	srdreg.scid  }
0x3: {  	s25 =	stileid.u32;
	s28 =	simm.s32 $0x8200;
	s29 =	simm.s32 $0x3  }
0x4: {  	s30 =	simm.s32 $0x1;
	s31 =	simm.s32 $0x2;
	s11 =	sand.u32 $0x1, s2  }
0x5: {  	s2 =	simm.s32 $0x0;
	s4 =	sadd.s32 $0xFC5A00, s0;
	s6 =	smul.u32 $0x4F000, s25  }
0x6: {  	s15 =	sadd.s32 $0x7E00, s0;
	s16 =	smul.u32 $0x13C00, s25;
	p0 =	sne.s32 s25, $0xF  }
0x7: {  	s3 =	sshll.u32 s11, $0x4;
	[smem:$0x7FF] =	sst s2;
	s23 =	ssub.s32 $0x2, s11  }
0x8: {  	s26 =	smul.u32 $0x140000, s11;
	s10 =	sor.u32 s25, s3;
	_ =	strace $0x8000004D  }
0x9: {  	s3 =	sadd.s32 $0x4FDA00, s0;
	s7 =	sshrl.u32 s23, $0x1;
	s6 =	sshrl.u32 s6, $0x2  }
0xa: {  	s17 =	sadd.s32 $0x4000, s16;
	s18 =	sadd.s32 $0x8000, s16;
	s19 =	sadd.s32 $0xC000, s16  }
0xb: {  	s21 =	sadd.s32 $0x10000, s16;
	s5 =	smul.u32 $0xA00, s10;
	s20 =	ssub.s32 s23, s7  }
0xc: {  	s6 =	sadd.s32 s6, s1;
	s7 =	sadd.s32 s17, s1;
	s8 =	sadd.s32 s18, s1  }
0xd: {  	s9 =	sadd.s32 s19, s1;
	s13 =	smul.u32 $0x28000, s10;
	s16 =	sadd.s32 s16, s26  }
0xe: {  	s17 =	sadd.s32 s26, s17;
	s18 =	sadd.s32 s26, s18;
	s23 =	sadd.s32 s26, s19  }
0xf: {  	s11 =	sshrl.u32 s17, $0x3;
	s12 =	sadd.s32 s5, s0;
	s5 =	smul.u32 $0x50, s10  }
0x10: {  	s10 =	sadd.s32 s21, s1;
	s14 =	sadd.s32 s4, s13;
	s13 =	sadd.s32 $0x4E9A20, s0  }
0x11: {  	s0 =	sshrl.u32 s16, $0x3;
	s22 =	sadd.s32 s15, s11;
	s1 =	sshrl.u32 s26, $0x3  }
0x12: {  	s24 =	sadd.s32 $0x4E9A00, s12;
	[dreg:$0x4] =	wrdreg s14;
	s12 =	sshrl.u32 s18, $0x3  }
0x13: {  	s0 =	sadd.s32 s15, s0;
	[dreg:$0x6] =	wrdreg s22;
	s1 =	sadd.s32 s15, s1  }
0x14: {  	s22 =	simm.s32 $0x200;
	[dreg:$0x3] =	wrdreg s24;
	s14 =	sor.u32 $0x2, s5  }
.Ltmp0:
0x15: {  	[dreg:$0x5] =	wrdreg s0;
	s17 =	sadd.s32 s15, s12;
	(pc) =	sbr.rel .LBB2_1-.Ltmp0, $4  }
0x16: {  	s24 =	sadd.s32 s26, s21;
	s0 =	sshrl.u32 s23, $0x3;
	s26 =	sadd.s32 $0x27800, s1  }
0x17: {  	s21 =	smax.u32 s20, $0x1;
	s23 =	simm.s32 $0x4;
	s11 =	sshrl.u32 s24, $0x3  }
0x18: {  	s18 =	sadd.s32 s15, s0;
	[dreg:$0x7] =	wrdreg s26;
	s24 =	simm.s32 $0x80  }
0x19: {  	v0 =	vimm.f32 $0.0e+00;
	s26 =	simm.s32 $0x100;
	s0 =	simm.s32 $0x0;
	s19 =	sadd.s32 s15, s11  }
.LBB2_14:
0x1a: {  	s0 =	sadd.s32 $0x1, s0  }
0x1b: {  	p1 =	sne.s32 s0, s21  }
.Ltmp1:
0x1c: {  	_ = 	snop;
	(pc) =	sbr.rel @!p1 .LBB2_15-.Ltmp1, $1  }
0x1d: {  	_ =	sdelay $0x3  }
.LBB2_1:
0x1e: {  	s1 =	simm.s32 $0x0;
	s11 =	simm.s32 $0x200  }
.LBB2_2:
0x1f: {  	p1 =	sne.s32 s11, $0xFE00;
	[tilespmem:s1+$0x270] =	vst v0  }
0x20: {  	[tilespmem:s1+$0x200] =	vst v0  }
0x21: {  	[tilespmem:s1+$0x210] =	vst v0  }
.Ltmp2:
0x22: {  	[tilespmem:s1+$0x220] =	vst v0;
	(pc) =	sbr.rel @p1 .LBB2_2-.Ltmp2, $4  }
0x23: {  	[tilespmem:s1+$0x230] =	vst v0  }
0x24: {  	[tilespmem:s1+$0x240] =	vst v0  }
0x25: {  	[tilespmem:s1+$0x250] =	vst v0  }
0x26: {  	[tilespmem:s1+$0x260] =	vst v0;
	s1 =	sshra.s32 s11, $0x2;
	s11 =	sadd.s32 $0x200, s11  }
0x27: {  	[tilespmem:s1+$0x270] =	vst v0  }
0x28: {  	[tilespmem:s1+$0x200] =	vst v0  }
0x29: {  	[tilespmem:s1+$0x210] =	vst v0  }
0x2a: {  	[tilespmem:s1+$0x220] =	vst v0  }
0x2b: {  	[tilespmem:s1+$0x230] =	vst v0  }
0x2c: {  	[tilespmem:s1+$0x240] =	vst v0  }
0x2d: {  	[tilespmem:s1+$0x250] =	vst v0  }
0x2e: {  	[tilespmem:s1+$0x260] =	vst v0  }
0x2f: {  	[spmem:s6] =	stream.linear.scatter [tilespmem:s22], [sflag:$0x4], $0x4000, $0x38;
	[tilespmem:$0x1FE00] =	vst v63  }
0x30: {  	_ =	swait.ge [sflag:s23], $0x4000  }
0x31: {  	[sflag:s23] =	ssyncset.done $0x0  }
0x32: {  	[sflag:s23] =	ssyncadd.s32 $0xFFFFC000  }
0x33: {  	[spmem:s7] =	stream.linear.scatter [tilespmem:s22], [sflag:$0x4], $0x4000, $0x38;
	[tilespmem:$0x1FE00] =	vst v63  }
0x34: {  	_ =	swait.ge [sflag:s23], $0x4000  }
0x35: {  	[sflag:s23] =	ssyncset.done $0x0  }
0x36: {  	[sflag:s23] =	ssyncadd.s32 $0xFFFFC000  }
0x37: {  	[spmem:s8] =	stream.linear.scatter [tilespmem:s22], [sflag:$0x4], $0x4000, $0x38;
	[tilespmem:$0x1FE00] =	vst v63  }
0x38: {  	_ =	swait.ge [sflag:s23], $0x4000  }
0x39: {  	[sflag:s23] =	ssyncset.done $0x0  }
0x3a: {  	[sflag:s23] =	ssyncadd.s32 $0xFFFFC000  }
0x3b: {  	[spmem:s9] =	stream.linear.scatter [tilespmem:s22], [sflag:$0x4], $0x4000, $0x38;
	[tilespmem:$0x1FE00] =	vst v63  }
0x3c: {  	_ =	swait.ge [sflag:s23], $0x4000  }
0x3d: {  	[sflag:s23] =	ssyncset.done $0x0  }
0x3e: {  	[sflag:s23] =	ssyncadd.s32 $0xFFFFC000  }
0x3f: {  	[spmem:s10] =	stream.linear.scatter [tilespmem:s22], [sflag:$0x4], $0x3C00, $0x38;
	[tilespmem:$0x1FE00] =	vst v63  }
0x40: {  	_ =	swait.ge [sflag:s23], $0x3C00  }
0x41: {  	[sflag:s23] =	ssyncset.done $0x0  }
0x42: {  	[sflag:s23] =	ssyncadd.s32 $0xFFFFC400  }
0x43: {  	[bflag:$0x0] =	sbarrier.arrive $0xFFFF  }
0x44: {  	s25 =	simm.s32 $0x0;
	s15 =	rddreg [dreg:$0x3]  }
0x45: {  	[tilespmem:s25], [sflag:$0x4] =	stream.linear.gather [hbm4b:s15+s25], $0x100, $0x38;
	[tilespmem:$0x1FE00] =	vst v63  }
0x46: {  	_ =	swait.ge [sflag:s23], $0x100  }
0x47: {  	[sflag:s23] =	ssyncset.done $0x0  }
0x48: {  	s16 =	simm.s32 $0x4200;
	[sflag:s23] =	ssyncadd.s32 $0xFFFFFF00  }
0x49: {  	[tilespmem:s16], [sflag:$0x1] =	stream.indirect.gather [hbm4b:s3+s24], $0x80, s25, s24, $0xb8;
	[tilespmem:$0x1FE00] =	vst v63  }
0x4a: {  	s20 =	rddreg [dreg:$0x4]  }
0x4b: {  	[tilespmem:s22], [sflag:$0x3] =	stream.linear.gather [hbm4b:s20+s25], $0x4000, $0x38;
	[tilespmem:$0x1FE00] =	vst v63  }
.LBB2_4:
0x4c: {  	s20 =	sshll.u32 s25, $0x1  }
0x4d: {  	s1 =	sadd.s32 s5, s20  }
0x4e: {  	s1 =	sshll.u32 s1, $0x5  }
0x4f: {  	s1 =	sadd.s32 s1, s13  }
0x50: {  	[tilespmem:s26], [sflag:$0x4] =	stream.linear.gather [hbm4b:s1+s2], $0x100, $0x38;
	[tilespmem:$0x1FE00] =	vst v63  }
0x51: {  	_ =	swait.ge [sflag:s23], $0x100  }
0x52: {  	[sflag:s23] =	ssyncset.done $0x0  }
0x53: {  	[sflag:s23] =	ssyncadd.s32 $0xFFFFFF00  }
0x54: {  	[tilespmem:s28], [sflag:$0x2] =	stream.indirect.gather [hbm4b:s3+s24], $0x80, s26, s24, $0xb8;
	[tilespmem:$0x1FE00] =	vst v63  }
0x55: {  	_ =	swait.ge [sflag:s29], $0x4000  }
0x56: {  	[sflag:s29] =	ssyncset.done $0x0  }
0x57: {  	[sflag:s29] =	ssyncadd.s32 $0xFFFFC000  }
0x58: {  	_ =	swait.ge [sflag:s30], $0x4000  }
0x59: {  	[sflag:s30] =	ssyncset.done $0x0  }
0x5a: {  	s1 =	simm.s32 $0x4300;
	[sflag:s30] =	ssyncadd.s32 $0xFFFFC000  }
0x5b: {  	s11 =	simm.s32 $0x300;
	v1 =	vld [tilespmem:s1+$0x80]  }
0x5c: {  	v2 =	vld [tilespmem:s11+$0x80]  }
0x5d: {  	v3 =	vld [tilespmem:s11+$0xFFFFFF00]  }
0x5e: {  	v4 =	vld [tilespmem:s1+$0xFFFFFF80]  }
0x5f: {  	v5 =	vld [tilespmem:s11+$0xFFFFFF80]  }
0x60: {  	v6 =	vld [tilespmem:s11+$0x0]  }
0x61: {  	v1 =	vadd.f32 v2, v1;
	v2 =	vld [tilespmem:s1+$0x0]  }
0x62: {  	v7 =	vld [tilespmem:s1+$0xFFFFFF00]  }
0x63: {  	v1 =	vmax.f32 v1, $0.0e+00  }
0x64: {  	v4 =	vadd.f32 v5, v4;
	[tilespmem:s11+$0x80] =	vst v1;
	v1 =	vld [tilespmem:s11+$0x90]  }
0x65: {  	v8 =	vld [tilespmem:s1+$0x90]  }
0x66: {  	v9 =	vld [tilespmem:s11+$0xFFFFFF90];
	v4 =	vmax.f32 v4, $0.0e+00;
	v2 =	vadd.f32 v6, v2  }
0x67: {  	v5 =	vld [tilespmem:s11+$0xFFFFFF10];
	v3 =	vadd.f32 v3, v7;
	[tilespmem:s11+$0xFFFFFF80] =	vst v4  }
0x68: {  	v6 =	vld [tilespmem:s1+$0xFFFFFF90];
	v2 =	vmax.f32 v2, $0.0e+00  }
0x69: {  	v3 =	vmax.f32 v3, $0.0e+00;
	v4 =	vld [tilespmem:s11+$0x10];
	[tilespmem:s11+$0x0] =	vst v2  }
0x6a: {  	[tilespmem:s11+$0xFFFFFF00] =	vst v3;
	v1 =	vadd.f32 v1, v8;
	v2 =	vld [tilespmem:s1+$0x10]  }
0x6b: {  	v3 =	vld [tilespmem:s1+$0xFFFFFF10]  }
0x6c: {  	v1 =	vmax.f32 v1, $0.0e+00  }
0x6d: {  	v6 =	vadd.f32 v9, v6;
	[tilespmem:s11+$0x90] =	vst v1;
	v1 =	vld [tilespmem:s11+$0xA0]  }
0x6e: {  	v8 =	vld [tilespmem:s1+$0xA0]  }
0x6f: {  	v7 =	vld [tilespmem:s11+$0xFFFFFF20];
	v6 =	vmax.f32 v6, $0.0e+00;
	v2 =	vadd.f32 v4, v2  }
0x70: {  	v3 =	vadd.f32 v5, v3;
	v9 =	vld [tilespmem:s11+$0xFFFFFFA0];
	[tilespmem:s11+$0xFFFFFF90] =	vst v6  }
0x71: {  	v5 =	vld [tilespmem:s1+$0xFFFFFFA0];
	v2 =	vmax.f32 v2, $0.0e+00  }
0x72: {  	v3 =	vmax.f32 v3, $0.0e+00;
	v4 =	vld [tilespmem:s11+$0x20];
	[tilespmem:s11+$0x10] =	vst v2  }
0x73: {  	[tilespmem:s11+$0xFFFFFF10] =	vst v3;
	v1 =	vadd.f32 v1, v8;
	v2 =	vld [tilespmem:s1+$0x20]  }
0x74: {  	v3 =	vld [tilespmem:s1+$0xFFFFFF20]  }
0x75: {  	v1 =	vmax.f32 v1, $0.0e+00  }
0x76: {  	v5 =	vadd.f32 v9, v5;
	[tilespmem:s11+$0xA0] =	vst v1;
	v1 =	vld [tilespmem:s11+$0xB0]  }
0x77: {  	v8 =	vld [tilespmem:s1+$0xB0]  }
0x78: {  	v10 =	vld [tilespmem:s11+$0x30];
	v5 =	vmax.f32 v5, $0.0e+00;
	v2 =	vadd.f32 v4, v2  }
0x79: {  	v3 =	vadd.f32 v7, v3;
	v9 =	vld [tilespmem:s11+$0xFFFFFFB0];
	[tilespmem:s11+$0xFFFFFFA0] =	vst v5  }
0x7a: {  	v4 =	vld [tilespmem:s1+$0xFFFFFFB0];
	v2 =	vmax.f32 v2, $0.0e+00  }
0x7b: {  	v6 =	vld [tilespmem:s11+$0xFFFFFF30];
	[tilespmem:s11+$0x20] =	vst v2;
	v2 =	vmax.f32 v3, $0.0e+00  }
0x7c: {  	v1 =	vadd.f32 v1, v8;
	[tilespmem:s11+$0xFFFFFF20] =	vst v2;
	v2 =	vld [tilespmem:s1+$0x30]  }
0x7d: {  	v7 =	vld [tilespmem:s1+$0xFFFFFF30]  }
0x7e: {  	v11 =	vld [tilespmem:s11+$0xFFFFFF40];
	v1 =	vmax.f32 v1, $0.0e+00  }
0x7f: {  	v4 =	vadd.f32 v9, v4;
	[tilespmem:s11+$0xB0] =	vst v1;
	v1 =	vld [tilespmem:s11+$0xC0]  }
0x80: {  	v8 =	vld [tilespmem:s1+$0xC0]  }
0x81: {  	v12 =	vld [tilespmem:s11+$0xFFFFFFD0];
	v4 =	vmax.f32 v4, $0.0e+00;
	v2 =	vadd.f32 v10, v2  }
0x82: {  	v5 =	vld [tilespmem:s11+$0xFFFFFFC0];
	[tilespmem:s11+$0xFFFFFFB0] =	vst v4;
	v6 =	vadd.f32 v6, v7  }
0x83: {  	v7 =	vld [tilespmem:s1+$0xFFFFFFC0];
	v2 =	vmax.f32 v2, $0.0e+00  }
0x84: {  	v3 =	vld [tilespmem:s11+$0x40];
	[tilespmem:s11+$0x30] =	vst v2;
	v2 =	vmax.f32 v6, $0.0e+00  }
0x85: {  	v1 =	vadd.f32 v1, v8;
	v6 =	vld [tilespmem:s1+$0x40];
	[tilespmem:s11+$0xFFFFFF30] =	vst v2  }
0x86: {  	v2 =	vld [tilespmem:s1+$0xFFFFFF40]  }
0x87: {  	v9 =	vld [tilespmem:s11+$0xFFFFFF50];
	v1 =	vmax.f32 v1, $0.0e+00  }
0x88: {  	[tilespmem:s11+$0xC0] =	vst v1;
	v1 =	vadd.f32 v5, v7;
	v7 =	vld [tilespmem:s11+$0xD0]  }
0x89: {  	v8 =	vld [tilespmem:s1+$0xD0]  }
0x8a: {  	v4 =	vld [tilespmem:s11+$0xFFFFFF60];
	v1 =	vmax.f32 v1, $0.0e+00;
	v3 =	vadd.f32 v3, v6  }
0x8b: {  	v10 =	vld [tilespmem:s11+$0x50];
	[tilespmem:s11+$0xFFFFFFC0] =	vst v1;
	v1 =	vadd.f32 v11, v2  }
0x8c: {  	v2 =	vld [tilespmem:s1+$0xFFFFFFD0];
	v3 =	vmax.f32 v3, $0.0e+00  }
0x8d: {  	v5 =	vld [tilespmem:s11+$0xFFFFFFE0];
	[tilespmem:s11+$0x40] =	vst v3;
	v1 =	vmax.f32 v1, $0.0e+00  }
0x8e: {  	v3 =	vld [tilespmem:s1+$0x50];
	v7 =	vadd.f32 v7, v8;
	[tilespmem:s11+$0xFFFFFF40] =	vst v1  }
0x8f: {  	v1 =	vld [tilespmem:s1+$0xFFFFFF50]  }
0x90: {  	v6 =	vld [tilespmem:s11+$0x60];
	v7 =	vmax.f32 v7, $0.0e+00  }
0x91: {  	v2 =	vadd.f32 v12, v2;
	[tilespmem:s11+$0xD0] =	vst v7;
	v7 =	vld [tilespmem:s11+$0xE0]  }
0x92: {  	v11 =	vld [tilespmem:s1+$0xE0]  }
0x93: {  	v2 =	vmax.f32 v2, $0.0e+00;
	v8 =	vadd.f32 v10, v3;
	v3 =	vld [tilespmem:s11+$0xFFFFFF70]  }
0x94: {  	[tilespmem:s11+$0xFFFFFFD0] =	vst v2;
	v1 =	vadd.f32 v9, v1;
	v2 =	vld [tilespmem:s11+$0xFFFFFFF0]  }
0x95: {  	v9 =	vmax.f32 v8, $0.0e+00;
	v8 =	vld [tilespmem:s1+$0xFFFFFFE0]  }
0x96: {  	[tilespmem:s11+$0x50] =	vst v9;
	v9 =	vmax.f32 v1, $0.0e+00;
	v1 =	vld [tilespmem:s11+$0x70]  }
0x97: {  	[tilespmem:s11+$0xFFFFFF50] =	vst v9;
	v9 =	vld [tilespmem:s1+$0x60];
	v7 =	vadd.f32 v7, v11  }
0x98: {  	v10 =	vld [tilespmem:s1+$0xFFFFFF60]  }
0x99: {  	s15 =	simm.s32 $0x0;
	s16 =	simm.s32 $0x4500;
	s12 =	simm.s32 $0x300;
	v11 =	vmax.f32 v7, $0.0e+00;
	v7 =	vld [tilespmem:s11+$0xF0]  }
.LBB2_5:
0x9a: {  	v12 =	vld [tilespmem:s16+$0x80];
	v5 =	vadd.f32 v5, v8;
	[tilespmem:s11+$0xE0] =	vst v11  }
0x9b: {  	s11 =	sadd.s32 $0x200, s11;
	v8 =	vld [tilespmem:s1+$0xF0]  }
0x9c: {  	s15 =	sadd.s32 $0x4, s15;
	v11 =	vld [tilespmem:s11+$0x80];
	v5 =	vmax.f32 v5, $0.0e+00;
	v6 =	vadd.f32 v6, v9  }
0x9d: {  	p1 =	slt.u32 s15, $0x7C;
	v9 =	vld [tilespmem:s11+$0xFFFFFF00];
	v4 =	vadd.f32 v4, v10;
	[tilespmem:s12+$0xFFFFFFE0] =	vst v5  }
0x9e: {  	v5 =	vld [tilespmem:s16+$0xFFFFFF80];
	v6 =	vmax.f32 v6, $0.0e+00  }
0x9f: {  	v10 =	vld [tilespmem:s11+$0xFFFFFF80];
	v4 =	vmax.f32 v4, $0.0e+00;
	[tilespmem:s12+$0x60] =	vst v6  }
0xa0: {  	v6 =	vld [tilespmem:s16+$0x0];
	[tilespmem:s12+$0xFFFFFF60] =	vst v4;
	v4 =	vadd.f32 v7, v8  }
0xa1: {  	v7 =	vld [tilespmem:s11+$0x0];
	v8 =	vadd.f32 v11, v12  }
0xa2: {  	v11 =	vld [tilespmem:s16+$0xFFFFFF00];
	v4 =	vmax.f32 v4, $0.0e+00  }
0xa3: {  	v12 =	vld [tilespmem:s11+$0xFFFFFF10];
	v8 =	vmax.f32 v8, $0.0e+00;
	[tilespmem:s12+$0xF0] =	vst v4  }
0xa4: {  	v4 =	vadd.f32 v10, v5;
	[tilespmem:s11+$0x80] =	vst v8;
	v5 =	vld [tilespmem:s11+$0x90]  }
0xa5: {  	v8 =	vld [tilespmem:s16+$0x90]  }
0xa6: {  	v4 =	vmax.f32 v4, $0.0e+00;
	v10 =	vld [tilespmem:s11+$0xFFFFFF90];
	v6 =	vadd.f32 v7, v6  }
0xa7: {  	v7 =	vadd.f32 v9, v11;
	[tilespmem:s11+$0xFFFFFF80] =	vst v4;
	v4 =	vld [tilespmem:s11+$0x10]  }
0xa8: {  	v9 =	vld [tilespmem:s16+$0xFFFFFF90];
	v6 =	vmax.f32 v6, $0.0e+00  }
0xa9: {  	v7 =	vmax.f32 v7, $0.0e+00;
	v11 =	vld [tilespmem:s11+$0xFFFFFF20];
	[tilespmem:s11+$0x0] =	vst v6  }
0xaa: {  	[tilespmem:s11+$0xFFFFFF00] =	vst v7;
	v6 =	vld [tilespmem:s16+$0x10];
	v5 =	vadd.f32 v5, v8  }
0xab: {  	v7 =	vld [tilespmem:s16+$0xFFFFFF10]  }
0xac: {  	v8 =	vld [tilespmem:s11+$0xFFFFFFA0];
	v5 =	vmax.f32 v5, $0.0e+00  }
0xad: {  	v9 =	vadd.f32 v10, v9;
	[tilespmem:s11+$0x90] =	vst v5;
	v5 =	vld [tilespmem:s11+$0xA0]  }
0xae: {  	v10 =	vld [tilespmem:s16+$0xA0]  }
0xaf: {  	v9 =	vmax.f32 v9, $0.0e+00;
	v4 =	vadd.f32 v4, v6;
	v6 =	vld [tilespmem:s11+$0x20]  }
0xb0: {  	v7 =	vadd.f32 v12, v7;
	v12 =	vld [tilespmem:s11+$0xFFFFFF30];
	[tilespmem:s11+$0xFFFFFF90] =	vst v9  }
0xb1: {  	v9 =	vld [tilespmem:s16+$0xFFFFFFA0];
	v4 =	vmax.f32 v4, $0.0e+00  }
0xb2: {  	v7 =	vmax.f32 v7, $0.0e+00;
	v13 =	vld [tilespmem:s11+$0xFFFFFFB0];
	[tilespmem:s11+$0x10] =	vst v4  }
0xb3: {  	[tilespmem:s11+$0xFFFFFF10] =	vst v7;
	v4 =	vld [tilespmem:s16+$0x20];
	v5 =	vadd.f32 v5, v10  }
0xb4: {  	v7 =	vld [tilespmem:s16+$0xFFFFFF20]  }
0xb5: {  	v10 =	vld [tilespmem:s11+$0x30];
	v5 =	vmax.f32 v5, $0.0e+00  }
0xb6: {  	v8 =	vadd.f32 v8, v9;
	[tilespmem:s11+$0xA0] =	vst v5;
	v5 =	vld [tilespmem:s11+$0xB0]  }
0xb7: {  	v9 =	vld [tilespmem:s16+$0xB0]  }
0xb8: {  	v14 =	vld [tilespmem:s11+$0xFFFFFF40];
	v8 =	vmax.f32 v8, $0.0e+00;
	v4 =	vadd.f32 v6, v4  }
0xb9: {  	v6 =	vadd.f32 v11, v7;
	[tilespmem:s11+$0xFFFFFFA0] =	vst v8;
	v7 =	vld [tilespmem:s11+$0xFFFFFFC0]  }
0xba: {  	v8 =	vld [tilespmem:s16+$0xFFFFFFB0];
	v4 =	vmax.f32 v4, $0.0e+00  }
0xbb: {  	v6 =	vmax.f32 v6, $0.0e+00;
	[tilespmem:s11+$0x20] =	vst v4;
	v11 =	vld [tilespmem:s11+$0x40]  }
0xbc: {  	[tilespmem:s11+$0xFFFFFF20] =	vst v6;
	v4 =	vld [tilespmem:s16+$0x30];
	v5 =	vadd.f32 v5, v9  }
0xbd: {  	v6 =	vld [tilespmem:s16+$0xFFFFFF30]  }
0xbe: {  	v9 =	vld [tilespmem:s11+$0xFFFFFF50];
	v5 =	vmax.f32 v5, $0.0e+00  }
0xbf: {  	v8 =	vadd.f32 v13, v8;
	[tilespmem:s11+$0xB0] =	vst v5;
	v5 =	vld [tilespmem:s11+$0xC0]  }
0xc0: {  	v13 =	vld [tilespmem:s16+$0xC0]  }
0xc1: {  	v8 =	vmax.f32 v8, $0.0e+00;
	v15 =	vld [tilespmem:s11+$0xFFFFFFD0];
	v4 =	vadd.f32 v10, v4  }
0xc2: {  	v6 =	vadd.f32 v12, v6;
	[tilespmem:s11+$0xFFFFFFB0] =	vst v8;
	v8 =	vld [tilespmem:s11+$0x50]  }
0xc3: {  	v10 =	vld [tilespmem:s16+$0xFFFFFFC0];
	v12 =	vmax.f32 v4, $0.0e+00  }
0xc4: {  	v6 =	vmax.f32 v6, $0.0e+00;
	v4 =	vld [tilespmem:s11+$0xFFFFFF60];
	[tilespmem:s11+$0x30] =	vst v12  }
0xc5: {  	[tilespmem:s11+$0xFFFFFF30] =	vst v6;
	v6 =	vld [tilespmem:s16+$0x40];
	v12 =	vadd.f32 v5, v13  }
0xc6: {  	v13 =	vld [tilespmem:s16+$0xFFFFFF40]  }
0xc7: {  	v5 =	vld [tilespmem:s11+$0xFFFFFFE0];
	v12 =	vmax.f32 v12, $0.0e+00  }
0xc8: {  	v7 =	vadd.f32 v7, v10;
	[tilespmem:s11+$0xC0] =	vst v12;
	v10 =	vld [tilespmem:s11+$0xD0]  }
0xc9: {  	v12 =	vld [tilespmem:s16+$0xD0]  }
0xca: {  	v7 =	vmax.f32 v7, $0.0e+00;
	v11 =	vadd.f32 v11, v6;
	v6 =	vld [tilespmem:s11+$0x60]  }
0xcb: {  	v13 =	vadd.f32 v14, v13;
	[tilespmem:s11+$0xFFFFFFC0] =	vst v7;
	v7 =	vld [tilespmem:s1+$0xFFFFFF70]  }
0xcc: {  	v14 =	vld [tilespmem:s16+$0xFFFFFFD0];
	v11 =	vmax.f32 v11, $0.0e+00  }
0xcd: {  	v13 =	vmax.f32 v13, $0.0e+00;
	[tilespmem:s11+$0x40] =	vst v11;
	v11 =	vld [tilespmem:s1+$0xFFFFFFF0]  }
0xce: {  	[tilespmem:s11+$0xFFFFFF40] =	vst v13;
	v13 =	vld [tilespmem:s16+$0x50];
	v10 =	vadd.f32 v10, v12  }
0xcf: {  	v12 =	vld [tilespmem:s16+$0xFFFFFF50]  }
0xd0: {  	v10 =	vmax.f32 v10, $0.0e+00;
	v3 =	vadd.f32 v3, v7;
	v7 =	vld [tilespmem:s1+$0x70];
	s1 =	smov.u32 s16  }
0xd1: {  	v14 =	vadd.f32 v15, v14;
	[tilespmem:s11+$0xD0] =	vst v10;
	v10 =	vld [tilespmem:s11+$0xE0]  }
0xd2: {  	v15 =	vld [tilespmem:s16+$0xE0];
	v16 =	vmax.f32 v3, $0.0e+00;
	v11 =	vadd.f32 v2, v11  }
0xd3: {  	v3 =	vld [tilespmem:s11+$0xFFFFFF70];
	v2 =	vmax.f32 v14, $0.0e+00;
	v13 =	vadd.f32 v8, v13;
	[tilespmem:s12+$0xFFFFFF70] =	vst v16  }
0xd4: {  	v9 =	vadd.f32 v9, v12;
	[tilespmem:s11+$0xFFFFFFD0] =	vst v2;
	v2 =	vld [tilespmem:s11+$0xFFFFFFF0];
	v11 =	vmax.f32 v11, $0.0e+00  }
.Ltmp3:
0xd5: {  	v8 =	vld [tilespmem:s16+$0xFFFFFFE0];
	v12 =	vmax.f32 v13, $0.0e+00;
	[tilespmem:s12+$0xFFFFFFF0] =	vst v11;
	v7 =	vadd.f32 v1, v7;
	(pc) =	sbr.rel @p1 .LBB2_5-.Ltmp3, $4  }
0xd6: {  	v9 =	vmax.f32 v9, $0.0e+00;
	[tilespmem:s11+$0x50] =	vst v12;
	v1 =	vld [tilespmem:s11+$0x70]  }
0xd7: {  	[tilespmem:s11+$0xFFFFFF50] =	vst v9;
	v9 =	vld [tilespmem:s16+$0x60];
	v11 =	vadd.f32 v10, v15;
	v7 =	vmax.f32 v7, $0.0e+00  }
0xd8: {  	v10 =	vld [tilespmem:s16+$0xFFFFFF60];
	[tilespmem:s12+$0x70] =	vst v7;
	s12 =	smov.u32 s11  }
0xd9: {  	s16 =	sadd.s32 $0x200, s16;
	v11 =	vmax.f32 v11, $0.0e+00;
	v7 =	vld [tilespmem:s11+$0xF0]  }
0xda: {  	_ =	sdelay $0x2  }
0xdb: {  	v4 =	vadd.f32 v4, v10  }
0xdc: {  	v5 =	vadd.f32 v5, v8  }
0xdd: {  	[tilespmem:s11+$0xE0] =	vst v11;
	v6 =	vadd.f32 v6, v9;
	v4 =	vmax.f32 v4, $0.0e+00  }
0xde: {  	v8 =	vld [tilespmem:s1+$0xF0];
	v5 =	vmax.f32 v5, $0.0e+00;
	[tilespmem:s12+$0xFFFFFF60] =	vst v4  }
0xdf: {  	[tilespmem:s12+$0xFFFFFFE0] =	vst v5;
	v4 =	vmax.f32 v6, $0.0e+00;
	v5 =	vld [tilespmem:s1+$0xFFFFFF70]  }
0xe0: {  	[tilespmem:s12+$0x60] =	vst v4;
	v4 =	vld [tilespmem:s1+$0xFFFFFFF0]  }
0xe1: {  	v6 =	vld [tilespmem:s1+$0x70];
	_ =	sdelay $0x1  }
0xe2: {  	v7 =	vadd.f32 v7, v8  }
0xe3: {  	v3 =	vadd.f32 v3, v5  }
0xe4: {  	s15 =	sadd.s32 s20, s5;
	v5 =	vmax.f32 v7, $0.0e+00;
	v2 =	vadd.f32 v2, v4  }
0xe5: {  	s1 =	sadd.s32 $0x1, s15;
	[tilespmem:s12+$0xF0] =	vst v5;
	v1 =	vadd.f32 v1, v6;
	v3 =	vmax.f32 v3, $0.0e+00  }
0xe6: {  	s16 =	sshll.u32 s1, $0xB;
	v2 =	vmax.f32 v2, $0.0e+00;
	[tilespmem:s12+$0xFFFFFF70] =	vst v3  }
0xe7: {  	p1 =	seq.s32 s25, $0x27;
	s11 =	sand.u32 $0x1FFFF800, s16;
	[tilespmem:s12+$0xFFFFFFF0] =	vst v2;
	v1 =	vmax.f32 v1, $0.0e+00  }
0xe8: {  	s1 =	sshll.u32 @!p1 s1, $0x5;
	s11 =	sadd.s32 s4, s11;
	[tilespmem:s12+$0x70] =	vst v1  }
0xe9: {  	[tilespmem:s22], [sflag:$0x3] =	stream.linear.gather [hbm4b:s11+s2], $0x4000, $0x38;
	[tilespmem:$0x1FE00] =	vst v63  }
0xea: {  	s1 =	sadd.s32 @!p1 s1, s13;
	s11 =	simm.s32 @!p1 $0x0  }
0xeb: {  	[tilespmem:s11], [sflag:$0x4] =	stream.linear.gather @!p1 [hbm4b:s1+s11], $0x100, $0x38;
	[tilespmem:$0x1FE00] =	vst v63  }
0xec: {  	s1 =	simm.s32 @!p1 $0x4  }
0xed: {  	_ =	swait.ge @!p1 [sflag:s1], $0x100  }
0xee: {  	[sflag:s1] =	ssyncset.done @!p1 $0x0  }
0xef: {  	s12 =	simm.s32 @!p1 $0x4200;
	[sflag:s1] =	ssyncadd.s32 @!p1 $0xFFFFFF00;
	s1 =	simm.s32 @!p1 $0x80  }
0xf0: {  	[tilespmem:s12], [sflag:$0x1] =	stream.indirect.gather @!p1 [hbm4b:s3+s1], $0x80, s11, s1, $0xb8;
	[tilespmem:$0x1FE00] =	vst v63  }
0xf1: {  	_ =	swait.ge [sflag:s29], $0x4000  }
0xf2: {  	[sflag:s29] =	ssyncset.done $0x0  }
0xf3: {  	[sflag:s29] =	ssyncadd.s32 $0xFFFFC000  }
0xf4: {  	_ =	swait.ge [sflag:s31], $0x4000  }
0xf5: {  	[sflag:s31] =	ssyncset.done $0x0  }
0xf6: {  	s1 =	simm.s32 $0x8300;
	[sflag:s31] =	ssyncadd.s32 $0xFFFFC000  }
0xf7: {  	s11 =	simm.s32 $0x300;
	v1 =	vld [tilespmem:s1+$0x80]  }
0xf8: {  	v2 =	vld [tilespmem:s11+$0x80]  }
0xf9: {  	v3 =	vld [tilespmem:s11+$0xFFFFFF00]  }
0xfa: {  	v4 =	vld [tilespmem:s1+$0xFFFFFF80]  }
0xfb: {  	v5 =	vld [tilespmem:s11+$0xFFFFFF80]  }
0xfc: {  	v6 =	vld [tilespmem:s11+$0x0]  }
0xfd: {  	v1 =	vadd.f32 v2, v1;
	v2 =	vld [tilespmem:s1+$0x0]  }
0xfe: {  	v7 =	vld [tilespmem:s1+$0xFFFFFF00]  }
0xff: {  	v1 =	vmax.f32 v1, $0.0e+00  }
0x100: {  	v4 =	vadd.f32 v5, v4;
	[tilespmem:s11+$0x80] =	vst v1;
	v1 =	vld [tilespmem:s11+$0x90]  }
0x101: {  	v8 =	vld [tilespmem:s1+$0x90]  }
0x102: {  	v9 =	vld [tilespmem:s11+$0xFFFFFF90];
	v4 =	vmax.f32 v4, $0.0e+00;
	v2 =	vadd.f32 v6, v2  }
0x103: {  	v5 =	vld [tilespmem:s11+$0xFFFFFF10];
	v3 =	vadd.f32 v3, v7;
	[tilespmem:s11+$0xFFFFFF80] =	vst v4  }
0x104: {  	v6 =	vld [tilespmem:s1+$0xFFFFFF90];
	v2 =	vmax.f32 v2, $0.0e+00  }
0x105: {  	v3 =	vmax.f32 v3, $0.0e+00;
	v4 =	vld [tilespmem:s11+$0x10];
	[tilespmem:s11+$0x0] =	vst v2  }
0x106: {  	[tilespmem:s11+$0xFFFFFF00] =	vst v3;
	v1 =	vadd.f32 v1, v8;
	v2 =	vld [tilespmem:s1+$0x10]  }
0x107: {  	v3 =	vld [tilespmem:s1+$0xFFFFFF10]  }
0x108: {  	v1 =	vmax.f32 v1, $0.0e+00  }
0x109: {  	v6 =	vadd.f32 v9, v6;
	[tilespmem:s11+$0x90] =	vst v1;
	v1 =	vld [tilespmem:s11+$0xA0]  }
0x10a: {  	v8 =	vld [tilespmem:s1+$0xA0]  }
0x10b: {  	v7 =	vld [tilespmem:s11+$0xFFFFFF20];
	v6 =	vmax.f32 v6, $0.0e+00;
	v2 =	vadd.f32 v4, v2  }
0x10c: {  	v3 =	vadd.f32 v5, v3;
	v9 =	vld [tilespmem:s11+$0xFFFFFFA0];
	[tilespmem:s11+$0xFFFFFF90] =	vst v6  }
0x10d: {  	v5 =	vld [tilespmem:s1+$0xFFFFFFA0];
	v2 =	vmax.f32 v2, $0.0e+00  }
0x10e: {  	v3 =	vmax.f32 v3, $0.0e+00;
	v4 =	vld [tilespmem:s11+$0x20];
	[tilespmem:s11+$0x10] =	vst v2  }
0x10f: {  	[tilespmem:s11+$0xFFFFFF10] =	vst v3;
	v1 =	vadd.f32 v1, v8;
	v2 =	vld [tilespmem:s1+$0x20]  }
0x110: {  	v3 =	vld [tilespmem:s1+$0xFFFFFF20]  }
0x111: {  	v1 =	vmax.f32 v1, $0.0e+00  }
0x112: {  	v5 =	vadd.f32 v9, v5;
	[tilespmem:s11+$0xA0] =	vst v1;
	v1 =	vld [tilespmem:s11+$0xB0]  }
0x113: {  	v8 =	vld [tilespmem:s1+$0xB0]  }
0x114: {  	v10 =	vld [tilespmem:s11+$0x30];
	v5 =	vmax.f32 v5, $0.0e+00;
	v2 =	vadd.f32 v4, v2  }
0x115: {  	v3 =	vadd.f32 v7, v3;
	v9 =	vld [tilespmem:s11+$0xFFFFFFB0];
	[tilespmem:s11+$0xFFFFFFA0] =	vst v5  }
0x116: {  	v4 =	vld [tilespmem:s1+$0xFFFFFFB0];
	v2 =	vmax.f32 v2, $0.0e+00  }
0x117: {  	v6 =	vld [tilespmem:s11+$0xFFFFFF30];
	[tilespmem:s11+$0x20] =	vst v2;
	v2 =	vmax.f32 v3, $0.0e+00  }
0x118: {  	v1 =	vadd.f32 v1, v8;
	[tilespmem:s11+$0xFFFFFF20] =	vst v2;
	v2 =	vld [tilespmem:s1+$0x30]  }
0x119: {  	v7 =	vld [tilespmem:s1+$0xFFFFFF30]  }
0x11a: {  	v11 =	vld [tilespmem:s11+$0xFFFFFF40];
	v1 =	vmax.f32 v1, $0.0e+00  }
0x11b: {  	v4 =	vadd.f32 v9, v4;
	[tilespmem:s11+$0xB0] =	vst v1;
	v1 =	vld [tilespmem:s11+$0xC0]  }
0x11c: {  	v8 =	vld [tilespmem:s1+$0xC0]  }
0x11d: {  	v12 =	vld [tilespmem:s11+$0xFFFFFFD0];
	v4 =	vmax.f32 v4, $0.0e+00;
	v2 =	vadd.f32 v10, v2  }
0x11e: {  	v5 =	vld [tilespmem:s11+$0xFFFFFFC0];
	[tilespmem:s11+$0xFFFFFFB0] =	vst v4;
	v6 =	vadd.f32 v6, v7  }
0x11f: {  	v7 =	vld [tilespmem:s1+$0xFFFFFFC0];
	v2 =	vmax.f32 v2, $0.0e+00  }
0x120: {  	v3 =	vld [tilespmem:s11+$0x40];
	[tilespmem:s11+$0x30] =	vst v2;
	v2 =	vmax.f32 v6, $0.0e+00  }
0x121: {  	v1 =	vadd.f32 v1, v8;
	v6 =	vld [tilespmem:s1+$0x40];
	[tilespmem:s11+$0xFFFFFF30] =	vst v2  }
0x122: {  	v2 =	vld [tilespmem:s1+$0xFFFFFF40]  }
0x123: {  	v9 =	vld [tilespmem:s11+$0xFFFFFF50];
	v1 =	vmax.f32 v1, $0.0e+00  }
0x124: {  	[tilespmem:s11+$0xC0] =	vst v1;
	v1 =	vadd.f32 v5, v7;
	v7 =	vld [tilespmem:s11+$0xD0]  }
0x125: {  	v8 =	vld [tilespmem:s1+$0xD0]  }
0x126: {  	v4 =	vld [tilespmem:s11+$0xFFFFFF60];
	v1 =	vmax.f32 v1, $0.0e+00;
	v3 =	vadd.f32 v3, v6  }
0x127: {  	v10 =	vld [tilespmem:s11+$0x50];
	[tilespmem:s11+$0xFFFFFFC0] =	vst v1;
	v1 =	vadd.f32 v11, v2  }
0x128: {  	v2 =	vld [tilespmem:s1+$0xFFFFFFD0];
	v3 =	vmax.f32 v3, $0.0e+00  }
0x129: {  	v5 =	vld [tilespmem:s11+$0xFFFFFFE0];
	[tilespmem:s11+$0x40] =	vst v3;
	v1 =	vmax.f32 v1, $0.0e+00  }
0x12a: {  	v3 =	vld [tilespmem:s1+$0x50];
	v7 =	vadd.f32 v7, v8;
	[tilespmem:s11+$0xFFFFFF40] =	vst v1  }
0x12b: {  	v1 =	vld [tilespmem:s1+$0xFFFFFF50]  }
0x12c: {  	v6 =	vld [tilespmem:s11+$0x60];
	v7 =	vmax.f32 v7, $0.0e+00  }
0x12d: {  	v2 =	vadd.f32 v12, v2;
	[tilespmem:s11+$0xD0] =	vst v7;
	v7 =	vld [tilespmem:s11+$0xE0]  }
0x12e: {  	v11 =	vld [tilespmem:s1+$0xE0]  }
0x12f: {  	v2 =	vmax.f32 v2, $0.0e+00;
	v8 =	vadd.f32 v10, v3;
	v3 =	vld [tilespmem:s11+$0xFFFFFF70]  }
0x130: {  	[tilespmem:s11+$0xFFFFFFD0] =	vst v2;
	v1 =	vadd.f32 v9, v1;
	v2 =	vld [tilespmem:s11+$0xFFFFFFF0]  }
0x131: {  	v9 =	vmax.f32 v8, $0.0e+00;
	v8 =	vld [tilespmem:s1+$0xFFFFFFE0]  }
0x132: {  	[tilespmem:s11+$0x50] =	vst v9;
	v9 =	vmax.f32 v1, $0.0e+00;
	v1 =	vld [tilespmem:s11+$0x70]  }
0x133: {  	[tilespmem:s11+$0xFFFFFF50] =	vst v9;
	v9 =	vld [tilespmem:s1+$0x60];
	v7 =	vadd.f32 v7, v11  }
0x134: {  	v10 =	vld [tilespmem:s1+$0xFFFFFF60]  }
0x135: {  	s15 =	simm.s32 $0x0;
	s16 =	simm.s32 $0x8500;
	s12 =	simm.s32 $0x300;
	v11 =	vmax.f32 v7, $0.0e+00;
	v7 =	vld [tilespmem:s11+$0xF0]  }
.LBB2_7:
0x136: {  	v12 =	vld [tilespmem:s16+$0x80];
	v5 =	vadd.f32 v5, v8;
	[tilespmem:s11+$0xE0] =	vst v11  }
0x137: {  	s11 =	sadd.s32 $0x200, s11;
	v8 =	vld [tilespmem:s1+$0xF0]  }
0x138: {  	s15 =	sadd.s32 $0x4, s15;
	v11 =	vld [tilespmem:s11+$0x80];
	v5 =	vmax.f32 v5, $0.0e+00;
	v6 =	vadd.f32 v6, v9  }
0x139: {  	p2 =	slt.u32 s15, $0x7C;
	v9 =	vld [tilespmem:s11+$0xFFFFFF00];
	v4 =	vadd.f32 v4, v10;
	[tilespmem:s12+$0xFFFFFFE0] =	vst v5  }
0x13a: {  	v5 =	vld [tilespmem:s16+$0xFFFFFF80];
	v6 =	vmax.f32 v6, $0.0e+00  }
0x13b: {  	v10 =	vld [tilespmem:s11+$0xFFFFFF80];
	v4 =	vmax.f32 v4, $0.0e+00;
	[tilespmem:s12+$0x60] =	vst v6  }
0x13c: {  	v6 =	vld [tilespmem:s16+$0x0];
	[tilespmem:s12+$0xFFFFFF60] =	vst v4;
	v4 =	vadd.f32 v7, v8  }
0x13d: {  	v7 =	vld [tilespmem:s11+$0x0];
	v8 =	vadd.f32 v11, v12  }
0x13e: {  	v11 =	vld [tilespmem:s16+$0xFFFFFF00];
	v4 =	vmax.f32 v4, $0.0e+00  }
0x13f: {  	v12 =	vld [tilespmem:s11+$0xFFFFFF10];
	v8 =	vmax.f32 v8, $0.0e+00;
	[tilespmem:s12+$0xF0] =	vst v4  }
0x140: {  	v4 =	vadd.f32 v10, v5;
	[tilespmem:s11+$0x80] =	vst v8;
	v5 =	vld [tilespmem:s11+$0x90]  }
0x141: {  	v8 =	vld [tilespmem:s16+$0x90]  }
0x142: {  	v4 =	vmax.f32 v4, $0.0e+00;
	v10 =	vld [tilespmem:s11+$0xFFFFFF90];
	v6 =	vadd.f32 v7, v6  }
0x143: {  	v7 =	vadd.f32 v9, v11;
	[tilespmem:s11+$0xFFFFFF80] =	vst v4;
	v4 =	vld [tilespmem:s11+$0x10]  }
0x144: {  	v9 =	vld [tilespmem:s16+$0xFFFFFF90];
	v6 =	vmax.f32 v6, $0.0e+00  }
0x145: {  	v7 =	vmax.f32 v7, $0.0e+00;
	v11 =	vld [tilespmem:s11+$0xFFFFFF20];
	[tilespmem:s11+$0x0] =	vst v6  }
0x146: {  	[tilespmem:s11+$0xFFFFFF00] =	vst v7;
	v6 =	vld [tilespmem:s16+$0x10];
	v5 =	vadd.f32 v5, v8  }
0x147: {  	v7 =	vld [tilespmem:s16+$0xFFFFFF10]  }
0x148: {  	v8 =	vld [tilespmem:s11+$0xFFFFFFA0];
	v5 =	vmax.f32 v5, $0.0e+00  }
0x149: {  	v9 =	vadd.f32 v10, v9;
	[tilespmem:s11+$0x90] =	vst v5;
	v5 =	vld [tilespmem:s11+$0xA0]  }
0x14a: {  	v10 =	vld [tilespmem:s16+$0xA0]  }
0x14b: {  	v9 =	vmax.f32 v9, $0.0e+00;
	v4 =	vadd.f32 v4, v6;
	v6 =	vld [tilespmem:s11+$0x20]  }
0x14c: {  	v7 =	vadd.f32 v12, v7;
	v12 =	vld [tilespmem:s11+$0xFFFFFF30];
	[tilespmem:s11+$0xFFFFFF90] =	vst v9  }
0x14d: {  	v9 =	vld [tilespmem:s16+$0xFFFFFFA0];
	v4 =	vmax.f32 v4, $0.0e+00  }
0x14e: {  	v7 =	vmax.f32 v7, $0.0e+00;
	v13 =	vld [tilespmem:s11+$0xFFFFFFB0];
	[tilespmem:s11+$0x10] =	vst v4  }
0x14f: {  	[tilespmem:s11+$0xFFFFFF10] =	vst v7;
	v4 =	vld [tilespmem:s16+$0x20];
	v5 =	vadd.f32 v5, v10  }
0x150: {  	v7 =	vld [tilespmem:s16+$0xFFFFFF20]  }
0x151: {  	v10 =	vld [tilespmem:s11+$0x30];
	v5 =	vmax.f32 v5, $0.0e+00  }
0x152: {  	v8 =	vadd.f32 v8, v9;
	[tilespmem:s11+$0xA0] =	vst v5;
	v5 =	vld [tilespmem:s11+$0xB0]  }
0x153: {  	v9 =	vld [tilespmem:s16+$0xB0]  }
0x154: {  	v14 =	vld [tilespmem:s11+$0xFFFFFF40];
	v8 =	vmax.f32 v8, $0.0e+00;
	v4 =	vadd.f32 v6, v4  }
0x155: {  	v6 =	vadd.f32 v11, v7;
	[tilespmem:s11+$0xFFFFFFA0] =	vst v8;
	v7 =	vld [tilespmem:s11+$0xFFFFFFC0]  }
0x156: {  	v8 =	vld [tilespmem:s16+$0xFFFFFFB0];
	v4 =	vmax.f32 v4, $0.0e+00  }
0x157: {  	v6 =	vmax.f32 v6, $0.0e+00;
	[tilespmem:s11+$0x20] =	vst v4;
	v11 =	vld [tilespmem:s11+$0x40]  }
0x158: {  	[tilespmem:s11+$0xFFFFFF20] =	vst v6;
	v4 =	vld [tilespmem:s16+$0x30];
	v5 =	vadd.f32 v5, v9  }
0x159: {  	v6 =	vld [tilespmem:s16+$0xFFFFFF30]  }
0x15a: {  	v9 =	vld [tilespmem:s11+$0xFFFFFF50];
	v5 =	vmax.f32 v5, $0.0e+00  }
0x15b: {  	v8 =	vadd.f32 v13, v8;
	[tilespmem:s11+$0xB0] =	vst v5;
	v5 =	vld [tilespmem:s11+$0xC0]  }
0x15c: {  	v13 =	vld [tilespmem:s16+$0xC0]  }
0x15d: {  	v8 =	vmax.f32 v8, $0.0e+00;
	v15 =	vld [tilespmem:s11+$0xFFFFFFD0];
	v4 =	vadd.f32 v10, v4  }
0x15e: {  	v6 =	vadd.f32 v12, v6;
	[tilespmem:s11+$0xFFFFFFB0] =	vst v8;
	v8 =	vld [tilespmem:s11+$0x50]  }
0x15f: {  	v10 =	vld [tilespmem:s16+$0xFFFFFFC0];
	v12 =	vmax.f32 v4, $0.0e+00  }
0x160: {  	v6 =	vmax.f32 v6, $0.0e+00;
	v4 =	vld [tilespmem:s11+$0xFFFFFF60];
	[tilespmem:s11+$0x30] =	vst v12  }
0x161: {  	[tilespmem:s11+$0xFFFFFF30] =	vst v6;
	v6 =	vld [tilespmem:s16+$0x40];
	v12 =	vadd.f32 v5, v13  }
0x162: {  	v13 =	vld [tilespmem:s16+$0xFFFFFF40]  }
0x163: {  	v5 =	vld [tilespmem:s11+$0xFFFFFFE0];
	v12 =	vmax.f32 v12, $0.0e+00  }
0x164: {  	v7 =	vadd.f32 v7, v10;
	[tilespmem:s11+$0xC0] =	vst v12;
	v10 =	vld [tilespmem:s11+$0xD0]  }
0x165: {  	v12 =	vld [tilespmem:s16+$0xD0]  }
0x166: {  	v7 =	vmax.f32 v7, $0.0e+00;
	v11 =	vadd.f32 v11, v6;
	v6 =	vld [tilespmem:s11+$0x60]  }
0x167: {  	v13 =	vadd.f32 v14, v13;
	[tilespmem:s11+$0xFFFFFFC0] =	vst v7;
	v7 =	vld [tilespmem:s1+$0xFFFFFF70]  }
0x168: {  	v14 =	vld [tilespmem:s16+$0xFFFFFFD0];
	v11 =	vmax.f32 v11, $0.0e+00  }
0x169: {  	v13 =	vmax.f32 v13, $0.0e+00;
	[tilespmem:s11+$0x40] =	vst v11;
	v11 =	vld [tilespmem:s1+$0xFFFFFFF0]  }
0x16a: {  	[tilespmem:s11+$0xFFFFFF40] =	vst v13;
	v13 =	vld [tilespmem:s16+$0x50];
	v10 =	vadd.f32 v10, v12  }
0x16b: {  	v12 =	vld [tilespmem:s16+$0xFFFFFF50]  }
0x16c: {  	v10 =	vmax.f32 v10, $0.0e+00;
	v3 =	vadd.f32 v3, v7;
	v7 =	vld [tilespmem:s1+$0x70];
	s1 =	smov.u32 s16  }
0x16d: {  	v14 =	vadd.f32 v15, v14;
	[tilespmem:s11+$0xD0] =	vst v10;
	v10 =	vld [tilespmem:s11+$0xE0]  }
0x16e: {  	v15 =	vld [tilespmem:s16+$0xE0];
	v16 =	vmax.f32 v3, $0.0e+00;
	v11 =	vadd.f32 v2, v11  }
0x16f: {  	v3 =	vld [tilespmem:s11+$0xFFFFFF70];
	v2 =	vmax.f32 v14, $0.0e+00;
	v13 =	vadd.f32 v8, v13;
	[tilespmem:s12+$0xFFFFFF70] =	vst v16  }
0x170: {  	v9 =	vadd.f32 v9, v12;
	[tilespmem:s11+$0xFFFFFFD0] =	vst v2;
	v2 =	vld [tilespmem:s11+$0xFFFFFFF0];
	v11 =	vmax.f32 v11, $0.0e+00  }
.Ltmp4:
0x171: {  	v8 =	vld [tilespmem:s16+$0xFFFFFFE0];
	v12 =	vmax.f32 v13, $0.0e+00;
	[tilespmem:s12+$0xFFFFFFF0] =	vst v11;
	v7 =	vadd.f32 v1, v7;
	(pc) =	sbr.rel @p2 .LBB2_7-.Ltmp4, $4  }
0x172: {  	v9 =	vmax.f32 v9, $0.0e+00;
	[tilespmem:s11+$0x50] =	vst v12;
	v1 =	vld [tilespmem:s11+$0x70]  }
0x173: {  	[tilespmem:s11+$0xFFFFFF50] =	vst v9;
	v9 =	vld [tilespmem:s16+$0x60];
	v11 =	vadd.f32 v10, v15;
	v7 =	vmax.f32 v7, $0.0e+00  }
0x174: {  	v10 =	vld [tilespmem:s16+$0xFFFFFF60];
	[tilespmem:s12+$0x70] =	vst v7;
	s12 =	smov.u32 s11  }
0x175: {  	s16 =	sadd.s32 $0x200, s16;
	v11 =	vmax.f32 v11, $0.0e+00;
	v7 =	vld [tilespmem:s11+$0xF0]  }
0x176: {  	_ = 	snop  }
0x177: {  	v5 =	vadd.f32 v5, v8  }
0x178: {  	v6 =	vadd.f32 v6, v9  }
0x179: {  	[tilespmem:s11+$0xE0] =	vst v11;
	v5 =	vmax.f32 v5, $0.0e+00;
	v4 =	vadd.f32 v4, v10  }
0x17a: {  	v58 =	vld [tilespmem:s1+$0xF0];
	[tilespmem:s12+$0xFFFFFFE0] =	vst v5;
	v59 =	vmax.f32 v6, $0.0e+00  }
0x17b: {  	v61 =	vld [tilespmem:s1+$0xFFFFFFF0];
	v4 =	vmax.f32 v4, $0.0e+00;
	[tilespmem:s12+$0x60] =	vst v59  }
0x17c: {  	[tilespmem:s12+$0xFFFFFF60] =	vst v4;
	v62 =	vld [tilespmem:s1+$0x70]  }
0x17d: {  	v60 =	vld [tilespmem:s1+$0xFFFFFF70];
	_ =	sdelay $0x1  }
0x17e: {  	v7 =	vadd.f32 v7, v58  }
0x17f: {  	v2 =	vadd.f32 v2, v61  }
.Ltmp5:
0x180: {  	v63 =	vmax.f32 v7, $0.0e+00;
	v1 =	vadd.f32 v1, v62;
	(pc) =	sbr.rel @p1 .LBB2_10-.Ltmp5, $4  }
0x181: {  	[tilespmem:s12+$0xF0] =	vst v63;
	v2 =	vmax.f32 v2, $0.0e+00;
	v3 =	vadd.f32 v3, v60  }
0x182: {  	[tilespmem:s12+$0xFFFFFFF0] =	vst v2;
	v1 =	vmax.f32 v1, $0.0e+00  }
0x183: {  	v3 =	vmax.f32 v3, $0.0e+00;
	[tilespmem:s12+$0x70] =	vst v1  }
0x184: {  	[tilespmem:s12+$0xFFFFFF70] =	vst v3  }
.Ltmp6:
0x185: {  	s1 =	sadd.s32 s20, s14;
	(pc) =	sbr.rel .LBB2_4-.Ltmp6, $4  }
0x186: {  	s1 =	sshll.u32 s1, $0xB  }
0x187: {  	s1 =	sand.u32 $0x1FFFF000, s1  }
0x188: {  	s25 =	sadd.s32 $0x1, s25;
	s1 =	sadd.s32 s4, s1  }
0x189: {  	[tilespmem:s22], [sflag:$0x3] =	stream.linear.gather [hbm4b:s1+s2], $0x4000, $0x38;
	[tilespmem:$0x1FE00] =	vst v63  }
.LBB2_10:
0x18a: {  	s1 =	stileid.u32  }
0x18b: {  	[bflag:$0x0] =	sbarrier.arrive $0xFFFF;
	s1 =	sshll.u32 s1, $0x6  }
0x18c: {  	s11 =	sshrl.u32 s6, $0x3;
	s12 =	rddreg [dreg:$0x5];
	s1 =	sor.u32 $0x1C04, s1  }
0x18d: {  	[hbm:s12], [sflag:s1] =	dma.local [spmem:s11], $0x800  }
0x18e: {  	_ =	swait.ge [sflag:s23], $0x800  }
0x18f: {  	[sflag:s23] =	ssyncset.done $0x0  }
0x190: {  	s12 =	sshrl.u32 s7, $0x3;
	s15 =	rddreg [dreg:$0x6];
	[sflag:s23] =	ssyncadd.s32 $0xFFFFF800  }
0x191: {  	[hbm:s15], [sflag:s1] =	dma.local [spmem:s12], $0x800  }
0x192: {  	_ =	swait.ge [sflag:s23], $0x800  }
0x193: {  	[sflag:s23] =	ssyncset.done $0x0  }
0x194: {  	s16 =	sshrl.u32 s8, $0x3;
	[sflag:s23] =	ssyncadd.s32 $0xFFFFF800  }
0x195: {  	[hbm:s17], [sflag:s1] =	dma.local [spmem:s16], $0x800  }
0x196: {  	_ =	swait.ge [sflag:s23], $0x800  }
0x197: {  	[sflag:s23] =	ssyncset.done $0x0  }
0x198: {  	s20 =	sshrl.u32 s9, $0x3;
	[sflag:s23] =	ssyncadd.s32 $0xFFFFF800  }
0x199: {  	[hbm:s18], [sflag:s1] =	dma.local [spmem:s20], $0x800  }
0x19a: {  	_ =	swait.ge [sflag:s23], $0x800  }
0x19b: {  	[sflag:s23] =	ssyncset.done $0x0  }
.Ltmp7:
0x19c: {  	s25 =	sshrl.u32 s10, $0x3;
	[sflag:s23] =	ssyncadd.s32 $0xFFFFF800;
	(pc) =	sbr.rel @p0 .LBB2_14-.Ltmp7, $4  }
0x19d: {  	[hbm:s19], [sflag:s1] =	dma.local [spmem:s25], $0x780  }
0x19e: {  	_ =	swait.ge [sflag:s23], $0x780  }
0x19f: {  	[sflag:s23] =	ssyncset.done $0x0  }
0x1a0: {  	s11 =	simm.s32 $0x0;
	[sflag:s23] =	ssyncadd.s32 $0xFFFFF880  }
0x1a1: {  	s1 =	sshra.s32 s11, $0x2;
	s11 =	sadd.s32 $0x200, s11  }
.LBB2_12:
0x1a2: {  	p1 =	sne.s32 s11, $0xFE00;
	[tilespmem:s1+$0x270] =	vst v0  }
0x1a3: {  	[tilespmem:s1+$0x200] =	vst v0  }
0x1a4: {  	[tilespmem:s1+$0x210] =	vst v0  }
.Ltmp8:
0x1a5: {  	[tilespmem:s1+$0x220] =	vst v0;
	(pc) =	sbr.rel @p1 .LBB2_12-.Ltmp8, $4  }
0x1a6: {  	[tilespmem:s1+$0x230] =	vst v0  }
0x1a7: {  	[tilespmem:s1+$0x240] =	vst v0  }
0x1a8: {  	[tilespmem:s1+$0x250] =	vst v0  }
0x1a9: {  	[tilespmem:s1+$0x260] =	vst v0;
	s1 =	sshra.s32 s11, $0x2;
	s11 =	sadd.s32 $0x200, s11  }
0x1aa: {  	[tilespmem:s1+$0x270] =	vst v0  }
0x1ab: {  	[tilespmem:s1+$0x200] =	vst v0  }
0x1ac: {  	[tilespmem:s1+$0x210] =	vst v0  }
0x1ad: {  	[tilespmem:s1+$0x220] =	vst v0  }
0x1ae: {  	[tilespmem:s1+$0x230] =	vst v0  }
0x1af: {  	[tilespmem:s1+$0x240] =	vst v0  }
0x1b0: {  	[tilespmem:s1+$0x250] =	vst v0  }
.Ltmp9:
0x1b1: {  	[tilespmem:s1+$0x260] =	vst v0;
	s25 =	rddreg [dreg:$0x7];
	(pc) =	sbr.rel .LBB2_14-.Ltmp9, $4  }
0x1b2: {  	[hbm4b:s25+s2] =	stream.linear.scatter [tilespmem:s22], [sflag:$0x4], $0x4000, $0x38;
	[tilespmem:$0x1FE00] =	vst v63  }
0x1b3: {  	_ =	swait.ge [sflag:s23], $0x4000  }
0x1b4: {  	[sflag:s23] =	ssyncset.done $0x0  }
0x1b5: {  	[sflag:s23] =	ssyncadd.s32 $0xFFFFC000  }
.LBB2_15:
0x1b6: {  	_ =	sfence.sel $0x180000  }
0x1b7: {  	[bflag:$0x0] =	sbarrier.arrive $0xFFFF  }
0x1b8: {  	_ =	strace $0x9000004D  }
0x1b9: {  	s0 =	stileid.u32;
	[bflag:$0x2] =	sbarrier.arrive $0xFFFF  }
0x1ba: {  	p0 =	sne.s32 s0, $0x0;
	s0 =	rddreg [dreg:$0x2]  }
0x1bb: {  	s0 =	sadd.s32 @!p0 $0x100000, s0  }
0x1bc: {  	[sflag:s0] =	ssyncadd.tile.s32 @!p0 $0x1;
	_ =	shalt  }
.Lfunc_end2:
_tile_overlayer_lowered:
.L_overlay_start_2:
0x1bd: {  	(tag) =	ssettag $0x2  }
0x1be: {  	s0 =	rddreg [dreg:$0x0];
	s2 =	stileid.u32  }
0x1bf: {  	s1 =	rddreg [dreg:$0x1];
	p0 =	sne.s32 s2, $0x0  }
0x1c0: {  	s3 =	rddreg [dreg:$0x2];
	[bflag:$0x3] =	sbarrier.arrive $0xFFFF;
	s2 =	simm.s32 @!p0 $0x1C04  }
0x1c1: {  	[timem:s3], [sflag:s2] =	dma.local @!p0 [hbm:s0], s1  }
0x1c2: {  	s0 =	simm.s32 @!p0 $0x4  }
0x1c3: {  	_ =	swait.ge @!p0 [sflag:s0], s1  }
0x1c4: {  	s1 =	ssub.s32 @!p0 $0x0, s1;
	[sflag:s0] =	ssyncset.done @!p0 $0x0  }
0x1c5: {  	[sflag:s0] =	ssyncadd.s32 @!p0 s1  }
0x1c6: {  	[bflag:$0x3] =	sbarrier.arrive $0xFFFF  }
0x1c7: {  	_ =	shalt  }

</sc_bundles>
